<compile_context>
chip_gen: v7x
topology: tpu7x:2x2x1
jax: 0.10.2.dev20260603
libtpu: 0.0.44.dev20260713+nightly
codegen_flags: <defaults>
</compile_context>

<pallas_src>
import jax
import jax.numpy as jnp
from jax import lax
from jax.experimental import pallas as pl
from jax.experimental.pallas import tpu as pltpu
from jax.experimental.pallas import tpu_sc as plsc

_GS = 8
_NZ = 4
_DELTA = 127.0
_MAGIC8 = 100663296.0
_INV1016 = 1.0 / (8.0 * _DELTA)

_NC, _NS = 2, 16
_NW = _NC * _NS


def _maxabs_body(x_ref, o_ref):
    i = pl.program_id(0)
    m = jnp.max(jnp.abs(x_ref[...]))

    @pl.when(i == 0)
    def _init():
        o_ref[0, 0] = m

    @pl.when(i > 0)
    def _acc():
        o_ref[0, 0] = jnp.maximum(o_ref[0, 0], m)


def _ce(a, b):
    return jnp.minimum(a, b), jnp.maximum(a, b)


def _sc_quant_unit(ibuf, obuf, sv8, sv16, rvec, cbase):
    iota8 = lax.iota(jnp.int32, 16) * _GS + cbase
    x = []
    for k in range(_GS):
        x.append(plsc.load_gather(ibuf, [rvec, iota8 + k]))
    key = []
    for k in range(_GS):
        ax = jnp.abs(x[k])
        e = jnp.exp(ax * -2.0)
        m8 = sv16 / (1.0 + e) - sv8
        key.append(((m8 + _MAGIC8) - _MAGIC8) + float(k))
    x0, x1, x2, x3, y0, y1, y2, y3 = key
    x0, x1 = _ce(x0, x1); x2, x3 = _ce(x2, x3)
    x0, x2 = _ce(x0, x2); x1, x3 = _ce(x1, x3); x1, x2 = _ce(x1, x2)
    y0, y1 = _ce(y0, y1); y2, y3 = _ce(y2, y3)
    y0, y2 = _ce(y0, y2); y1, y3 = _ce(y1, y3); y1, y2 = _ce(y1, y2)
    t = jnp.minimum(
        jnp.minimum(jnp.maximum(x0, y3), jnp.maximum(x1, y2)),
        jnp.minimum(jnp.maximum(x2, y1), jnp.maximum(x3, y0)),
    )
    for k in range(_GS):
        sc = jnp.where(x[k] < 0.0, -_INV1016, _INV1016)
        out = jnp.where(key[k] >= t, key[k] - float(k), 0.0) * sc
        plsc.store_scatter(obuf, [rvec, iota8 + k], out)


def _sc_quant_kernel(crows, ncols, nchunks):
    npairs = nchunks // 2
    cunits = ncols // 128

    def body(x_hbm, s_hbm, o_hbm, ib0, ib1, ob0, ob1, svec,
             is0, is1, os0, os1):
        wid = lax.axis_index("s") * _NC + lax.axis_index("c")
        ibufs, obufs = (ib0, ib1), (ob0, ob1)
        isems, osems = (is0, is1), (os0, os1)
        pltpu.sync_copy(s_hbm, svec)
        sv = svec[...]
        sv16 = sv + sv
        base = wid * nchunks
        zero16 = jnp.zeros((16,), jnp.int32)

        def in_copy(g, b):
            return pltpu.make_async_copy(
                x_hbm.at[pl.ds((base + g) * crows, crows)], ibufs[b],
                isems[b])

        def out_copy(g, b):
            return pltpu.make_async_copy(
                obufs[b], o_hbm.at[pl.ds((base + g) * crows, crows)],
                osems[b])

        for b in range(2):
            in_copy(b, b).start()

        def do_pair(p, _):
            for b in range(2):
                g = p * 2 + b
                in_copy(g, b).wait()

                @pl.when(p >= 1)
                def _drain():
                    out_copy(g - 2, b).wait()

                @plsc.parallel_loop(0, crows, 1, unroll=1)
                def do_row(r):
                    rvec = zero16 + r
                    for c in range(cunits):
                        _sc_quant_unit(ibufs[b], obufs[b], sv, sv16,
                                       rvec, c * 128)
                out_copy(g, b).start()

                @pl.when(p < npairs - 1)
                def _prefetch():
                    in_copy(g + 2, b).start()

            return 0

        lax.fori_loop(0, npairs, do_pair, 0)
        for b in range(2):
            out_copy(nchunks - 2 + b, b).wait()

    return body


def kernel(x):
    out_c, in_c, h, w = x.shape
    hw = h * w
    xt = jnp.transpose(x, (2, 3, 0, 1)).reshape(hw, out_c, in_c)
    n = hw * out_c * in_c
    xf = xt.reshape(hw * out_c, in_c)

    b1 = 4
    maxabs = pl.pallas_call(
        _maxabs_body,
        grid=(hw // b1,),
        in_specs=[pl.BlockSpec((b1, out_c, in_c), lambda i: (i, 0, 0))],
        out_specs=pl.BlockSpec(memory_space=pltpu.SMEM),
        out_shape=jax.ShapeDtypeStruct((1, 1), jnp.float32),
    )(xt)
    scale = jnp.broadcast_to(8.0 * _DELTA / jnp.tanh(maxabs[0, 0]), (16,))

    nrows = hw * out_c
    crows = 56
    assert nrows % (crows * _NW) == 0
    nchunks = nrows // (crows * _NW)
    assert nchunks % 2 == 0
    mesh = plsc.VectorSubcoreMesh(core_axis_name="c", subcore_axis_name="s")
    out = pl.kernel(
        _sc_quant_kernel(crows, in_c, nchunks),
        mesh=mesh,
        out_type=jax.ShapeDtypeStruct((nrows, in_c), jnp.float32),
        compiler_params=pltpu.CompilerParams(needs_layout_passes=False),
        scratch_types=[
            pltpu.VMEM((crows, in_c), jnp.float32),
            pltpu.VMEM((crows, in_c), jnp.float32),
            pltpu.VMEM((crows, in_c), jnp.float32),
            pltpu.VMEM((crows, in_c), jnp.float32),
            pltpu.VMEM((16,), jnp.float32),
            pltpu.SemaphoreType.DMA,
            pltpu.SemaphoreType.DMA,
            pltpu.SemaphoreType.DMA,
            pltpu.SemaphoreType.DMA,
        ],
    )(xf, scale)
    return jnp.transpose(out.reshape(hw, out_c, in_c).reshape(h, w, out_c, in_c),
                         (2, 3, 0, 1))

# --- scband reference (transcript-rebuilt; emitter-appended) ---
"""Pipeline reference for scband-do-re-fa-like-quantizer-82566451299165 (READ-ONLY COPY).

The authoritative reference and input builder live on the scoring server;
editing this copy changes nothing except your own understanding.
"""

import jax, jax.numpy as jnp
import numpy as np

BITS = 8
GROUP_SIZE = 8
REQUIRED_ZEROS = 4


def setup_inputs(seed: int = 0) -> dict:
    key = jax.random.key(seed)
    x = jax.random.normal(key, (384, 384, 14, 14), dtype=jnp.float32)
    return {"x": x}


def _quant_impl(x):
    t = jnp.tanh(x).astype(jnp.float32)
    # scale by global max-abs (detached in torch; irrelevant for fwd)
    y = t / jnp.max(jnp.abs(t))
    delta = 2 ** (BITS - 1) - 1
    _y = jnp.round(y * delta)
    out_c, in_c, h, w = _y.shape
    if in_c < GROUP_SIZE:
        return _y / delta
    g = in_c // GROUP_SIZE
    head = _y[:, : g * GROUP_SIZE, :, :].reshape(out_c, g, GROUP_SIZE, h, w)
    # Enforce >= REQUIRED_ZEROS zeros per 8-channel group by zeroing the
    # smallest-|v| elements. Existing zeros have abs==0 so they rank first;
    # therefore zeroing the REQUIRED_ZEROS lowest-ranked elements is exactly
    # equivalent to the torch loop (zero k = 4 - zero_count smallest nonzeros).
    abs_vals = jnp.abs(head)
    order = jnp.argsort(abs_vals, axis=2, stable=True)
    ranks = jnp.argsort(order, axis=2, stable=True)
    head_fixed = jnp.where(ranks < REQUIRED_ZEROS, jnp.zeros_like(head), head)
    _y = _y.at[:, : g * GROUP_SIZE, :, :].set(
        head_fixed.reshape(out_c, g * GROUP_SIZE, h, w)
    )
    return _y / delta


def reference(x):
    return _quant_impl(x)

if __name__ == "__main__":
    import jax
    _d = setup_inputs()
    print(jax.jit(kernel)(*tuple(_d.values())))

</pallas_src>

<mosaic_0001>
#map = affine_map<(d0, d1) -> (0, 0)>
#map1 = affine_map<(d0, d1) -> (0)>
module attributes {stable_mosaic.version = 14 : i64} {
  func.func @body(%arg0: i32, %arg1: i32, %arg2: memref<75264x384xf32, #tpu.memory_space<hbm>>, %arg3: memref<16xf32, #tpu.memory_space<hbm>>, %arg4: memref<75264x384xf32, #tpu.memory_space<hbm>>, %arg5: memref<56x384xf32, #tpu.memory_space<vmem>>, %arg6: memref<56x384xf32, #tpu.memory_space<vmem>>, %arg7: memref<56x384xf32, #tpu.memory_space<vmem>>, %arg8: memref<56x384xf32, #tpu.memory_space<vmem>>, %arg9: memref<16xf32, #tpu.memory_space<vmem>>, %arg10: memref<!tpu.dma_semaphore, #tpu.memory_space<semaphore_mem>>, %arg11: memref<!tpu.dma_semaphore, #tpu.memory_space<semaphore_mem>>, %arg12: memref<!tpu.dma_semaphore, #tpu.memory_space<semaphore_mem>>, %arg13: memref<!tpu.dma_semaphore, #tpu.memory_space<semaphore_mem>>) attributes {dimension_semantics = [#tpu.dimension_semantics<core_parallel>, #tpu.dimension_semantics<subcore_parallel>], iteration_bounds = array<i64: 2, 16>, scalar_prefetch = 0 : i64, scratch_operands = 9 : i64, tpu.core_type = #tpu.core_type<sc_vector_subcore>, window_params = [{transform_indices = #map}, {transform_indices = #map1}, {transform_indices = #map}]} {
    %mul3A = arith.constant 2 : i32
    %mul3A_0 = arith.muli %arg1, %mul3A : i32
    %add3A = arith.addi %mul3A_0, %arg0 : i32
    "tpu.region"() ({
      %run_scoped3A = tpu.sem_alloc : memref<!tpu.dma_semaphore, #tpu.memory_space<semaphore_mem>>
      tpu.enqueue_dma source(%arg3 : memref<16xf32, #tpu.memory_space<hbm>>) target(%arg9 : memref<16xf32, #tpu.memory_space<vmem>>) target_semaphore(%run_scoped3A : memref<!tpu.dma_semaphore, #tpu.memory_space<semaphore_mem>>)
      tpu.wait_dma2 semaphore(%run_scoped3A : memref<!tpu.dma_semaphore, #tpu.memory_space<semaphore_mem>>) src(%arg3 : memref<16xf32, #tpu.memory_space<hbm>>) dst(%arg9 : memref<16xf32, #tpu.memory_space<vmem>>)
      tpu.yield
    }) : () -> ()
    %get3A = arith.constant 0 : index
    %get3A_1 = tpu.vector_load %arg9[%get3A] {strides = array<i32>} : memref<16xf32, #tpu.memory_space<vmem>>, vector<16xf32>,
    %add3A_2 = arith.addf %get3A_1, %get3A_1 : vector<16xf32>
    %mul3A_3 = arith.constant 42 : i32
    %mul3A_4 = arith.muli %add3A, %mul3A_3 : i32
    %broadcast_in_dim3A = arith.constant 0 : i32
    %broadcast_in_dim3A_5 = vector.broadcast %broadcast_in_dim3A : i32 to vector<16xi32>
    %add3A_6 = arith.constant 0 : i32
    %add3A_7 = arith.addi %mul3A_4, %add3A_6 : i32
    %mul3A_8 = arith.constant 56 : i32
    %mul3A_9 = arith.muli %add3A_7, %mul3A_8 : i32
    %dma_start3A = arith.constant 0 : i32
    %dma_start3A_10 = tpu.memref_slice %arg2[%mul3A_9, %dma_start3A] : memref<75264x384xf32, #tpu.memory_space<hbm>> -> memref<56x384xf32, #tpu.memory_space<hbm>>
    %dma_start3A_11 = arith.constant 0 : i32
    %dma_start3A_12 = tpu.memref_slice %arg2[%mul3A_9, %dma_start3A_11] : memref<75264x384xf32, #tpu.memory_space<hbm>> -> memref<56x384xf32, #tpu.memory_space<hbm>>
    tpu.enqueue_dma source(%dma_start3A_12 : memref<56x384xf32, #tpu.memory_space<hbm>>) target(%arg5 : memref<56x384xf32, #tpu.memory_space<vmem>>) target_semaphore(%arg10 : memref<!tpu.dma_semaphore, #tpu.memory_space<semaphore_mem>>)
    %add3A_13 = arith.constant 1 : i32
    %add3A_14 = arith.addi %mul3A_4, %add3A_13 : i32
    %mul3A_15 = arith.constant 56 : i32
    %mul3A_16 = arith.muli %add3A_14, %mul3A_15 : i32
    %dma_start3A_17 = arith.constant 0 : i32
    %dma_start3A_18 = tpu.memref_slice %arg2[%mul3A_16, %dma_start3A_17] : memref<75264x384xf32, #tpu.memory_space<hbm>> -> memref<56x384xf32, #tpu.memory_space<hbm>>
    %dma_start3A_19 = arith.constant 0 : i32
    %dma_start3A_20 = tpu.memref_slice %arg2[%mul3A_16, %dma_start3A_19] : memref<75264x384xf32, #tpu.memory_space<hbm>> -> memref<56x384xf32, #tpu.memory_space<hbm>>
    tpu.enqueue_dma source(%dma_start3A_20 : memref<56x384xf32, #tpu.memory_space<hbm>>) target(%arg6 : memref<56x384xf32, #tpu.memory_space<vmem>>) target_semaphore(%arg11 : memref<!tpu.dma_semaphore, #tpu.memory_space<semaphore_mem>>)
    %scan3A = arith.constant 0 : i32
    %scan3A_21 = arith.constant 0 : i32
    %scan3A_22 = arith.constant 21 : i32
    %scan3A_23 = arith.addi %scan3A_21, %scan3A_22 : i32
    %scan3A_24 = arith.constant 1 : i32
    %scan3A_25 = scf.for %scan3A_42 = %scan3A_21 to %scan3A_23 step %scan3A_24 iter_args(%scan3A_43 = %scan3A) -> (i32)  : i32 {
      %mul3A_44 = arith.constant 2 : i32
      %mul3A_45 = arith.muli %scan3A_42, %mul3A_44 : i32
      %add3A_46 = arith.constant 0 : i32
      %add3A_47 = arith.addi %mul3A_45, %add3A_46 : i32
      %add3A_48 = arith.addi %mul3A_4, %add3A_47 : i32
      %mul3A_49 = arith.constant 56 : i32
      %mul3A_50 = arith.muli %add3A_48, %mul3A_49 : i32
      %dma_wait3A_51 = arith.constant 0 : i32
      %dma_wait3A_52 = tpu.memref_slice %arg2[%mul3A_50, %dma_wait3A_51] : memref<75264x384xf32, #tpu.memory_space<hbm>> -> memref<56x384xf32, #tpu.memory_space<hbm>>
      %dma_wait3A_53 = arith.constant 0 : i32
      %dma_wait3A_54 = tpu.memref_slice %arg2[%mul3A_50, %dma_wait3A_53] : memref<75264x384xf32, #tpu.memory_space<hbm>> -> memref<56x384xf32, #tpu.memory_space<hbm>>
      tpu.wait_dma2 semaphore(%arg10 : memref<!tpu.dma_semaphore, #tpu.memory_space<semaphore_mem>>) src(%dma_wait3A_54 : memref<56x384xf32, #tpu.memory_space<hbm>>) dst(%arg5 : memref<56x384xf32, #tpu.memory_space<vmem>>)
      %ge3A = arith.constant 1 : i32
      %ge3A_55 = arith.cmpi sge, %scan3A_42, %ge3A : i32
      %convert_element_type3A = arith.extui %ge3A_55 : i1 to i32
      %cond3A = arith.constant 0 : i32
      %cond3A_56 = arith.cmpi ne, %convert_element_type3A, %cond3A : i32
      scf.if %cond3A_56 {
        %sub3A = arith.constant 2 : i32
        %sub3A_102 = arith.subi %add3A_47, %sub3A : i32
        %add3A_103 = arith.addi %mul3A_4, %sub3A_102 : i32
        %mul3A_104 = arith.constant 56 : i32
        %mul3A_105 = arith.muli %add3A_103, %mul3A_104 : i32
        %dma_wait3A_106 = arith.constant 0 : i32
        %dma_wait3A_107 = tpu.memref_slice %arg4[%mul3A_105, %dma_wait3A_106] : memref<75264x384xf32, #tpu.memory_space<hbm>> -> memref<56x384xf32, #tpu.memory_space<hbm>>
        %dma_wait3A_108 = arith.constant 0 : i32
        %dma_wait3A_109 = tpu.memref_slice %arg4[%mul3A_105, %dma_wait3A_108] : memref<75264x384xf32, #tpu.memory_space<hbm>> -> memref<56x384xf32, #tpu.memory_space<hbm>>
        tpu.wait_dma2 semaphore(%arg12 : memref<!tpu.dma_semaphore, #tpu.memory_space<semaphore_mem>>) src(%arg7 : memref<56x384xf32, #tpu.memory_space<vmem>>) dst(%dma_wait3A_109 : memref<56x384xf32, #tpu.memory_space<hbm>>)
      } else {
      }
      %parallel_loop3A = arith.constant 0 : i32
      %parallel_loop3A_57 = arith.constant 56 : i32
      %parallel_loop3A_58 = arith.constant 1 : i32
      scf.for %parallel_loop3A_102 = %parallel_loop3A to %parallel_loop3A_57 step %parallel_loop3A_58  : i32 {
        %parallel_loop3A_103 = vector.broadcast %parallel_loop3A_102 : i32 to vector<16xi32>
        %parallel_loop3A_104 = arith.addi %broadcast_in_dim3A_5, %parallel_loop3A_103 : vector<16xi32>
        %parallel_loop3A_105 = tpu.iota {dimensions = array<i32: 0>} : vector<16xi32>
        %parallel_loop3A_106 = arith.constant 8 : i32
        %parallel_loop3A_107 = vector.broadcast %parallel_loop3A_106 : i32 to vector<16xi32>
        %parallel_loop3A_108 = arith.muli %parallel_loop3A_105, %parallel_loop3A_107 : vector<16xi32>
        %parallel_loop3A_109 = arith.constant 0 : i32
        %parallel_loop3A_110 = vector.broadcast %parallel_loop3A_109 : i32 to vector<16xi32>
        %parallel_loop3A_111 = arith.addi %parallel_loop3A_108, %parallel_loop3A_110 : vector<16xi32>
        %parallel_loop3A_112 = arith.constant 0 : i32
        %parallel_loop3A_113 = vector.broadcast %parallel_loop3A_112 : i32 to vector<16xi32>
        %parallel_loop3A_114 = arith.addi %parallel_loop3A_111, %parallel_loop3A_113 : vector<16xi32>
        %parallel_loop3A_115 = tpu.vector_load_idx %arg5[%parallel_loop3A_104, %parallel_loop3A_114] : memref<56x384xf32, #tpu.memory_space<vmem>>[vector<16xi32>, vector<16xi32>], vector<16xf32>,
        %parallel_loop3A_116 = arith.constant 1 : i32
        %parallel_loop3A_117 = vector.broadcast %parallel_loop3A_116 : i32 to vector<16xi32>
        %parallel_loop3A_118 = arith.addi %parallel_loop3A_111, %parallel_loop3A_117 : vector<16xi32>
        %parallel_loop3A_119 = tpu.vector_load_idx %arg5[%parallel_loop3A_104, %parallel_loop3A_118] : memref<56x384xf32, #tpu.memory_space<vmem>>[vector<16xi32>, vector<16xi32>], vector<16xf32>,
        %parallel_loop3A_120 = arith.constant 2 : i32
        %parallel_loop3A_121 = vector.broadcast %parallel_loop3A_120 : i32 to vector<16xi32>
        %parallel_loop3A_122 = arith.addi %parallel_loop3A_111, %parallel_loop3A_121 : vector<16xi32>
        %parallel_loop3A_123 = tpu.vector_load_idx %arg5[%parallel_loop3A_104, %parallel_loop3A_122] : memref<56x384xf32, #tpu.memory_space<vmem>>[vector<16xi32>, vector<16xi32>], vector<16xf32>,
        %parallel_loop3A_124 = arith.constant 3 : i32
        %parallel_loop3A_125 = vector.broadcast %parallel_loop3A_124 : i32 to vector<16xi32>
        %parallel_loop3A_126 = arith.addi %parallel_loop3A_111, %parallel_loop3A_125 : vector<16xi32>
        %parallel_loop3A_127 = tpu.vector_load_idx %arg5[%parallel_loop3A_104, %parallel_loop3A_126] : memref<56x384xf32, #tpu.memory_space<vmem>>[vector<16xi32>, vector<16xi32>], vector<16xf32>,
        %parallel_loop3A_128 = arith.constant 4 : i32
        %parallel_loop3A_129 = vector.broadcast %parallel_loop3A_128 : i32 to vector<16xi32>
        %parallel_loop3A_130 = arith.addi %parallel_loop3A_111, %parallel_loop3A_129 : vector<16xi32>
        %parallel_loop3A_131 = tpu.vector_load_idx %arg5[%parallel_loop3A_104, %parallel_loop3A_130] : memref<56x384xf32, #tpu.memory_space<vmem>>[vector<16xi32>, vector<16xi32>], vector<16xf32>,
        %parallel_loop3A_132 = arith.constant 5 : i32
        %parallel_loop3A_133 = vector.broadcast %parallel_loop3A_132 : i32 to vector<16xi32>
        %parallel_loop3A_134 = arith.addi %parallel_loop3A_111, %parallel_loop3A_133 : vector<16xi32>
        %parallel_loop3A_135 = tpu.vector_load_idx %arg5[%parallel_loop3A_104, %parallel_loop3A_134] : memref<56x384xf32, #tpu.memory_space<vmem>>[vector<16xi32>, vector<16xi32>], vector<16xf32>,
        %parallel_loop3A_136 = arith.constant 6 : i32
        %parallel_loop3A_137 = vector.broadcast %parallel_loop3A_136 : i32 to vector<16xi32>
        %parallel_loop3A_138 = arith.addi %parallel_loop3A_111, %parallel_loop3A_137 : vector<16xi32>
        %parallel_loop3A_139 = tpu.vector_load_idx %arg5[%parallel_loop3A_104, %parallel_loop3A_138] : memref<56x384xf32, #tpu.memory_space<vmem>>[vector<16xi32>, vector<16xi32>], vector<16xf32>,
        %parallel_loop3A_140 = arith.constant 7 : i32
        %parallel_loop3A_141 = vector.broadcast %parallel_loop3A_140 : i32 to vector<16xi32>
        %parallel_loop3A_142 = arith.addi %parallel_loop3A_111, %parallel_loop3A_141 : vector<16xi32>
        %parallel_loop3A_143 = tpu.vector_load_idx %arg5[%parallel_loop3A_104, %parallel_loop3A_142] : memref<56x384xf32, #tpu.memory_space<vmem>>[vector<16xi32>, vector<16xi32>], vector<16xf32>,
        %parallel_loop3A_144 = math.absf %parallel_loop3A_115 : vector<16xf32>
        %parallel_loop3A_145 = arith.constant -2.000000e+00 : f32
        %parallel_loop3A_146 = vector.broadcast %parallel_loop3A_145 : f32 to vector<16xf32>
        %parallel_loop3A_147 = arith.mulf %parallel_loop3A_144, %parallel_loop3A_146 : vector<16xf32>
        %parallel_loop3A_148 = math.exp %parallel_loop3A_147 : vector<16xf32>
        %parallel_loop3A_149 = arith.constant 1.000000e+00 : f32
        %parallel_loop3A_150 = vector.broadcast %parallel_loop3A_149 : f32 to vector<16xf32>
        %parallel_loop3A_151 = arith.addf %parallel_loop3A_150, %parallel_loop3A_148 : vector<16xf32>
        %parallel_loop3A_152 = arith.divf %add3A_2, %parallel_loop3A_151 : vector<16xf32>
        %parallel_loop3A_153 = arith.subf %parallel_loop3A_152, %get3A_1 : vector<16xf32>
        %parallel_loop3A_154 = arith.constant 0x4CC00000 : f32
        %parallel_loop3A_155 = vector.broadcast %parallel_loop3A_154 : f32 to vector<16xf32>
        %parallel_loop3A_156 = arith.addf %parallel_loop3A_153, %parallel_loop3A_155 : vector<16xf32>
        %parallel_loop3A_157 = arith.constant 0x4CC00000 : f32
        %parallel_loop3A_158 = vector.broadcast %parallel_loop3A_157 : f32 to vector<16xf32>
        %parallel_loop3A_159 = arith.subf %parallel_loop3A_156, %parallel_loop3A_158 : vector<16xf32>
        %parallel_loop3A_160 = arith.constant 0.000000e+00 : f32
        %parallel_loop3A_161 = vector.broadcast %parallel_loop3A_160 : f32 to vector<16xf32>
        %parallel_loop3A_162 = arith.addf %parallel_loop3A_159, %parallel_loop3A_161 : vector<16xf32>
        %parallel_loop3A_163 = math.absf %parallel_loop3A_119 : vector<16xf32>
        %parallel_loop3A_164 = arith.constant -2.000000e+00 : f32
        %parallel_loop3A_165 = vector.broadcast %parallel_loop3A_164 : f32 to vector<16xf32>
        %parallel_loop3A_166 = arith.mulf %parallel_loop3A_163, %parallel_loop3A_165 : vector<16xf32>
        %parallel_loop3A_167 = math.exp %parallel_loop3A_166 : vector<16xf32>
        %parallel_loop3A_168 = arith.constant 1.000000e+00 : f32
        %parallel_loop3A_169 = vector.broadcast %parallel_loop3A_168 : f32 to vector<16xf32>
        %parallel_loop3A_170 = arith.addf %parallel_loop3A_169, %parallel_loop3A_167 : vector<16xf32>
        %parallel_loop3A_171 = arith.divf %add3A_2, %parallel_loop3A_170 : vector<16xf32>
        %parallel_loop3A_172 = arith.subf %parallel_loop3A_171, %get3A_1 : vector<16xf32>
        %parallel_loop3A_173 = arith.constant 0x4CC00000 : f32
        %parallel_loop3A_174 = vector.broadcast %parallel_loop3A_173 : f32 to vector<16xf32>
        %parallel_loop3A_175 = arith.addf %parallel_loop3A_172, %parallel_loop3A_174 : vector<16xf32>
        %parallel_loop3A_176 = arith.constant 0x4CC00000 : f32
        %parallel_loop3A_177 = vector.broadcast %parallel_loop3A_176 : f32 to vector<16xf32>
        %parallel_loop3A_178 = arith.subf %parallel_loop3A_175, %parallel_loop3A_177 : vector<16xf32>
        %parallel_loop3A_179 = arith.constant 1.000000e+00 : f32
        %parallel_loop3A_180 = vector.broadcast %parallel_loop3A_179 : f32 to vector<16xf32>
        %parallel_loop3A_181 = arith.addf %parallel_loop3A_178, %parallel_loop3A_180 : vector<16xf32>
        %parallel_loop3A_182 = math.absf %parallel_loop3A_123 : vector<16xf32>
        %parallel_loop3A_183 = arith.constant -2.000000e+00 : f32
        %parallel_loop3A_184 = vector.broadcast %parallel_loop3A_183 : f32 to vector<16xf32>
        %parallel_loop3A_185 = arith.mulf %parallel_loop3A_182, %parallel_loop3A_184 : vector<16xf32>
        %parallel_loop3A_186 = math.exp %parallel_loop3A_185 : vector<16xf32>
        %parallel_loop3A_187 = arith.constant 1.000000e+00 : f32
        %parallel_loop3A_188 = vector.broadcast %parallel_loop3A_187 : f32 to vector<16xf32>
        %parallel_loop3A_189 = arith.addf %parallel_loop3A_188, %parallel_loop3A_186 : vector<16xf32>
        %parallel_loop3A_190 = arith.divf %add3A_2, %parallel_loop3A_189 : vector<16xf32>
        %parallel_loop3A_191 = arith.subf %parallel_loop3A_190, %get3A_1 : vector<16xf32>
        %parallel_loop3A_192 = arith.constant 0x4CC00000 : f32
        %parallel_loop3A_193 = vector.broadcast %parallel_loop3A_192 : f32 to vector<16xf32>
        %parallel_loop3A_194 = arith.addf %parallel_loop3A_191, %parallel_loop3A_193 : vector<16xf32>
        %parallel_loop3A_195 = arith.constant 0x4CC00000 : f32
        %parallel_loop3A_196 = vector.broadcast %parallel_loop3A_195 : f32 to vector<16xf32>
        %parallel_loop3A_197 = arith.subf %parallel_loop3A_194, %parallel_loop3A_196 : vector<16xf32>
        %parallel_loop3A_198 = arith.constant 2.000000e+00 : f32
        %parallel_loop3A_199 = vector.broadcast %parallel_loop3A_198 : f32 to vector<16xf32>
        %parallel_loop3A_200 = arith.addf %parallel_loop3A_197, %parallel_loop3A_199 : vector<16xf32>
        %parallel_loop3A_201 = math.absf %parallel_loop3A_127 : vector<16xf32>
        %parallel_loop3A_202 = arith.constant -2.000000e+00 : f32
        %parallel_loop3A_203 = vector.broadcast %parallel_loop3A_202 : f32 to vector<16xf32>
        %parallel_loop3A_204 = arith.mulf %parallel_loop3A_201, %parallel_loop3A_203 : vector<16xf32>
        %parallel_loop3A_205 = math.exp %parallel_loop3A_204 : vector<16xf32>
        %parallel_loop3A_206 = arith.constant 1.000000e+00 : f32
        %parallel_loop3A_207 = vector.broadcast %parallel_loop3A_206 : f32 to vector<16xf32>
        %parallel_loop3A_208 = arith.addf %parallel_loop3A_207, %parallel_loop3A_205 : vector<16xf32>
        %parallel_loop3A_209 = arith.divf %add3A_2, %parallel_loop3A_208 : vector<16xf32>
        %parallel_loop3A_210 = arith.subf %parallel_loop3A_209, %get3A_1 : vector<16xf32>
        %parallel_loop3A_211 = arith.constant 0x4CC00000 : f32
        %parallel_loop3A_212 = vector.broadcast %parallel_loop3A_211 : f32 to vector<16xf32>
        %parallel_loop3A_213 = arith.addf %parallel_loop3A_210, %parallel_loop3A_212 : vector<16xf32>
        %parallel_loop3A_214 = arith.constant 0x4CC00000 : f32
        %parallel_loop3A_215 = vector.broadcast %parallel_loop3A_214 : f32 to vector<16xf32>
        %parallel_loop3A_216 = arith.subf %parallel_loop3A_213, %parallel_loop3A_215 : vector<16xf32>
        %parallel_loop3A_217 = arith.constant 3.000000e+00 : f32
        %parallel_loop3A_218 = vector.broadcast %parallel_loop3A_217 : f32 to vector<16xf32>
        %parallel_loop3A_219 = arith.addf %parallel_loop3A_216, %parallel_loop3A_218 : vector<16xf32>
        %parallel_loop3A_220 = math.absf %parallel_loop3A_131 : vector<16xf32>
        %parallel_loop3A_221 = arith.constant -2.000000e+00 : f32
        %parallel_loop3A_222 = vector.broadcast %parallel_loop3A_221 : f32 to vector<16xf32>
        %parallel_loop3A_223 = arith.mulf %parallel_loop3A_220, %parallel_loop3A_222 : vector<16xf32>
        %parallel_loop3A_224 = math.exp %parallel_loop3A_223 : vector<16xf32>
        %parallel_loop3A_225 = arith.constant 1.000000e+00 : f32
        %parallel_loop3A_226 = vector.broadcast %parallel_loop3A_225 : f32 to vector<16xf32>
        %parallel_loop3A_227 = arith.addf %parallel_loop3A_226, %parallel_loop3A_224 : vector<16xf32>
        %parallel_loop3A_228 = arith.divf %add3A_2, %parallel_loop3A_227 : vector<16xf32>
        %parallel_loop3A_229 = arith.subf %parallel_loop3A_228, %get3A_1 : vector<16xf32>
        %parallel_loop3A_230 = arith.constant 0x4CC00000 : f32
        %parallel_loop3A_231 = vector.broadcast %parallel_loop3A_230 : f32 to vector<16xf32>
        %parallel_loop3A_232 = arith.addf %parallel_loop3A_229, %parallel_loop3A_231 : vector<16xf32>
        %parallel_loop3A_233 = arith.constant 0x4CC00000 : f32
        %parallel_loop3A_234 = vector.broadcast %parallel_loop3A_233 : f32 to vector<16xf32>
        %parallel_loop3A_235 = arith.subf %parallel_loop3A_232, %parallel_loop3A_234 : vector<16xf32>
        %parallel_loop3A_236 = arith.constant 4.000000e+00 : f32
        %parallel_loop3A_237 = vector.broadcast %parallel_loop3A_236 : f32 to vector<16xf32>
        %parallel_loop3A_238 = arith.addf %parallel_loop3A_235, %parallel_loop3A_237 : vector<16xf32>
        %parallel_loop3A_239 = math.absf %parallel_loop3A_135 : vector<16xf32>
        %parallel_loop3A_240 = arith.constant -2.000000e+00 : f32
        %parallel_loop3A_241 = vector.broadcast %parallel_loop3A_240 : f32 to vector<16xf32>
        %parallel_loop3A_242 = arith.mulf %parallel_loop3A_239, %parallel_loop3A_241 : vector<16xf32>
        %parallel_loop3A_243 = math.exp %parallel_loop3A_242 : vector<16xf32>
        %parallel_loop3A_244 = arith.constant 1.000000e+00 : f32
        %parallel_loop3A_245 = vector.broadcast %parallel_loop3A_244 : f32 to vector<16xf32>
        %parallel_loop3A_246 = arith.addf %parallel_loop3A_245, %parallel_loop3A_243 : vector<16xf32>
        %parallel_loop3A_247 = arith.divf %add3A_2, %parallel_loop3A_246 : vector<16xf32>
        %parallel_loop3A_248 = arith.subf %parallel_loop3A_247, %get3A_1 : vector<16xf32>
        %parallel_loop3A_249 = arith.constant 0x4CC00000 : f32
        %parallel_loop3A_250 = vector.broadcast %parallel_loop3A_249 : f32 to vector<16xf32>
        %parallel_loop3A_251 = arith.addf %parallel_loop3A_248, %parallel_loop3A_250 : vector<16xf32>
        %parallel_loop3A_252 = arith.constant 0x4CC00000 : f32
        %parallel_loop3A_253 = vector.broadcast %parallel_loop3A_252 : f32 to vector<16xf32>
        %parallel_loop3A_254 = arith.subf %parallel_loop3A_251, %parallel_loop3A_253 : vector<16xf32>
        %parallel_loop3A_255 = arith.constant 5.000000e+00 : f32
        %parallel_loop3A_256 = vector.broadcast %parallel_loop3A_255 : f32 to vector<16xf32>
        %parallel_loop3A_257 = arith.addf %parallel_loop3A_254, %parallel_loop3A_256 : vector<16xf32>
        %parallel_loop3A_258 = math.absf %parallel_loop3A_139 : vector<16xf32>
        %parallel_loop3A_259 = arith.constant -2.000000e+00 : f32
        %parallel_loop3A_260 = vector.broadcast %parallel_loop3A_259 : f32 to vector<16xf32>
        %parallel_loop3A_261 = arith.mulf %parallel_loop3A_258, %parallel_loop3A_260 : vector<16xf32>
        %parallel_loop3A_262 = math.exp %parallel_loop3A_261 : vector<16xf32>
        %parallel_loop3A_263 = arith.constant 1.000000e+00 : f32
        %parallel_loop3A_264 = vector.broadcast %parallel_loop3A_263 : f32 to vector<16xf32>
        %parallel_loop3A_265 = arith.addf %parallel_loop3A_264, %parallel_loop3A_262 : vector<16xf32>
        %parallel_loop3A_266 = arith.divf %add3A_2, %parallel_loop3A_265 : vector<16xf32>
        %parallel_loop3A_267 = arith.subf %parallel_loop3A_266, %get3A_1 : vector<16xf32>
        %parallel_loop3A_268 = arith.constant 0x4CC00000 : f32
        %parallel_loop3A_269 = vector.broadcast %parallel_loop3A_268 : f32 to vector<16xf32>
        %parallel_loop3A_270 = arith.addf %parallel_loop3A_267, %parallel_loop3A_269 : vector<16xf32>
        %parallel_loop3A_271 = arith.constant 0x4CC00000 : f32
        %parallel_loop3A_272 = vector.broadcast %parallel_loop3A_271 : f32 to vector<16xf32>
        %parallel_loop3A_273 = arith.subf %parallel_loop3A_270, %parallel_loop3A_272 : vector<16xf32>
        %parallel_loop3A_274 = arith.constant 6.000000e+00 : f32
        %parallel_loop3A_275 = vector.broadcast %parallel_loop3A_274 : f32 to vector<16xf32>
        %parallel_loop3A_276 = arith.addf %parallel_loop3A_273, %parallel_loop3A_275 : vector<16xf32>
        %parallel_loop3A_277 = math.absf %parallel_loop3A_143 : vector<16xf32>
        %parallel_loop3A_278 = arith.constant -2.000000e+00 : f32
        %parallel_loop3A_279 = vector.broadcast %parallel_loop3A_278 : f32 to vector<16xf32>
        %parallel_loop3A_280 = arith.mulf %parallel_loop3A_277, %parallel_loop3A_279 : vector<16xf32>
        %parallel_loop3A_281 = math.exp %parallel_loop3A_280 : vector<16xf32>
        %parallel_loop3A_282 = arith.constant 1.000000e+00 : f32
        %parallel_loop3A_283 = vector.broadcast %parallel_loop3A_282 : f32 to vector<16xf32>
        %parallel_loop3A_284 = arith.addf %parallel_loop3A_283, %parallel_loop3A_281 : vector<16xf32>
        %parallel_loop3A_285 = arith.divf %add3A_2, %parallel_loop3A_284 : vector<16xf32>
        %parallel_loop3A_286 = arith.subf %parallel_loop3A_285, %get3A_1 : vector<16xf32>
        %parallel_loop3A_287 = arith.constant 0x4CC00000 : f32
        %parallel_loop3A_288 = vector.broadcast %parallel_loop3A_287 : f32 to vector<16xf32>
        %parallel_loop3A_289 = arith.addf %parallel_loop3A_286, %parallel_loop3A_288 : vector<16xf32>
        %parallel_loop3A_290 = arith.constant 0x4CC00000 : f32
        %parallel_loop3A_291 = vector.broadcast %parallel_loop3A_290 : f32 to vector<16xf32>
        %parallel_loop3A_292 = arith.subf %parallel_loop3A_289, %parallel_loop3A_291 : vector<16xf32>
        %parallel_loop3A_293 = arith.constant 7.000000e+00 : f32
        %parallel_loop3A_294 = vector.broadcast %parallel_loop3A_293 : f32 to vector<16xf32>
        %parallel_loop3A_295 = arith.addf %parallel_loop3A_292, %parallel_loop3A_294 : vector<16xf32>
        %parallel_loop3A_296 = arith.minimumf %parallel_loop3A_162, %parallel_loop3A_181 : vector<16xf32>
        %parallel_loop3A_297 = arith.maximumf %parallel_loop3A_162, %parallel_loop3A_181 : vector<16xf32>
        %parallel_loop3A_298 = arith.minimumf %parallel_loop3A_200, %parallel_loop3A_219 : vector<16xf32>
        %parallel_loop3A_299 = arith.maximumf %parallel_loop3A_200, %parallel_loop3A_219 : vector<16xf32>
        %parallel_loop3A_300 = arith.minimumf %parallel_loop3A_296, %parallel_loop3A_298 : vector<16xf32>
        %parallel_loop3A_301 = arith.maximumf %parallel_loop3A_296, %parallel_loop3A_298 : vector<16xf32>
        %parallel_loop3A_302 = arith.minimumf %parallel_loop3A_297, %parallel_loop3A_299 : vector<16xf32>
        %parallel_loop3A_303 = arith.maximumf %parallel_loop3A_297, %parallel_loop3A_299 : vector<16xf32>
        %parallel_loop3A_304 = arith.minimumf %parallel_loop3A_302, %parallel_loop3A_301 : vector<16xf32>
        %parallel_loop3A_305 = arith.maximumf %parallel_loop3A_302, %parallel_loop3A_301 : vector<16xf32>
        %parallel_loop3A_306 = arith.minimumf %parallel_loop3A_238, %parallel_loop3A_257 : vector<16xf32>
        %parallel_loop3A_307 = arith.maximumf %parallel_loop3A_238, %parallel_loop3A_257 : vector<16xf32>
        %parallel_loop3A_308 = arith.minimumf %parallel_loop3A_276, %parallel_loop3A_295 : vector<16xf32>
        %parallel_loop3A_309 = arith.maximumf %parallel_loop3A_276, %parallel_loop3A_295 : vector<16xf32>
        %parallel_loop3A_310 = arith.minimumf %parallel_loop3A_306, %parallel_loop3A_308 : vector<16xf32>
        %parallel_loop3A_311 = arith.maximumf %parallel_loop3A_306, %parallel_loop3A_308 : vector<16xf32>
        %parallel_loop3A_312 = arith.minimumf %parallel_loop3A_307, %parallel_loop3A_309 : vector<16xf32>
        %parallel_loop3A_313 = arith.maximumf %parallel_loop3A_307, %parallel_loop3A_309 : vector<16xf32>
        %parallel_loop3A_314 = arith.minimumf %parallel_loop3A_312, %parallel_loop3A_311 : vector<16xf32>
        %parallel_loop3A_315 = arith.maximumf %parallel_loop3A_312, %parallel_loop3A_311 : vector<16xf32>
        %parallel_loop3A_316 = arith.maximumf %parallel_loop3A_300, %parallel_loop3A_313 : vector<16xf32>
        %parallel_loop3A_317 = arith.maximumf %parallel_loop3A_304, %parallel_loop3A_315 : vector<16xf32>
        %parallel_loop3A_318 = arith.minimumf %parallel_loop3A_316, %parallel_loop3A_317 : vector<16xf32>
        %parallel_loop3A_319 = arith.maximumf %parallel_loop3A_305, %parallel_loop3A_314 : vector<16xf32>
        %parallel_loop3A_320 = arith.maximumf %parallel_loop3A_303, %parallel_loop3A_310 : vector<16xf32>
        %parallel_loop3A_321 = arith.minimumf %parallel_loop3A_319, %parallel_loop3A_320 : vector<16xf32>
        %parallel_loop3A_322 = arith.minimumf %parallel_loop3A_318, %parallel_loop3A_321 : vector<16xf32>
        %parallel_loop3A_323 = arith.constant 0.000000e+00 : f32
        %parallel_loop3A_324 = vector.broadcast %parallel_loop3A_323 : f32 to vector<16xf32>
        %parallel_loop3A_325 = arith.cmpf olt, %parallel_loop3A_115, %parallel_loop3A_324 : vector<16xf32>
        %parallel_loop3A_326 = arith.constant -9.842520e-04 : f32
        %parallel_loop3A_327 = arith.constant 9.842520e-04 : f32
        %parallel_loop3A_328 = vector.broadcast %parallel_loop3A_326 : f32 to vector<16xf32>
        %parallel_loop3A_329 = vector.broadcast %parallel_loop3A_327 : f32 to vector<16xf32>
        %parallel_loop3A_330 = arith.select %parallel_loop3A_325, %parallel_loop3A_328, %parallel_loop3A_329 : vector<16xi1>, vector<16xf32>
        %parallel_loop3A_331 = arith.cmpf oge, %parallel_loop3A_162, %parallel_loop3A_322 : vector<16xf32>
        %parallel_loop3A_332 = arith.constant 0.000000e+00 : f32
        %parallel_loop3A_333 = vector.broadcast %parallel_loop3A_332 : f32 to vector<16xf32>
        %parallel_loop3A_334 = arith.subf %parallel_loop3A_162, %parallel_loop3A_333 : vector<16xf32>
        %parallel_loop3A_335 = arith.constant 0.000000e+00 : f32
        %parallel_loop3A_336 = vector.broadcast %parallel_loop3A_335 : f32 to vector<16xf32>
        %parallel_loop3A_337 = arith.select %parallel_loop3A_331, %parallel_loop3A_334, %parallel_loop3A_336 : vector<16xi1>, vector<16xf32>
        %parallel_loop3A_338 = arith.mulf %parallel_loop3A_337, %parallel_loop3A_330 : vector<16xf32>
        %parallel_loop3A_339 = arith.constant 0 : i32
        %parallel_loop3A_340 = vector.broadcast %parallel_loop3A_339 : i32 to vector<16xi32>
        %parallel_loop3A_341 = arith.addi %parallel_loop3A_111, %parallel_loop3A_340 : vector<16xi32>
        tpu.vector_store_idx %arg7[%parallel_loop3A_104, %parallel_loop3A_341], %parallel_loop3A_338 : memref<56x384xf32, #tpu.memory_space<vmem>>[vector<16xi32>, vector<16xi32>], vector<16xf32>,
        %parallel_loop3A_342 = arith.constant 0.000000e+00 : f32
        %parallel_loop3A_343 = vector.broadcast %parallel_loop3A_342 : f32 to vector<16xf32>
        %parallel_loop3A_344 = arith.cmpf olt, %parallel_loop3A_119, %parallel_loop3A_343 : vector<16xf32>
        %parallel_loop3A_345 = arith.constant -9.842520e-04 : f32
        %parallel_loop3A_346 = arith.constant 9.842520e-04 : f32
        %parallel_loop3A_347 = vector.broadcast %parallel_loop3A_345 : f32 to vector<16xf32>
        %parallel_loop3A_348 = vector.broadcast %parallel_loop3A_346 : f32 to vector<16xf32>
        %parallel_loop3A_349 = arith.select %parallel_loop3A_344, %parallel_loop3A_347, %parallel_loop3A_348 : vector<16xi1>, vector<16xf32>
        %parallel_loop3A_350 = arith.cmpf oge, %parallel_loop3A_181, %parallel_loop3A_322 : vector<16xf32>
        %parallel_loop3A_351 = arith.constant 1.000000e+00 : f32
        %parallel_loop3A_352 = vector.broadcast %parallel_loop3A_351 : f32 to vector<16xf32>
        %parallel_loop3A_353 = arith.subf %parallel_loop3A_181, %parallel_loop3A_352 : vector<16xf32>
        %parallel_loop3A_354 = arith.constant 0.000000e+00 : f32
        %parallel_loop3A_355 = vector.broadcast %parallel_loop3A_354 : f32 to vector<16xf32>
        %parallel_loop3A_356 = arith.select %parallel_loop3A_350, %parallel_loop3A_353, %parallel_loop3A_355 : vector<16xi1>, vector<16xf32>
        %parallel_loop3A_357 = arith.mulf %parallel_loop3A_356, %parallel_loop3A_349 : vector<16xf32>
        %parallel_loop3A_358 = arith.constant 1 : i32
        %parallel_loop3A_359 = vector.broadcast %parallel_loop3A_358 : i32 to vector<16xi32>
        %parallel_loop3A_360 = arith.addi %parallel_loop3A_111, %parallel_loop3A_359 : vector<16xi32>
        tpu.vector_store_idx %arg7[%parallel_loop3A_104, %parallel_loop3A_360], %parallel_loop3A_357 : memref<56x384xf32, #tpu.memory_space<vmem>>[vector<16xi32>, vector<16xi32>], vector<16xf32>,
        %parallel_loop3A_361 = arith.constant 0.000000e+00 : f32
        %parallel_loop3A_362 = vector.broadcast %parallel_loop3A_361 : f32 to vector<16xf32>
        %parallel_loop3A_363 = arith.cmpf olt, %parallel_loop3A_123, %parallel_loop3A_362 : vector<16xf32>
        %parallel_loop3A_364 = arith.constant -9.842520e-04 : f32
        %parallel_loop3A_365 = arith.constant 9.842520e-04 : f32
        %parallel_loop3A_366 = vector.broadcast %parallel_loop3A_364 : f32 to vector<16xf32>
        %parallel_loop3A_367 = vector.broadcast %parallel_loop3A_365 : f32 to vector<16xf32>
        %parallel_loop3A_368 = arith.select %parallel_loop3A_363, %parallel_loop3A_366, %parallel_loop3A_367 : vector<16xi1>, vector<16xf32>
        %parallel_loop3A_369 = arith.cmpf oge, %parallel_loop3A_200, %parallel_loop3A_322 : vector<16xf32>
        %parallel_loop3A_370 = arith.constant 2.000000e+00 : f32
        %parallel_loop3A_371 = vector.broadcast %parallel_loop3A_370 : f32 to vector<16xf32>
        %parallel_loop3A_372 = arith.subf %parallel_loop3A_200, %parallel_loop3A_371 : vector<16xf32>
        %parallel_loop3A_373 = arith.constant 0.000000e+00 : f32
        %parallel_loop3A_374 = vector.broadcast %parallel_loop3A_373 : f32 to vector<16xf32>
        %parallel_loop3A_375 = arith.select %parallel_loop3A_369, %parallel_loop3A_372, %parallel_loop3A_374 : vector<16xi1>, vector<16xf32>
        %parallel_loop3A_376 = arith.mulf %parallel_loop3A_375, %parallel_loop3A_368 : vector<16xf32>
        %parallel_loop3A_377 = arith.constant 2 : i32
        %parallel_loop3A_378 = vector.broadcast %parallel_loop3A_377 : i32 to vector<16xi32>
        %parallel_loop3A_379 = arith.addi %parallel_loop3A_111, %parallel_loop3A_378 : vector<16xi32>
        tpu.vector_store_idx %arg7[%parallel_loop3A_104, %parallel_loop3A_379], %parallel_loop3A_376 : memref<56x384xf32, #tpu.memory_space<vmem>>[vector<16xi32>, vector<16xi32>], vector<16xf32>,
        %parallel_loop3A_380 = arith.constant 0.000000e+00 : f32
        %parallel_loop3A_381 = vector.broadcast %parallel_loop3A_380 : f32 to vector<16xf32>
        %parallel_loop3A_382 = arith.cmpf olt, %parallel_loop3A_127, %parallel_loop3A_381 : vector<16xf32>
        %parallel_loop3A_383 = arith.constant -9.842520e-04 : f32
        %parallel_loop3A_384 = arith.constant 9.842520e-04 : f32
        %parallel_loop3A_385 = vector.broadcast %parallel_loop3A_383 : f32 to vector<16xf32>
        %parallel_loop3A_386 = vector.broadcast %parallel_loop3A_384 : f32 to vector<16xf32>
        %parallel_loop3A_387 = arith.select %parallel_loop3A_382, %parallel_loop3A_385, %parallel_loop3A_386 : vector<16xi1>, vector<16xf32>
        %parallel_loop3A_388 = arith.cmpf oge, %parallel_loop3A_219, %parallel_loop3A_322 : vector<16xf32>
        %parallel_loop3A_389 = arith.constant 3.000000e+00 : f32
        %parallel_loop3A_390 = vector.broadcast %parallel_loop3A_389 : f32 to vector<16xf32>
        %parallel_loop3A_391 = arith.subf %parallel_loop3A_219, %parallel_loop3A_390 : vector<16xf32>
        %parallel_loop3A_392 = arith.constant 0.000000e+00 : f32
        %parallel_loop3A_393 = vector.broadcast %parallel_loop3A_392 : f32 to vector<16xf32>
        %parallel_loop3A_394 = arith.select %parallel_loop3A_388, %parallel_loop3A_391, %parallel_loop3A_393 : vector<16xi1>, vector<16xf32>
        %parallel_loop3A_395 = arith.mulf %parallel_loop3A_394, %parallel_loop3A_387 : vector<16xf32>
        %parallel_loop3A_396 = arith.constant 3 : i32
        %parallel_loop3A_397 = vector.broadcast %parallel_loop3A_396 : i32 to vector<16xi32>
        %parallel_loop3A_398 = arith.addi %parallel_loop3A_111, %parallel_loop3A_397 : vector<16xi32>
        tpu.vector_store_idx %arg7[%parallel_loop3A_104, %parallel_loop3A_398], %parallel_loop3A_395 : memref<56x384xf32, #tpu.memory_space<vmem>>[vector<16xi32>, vector<16xi32>], vector<16xf32>,
        %parallel_loop3A_399 = arith.constant 0.000000e+00 : f32
        %parallel_loop3A_400 = vector.broadcast %parallel_loop3A_399 : f32 to vector<16xf32>
        %parallel_loop3A_401 = arith.cmpf olt, %parallel_loop3A_131, %parallel_loop3A_400 : vector<16xf32>
        %parallel_loop3A_402 = arith.constant -9.842520e-04 : f32
        %parallel_loop3A_403 = arith.constant 9.842520e-04 : f32
        %parallel_loop3A_404 = vector.broadcast %parallel_loop3A_402 : f32 to vector<16xf32>
        %parallel_loop3A_405 = vector.broadcast %parallel_loop3A_403 : f32 to vector<16xf32>
        %parallel_loop3A_406 = arith.select %parallel_loop3A_401, %parallel_loop3A_404, %parallel_loop3A_405 : vector<16xi1>, vector<16xf32>
        %parallel_loop3A_407 = arith.cmpf oge, %parallel_loop3A_238, %parallel_loop3A_322 : vector<16xf32>
        %parallel_loop3A_408 = arith.constant 4.000000e+00 : f32
        %parallel_loop3A_409 = vector.broadcast %parallel_loop3A_408 : f32 to vector<16xf32>
        %parallel_loop3A_410 = arith.subf %parallel_loop3A_238, %parallel_loop3A_409 : vector<16xf32>
        %parallel_loop3A_411 = arith.constant 0.000000e+00 : f32
        %parallel_loop3A_412 = vector.broadcast %parallel_loop3A_411 : f32 to vector<16xf32>
        %parallel_loop3A_413 = arith.select %parallel_loop3A_407, %parallel_loop3A_410, %parallel_loop3A_412 : vector<16xi1>, vector<16xf32>
        %parallel_loop3A_414 = arith.mulf %parallel_loop3A_413, %parallel_loop3A_406 : vector<16xf32>
        %parallel_loop3A_415 = arith.constant 4 : i32
        %parallel_loop3A_416 = vector.broadcast %parallel_loop3A_415 : i32 to vector<16xi32>
        %parallel_loop3A_417 = arith.addi %parallel_loop3A_111, %parallel_loop3A_416 : vector<16xi32>
        tpu.vector_store_idx %arg7[%parallel_loop3A_104, %parallel_loop3A_417], %parallel_loop3A_414 : memref<56x384xf32, #tpu.memory_space<vmem>>[vector<16xi32>, vector<16xi32>], vector<16xf32>,
        %parallel_loop3A_418 = arith.constant 0.000000e+00 : f32
        %parallel_loop3A_419 = vector.broadcast %parallel_loop3A_418 : f32 to vector<16xf32>
        %parallel_loop3A_420 = arith.cmpf olt, %parallel_loop3A_135, %parallel_loop3A_419 : vector<16xf32>
        %parallel_loop3A_421 = arith.constant -9.842520e-04 : f32
        %parallel_loop3A_422 = arith.constant 9.842520e-04 : f32
        %parallel_loop3A_423 = vector.broadcast %parallel_loop3A_421 : f32 to vector<16xf32>
        %parallel_loop3A_424 = vector.broadcast %parallel_loop3A_422 : f32 to vector<16xf32>
        %parallel_loop3A_425 = arith.select %parallel_loop3A_420, %parallel_loop3A_423, %parallel_loop3A_424 : vector<16xi1>, vector<16xf32>
        %parallel_loop3A_426 = arith.cmpf oge, %parallel_loop3A_257, %parallel_loop3A_322 : vector<16xf32>
        %parallel_loop3A_427 = arith.constant 5.000000e+00 : f32
        %parallel_loop3A_428 = vector.broadcast %parallel_loop3A_427 : f32 to vector<16xf32>
        %parallel_loop3A_429 = arith.subf %parallel_loop3A_257, %parallel_loop3A_428 : vector<16xf32>
        %parallel_loop3A_430 = arith.constant 0.000000e+00 : f32
        %parallel_loop3A_431 = vector.broadcast %parallel_loop3A_430 : f32 to vector<16xf32>
        %parallel_loop3A_432 = arith.select %parallel_loop3A_426, %parallel_loop3A_429, %parallel_loop3A_431 : vector<16xi1>, vector<16xf32>
        %parallel_loop3A_433 = arith.mulf %parallel_loop3A_432, %parallel_loop3A_425 : vector<16xf32>
        %parallel_loop3A_434 = arith.constant 5 : i32
        %parallel_loop3A_435 = vector.broadcast %parallel_loop3A_434 : i32 to vector<16xi32>
        %parallel_loop3A_436 = arith.addi %parallel_loop3A_111, %parallel_loop3A_435 : vector<16xi32>
        tpu.vector_store_idx %arg7[%parallel_loop3A_104, %parallel_loop3A_436], %parallel_loop3A_433 : memref<56x384xf32, #tpu.memory_space<vmem>>[vector<16xi32>, vector<16xi32>], vector<16xf32>,
        %parallel_loop3A_437 = arith.constant 0.000000e+00 : f32
        %parallel_loop3A_438 = vector.broadcast %parallel_loop3A_437 : f32 to vector<16xf32>
        %parallel_loop3A_439 = arith.cmpf olt, %parallel_loop3A_139, %parallel_loop3A_438 : vector<16xf32>
        %parallel_loop3A_440 = arith.constant -9.842520e-04 : f32
        %parallel_loop3A_441 = arith.constant 9.842520e-04 : f32
        %parallel_loop3A_442 = vector.broadcast %parallel_loop3A_440 : f32 to vector<16xf32>
        %parallel_loop3A_443 = vector.broadcast %parallel_loop3A_441 : f32 to vector<16xf32>
        %parallel_loop3A_444 = arith.select %parallel_loop3A_439, %parallel_loop3A_442, %parallel_loop3A_443 : vector<16xi1>, vector<16xf32>
        %parallel_loop3A_445 = arith.cmpf oge, %parallel_loop3A_276, %parallel_loop3A_322 : vector<16xf32>
        %parallel_loop3A_446 = arith.constant 6.000000e+00 : f32
        %parallel_loop3A_447 = vector.broadcast %parallel_loop3A_446 : f32 to vector<16xf32>
        %parallel_loop3A_448 = arith.subf %parallel_loop3A_276, %parallel_loop3A_447 : vector<16xf32>
        %parallel_loop3A_449 = arith.constant 0.000000e+00 : f32
        %parallel_loop3A_450 = vector.broadcast %parallel_loop3A_449 : f32 to vector<16xf32>
        %parallel_loop3A_451 = arith.select %parallel_loop3A_445, %parallel_loop3A_448, %parallel_loop3A_450 : vector<16xi1>, vector<16xf32>
        %parallel_loop3A_452 = arith.mulf %parallel_loop3A_451, %parallel_loop3A_444 : vector<16xf32>
        %parallel_loop3A_453 = arith.constant 6 : i32
        %parallel_loop3A_454 = vector.broadcast %parallel_loop3A_453 : i32 to vector<16xi32>
        %parallel_loop3A_455 = arith.addi %parallel_loop3A_111, %parallel_loop3A_454 : vector<16xi32>
        tpu.vector_store_idx %arg7[%parallel_loop3A_104, %parallel_loop3A_455], %parallel_loop3A_452 : memref<56x384xf32, #tpu.memory_space<vmem>>[vector<16xi32>, vector<16xi32>], vector<16xf32>,
        %parallel_loop3A_456 = arith.constant 0.000000e+00 : f32
        %parallel_loop3A_457 = vector.broadcast %parallel_loop3A_456 : f32 to vector<16xf32>
        %parallel_loop3A_458 = arith.cmpf olt, %parallel_loop3A_143, %parallel_loop3A_457 : vector<16xf32>
        %parallel_loop3A_459 = arith.constant -9.842520e-04 : f32
        %parallel_loop3A_460 = arith.constant 9.842520e-04 : f32
        %parallel_loop3A_461 = vector.broadcast %parallel_loop3A_459 : f32 to vector<16xf32>
        %parallel_loop3A_462 = vector.broadcast %parallel_loop3A_460 : f32 to vector<16xf32>
        %parallel_loop3A_463 = arith.select %parallel_loop3A_458, %parallel_loop3A_461, %parallel_loop3A_462 : vector<16xi1>, vector<16xf32>
        %parallel_loop3A_464 = arith.cmpf oge, %parallel_loop3A_295, %parallel_loop3A_322 : vector<16xf32>
        %parallel_loop3A_465 = arith.constant 7.000000e+00 : f32
        %parallel_loop3A_466 = vector.broadcast %parallel_loop3A_465 : f32 to vector<16xf32>
        %parallel_loop3A_467 = arith.subf %parallel_loop3A_295, %parallel_loop3A_466 : vector<16xf32>
        %parallel_loop3A_468 = arith.constant 0.000000e+00 : f32
        %parallel_loop3A_469 = vector.broadcast %parallel_loop3A_468 : f32 to vector<16xf32>
        %parallel_loop3A_470 = arith.select %parallel_loop3A_464, %parallel_loop3A_467, %parallel_loop3A_469 : vector<16xi1>, vector<16xf32>
        %parallel_loop3A_471 = arith.mulf %parallel_loop3A_470, %parallel_loop3A_463 : vector<16xf32>
        %parallel_loop3A_472 = arith.constant 7 : i32
        %parallel_loop3A_473 = vector.broadcast %parallel_loop3A_472 : i32 to vector<16xi32>
        %parallel_loop3A_474 = arith.addi %parallel_loop3A_111, %parallel_loop3A_473 : vector<16xi32>
        tpu.vector_store_idx %arg7[%parallel_loop3A_104, %parallel_loop3A_474], %parallel_loop3A_471 : memref<56x384xf32, #tpu.memory_space<vmem>>[vector<16xi32>, vector<16xi32>], vector<16xf32>,
        %parallel_loop3A_475 = tpu.iota {dimensions = array<i32: 0>} : vector<16xi32>
        %parallel_loop3A_476 = arith.constant 8 : i32
        %parallel_loop3A_477 = vector.broadcast %parallel_loop3A_476 : i32 to vector<16xi32>
        %parallel_loop3A_478 = arith.muli %parallel_loop3A_475, %parallel_loop3A_477 : vector<16xi32>
        %parallel_loop3A_479 = arith.constant 128 : i32
        %parallel_loop3A_480 = vector.broadcast %parallel_loop3A_479 : i32 to vector<16xi32>
        %parallel_loop3A_481 = arith.addi %parallel_loop3A_478, %parallel_loop3A_480 : vector<16xi32>
        %parallel_loop3A_482 = arith.constant 0 : i32
        %parallel_loop3A_483 = vector.broadcast %parallel_loop3A_482 : i32 to vector<16xi32>
        %parallel_loop3A_484 = arith.addi %parallel_loop3A_481, %parallel_loop3A_483 : vector<16xi32>
        %parallel_loop3A_485 = tpu.vector_load_idx %arg5[%parallel_loop3A_104, %parallel_loop3A_484] : memref<56x384xf32, #tpu.memory_space<vmem>>[vector<16xi32>, vector<16xi32>], vector<16xf32>,
        %parallel_loop3A_486 = arith.constant 1 : i32
        %parallel_loop3A_487 = vector.broadcast %parallel_loop3A_486 : i32 to vector<16xi32>
        %parallel_loop3A_488 = arith.addi %parallel_loop3A_481, %parallel_loop3A_487 : vector<16xi32>
        %parallel_loop3A_489 = tpu.vector_load_idx %arg5[%parallel_loop3A_104, %parallel_loop3A_488] : memref<56x384xf32, #tpu.memory_space<vmem>>[vector<16xi32>, vector<16xi32>], vector<16xf32>,
        %parallel_loop3A_490 = arith.constant 2 : i32
        %parallel_loop3A_491 = vector.broadcast %parallel_loop3A_490 : i32 to vector<16xi32>
        %parallel_loop3A_492 = arith.addi %parallel_loop3A_481, %parallel_loop3A_491 : vector<16xi32>
        %parallel_loop3A_493 = tpu.vector_load_idx %arg5[%parallel_loop3A_104, %parallel_loop3A_492] : memref<56x384xf32, #tpu.memory_space<vmem>>[vector<16xi32>, vector<16xi32>], vector<16xf32>,
        %parallel_loop3A_494 = arith.constant 3 : i32
        %parallel_loop3A_495 = vector.broadcast %parallel_loop3A_494 : i32 to vector<16xi32>
        %parallel_loop3A_496 = arith.addi %parallel_loop3A_481, %parallel_loop3A_495 : vector<16xi32>
        %parallel_loop3A_497 = tpu.vector_load_idx %arg5[%parallel_loop3A_104, %parallel_loop3A_496] : memref<56x384xf32, #tpu.memory_space<vmem>>[vector<16xi32>, vector<16xi32>], vector<16xf32>,
        %parallel_loop3A_498 = arith.constant 4 : i32
        %parallel_loop3A_499 = vector.broadcast %parallel_loop3A_498 : i32 to vector<16xi32>
        %parallel_loop3A_500 = arith.addi %parallel_loop3A_481, %parallel_loop3A_499 : vector<16xi32>
        %parallel_loop3A_501 = tpu.vector_load_idx %arg5[%parallel_loop3A_104, %parallel_loop3A_500] : memref<56x384xf32, #tpu.memory_space<vmem>>[vector<16xi32>, vector<16xi32>], vector<16xf32>,
        %parallel_loop3A_502 = arith.constant 5 : i32
        %parallel_loop3A_503 = vector.broadcast %parallel_loop3A_502 : i32 to vector<16xi32>
        %parallel_loop3A_504 = arith.addi %parallel_loop3A_481, %parallel_loop3A_503 : vector<16xi32>
        %parallel_loop3A_505 = tpu.vector_load_idx %arg5[%parallel_loop3A_104, %parallel_loop3A_504] : memref<56x384xf32, #tpu.memory_space<vmem>>[vector<16xi32>, vector<16xi32>], vector<16xf32>,
        %parallel_loop3A_506 = arith.constant 6 : i32
        %parallel_loop3A_507 = vector.broadcast %parallel_loop3A_506 : i32 to vector<16xi32>
        %parallel_loop3A_508 = arith.addi %parallel_loop3A_481, %parallel_loop3A_507 : vector<16xi32>
        %parallel_loop3A_509 = tpu.vector_load_idx %arg5[%parallel_loop3A_104, %parallel_loop3A_508] : memref<56x384xf32, #tpu.memory_space<vmem>>[vector<16xi32>, vector<16xi32>], vector<16xf32>,
        %parallel_loop3A_510 = arith.constant 7 : i32
        %parallel_loop3A_511 = vector.broadcast %parallel_loop3A_510 : i32 to vector<16xi32>
        %parallel_loop3A_512 = arith.addi %parallel_loop3A_481, %parallel_loop3A_511 : vector<16xi32>
        %parallel_loop3A_513 = tpu.vector_load_idx %arg5[%parallel_loop3A_104, %parallel_loop3A_512] : memref<56x384xf32, #tpu.memory_space<vmem>>[vector<16xi32>, vector<16xi32>], vector<16xf32>,
        %parallel_loop3A_514 = math.absf %parallel_loop3A_485 : vector<16xf32>
        %parallel_loop3A_515 = arith.constant -2.000000e+00 : f32
        %parallel_loop3A_516 = vector.broadcast %parallel_loop3A_515 : f32 to vector<16xf32>
        %parallel_loop3A_517 = arith.mulf %parallel_loop3A_514, %parallel_loop3A_516 : vector<16xf32>
        %parallel_loop3A_518 = math.exp %parallel_loop3A_517 : vector<16xf32>
        %parallel_loop3A_519 = arith.constant 1.000000e+00 : f32
        %parallel_loop3A_520 = vector.broadcast %parallel_loop3A_519 : f32 to vector<16xf32>
        %parallel_loop3A_521 = arith.addf %parallel_loop3A_520, %parallel_loop3A_518 : vector<16xf32>
        %parallel_loop3A_522 = arith.divf %add3A_2, %parallel_loop3A_521 : vector<16xf32>
        %parallel_loop3A_523 = arith.subf %parallel_loop3A_522, %get3A_1 : vector<16xf32>
        %parallel_loop3A_524 = arith.constant 0x4CC00000 : f32
        %parallel_loop3A_525 = vector.broadcast %parallel_loop3A_524 : f32 to vector<16xf32>
        %parallel_loop3A_526 = arith.addf %parallel_loop3A_523, %parallel_loop3A_525 : vector<16xf32>
        %parallel_loop3A_527 = arith.constant 0x4CC00000 : f32
        %parallel_loop3A_528 = vector.broadcast %parallel_loop3A_527 : f32 to vector<16xf32>
        %parallel_loop3A_529 = arith.subf %parallel_loop3A_526, %parallel_loop3A_528 : vector<16xf32>
        %parallel_loop3A_530 = arith.constant 0.000000e+00 : f32
        %parallel_loop3A_531 = vector.broadcast %parallel_loop3A_530 : f32 to vector<16xf32>
        %parallel_loop3A_532 = arith.addf %parallel_loop3A_529, %parallel_loop3A_531 : vector<16xf32>
        %parallel_loop3A_533 = math.absf %parallel_loop3A_489 : vector<16xf32>
        %parallel_loop3A_534 = arith.constant -2.000000e+00 : f32
        %parallel_loop3A_535 = vector.broadcast %parallel_loop3A_534 : f32 to vector<16xf32>
        %parallel_loop3A_536 = arith.mulf %parallel_loop3A_533, %parallel_loop3A_535 : vector<16xf32>
        %parallel_loop3A_537 = math.exp %parallel_loop3A_536 : vector<16xf32>
        %parallel_loop3A_538 = arith.constant 1.000000e+00 : f32
        %parallel_loop3A_539 = vector.broadcast %parallel_loop3A_538 : f32 to vector<16xf32>
        %parallel_loop3A_540 = arith.addf %parallel_loop3A_539, %parallel_loop3A_537 : vector<16xf32>
        %parallel_loop3A_541 = arith.divf %add3A_2, %parallel_loop3A_540 : vector<16xf32>
        %parallel_loop3A_542 = arith.subf %parallel_loop3A_541, %get3A_1 : vector<16xf32>
        %parallel_loop3A_543 = arith.constant 0x4CC00000 : f32
        %parallel_loop3A_544 = vector.broadcast %parallel_loop3A_543 : f32 to vector<16xf32>
        %parallel_loop3A_545 = arith.addf %parallel_loop3A_542, %parallel_loop3A_544 : vector<16xf32>
        %parallel_loop3A_546 = arith.constant 0x4CC00000 : f32
        %parallel_loop3A_547 = vector.broadcast %parallel_loop3A_546 : f32 to vector<16xf32>
        %parallel_loop3A_548 = arith.subf %parallel_loop3A_545, %parallel_loop3A_547 : vector<16xf32>
        %parallel_loop3A_549 = arith.constant 1.000000e+00 : f32
        %parallel_loop3A_550 = vector.broadcast %parallel_loop3A_549 : f32 to vector<16xf32>
        %parallel_loop3A_551 = arith.addf %parallel_loop3A_548, %parallel_loop3A_550 : vector<16xf32>
        %parallel_loop3A_552 = math.absf %parallel_loop3A_493 : vector<16xf32>
        %parallel_loop3A_553 = arith.constant -2.000000e+00 : f32
        %parallel_loop3A_554 = vector.broadcast %parallel_loop3A_553 : f32 to vector<16xf32>
        %parallel_loop3A_555 = arith.mulf %parallel_loop3A_552, %parallel_loop3A_554 : vector<16xf32>
        %parallel_loop3A_556 = math.exp %parallel_loop3A_555 : vector<16xf32>
        %parallel_loop3A_557 = arith.constant 1.000000e+00 : f32
        %parallel_loop3A_558 = vector.broadcast %parallel_loop3A_557 : f32 to vector<16xf32>
        %parallel_loop3A_559 = arith.addf %parallel_loop3A_558, %parallel_loop3A_556 : vector<16xf32>
        %parallel_loop3A_560 = arith.divf %add3A_2, %parallel_loop3A_559 : vector<16xf32>
        %parallel_loop3A_561 = arith.subf %parallel_loop3A_560, %get3A_1 : vector<16xf32>
        %parallel_loop3A_562 = arith.constant 0x4CC00000 : f32
        %parallel_loop3A_563 = vector.broadcast %parallel_loop3A_562 : f32 to vector<16xf32>
        %parallel_loop3A_564 = arith.addf %parallel_loop3A_561, %parallel_loop3A_563 : vector<16xf32>
        %parallel_loop3A_565 = arith.constant 0x4CC00000 : f32
        %parallel_loop3A_566 = vector.broadcast %parallel_loop3A_565 : f32 to vector<16xf32>
        %parallel_loop3A_567 = arith.subf %parallel_loop3A_564, %parallel_loop3A_566 : vector<16xf32>
        %parallel_loop3A_568 = arith.constant 2.000000e+00 : f32
        %parallel_loop3A_569 = vector.broadcast %parallel_loop3A_568 : f32 to vector<16xf32>
        %parallel_loop3A_570 = arith.addf %parallel_loop3A_567, %parallel_loop3A_569 : vector<16xf32>
        %parallel_loop3A_571 = math.absf %parallel_loop3A_497 : vector<16xf32>
        %parallel_loop3A_572 = arith.constant -2.000000e+00 : f32
        %parallel_loop3A_573 = vector.broadcast %parallel_loop3A_572 : f32 to vector<16xf32>
        %parallel_loop3A_574 = arith.mulf %parallel_loop3A_571, %parallel_loop3A_573 : vector<16xf32>
        %parallel_loop3A_575 = math.exp %parallel_loop3A_574 : vector<16xf32>
        %parallel_loop3A_576 = arith.constant 1.000000e+00 : f32
        %parallel_loop3A_577 = vector.broadcast %parallel_loop3A_576 : f32 to vector<16xf32>
        %parallel_loop3A_578 = arith.addf %parallel_loop3A_577, %parallel_loop3A_575 : vector<16xf32>
        %parallel_loop3A_579 = arith.divf %add3A_2, %parallel_loop3A_578 : vector<16xf32>
        %parallel_loop3A_580 = arith.subf %parallel_loop3A_579, %get3A_1 : vector<16xf32>
        %parallel_loop3A_581 = arith.constant 0x4CC00000 : f32
        %parallel_loop3A_582 = vector.broadcast %parallel_loop3A_581 : f32 to vector<16xf32>
        %parallel_loop3A_583 = arith.addf %parallel_loop3A_580, %parallel_loop3A_582 : vector<16xf32>
        %parallel_loop3A_584 = arith.constant 0x4CC00000 : f32
        %parallel_loop3A_585 = vector.broadcast %parallel_loop3A_584 : f32 to vector<16xf32>
        %parallel_loop3A_586 = arith.subf %parallel_loop3A_583, %parallel_loop3A_585 : vector<16xf32>
        %parallel_loop3A_587 = arith.constant 3.000000e+00 : f32
        %parallel_loop3A_588 = vector.broadcast %parallel_loop3A_587 : f32 to vector<16xf32>
        %parallel_loop3A_589 = arith.addf %parallel_loop3A_586, %parallel_loop3A_588 : vector<16xf32>
        %parallel_loop3A_590 = math.absf %parallel_loop3A_501 : vector<16xf32>
        %parallel_loop3A_591 = arith.constant -2.000000e+00 : f32
        %parallel_loop3A_592 = vector.broadcast %parallel_loop3A_591 : f32 to vector<16xf32>
        %parallel_loop3A_593 = arith.mulf %parallel_loop3A_590, %parallel_loop3A_592 : vector<16xf32>
        %parallel_loop3A_594 = math.exp %parallel_loop3A_593 : vector<16xf32>
        %parallel_loop3A_595 = arith.constant 1.000000e+00 : f32
        %parallel_loop3A_596 = vector.broadcast %parallel_loop3A_595 : f32 to vector<16xf32>
        %parallel_loop3A_597 = arith.addf %parallel_loop3A_596, %parallel_loop3A_594 : vector<16xf32>
        %parallel_loop3A_598 = arith.divf %add3A_2, %parallel_loop3A_597 : vector<16xf32>
        %parallel_loop3A_599 = arith.subf %parallel_loop3A_598, %get3A_1 : vector<16xf32>
        %parallel_loop3A_600 = arith.constant 0x4CC00000 : f32
        %parallel_loop3A_601 = vector.broadcast %parallel_loop3A_600 : f32 to vector<16xf32>
        %parallel_loop3A_602 = arith.addf %parallel_loop3A_599, %parallel_loop3A_601 : vector<16xf32>
        %parallel_loop3A_603 = arith.constant 0x4CC00000 : f32
        %parallel_loop3A_604 = vector.broadcast %parallel_loop3A_603 : f32 to vector<16xf32>
        %parallel_loop3A_605 = arith.subf %parallel_loop3A_602, %parallel_loop3A_604 : vector<16xf32>
        %parallel_loop3A_606 = arith.constant 4.000000e+00 : f32
        %parallel_loop3A_607 = vector.broadcast %parallel_loop3A_606 : f32 to vector<16xf32>
        %parallel_loop3A_608 = arith.addf %parallel_loop3A_605, %parallel_loop3A_607 : vector<16xf32>
        %parallel_loop3A_609 = math.absf %parallel_loop3A_505 : vector<16xf32>
        %parallel_loop3A_610 = arith.constant -2.000000e+00 : f32
        %parallel_loop3A_611 = vector.broadcast %parallel_loop3A_610 : f32 to vector<16xf32>
        %parallel_loop3A_612 = arith.mulf %parallel_loop3A_609, %parallel_loop3A_611 : vector<16xf32>
        %parallel_loop3A_613 = math.exp %parallel_loop3A_612 : vector<16xf32>
        %parallel_loop3A_614 = arith.constant 1.000000e+00 : f32
        %parallel_loop3A_615 = vector.broadcast %parallel_loop3A_614 : f32 to vector<16xf32>
        %parallel_loop3A_616 = arith.addf %parallel_loop3A_615, %parallel_loop3A_613 : vector<16xf32>
        %parallel_loop3A_617 = arith.divf %add3A_2, %parallel_loop3A_616 : vector<16xf32>
        %parallel_loop3A_618 = arith.subf %parallel_loop3A_617, %get3A_1 : vector<16xf32>
        %parallel_loop3A_619 = arith.constant 0x4CC00000 : f32
        %parallel_loop3A_620 = vector.broadcast %parallel_loop3A_619 : f32 to vector<16xf32>
        %parallel_loop3A_621 = arith.addf %parallel_loop3A_618, %parallel_loop3A_620 : vector<16xf32>
        %parallel_loop3A_622 = arith.constant 0x4CC00000 : f32
        %parallel_loop3A_623 = vector.broadcast %parallel_loop3A_622 : f32 to vector<16xf32>
        %parallel_loop3A_624 = arith.subf %parallel_loop3A_621, %parallel_loop3A_623 : vector<16xf32>
        %parallel_loop3A_625 = arith.constant 5.000000e+00 : f32
        %parallel_loop3A_626 = vector.broadcast %parallel_loop3A_625 : f32 to vector<16xf32>
        %parallel_loop3A_627 = arith.addf %parallel_loop3A_624, %parallel_loop3A_626 : vector<16xf32>
        %parallel_loop3A_628 = math.absf %parallel_loop3A_509 : vector<16xf32>
        %parallel_loop3A_629 = arith.constant -2.000000e+00 : f32
        %parallel_loop3A_630 = vector.broadcast %parallel_loop3A_629 : f32 to vector<16xf32>
        %parallel_loop3A_631 = arith.mulf %parallel_loop3A_628, %parallel_loop3A_630 : vector<16xf32>
        %parallel_loop3A_632 = math.exp %parallel_loop3A_631 : vector<16xf32>
        %parallel_loop3A_633 = arith.constant 1.000000e+00 : f32
        %parallel_loop3A_634 = vector.broadcast %parallel_loop3A_633 : f32 to vector<16xf32>
        %parallel_loop3A_635 = arith.addf %parallel_loop3A_634, %parallel_loop3A_632 : vector<16xf32>
        %parallel_loop3A_636 = arith.divf %add3A_2, %parallel_loop3A_635 : vector<16xf32>
        %parallel_loop3A_637 = arith.subf %parallel_loop3A_636, %get3A_1 : vector<16xf32>
        %parallel_loop3A_638 = arith.constant 0x4CC00000 : f32
        %parallel_loop3A_639 = vector.broadcast %parallel_loop3A_638 : f32 to vector<16xf32>
        %parallel_loop3A_640 = arith.addf %parallel_loop3A_637, %parallel_loop3A_639 : vector<16xf32>
        %parallel_loop3A_641 = arith.constant 0x4CC00000 : f32
        %parallel_loop3A_642 = vector.broadcast %parallel_loop3A_641 : f32 to vector<16xf32>
        %parallel_loop3A_643 = arith.subf %parallel_loop3A_640, %parallel_loop3A_642 : vector<16xf32>
        %parallel_loop3A_644 = arith.constant 6.000000e+00 : f32
        %parallel_loop3A_645 = vector.broadcast %parallel_loop3A_644 : f32 to vector<16xf32>
        %parallel_loop3A_646 = arith.addf %parallel_loop3A_643, %parallel_loop3A_645 : vector<16xf32>
        %parallel_loop3A_647 = math.absf %parallel_loop3A_513 : vector<16xf32>
        %parallel_loop3A_648 = arith.constant -2.000000e+00 : f32
        %parallel_loop3A_649 = vector.broadcast %parallel_loop3A_648 : f32 to vector<16xf32>
        %parallel_loop3A_650 = arith.mulf %parallel_loop3A_647, %parallel_loop3A_649 : vector<16xf32>
        %parallel_loop3A_651 = math.exp %parallel_loop3A_650 : vector<16xf32>
        %parallel_loop3A_652 = arith.constant 1.000000e+00 : f32
        %parallel_loop3A_653 = vector.broadcast %parallel_loop3A_652 : f32 to vector<16xf32>
        %parallel_loop3A_654 = arith.addf %parallel_loop3A_653, %parallel_loop3A_651 : vector<16xf32>
        %parallel_loop3A_655 = arith.divf %add3A_2, %parallel_loop3A_654 : vector<16xf32>
        %parallel_loop3A_656 = arith.subf %parallel_loop3A_655, %get3A_1 : vector<16xf32>
        %parallel_loop3A_657 = arith.constant 0x4CC00000 : f32
        %parallel_loop3A_658 = vector.broadcast %parallel_loop3A_657 : f32 to vector<16xf32>
        %parallel_loop3A_659 = arith.addf %parallel_loop3A_656, %parallel_loop3A_658 : vector<16xf32>
        %parallel_loop3A_660 = arith.constant 0x4CC00000 : f32
        %parallel_loop3A_661 = vector.broadcast %parallel_loop3A_660 : f32 to vector<16xf32>
        %parallel_loop3A_662 = arith.subf %parallel_loop3A_659, %parallel_loop3A_661 : vector<16xf32>
        %parallel_loop3A_663 = arith.constant 7.000000e+00 : f32
        %parallel_loop3A_664 = vector.broadcast %parallel_loop3A_663 : f32 to vector<16xf32>
        %parallel_loop3A_665 = arith.addf %parallel_loop3A_662, %parallel_loop3A_664 : vector<16xf32>
        %parallel_loop3A_666 = arith.minimumf %parallel_loop3A_532, %parallel_loop3A_551 : vector<16xf32>
        %parallel_loop3A_667 = arith.maximumf %parallel_loop3A_532, %parallel_loop3A_551 : vector<16xf32>
        %parallel_loop3A_668 = arith.minimumf %parallel_loop3A_570, %parallel_loop3A_589 : vector<16xf32>
        %parallel_loop3A_669 = arith.maximumf %parallel_loop3A_570, %parallel_loop3A_589 : vector<16xf32>
        %parallel_loop3A_670 = arith.minimumf %parallel_loop3A_666, %parallel_loop3A_668 : vector<16xf32>
        %parallel_loop3A_671 = arith.maximumf %parallel_loop3A_666, %parallel_loop3A_668 : vector<16xf32>
        %parallel_loop3A_672 = arith.minimumf %parallel_loop3A_667, %parallel_loop3A_669 : vector<16xf32>
        %parallel_loop3A_673 = arith.maximumf %parallel_loop3A_667, %parallel_loop3A_669 : vector<16xf32>
        %parallel_loop3A_674 = arith.minimumf %parallel_loop3A_672, %parallel_loop3A_671 : vector<16xf32>
        %parallel_loop3A_675 = arith.maximumf %parallel_loop3A_672, %parallel_loop3A_671 : vector<16xf32>
        %parallel_loop3A_676 = arith.minimumf %parallel_loop3A_608, %parallel_loop3A_627 : vector<16xf32>
        %parallel_loop3A_677 = arith.maximumf %parallel_loop3A_608, %parallel_loop3A_627 : vector<16xf32>
        %parallel_loop3A_678 = arith.minimumf %parallel_loop3A_646, %parallel_loop3A_665 : vector<16xf32>
        %parallel_loop3A_679 = arith.maximumf %parallel_loop3A_646, %parallel_loop3A_665 : vector<16xf32>
        %parallel_loop3A_680 = arith.minimumf %parallel_loop3A_676, %parallel_loop3A_678 : vector<16xf32>
        %parallel_loop3A_681 = arith.maximumf %parallel_loop3A_676, %parallel_loop3A_678 : vector<16xf32>
        %parallel_loop3A_682 = arith.minimumf %parallel_loop3A_677, %parallel_loop3A_679 : vector<16xf32>
        %parallel_loop3A_683 = arith.maximumf %parallel_loop3A_677, %parallel_loop3A_679 : vector<16xf32>
        %parallel_loop3A_684 = arith.minimumf %parallel_loop3A_682, %parallel_loop3A_681 : vector<16xf32>
        %parallel_loop3A_685 = arith.maximumf %parallel_loop3A_682, %parallel_loop3A_681 : vector<16xf32>
        %parallel_loop3A_686 = arith.maximumf %parallel_loop3A_670, %parallel_loop3A_683 : vector<16xf32>
        %parallel_loop3A_687 = arith.maximumf %parallel_loop3A_674, %parallel_loop3A_685 : vector<16xf32>
        %parallel_loop3A_688 = arith.minimumf %parallel_loop3A_686, %parallel_loop3A_687 : vector<16xf32>
        %parallel_loop3A_689 = arith.maximumf %parallel_loop3A_675, %parallel_loop3A_684 : vector<16xf32>
        %parallel_loop3A_690 = arith.maximumf %parallel_loop3A_673, %parallel_loop3A_680 : vector<16xf32>
        %parallel_loop3A_691 = arith.minimumf %parallel_loop3A_689, %parallel_loop3A_690 : vector<16xf32>
        %parallel_loop3A_692 = arith.minimumf %parallel_loop3A_688, %parallel_loop3A_691 : vector<16xf32>
        %parallel_loop3A_693 = arith.constant 0.000000e+00 : f32
        %parallel_loop3A_694 = vector.broadcast %parallel_loop3A_693 : f32 to vector<16xf32>
        %parallel_loop3A_695 = arith.cmpf olt, %parallel_loop3A_485, %parallel_loop3A_694 : vector<16xf32>
        %parallel_loop3A_696 = arith.constant -9.842520e-04 : f32
        %parallel_loop3A_697 = arith.constant 9.842520e-04 : f32
        %parallel_loop3A_698 = vector.broadcast %parallel_loop3A_696 : f32 to vector<16xf32>
        %parallel_loop3A_699 = vector.broadcast %parallel_loop3A_697 : f32 to vector<16xf32>
        %parallel_loop3A_700 = arith.select %parallel_loop3A_695, %parallel_loop3A_698, %parallel_loop3A_699 : vector<16xi1>, vector<16xf32>
        %parallel_loop3A_701 = arith.cmpf oge, %parallel_loop3A_532, %parallel_loop3A_692 : vector<16xf32>
        %parallel_loop3A_702 = arith.constant 0.000000e+00 : f32
        %parallel_loop3A_703 = vector.broadcast %parallel_loop3A_702 : f32 to vector<16xf32>
        %parallel_loop3A_704 = arith.subf %parallel_loop3A_532, %parallel_loop3A_703 : vector<16xf32>
        %parallel_loop3A_705 = arith.constant 0.000000e+00 : f32
        %parallel_loop3A_706 = vector.broadcast %parallel_loop3A_705 : f32 to vector<16xf32>
        %parallel_loop3A_707 = arith.select %parallel_loop3A_701, %parallel_loop3A_704, %parallel_loop3A_706 : vector<16xi1>, vector<16xf32>
        %parallel_loop3A_708 = arith.mulf %parallel_loop3A_707, %parallel_loop3A_700 : vector<16xf32>
        %parallel_loop3A_709 = arith.constant 0 : i32
        %parallel_loop3A_710 = vector.broadcast %parallel_loop3A_709 : i32 to vector<16xi32>
        %parallel_loop3A_711 = arith.addi %parallel_loop3A_481, %parallel_loop3A_710 : vector<16xi32>
        tpu.vector_store_idx %arg7[%parallel_loop3A_104, %parallel_loop3A_711], %parallel_loop3A_708 : memref<56x384xf32, #tpu.memory_space<vmem>>[vector<16xi32>, vector<16xi32>], vector<16xf32>,
        %parallel_loop3A_712 = arith.constant 0.000000e+00 : f32
        %parallel_loop3A_713 = vector.broadcast %parallel_loop3A_712 : f32 to vector<16xf32>
        %parallel_loop3A_714 = arith.cmpf olt, %parallel_loop3A_489, %parallel_loop3A_713 : vector<16xf32>
        %parallel_loop3A_715 = arith.constant -9.842520e-04 : f32
        %parallel_loop3A_716 = arith.constant 9.842520e-04 : f32
        %parallel_loop3A_717 = vector.broadcast %parallel_loop3A_715 : f32 to vector<16xf32>
        %parallel_loop3A_718 = vector.broadcast %parallel_loop3A_716 : f32 to vector<16xf32>
        %parallel_loop3A_719 = arith.select %parallel_loop3A_714, %parallel_loop3A_717, %parallel_loop3A_718 : vector<16xi1>, vector<16xf32>
        %parallel_loop3A_720 = arith.cmpf oge, %parallel_loop3A_551, %parallel_loop3A_692 : vector<16xf32>
        %parallel_loop3A_721 = arith.constant 1.000000e+00 : f32
        %parallel_loop3A_722 = vector.broadcast %parallel_loop3A_721 : f32 to vector<16xf32>
        %parallel_loop3A_723 = arith.subf %parallel_loop3A_551, %parallel_loop3A_722 : vector<16xf32>
        %parallel_loop3A_724 = arith.constant 0.000000e+00 : f32
        %parallel_loop3A_725 = vector.broadcast %parallel_loop3A_724 : f32 to vector<16xf32>
        %parallel_loop3A_726 = arith.select %parallel_loop3A_720, %parallel_loop3A_723, %parallel_loop3A_725 : vector<16xi1>, vector<16xf32>
        %parallel_loop3A_727 = arith.mulf %parallel_loop3A_726, %parallel_loop3A_719 : vector<16xf32>
        %parallel_loop3A_728 = arith.constant 1 : i32
        %parallel_loop3A_729 = vector.broadcast %parallel_loop3A_728 : i32 to vector<16xi32>
        %parallel_loop3A_730 = arith.addi %parallel_loop3A_481, %parallel_loop3A_729 : vector<16xi32>
        tpu.vector_store_idx %arg7[%parallel_loop3A_104, %parallel_loop3A_730], %parallel_loop3A_727 : memref<56x384xf32, #tpu.memory_space<vmem>>[vector<16xi32>, vector<16xi32>], vector<16xf32>,
        %parallel_loop3A_731 = arith.constant 0.000000e+00 : f32
        %parallel_loop3A_732 = vector.broadcast %parallel_loop3A_731 : f32 to vector<16xf32>
        %parallel_loop3A_733 = arith.cmpf olt, %parallel_loop3A_493, %parallel_loop3A_732 : vector<16xf32>
        %parallel_loop3A_734 = arith.constant -9.842520e-04 : f32
        %parallel_loop3A_735 = arith.constant 9.842520e-04 : f32
        %parallel_loop3A_736 = vector.broadcast %parallel_loop3A_734 : f32 to vector<16xf32>
        %parallel_loop3A_737 = vector.broadcast %parallel_loop3A_735 : f32 to vector<16xf32>
        %parallel_loop3A_738 = arith.select %parallel_loop3A_733, %parallel_loop3A_736, %parallel_loop3A_737 : vector<16xi1>, vector<16xf32>
        %parallel_loop3A_739 = arith.cmpf oge, %parallel_loop3A_570, %parallel_loop3A_692 : vector<16xf32>
        %parallel_loop3A_740 = arith.constant 2.000000e+00 : f32
        %parallel_loop3A_741 = vector.broadcast %parallel_loop3A_740 : f32 to vector<16xf32>
        %parallel_loop3A_742 = arith.subf %parallel_loop3A_570, %parallel_loop3A_741 : vector<16xf32>
        %parallel_loop3A_743 = arith.constant 0.000000e+00 : f32
        %parallel_loop3A_744 = vector.broadcast %parallel_loop3A_743 : f32 to vector<16xf32>
        %parallel_loop3A_745 = arith.select %parallel_loop3A_739, %parallel_loop3A_742, %parallel_loop3A_744 : vector<16xi1>, vector<16xf32>
        %parallel_loop3A_746 = arith.mulf %parallel_loop3A_745, %parallel_loop3A_738 : vector<16xf32>
        %parallel_loop3A_747 = arith.constant 2 : i32
        %parallel_loop3A_748 = vector.broadcast %parallel_loop3A_747 : i32 to vector<16xi32>
        %parallel_loop3A_749 = arith.addi %parallel_loop3A_481, %parallel_loop3A_748 : vector<16xi32>
        tpu.vector_store_idx %arg7[%parallel_loop3A_104, %parallel_loop3A_749], %parallel_loop3A_746 : memref<56x384xf32, #tpu.memory_space<vmem>>[vector<16xi32>, vector<16xi32>], vector<16xf32>,
        %parallel_loop3A_750 = arith.constant 0.000000e+00 : f32
        %parallel_loop3A_751 = vector.broadcast %parallel_loop3A_750 : f32 to vector<16xf32>
        %parallel_loop3A_752 = arith.cmpf olt, %parallel_loop3A_497, %parallel_loop3A_751 : vector<16xf32>
        %parallel_loop3A_753 = arith.constant -9.842520e-04 : f32
        %parallel_loop3A_754 = arith.constant 9.842520e-04 : f32
        %parallel_loop3A_755 = vector.broadcast %parallel_loop3A_753 : f32 to vector<16xf32>
        %parallel_loop3A_756 = vector.broadcast %parallel_loop3A_754 : f32 to vector<16xf32>
        %parallel_loop3A_757 = arith.select %parallel_loop3A_752, %parallel_loop3A_755, %parallel_loop3A_756 : vector<16xi1>, vector<16xf32>
        %parallel_loop3A_758 = arith.cmpf oge, %parallel_loop3A_589, %parallel_loop3A_692 : vector<16xf32>
        %parallel_loop3A_759 = arith.constant 3.000000e+00 : f32
        %parallel_loop3A_760 = vector.broadcast %parallel_loop3A_759 : f32 to vector<16xf32>
        %parallel_loop3A_761 = arith.subf %parallel_loop3A_589, %parallel_loop3A_760 : vector<16xf32>
        %parallel_loop3A_762 = arith.constant 0.000000e+00 : f32
        %parallel_loop3A_763 = vector.broadcast %parallel_loop3A_762 : f32 to vector<16xf32>
        %parallel_loop3A_764 = arith.select %parallel_loop3A_758, %parallel_loop3A_761, %parallel_loop3A_763 : vector<16xi1>, vector<16xf32>
        %parallel_loop3A_765 = arith.mulf %parallel_loop3A_764, %parallel_loop3A_757 : vector<16xf32>
        %parallel_loop3A_766 = arith.constant 3 : i32
        %parallel_loop3A_767 = vector.broadcast %parallel_loop3A_766 : i32 to vector<16xi32>
        %parallel_loop3A_768 = arith.addi %parallel_loop3A_481, %parallel_loop3A_767 : vector<16xi32>
        tpu.vector_store_idx %arg7[%parallel_loop3A_104, %parallel_loop3A_768], %parallel_loop3A_765 : memref<56x384xf32, #tpu.memory_space<vmem>>[vector<16xi32>, vector<16xi32>], vector<16xf32>,
        %parallel_loop3A_769 = arith.constant 0.000000e+00 : f32
        %parallel_loop3A_770 = vector.broadcast %parallel_loop3A_769 : f32 to vector<16xf32>
        %parallel_loop3A_771 = arith.cmpf olt, %parallel_loop3A_501, %parallel_loop3A_770 : vector<16xf32>
        %parallel_loop3A_772 = arith.constant -9.842520e-04 : f32
        %parallel_loop3A_773 = arith.constant 9.842520e-04 : f32
        %parallel_loop3A_774 = vector.broadcast %parallel_loop3A_772 : f32 to vector<16xf32>
        %parallel_loop3A_775 = vector.broadcast %parallel_loop3A_773 : f32 to vector<16xf32>
        %parallel_loop3A_776 = arith.select %parallel_loop3A_771, %parallel_loop3A_774, %parallel_loop3A_775 : vector<16xi1>, vector<16xf32>
        %parallel_loop3A_777 = arith.cmpf oge, %parallel_loop3A_608, %parallel_loop3A_692 : vector<16xf32>
        %parallel_loop3A_778 = arith.constant 4.000000e+00 : f32
        %parallel_loop3A_779 = vector.broadcast %parallel_loop3A_778 : f32 to vector<16xf32>
        %parallel_loop3A_780 = arith.subf %parallel_loop3A_608, %parallel_loop3A_779 : vector<16xf32>
        %parallel_loop3A_781 = arith.constant 0.000000e+00 : f32
        %parallel_loop3A_782 = vector.broadcast %parallel_loop3A_781 : f32 to vector<16xf32>
        %parallel_loop3A_783 = arith.select %parallel_loop3A_777, %parallel_loop3A_780, %parallel_loop3A_782 : vector<16xi1>, vector<16xf32>
        %parallel_loop3A_784 = arith.mulf %parallel_loop3A_783, %parallel_loop3A_776 : vector<16xf32>
        %parallel_loop3A_785 = arith.constant 4 : i32
        %parallel_loop3A_786 = vector.broadcast %parallel_loop3A_785 : i32 to vector<16xi32>
        %parallel_loop3A_787 = arith.addi %parallel_loop3A_481, %parallel_loop3A_786 : vector<16xi32>
        tpu.vector_store_idx %arg7[%parallel_loop3A_104, %parallel_loop3A_787], %parallel_loop3A_784 : memref<56x384xf32, #tpu.memory_space<vmem>>[vector<16xi32>, vector<16xi32>], vector<16xf32>,
        %parallel_loop3A_788 = arith.constant 0.000000e+00 : f32
        %parallel_loop3A_789 = vector.broadcast %parallel_loop3A_788 : f32 to vector<16xf32>
        %parallel_loop3A_790 = arith.cmpf olt, %parallel_loop3A_505, %parallel_loop3A_789 : vector<16xf32>
        %parallel_loop3A_791 = arith.constant -9.842520e-04 : f32
        %parallel_loop3A_792 = arith.constant 9.842520e-04 : f32
        %parallel_loop3A_793 = vector.broadcast %parallel_loop3A_791 : f32 to vector<16xf32>
        %parallel_loop3A_794 = vector.broadcast %parallel_loop3A_792 : f32 to vector<16xf32>
        %parallel_loop3A_795 = arith.select %parallel_loop3A_790, %parallel_loop3A_793, %parallel_loop3A_794 : vector<16xi1>, vector<16xf32>
        %parallel_loop3A_796 = arith.cmpf oge, %parallel_loop3A_627, %parallel_loop3A_692 : vector<16xf32>
        %parallel_loop3A_797 = arith.constant 5.000000e+00 : f32
        %parallel_loop3A_798 = vector.broadcast %parallel_loop3A_797 : f32 to vector<16xf32>
        %parallel_loop3A_799 = arith.subf %parallel_loop3A_627, %parallel_loop3A_798 : vector<16xf32>
        %parallel_loop3A_800 = arith.constant 0.000000e+00 : f32
        %parallel_loop3A_801 = vector.broadcast %parallel_loop3A_800 : f32 to vector<16xf32>
        %parallel_loop3A_802 = arith.select %parallel_loop3A_796, %parallel_loop3A_799, %parallel_loop3A_801 : vector<16xi1>, vector<16xf32>
        %parallel_loop3A_803 = arith.mulf %parallel_loop3A_802, %parallel_loop3A_795 : vector<16xf32>
        %parallel_loop3A_804 = arith.constant 5 : i32
        %parallel_loop3A_805 = vector.broadcast %parallel_loop3A_804 : i32 to vector<16xi32>
        %parallel_loop3A_806 = arith.addi %parallel_loop3A_481, %parallel_loop3A_805 : vector<16xi32>
        tpu.vector_store_idx %arg7[%parallel_loop3A_104, %parallel_loop3A_806], %parallel_loop3A_803 : memref<56x384xf32, #tpu.memory_space<vmem>>[vector<16xi32>, vector<16xi32>], vector<16xf32>,
        %parallel_loop3A_807 = arith.constant 0.000000e+00 : f32
        %parallel_loop3A_808 = vector.broadcast %parallel_loop3A_807 : f32 to vector<16xf32>
        %parallel_loop3A_809 = arith.cmpf olt, %parallel_loop3A_509, %parallel_loop3A_808 : vector<16xf32>
        %parallel_loop3A_810 = arith.constant -9.842520e-04 : f32
        %parallel_loop3A_811 = arith.constant 9.842520e-04 : f32
        %parallel_loop3A_812 = vector.broadcast %parallel_loop3A_810 : f32 to vector<16xf32>
        %parallel_loop3A_813 = vector.broadcast %parallel_loop3A_811 : f32 to vector<16xf32>
        %parallel_loop3A_814 = arith.select %parallel_loop3A_809, %parallel_loop3A_812, %parallel_loop3A_813 : vector<16xi1>, vector<16xf32>
        %parallel_loop3A_815 = arith.cmpf oge, %parallel_loop3A_646, %parallel_loop3A_692 : vector<16xf32>
        %parallel_loop3A_816 = arith.constant 6.000000e+00 : f32
        %parallel_loop3A_817 = vector.broadcast %parallel_loop3A_816 : f32 to vector<16xf32>
        %parallel_loop3A_818 = arith.subf %parallel_loop3A_646, %parallel_loop3A_817 : vector<16xf32>
        %parallel_loop3A_819 = arith.constant 0.000000e+00 : f32
        %parallel_loop3A_820 = vector.broadcast %parallel_loop3A_819 : f32 to vector<16xf32>
        %parallel_loop3A_821 = arith.select %parallel_loop3A_815, %parallel_loop3A_818, %parallel_loop3A_820 : vector<16xi1>, vector<16xf32>
        %parallel_loop3A_822 = arith.mulf %parallel_loop3A_821, %parallel_loop3A_814 : vector<16xf32>
        %parallel_loop3A_823 = arith.constant 6 : i32
        %parallel_loop3A_824 = vector.broadcast %parallel_loop3A_823 : i32 to vector<16xi32>
        %parallel_loop3A_825 = arith.addi %parallel_loop3A_481, %parallel_loop3A_824 : vector<16xi32>
        tpu.vector_store_idx %arg7[%parallel_loop3A_104, %parallel_loop3A_825], %parallel_loop3A_822 : memref<56x384xf32, #tpu.memory_space<vmem>>[vector<16xi32>, vector<16xi32>], vector<16xf32>,
        %parallel_loop3A_826 = arith.constant 0.000000e+00 : f32
        %parallel_loop3A_827 = vector.broadcast %parallel_loop3A_826 : f32 to vector<16xf32>
        %parallel_loop3A_828 = arith.cmpf olt, %parallel_loop3A_513, %parallel_loop3A_827 : vector<16xf32>
        %parallel_loop3A_829 = arith.constant -9.842520e-04 : f32
        %parallel_loop3A_830 = arith.constant 9.842520e-04 : f32
        %parallel_loop3A_831 = vector.broadcast %parallel_loop3A_829 : f32 to vector<16xf32>
        %parallel_loop3A_832 = vector.broadcast %parallel_loop3A_830 : f32 to vector<16xf32>
        %parallel_loop3A_833 = arith.select %parallel_loop3A_828, %parallel_loop3A_831, %parallel_loop3A_832 : vector<16xi1>, vector<16xf32>
        %parallel_loop3A_834 = arith.cmpf oge, %parallel_loop3A_665, %parallel_loop3A_692 : vector<16xf32>
        %parallel_loop3A_835 = arith.constant 7.000000e+00 : f32
        %parallel_loop3A_836 = vector.broadcast %parallel_loop3A_835 : f32 to vector<16xf32>
        %parallel_loop3A_837 = arith.subf %parallel_loop3A_665, %parallel_loop3A_836 : vector<16xf32>
        %parallel_loop3A_838 = arith.constant 0.000000e+00 : f32
        %parallel_loop3A_839 = vector.broadcast %parallel_loop3A_838 : f32 to vector<16xf32>
        %parallel_loop3A_840 = arith.select %parallel_loop3A_834, %parallel_loop3A_837, %parallel_loop3A_839 : vector<16xi1>, vector<16xf32>
        %parallel_loop3A_841 = arith.mulf %parallel_loop3A_840, %parallel_loop3A_833 : vector<16xf32>
        %parallel_loop3A_842 = arith.constant 7 : i32
        %parallel_loop3A_843 = vector.broadcast %parallel_loop3A_842 : i32 to vector<16xi32>
        %parallel_loop3A_844 = arith.addi %parallel_loop3A_481, %parallel_loop3A_843 : vector<16xi32>
        tpu.vector_store_idx %arg7[%parallel_loop3A_104, %parallel_loop3A_844], %parallel_loop3A_841 : memref<56x384xf32, #tpu.memory_space<vmem>>[vector<16xi32>, vector<16xi32>], vector<16xf32>,
        %parallel_loop3A_845 = tpu.iota {dimensions = array<i32: 0>} : vector<16xi32>
        %parallel_loop3A_846 = arith.constant 8 : i32
        %parallel_loop3A_847 = vector.broadcast %parallel_loop3A_846 : i32 to vector<16xi32>
        %parallel_loop3A_848 = arith.muli %parallel_loop3A_845, %parallel_loop3A_847 : vector<16xi32>
        %parallel_loop3A_849 = arith.constant 256 : i32
        %parallel_loop3A_850 = vector.broadcast %parallel_loop3A_849 : i32 to vector<16xi32>
        %parallel_loop3A_851 = arith.addi %parallel_loop3A_848, %parallel_loop3A_850 : vector<16xi32>
        %parallel_loop3A_852 = arith.constant 0 : i32
        %parallel_loop3A_853 = vector.broadcast %parallel_loop3A_852 : i32 to vector<16xi32>
        %parallel_loop3A_854 = arith.addi %parallel_loop3A_851, %parallel_loop3A_853 : vector<16xi32>
        %parallel_loop3A_855 = tpu.vector_load_idx %arg5[%parallel_loop3A_104, %parallel_loop3A_854] : memref<56x384xf32, #tpu.memory_space<vmem>>[vector<16xi32>, vector<16xi32>], vector<16xf32>,
        %parallel_loop3A_856 = arith.constant 1 : i32
        %parallel_loop3A_857 = vector.broadcast %parallel_loop3A_856 : i32 to vector<16xi32>
        %parallel_loop3A_858 = arith.addi %parallel_loop3A_851, %parallel_loop3A_857 : vector<16xi32>
        %parallel_loop3A_859 = tpu.vector_load_idx %arg5[%parallel_loop3A_104, %parallel_loop3A_858] : memref<56x384xf32, #tpu.memory_space<vmem>>[vector<16xi32>, vector<16xi32>], vector<16xf32>,
        %parallel_loop3A_860 = arith.constant 2 : i32
        %parallel_loop3A_861 = vector.broadcast %parallel_loop3A_860 : i32 to vector<16xi32>
        %parallel_loop3A_862 = arith.addi %parallel_loop3A_851, %parallel_loop3A_861 : vector<16xi32>
        %parallel_loop3A_863 = tpu.vector_load_idx %arg5[%parallel_loop3A_104, %parallel_loop3A_862] : memref<56x384xf32, #tpu.memory_space<vmem>>[vector<16xi32>, vector<16xi32>], vector<16xf32>,
        %parallel_loop3A_864 = arith.constant 3 : i32
        %parallel_loop3A_865 = vector.broadcast %parallel_loop3A_864 : i32 to vector<16xi32>
        %parallel_loop3A_866 = arith.addi %parallel_loop3A_851, %parallel_loop3A_865 : vector<16xi32>
        %parallel_loop3A_867 = tpu.vector_load_idx %arg5[%parallel_loop3A_104, %parallel_loop3A_866] : memref<56x384xf32, #tpu.memory_space<vmem>>[vector<16xi32>, vector<16xi32>], vector<16xf32>,
        %parallel_loop3A_868 = arith.constant 4 : i32
        %parallel_loop3A_869 = vector.broadcast %parallel_loop3A_868 : i32 to vector<16xi32>
        %parallel_loop3A_870 = arith.addi %parallel_loop3A_851, %parallel_loop3A_869 : vector<16xi32>
        %parallel_loop3A_871 = tpu.vector_load_idx %arg5[%parallel_loop3A_104, %parallel_loop3A_870] : memref<56x384xf32, #tpu.memory_space<vmem>>[vector<16xi32>, vector<16xi32>], vector<16xf32>,
        %parallel_loop3A_872 = arith.constant 5 : i32
        %parallel_loop3A_873 = vector.broadcast %parallel_loop3A_872 : i32 to vector<16xi32>
        %parallel_loop3A_874 = arith.addi %parallel_loop3A_851, %parallel_loop3A_873 : vector<16xi32>
        %parallel_loop3A_875 = tpu.vector_load_idx %arg5[%parallel_loop3A_104, %parallel_loop3A_874] : memref<56x384xf32, #tpu.memory_space<vmem>>[vector<16xi32>, vector<16xi32>], vector<16xf32>,
        %parallel_loop3A_876 = arith.constant 6 : i32
        %parallel_loop3A_877 = vector.broadcast %parallel_loop3A_876 : i32 to vector<16xi32>
        %parallel_loop3A_878 = arith.addi %parallel_loop3A_851, %parallel_loop3A_877 : vector<16xi32>
        %parallel_loop3A_879 = tpu.vector_load_idx %arg5[%parallel_loop3A_104, %parallel_loop3A_878] : memref<56x384xf32, #tpu.memory_space<vmem>>[vector<16xi32>, vector<16xi32>], vector<16xf32>,
        %parallel_loop3A_880 = arith.constant 7 : i32
        %parallel_loop3A_881 = vector.broadcast %parallel_loop3A_880 : i32 to vector<16xi32>
        %parallel_loop3A_882 = arith.addi %parallel_loop3A_851, %parallel_loop3A_881 : vector<16xi32>
        %parallel_loop3A_883 = tpu.vector_load_idx %arg5[%parallel_loop3A_104, %parallel_loop3A_882] : memref<56x384xf32, #tpu.memory_space<vmem>>[vector<16xi32>, vector<16xi32>], vector<16xf32>,
        %parallel_loop3A_884 = math.absf %parallel_loop3A_855 : vector<16xf32>
        %parallel_loop3A_885 = arith.constant -2.000000e+00 : f32
        %parallel_loop3A_886 = vector.broadcast %parallel_loop3A_885 : f32 to vector<16xf32>
        %parallel_loop3A_887 = arith.mulf %parallel_loop3A_884, %parallel_loop3A_886 : vector<16xf32>
        %parallel_loop3A_888 = math.exp %parallel_loop3A_887 : vector<16xf32>
        %parallel_loop3A_889 = arith.constant 1.000000e+00 : f32
        %parallel_loop3A_890 = vector.broadcast %parallel_loop3A_889 : f32 to vector<16xf32>
        %parallel_loop3A_891 = arith.addf %parallel_loop3A_890, %parallel_loop3A_888 : vector<16xf32>
        %parallel_loop3A_892 = arith.divf %add3A_2, %parallel_loop3A_891 : vector<16xf32>
        %parallel_loop3A_893 = arith.subf %parallel_loop3A_892, %get3A_1 : vector<16xf32>
        %parallel_loop3A_894 = arith.constant 0x4CC00000 : f32
        %parallel_loop3A_895 = vector.broadcast %parallel_loop3A_894 : f32 to vector<16xf32>
        %parallel_loop3A_896 = arith.addf %parallel_loop3A_893, %parallel_loop3A_895 : vector<16xf32>
        %parallel_loop3A_897 = arith.constant 0x4CC00000 : f32
        %parallel_loop3A_898 = vector.broadcast %parallel_loop3A_897 : f32 to vector<16xf32>
        %parallel_loop3A_899 = arith.subf %parallel_loop3A_896, %parallel_loop3A_898 : vector<16xf32>
        %parallel_loop3A_900 = arith.constant 0.000000e+00 : f32
        %parallel_loop3A_901 = vector.broadcast %parallel_loop3A_900 : f32 to vector<16xf32>
        %parallel_loop3A_902 = arith.addf %parallel_loop3A_899, %parallel_loop3A_901 : vector<16xf32>
        %parallel_loop3A_903 = math.absf %parallel_loop3A_859 : vector<16xf32>
        %parallel_loop3A_904 = arith.constant -2.000000e+00 : f32
        %parallel_loop3A_905 = vector.broadcast %parallel_loop3A_904 : f32 to vector<16xf32>
        %parallel_loop3A_906 = arith.mulf %parallel_loop3A_903, %parallel_loop3A_905 : vector<16xf32>
        %parallel_loop3A_907 = math.exp %parallel_loop3A_906 : vector<16xf32>
        %parallel_loop3A_908 = arith.constant 1.000000e+00 : f32
        %parallel_loop3A_909 = vector.broadcast %parallel_loop3A_908 : f32 to vector<16xf32>
        %parallel_loop3A_910 = arith.addf %parallel_loop3A_909, %parallel_loop3A_907 : vector<16xf32>
        %parallel_loop3A_911 = arith.divf %add3A_2, %parallel_loop3A_910 : vector<16xf32>
        %parallel_loop3A_912 = arith.subf %parallel_loop3A_911, %get3A_1 : vector<16xf32>
        %parallel_loop3A_913 = arith.constant 0x4CC00000 : f32
        %parallel_loop3A_914 = vector.broadcast %parallel_loop3A_913 : f32 to vector<16xf32>
        %parallel_loop3A_915 = arith.addf %parallel_loop3A_912, %parallel_loop3A_914 : vector<16xf32>
        %parallel_loop3A_916 = arith.constant 0x4CC00000 : f32
        %parallel_loop3A_917 = vector.broadcast %parallel_loop3A_916 : f32 to vector<16xf32>
        %parallel_loop3A_918 = arith.subf %parallel_loop3A_915, %parallel_loop3A_917 : vector<16xf32>
        %parallel_loop3A_919 = arith.constant 1.000000e+00 : f32
        %parallel_loop3A_920 = vector.broadcast %parallel_loop3A_919 : f32 to vector<16xf32>
        %parallel_loop3A_921 = arith.addf %parallel_loop3A_918, %parallel_loop3A_920 : vector<16xf32>
        %parallel_loop3A_922 = math.absf %parallel_loop3A_863 : vector<16xf32>
        %parallel_loop3A_923 = arith.constant -2.000000e+00 : f32
        %parallel_loop3A_924 = vector.broadcast %parallel_loop3A_923 : f32 to vector<16xf32>
        %parallel_loop3A_925 = arith.mulf %parallel_loop3A_922, %parallel_loop3A_924 : vector<16xf32>
        %parallel_loop3A_926 = math.exp %parallel_loop3A_925 : vector<16xf32>
        %parallel_loop3A_927 = arith.constant 1.000000e+00 : f32
        %parallel_loop3A_928 = vector.broadcast %parallel_loop3A_927 : f32 to vector<16xf32>
        %parallel_loop3A_929 = arith.addf %parallel_loop3A_928, %parallel_loop3A_926 : vector<16xf32>
        %parallel_loop3A_930 = arith.divf %add3A_2, %parallel_loop3A_929 : vector<16xf32>
        %parallel_loop3A_931 = arith.subf %parallel_loop3A_930, %get3A_1 : vector<16xf32>
        %parallel_loop3A_932 = arith.constant 0x4CC00000 : f32
        %parallel_loop3A_933 = vector.broadcast %parallel_loop3A_932 : f32 to vector<16xf32>
        %parallel_loop3A_934 = arith.addf %parallel_loop3A_931, %parallel_loop3A_933 : vector<16xf32>
        %parallel_loop3A_935 = arith.constant 0x4CC00000 : f32
        %parallel_loop3A_936 = vector.broadcast %parallel_loop3A_935 : f32 to vector<16xf32>
        %parallel_loop3A_937 = arith.subf %parallel_loop3A_934, %parallel_loop3A_936 : vector<16xf32>
        %parallel_loop3A_938 = arith.constant 2.000000e+00 : f32
        %parallel_loop3A_939 = vector.broadcast %parallel_loop3A_938 : f32 to vector<16xf32>
        %parallel_loop3A_940 = arith.addf %parallel_loop3A_937, %parallel_loop3A_939 : vector<16xf32>
        %parallel_loop3A_941 = math.absf %parallel_loop3A_867 : vector<16xf32>
        %parallel_loop3A_942 = arith.constant -2.000000e+00 : f32
        %parallel_loop3A_943 = vector.broadcast %parallel_loop3A_942 : f32 to vector<16xf32>
        %parallel_loop3A_944 = arith.mulf %parallel_loop3A_941, %parallel_loop3A_943 : vector<16xf32>
        %parallel_loop3A_945 = math.exp %parallel_loop3A_944 : vector<16xf32>
        %parallel_loop3A_946 = arith.constant 1.000000e+00 : f32
        %parallel_loop3A_947 = vector.broadcast %parallel_loop3A_946 : f32 to vector<16xf32>
        %parallel_loop3A_948 = arith.addf %parallel_loop3A_947, %parallel_loop3A_945 : vector<16xf32>
        %parallel_loop3A_949 = arith.divf %add3A_2, %parallel_loop3A_948 : vector<16xf32>
        %parallel_loop3A_950 = arith.subf %parallel_loop3A_949, %get3A_1 : vector<16xf32>
        %parallel_loop3A_951 = arith.constant 0x4CC00000 : f32
        %parallel_loop3A_952 = vector.broadcast %parallel_loop3A_951 : f32 to vector<16xf32>
        %parallel_loop3A_953 = arith.addf %parallel_loop3A_950, %parallel_loop3A_952 : vector<16xf32>
        %parallel_loop3A_954 = arith.constant 0x4CC00000 : f32
        %parallel_loop3A_955 = vector.broadcast %parallel_loop3A_954 : f32 to vector<16xf32>
        %parallel_loop3A_956 = arith.subf %parallel_loop3A_953, %parallel_loop3A_955 : vector<16xf32>
        %parallel_loop3A_957 = arith.constant 3.000000e+00 : f32
        %parallel_loop3A_958 = vector.broadcast %parallel_loop3A_957 : f32 to vector<16xf32>
        %parallel_loop3A_959 = arith.addf %parallel_loop3A_956, %parallel_loop3A_958 : vector<16xf32>
        %parallel_loop3A_960 = math.absf %parallel_loop3A_871 : vector<16xf32>
        %parallel_loop3A_961 = arith.constant -2.000000e+00 : f32
        %parallel_loop3A_962 = vector.broadcast %parallel_loop3A_961 : f32 to vector<16xf32>
        %parallel_loop3A_963 = arith.mulf %parallel_loop3A_960, %parallel_loop3A_962 : vector<16xf32>
        %parallel_loop3A_964 = math.exp %parallel_loop3A_963 : vector<16xf32>
        %parallel_loop3A_965 = arith.constant 1.000000e+00 : f32
        %parallel_loop3A_966 = vector.broadcast %parallel_loop3A_965 : f32 to vector<16xf32>
        %parallel_loop3A_967 = arith.addf %parallel_loop3A_966, %parallel_loop3A_964 : vector<16xf32>
        %parallel_loop3A_968 = arith.divf %add3A_2, %parallel_loop3A_967 : vector<16xf32>
        %parallel_loop3A_969 = arith.subf %parallel_loop3A_968, %get3A_1 : vector<16xf32>
        %parallel_loop3A_970 = arith.constant 0x4CC00000 : f32
        %parallel_loop3A_971 = vector.broadcast %parallel_loop3A_970 : f32 to vector<16xf32>
        %parallel_loop3A_972 = arith.addf %parallel_loop3A_969, %parallel_loop3A_971 : vector<16xf32>
        %parallel_loop3A_973 = arith.constant 0x4CC00000 : f32
        %parallel_loop3A_974 = vector.broadcast %parallel_loop3A_973 : f32 to vector<16xf32>
        %parallel_loop3A_975 = arith.subf %parallel_loop3A_972, %parallel_loop3A_974 : vector<16xf32>
        %parallel_loop3A_976 = arith.constant 4.000000e+00 : f32
        %parallel_loop3A_977 = vector.broadcast %parallel_loop3A_976 : f32 to vector<16xf32>
        %parallel_loop3A_978 = arith.addf %parallel_loop3A_975, %parallel_loop3A_977 : vector<16xf32>
        %parallel_loop3A_979 = math.absf %parallel_loop3A_875 : vector<16xf32>
        %parallel_loop3A_980 = arith.constant -2.000000e+00 : f32
        %parallel_loop3A_981 = vector.broadcast %parallel_loop3A_980 : f32 to vector<16xf32>
        %parallel_loop3A_982 = arith.mulf %parallel_loop3A_979, %parallel_loop3A_981 : vector<16xf32>
        %parallel_loop3A_983 = math.exp %parallel_loop3A_982 : vector<16xf32>
        %parallel_loop3A_984 = arith.constant 1.000000e+00 : f32
        %parallel_loop3A_985 = vector.broadcast %parallel_loop3A_984 : f32 to vector<16xf32>
        %parallel_loop3A_986 = arith.addf %parallel_loop3A_985, %parallel_loop3A_983 : vector<16xf32>
        %parallel_loop3A_987 = arith.divf %add3A_2, %parallel_loop3A_986 : vector<16xf32>
        %parallel_loop3A_988 = arith.subf %parallel_loop3A_987, %get3A_1 : vector<16xf32>
        %parallel_loop3A_989 = arith.constant 0x4CC00000 : f32
        %parallel_loop3A_990 = vector.broadcast %parallel_loop3A_989 : f32 to vector<16xf32>
        %parallel_loop3A_991 = arith.addf %parallel_loop3A_988, %parallel_loop3A_990 : vector<16xf32>
        %parallel_loop3A_992 = arith.constant 0x4CC00000 : f32
        %parallel_loop3A_993 = vector.broadcast %parallel_loop3A_992 : f32 to vector<16xf32>
        %parallel_loop3A_994 = arith.subf %parallel_loop3A_991, %parallel_loop3A_993 : vector<16xf32>
        %parallel_loop3A_995 = arith.constant 5.000000e+00 : f32
        %parallel_loop3A_996 = vector.broadcast %parallel_loop3A_995 : f32 to vector<16xf32>
        %parallel_loop3A_997 = arith.addf %parallel_loop3A_994, %parallel_loop3A_996 : vector<16xf32>
        %parallel_loop3A_998 = math.absf %parallel_loop3A_879 : vector<16xf32>
        %parallel_loop3A_999 = arith.constant -2.000000e+00 : f32
        %parallel_loop3A_1000 = vector.broadcast %parallel_loop3A_999 : f32 to vector<16xf32>
        %parallel_loop3A_1001 = arith.mulf %parallel_loop3A_998, %parallel_loop3A_1000 : vector<16xf32>
        %parallel_loop3A_1002 = math.exp %parallel_loop3A_1001 : vector<16xf32>
        %parallel_loop3A_1003 = arith.constant 1.000000e+00 : f32
        %parallel_loop3A_1004 = vector.broadcast %parallel_loop3A_1003 : f32 to vector<16xf32>
        %parallel_loop3A_1005 = arith.addf %parallel_loop3A_1004, %parallel_loop3A_1002 : vector<16xf32>
        %parallel_loop3A_1006 = arith.divf %add3A_2, %parallel_loop3A_1005 : vector<16xf32>
        %parallel_loop3A_1007 = arith.subf %parallel_loop3A_1006, %get3A_1 : vector<16xf32>
        %parallel_loop3A_1008 = arith.constant 0x4CC00000 : f32
        %parallel_loop3A_1009 = vector.broadcast %parallel_loop3A_1008 : f32 to vector<16xf32>
        %parallel_loop3A_1010 = arith.addf %parallel_loop3A_1007, %parallel_loop3A_1009 : vector<16xf32>
        %parallel_loop3A_1011 = arith.constant 0x4CC00000 : f32
        %parallel_loop3A_1012 = vector.broadcast %parallel_loop3A_1011 : f32 to vector<16xf32>
        %parallel_loop3A_1013 = arith.subf %parallel_loop3A_1010, %parallel_loop3A_1012 : vector<16xf32>
        %parallel_loop3A_1014 = arith.constant 6.000000e+00 : f32
        %parallel_loop3A_1015 = vector.broadcast %parallel_loop3A_1014 : f32 to vector<16xf32>
        %parallel_loop3A_1016 = arith.addf %parallel_loop3A_1013, %parallel_loop3A_1015 : vector<16xf32>
        %parallel_loop3A_1017 = math.absf %parallel_loop3A_883 : vector<16xf32>
        %parallel_loop3A_1018 = arith.constant -2.000000e+00 : f32
        %parallel_loop3A_1019 = vector.broadcast %parallel_loop3A_1018 : f32 to vector<16xf32>
        %parallel_loop3A_1020 = arith.mulf %parallel_loop3A_1017, %parallel_loop3A_1019 : vector<16xf32>
        %parallel_loop3A_1021 = math.exp %parallel_loop3A_1020 : vector<16xf32>
        %parallel_loop3A_1022 = arith.constant 1.000000e+00 : f32
        %parallel_loop3A_1023 = vector.broadcast %parallel_loop3A_1022 : f32 to vector<16xf32>
        %parallel_loop3A_1024 = arith.addf %parallel_loop3A_1023, %parallel_loop3A_1021 : vector<16xf32>
        %parallel_loop3A_1025 = arith.divf %add3A_2, %parallel_loop3A_1024 : vector<16xf32>
        %parallel_loop3A_1026 = arith.subf %parallel_loop3A_1025, %get3A_1 : vector<16xf32>
        %parallel_loop3A_1027 = arith.constant 0x4CC00000 : f32
        %parallel_loop3A_1028 = vector.broadcast %parallel_loop3A_1027 : f32 to vector<16xf32>
        %parallel_loop3A_1029 = arith.addf %parallel_loop3A_1026, %parallel_loop3A_1028 : vector<16xf32>
        %parallel_loop3A_1030 = arith.constant 0x4CC00000 : f32
        %parallel_loop3A_1031 = vector.broadcast %parallel_loop3A_1030 : f32 to vector<16xf32>
        %parallel_loop3A_1032 = arith.subf %parallel_loop3A_1029, %parallel_loop3A_1031 : vector<16xf32>
        %parallel_loop3A_1033 = arith.constant 7.000000e+00 : f32
        %parallel_loop3A_1034 = vector.broadcast %parallel_loop3A_1033 : f32 to vector<16xf32>
        %parallel_loop3A_1035 = arith.addf %parallel_loop3A_1032, %parallel_loop3A_1034 : vector<16xf32>
        %parallel_loop3A_1036 = arith.minimumf %parallel_loop3A_902, %parallel_loop3A_921 : vector<16xf32>
        %parallel_loop3A_1037 = arith.maximumf %parallel_loop3A_902, %parallel_loop3A_921 : vector<16xf32>
        %parallel_loop3A_1038 = arith.minimumf %parallel_loop3A_940, %parallel_loop3A_959 : vector<16xf32>
        %parallel_loop3A_1039 = arith.maximumf %parallel_loop3A_940, %parallel_loop3A_959 : vector<16xf32>
        %parallel_loop3A_1040 = arith.minimumf %parallel_loop3A_1036, %parallel_loop3A_1038 : vector<16xf32>
        %parallel_loop3A_1041 = arith.maximumf %parallel_loop3A_1036, %parallel_loop3A_1038 : vector<16xf32>
        %parallel_loop3A_1042 = arith.minimumf %parallel_loop3A_1037, %parallel_loop3A_1039 : vector<16xf32>
        %parallel_loop3A_1043 = arith.maximumf %parallel_loop3A_1037, %parallel_loop3A_1039 : vector<16xf32>
        %parallel_loop3A_1044 = arith.minimumf %parallel_loop3A_1042, %parallel_loop3A_1041 : vector<16xf32>
        %parallel_loop3A_1045 = arith.maximumf %parallel_loop3A_1042, %parallel_loop3A_1041 : vector<16xf32>
        %parallel_loop3A_1046 = arith.minimumf %parallel_loop3A_978, %parallel_loop3A_997 : vector<16xf32>
        %parallel_loop3A_1047 = arith.maximumf %parallel_loop3A_978, %parallel_loop3A_997 : vector<16xf32>
        %parallel_loop3A_1048 = arith.minimumf %parallel_loop3A_1016, %parallel_loop3A_1035 : vector<16xf32>
        %parallel_loop3A_1049 = arith.maximumf %parallel_loop3A_1016, %parallel_loop3A_1035 : vector<16xf32>
        %parallel_loop3A_1050 = arith.minimumf %parallel_loop3A_1046, %parallel_loop3A_1048 : vector<16xf32>
        %parallel_loop3A_1051 = arith.maximumf %parallel_loop3A_1046, %parallel_loop3A_1048 : vector<16xf32>
        %parallel_loop3A_1052 = arith.minimumf %parallel_loop3A_1047, %parallel_loop3A_1049 : vector<16xf32>
        %parallel_loop3A_1053 = arith.maximumf %parallel_loop3A_1047, %parallel_loop3A_1049 : vector<16xf32>
        %parallel_loop3A_1054 = arith.minimumf %parallel_loop3A_1052, %parallel_loop3A_1051 : vector<16xf32>
        %parallel_loop3A_1055 = arith.maximumf %parallel_loop3A_1052, %parallel_loop3A_1051 : vector<16xf32>
        %parallel_loop3A_1056 = arith.maximumf %parallel_loop3A_1040, %parallel_loop3A_1053 : vector<16xf32>
        %parallel_loop3A_1057 = arith.maximumf %parallel_loop3A_1044, %parallel_loop3A_1055 : vector<16xf32>
        %parallel_loop3A_1058 = arith.minimumf %parallel_loop3A_1056, %parallel_loop3A_1057 : vector<16xf32>
        %parallel_loop3A_1059 = arith.maximumf %parallel_loop3A_1045, %parallel_loop3A_1054 : vector<16xf32>
        %parallel_loop3A_1060 = arith.maximumf %parallel_loop3A_1043, %parallel_loop3A_1050 : vector<16xf32>
        %parallel_loop3A_1061 = arith.minimumf %parallel_loop3A_1059, %parallel_loop3A_1060 : vector<16xf32>
        %parallel_loop3A_1062 = arith.minimumf %parallel_loop3A_1058, %parallel_loop3A_1061 : vector<16xf32>
        %parallel_loop3A_1063 = arith.constant 0.000000e+00 : f32
        %parallel_loop3A_1064 = vector.broadcast %parallel_loop3A_1063 : f32 to vector<16xf32>
        %parallel_loop3A_1065 = arith.cmpf olt, %parallel_loop3A_855, %parallel_loop3A_1064 : vector<16xf32>
        %parallel_loop3A_1066 = arith.constant -9.842520e-04 : f32
        %parallel_loop3A_1067 = arith.constant 9.842520e-04 : f32
        %parallel_loop3A_1068 = vector.broadcast %parallel_loop3A_1066 : f32 to vector<16xf32>
        %parallel_loop3A_1069 = vector.broadcast %parallel_loop3A_1067 : f32 to vector<16xf32>
        %parallel_loop3A_1070 = arith.select %parallel_loop3A_1065, %parallel_loop3A_1068, %parallel_loop3A_1069 : vector<16xi1>, vector<16xf32>
        %parallel_loop3A_1071 = arith.cmpf oge, %parallel_loop3A_902, %parallel_loop3A_1062 : vector<16xf32>
        %parallel_loop3A_1072 = arith.constant 0.000000e+00 : f32
        %parallel_loop3A_1073 = vector.broadcast %parallel_loop3A_1072 : f32 to vector<16xf32>
        %parallel_loop3A_1074 = arith.subf %parallel_loop3A_902, %parallel_loop3A_1073 : vector<16xf32>
        %parallel_loop3A_1075 = arith.constant 0.000000e+00 : f32
        %parallel_loop3A_1076 = vector.broadcast %parallel_loop3A_1075 : f32 to vector<16xf32>
        %parallel_loop3A_1077 = arith.select %parallel_loop3A_1071, %parallel_loop3A_1074, %parallel_loop3A_1076 : vector<16xi1>, vector<16xf32>
        %parallel_loop3A_1078 = arith.mulf %parallel_loop3A_1077, %parallel_loop3A_1070 : vector<16xf32>
        %parallel_loop3A_1079 = arith.constant 0 : i32
        %parallel_loop3A_1080 = vector.broadcast %parallel_loop3A_1079 : i32 to vector<16xi32>
        %parallel_loop3A_1081 = arith.addi %parallel_loop3A_851, %parallel_loop3A_1080 : vector<16xi32>
        tpu.vector_store_idx %arg7[%parallel_loop3A_104, %parallel_loop3A_1081], %parallel_loop3A_1078 : memref<56x384xf32, #tpu.memory_space<vmem>>[vector<16xi32>, vector<16xi32>], vector<16xf32>,
        %parallel_loop3A_1082 = arith.constant 0.000000e+00 : f32
        %parallel_loop3A_1083 = vector.broadcast %parallel_loop3A_1082 : f32 to vector<16xf32>
        %parallel_loop3A_1084 = arith.cmpf olt, %parallel_loop3A_859, %parallel_loop3A_1083 : vector<16xf32>
        %parallel_loop3A_1085 = arith.constant -9.842520e-04 : f32
        %parallel_loop3A_1086 = arith.constant 9.842520e-04 : f32
        %parallel_loop3A_1087 = vector.broadcast %parallel_loop3A_1085 : f32 to vector<16xf32>
        %parallel_loop3A_1088 = vector.broadcast %parallel_loop3A_1086 : f32 to vector<16xf32>
        %parallel_loop3A_1089 = arith.select %parallel_loop3A_1084, %parallel_loop3A_1087, %parallel_loop3A_1088 : vector<16xi1>, vector<16xf32>
        %parallel_loop3A_1090 = arith.cmpf oge, %parallel_loop3A_921, %parallel_loop3A_1062 : vector<16xf32>
        %parallel_loop3A_1091 = arith.constant 1.000000e+00 : f32
        %parallel_loop3A_1092 = vector.broadcast %parallel_loop3A_1091 : f32 to vector<16xf32>
        %parallel_loop3A_1093 = arith.subf %parallel_loop3A_921, %parallel_loop3A_1092 : vector<16xf32>
        %parallel_loop3A_1094 = arith.constant 0.000000e+00 : f32
        %parallel_loop3A_1095 = vector.broadcast %parallel_loop3A_1094 : f32 to vector<16xf32>
        %parallel_loop3A_1096 = arith.select %parallel_loop3A_1090, %parallel_loop3A_1093, %parallel_loop3A_1095 : vector<16xi1>, vector<16xf32>
        %parallel_loop3A_1097 = arith.mulf %parallel_loop3A_1096, %parallel_loop3A_1089 : vector<16xf32>
        %parallel_loop3A_1098 = arith.constant 1 : i32
        %parallel_loop3A_1099 = vector.broadcast %parallel_loop3A_1098 : i32 to vector<16xi32>
        %parallel_loop3A_1100 = arith.addi %parallel_loop3A_851, %parallel_loop3A_1099 : vector<16xi32>
        tpu.vector_store_idx %arg7[%parallel_loop3A_104, %parallel_loop3A_1100], %parallel_loop3A_1097 : memref<56x384xf32, #tpu.memory_space<vmem>>[vector<16xi32>, vector<16xi32>], vector<16xf32>,
        %parallel_loop3A_1101 = arith.constant 0.000000e+00 : f32
        %parallel_loop3A_1102 = vector.broadcast %parallel_loop3A_1101 : f32 to vector<16xf32>
        %parallel_loop3A_1103 = arith.cmpf olt, %parallel_loop3A_863, %parallel_loop3A_1102 : vector<16xf32>
        %parallel_loop3A_1104 = arith.constant -9.842520e-04 : f32
        %parallel_loop3A_1105 = arith.constant 9.842520e-04 : f32
        %parallel_loop3A_1106 = vector.broadcast %parallel_loop3A_1104 : f32 to vector<16xf32>
        %parallel_loop3A_1107 = vector.broadcast %parallel_loop3A_1105 : f32 to vector<16xf32>
        %parallel_loop3A_1108 = arith.select %parallel_loop3A_1103, %parallel_loop3A_1106, %parallel_loop3A_1107 : vector<16xi1>, vector<16xf32>
        %parallel_loop3A_1109 = arith.cmpf oge, %parallel_loop3A_940, %parallel_loop3A_1062 : vector<16xf32>
        %parallel_loop3A_1110 = arith.constant 2.000000e+00 : f32
        %parallel_loop3A_1111 = vector.broadcast %parallel_loop3A_1110 : f32 to vector<16xf32>
        %parallel_loop3A_1112 = arith.subf %parallel_loop3A_940, %parallel_loop3A_1111 : vector<16xf32>
        %parallel_loop3A_1113 = arith.constant 0.000000e+00 : f32
        %parallel_loop3A_1114 = vector.broadcast %parallel_loop3A_1113 : f32 to vector<16xf32>
        %parallel_loop3A_1115 = arith.select %parallel_loop3A_1109, %parallel_loop3A_1112, %parallel_loop3A_1114 : vector<16xi1>, vector<16xf32>
        %parallel_loop3A_1116 = arith.mulf %parallel_loop3A_1115, %parallel_loop3A_1108 : vector<16xf32>
        %parallel_loop3A_1117 = arith.constant 2 : i32
        %parallel_loop3A_1118 = vector.broadcast %parallel_loop3A_1117 : i32 to vector<16xi32>
        %parallel_loop3A_1119 = arith.addi %parallel_loop3A_851, %parallel_loop3A_1118 : vector<16xi32>
        tpu.vector_store_idx %arg7[%parallel_loop3A_104, %parallel_loop3A_1119], %parallel_loop3A_1116 : memref<56x384xf32, #tpu.memory_space<vmem>>[vector<16xi32>, vector<16xi32>], vector<16xf32>,
        %parallel_loop3A_1120 = arith.constant 0.000000e+00 : f32
        %parallel_loop3A_1121 = vector.broadcast %parallel_loop3A_1120 : f32 to vector<16xf32>
        %parallel_loop3A_1122 = arith.cmpf olt, %parallel_loop3A_867, %parallel_loop3A_1121 : vector<16xf32>
        %parallel_loop3A_1123 = arith.constant -9.842520e-04 : f32
        %parallel_loop3A_1124 = arith.constant 9.842520e-04 : f32
        %parallel_loop3A_1125 = vector.broadcast %parallel_loop3A_1123 : f32 to vector<16xf32>
        %parallel_loop3A_1126 = vector.broadcast %parallel_loop3A_1124 : f32 to vector<16xf32>
        %parallel_loop3A_1127 = arith.select %parallel_loop3A_1122, %parallel_loop3A_1125, %parallel_loop3A_1126 : vector<16xi1>, vector<16xf32>
        %parallel_loop3A_1128 = arith.cmpf oge, %parallel_loop3A_959, %parallel_loop3A_1062 : vector<16xf32>
        %parallel_loop3A_1129 = arith.constant 3.000000e+00 : f32
        %parallel_loop3A_1130 = vector.broadcast %parallel_loop3A_1129 : f32 to vector<16xf32>
        %parallel_loop3A_1131 = arith.subf %parallel_loop3A_959, %parallel_loop3A_1130 : vector<16xf32>
        %parallel_loop3A_1132 = arith.constant 0.000000e+00 : f32
        %parallel_loop3A_1133 = vector.broadcast %parallel_loop3A_1132 : f32 to vector<16xf32>
        %parallel_loop3A_1134 = arith.select %parallel_loop3A_1128, %parallel_loop3A_1131, %parallel_loop3A_1133 : vector<16xi1>, vector<16xf32>
        %parallel_loop3A_1135 = arith.mulf %parallel_loop3A_1134, %parallel_loop3A_1127 : vector<16xf32>
        %parallel_loop3A_1136 = arith.constant 3 : i32
        %parallel_loop3A_1137 = vector.broadcast %parallel_loop3A_1136 : i32 to vector<16xi32>
        %parallel_loop3A_1138 = arith.addi %parallel_loop3A_851, %parallel_loop3A_1137 : vector<16xi32>
        tpu.vector_store_idx %arg7[%parallel_loop3A_104, %parallel_loop3A_1138], %parallel_loop3A_1135 : memref<56x384xf32, #tpu.memory_space<vmem>>[vector<16xi32>, vector<16xi32>], vector<16xf32>,
        %parallel_loop3A_1139 = arith.constant 0.000000e+00 : f32
        %parallel_loop3A_1140 = vector.broadcast %parallel_loop3A_1139 : f32 to vector<16xf32>
        %parallel_loop3A_1141 = arith.cmpf olt, %parallel_loop3A_871, %parallel_loop3A_1140 : vector<16xf32>
        %parallel_loop3A_1142 = arith.constant -9.842520e-04 : f32
        %parallel_loop3A_1143 = arith.constant 9.842520e-04 : f32
        %parallel_loop3A_1144 = vector.broadcast %parallel_loop3A_1142 : f32 to vector<16xf32>
        %parallel_loop3A_1145 = vector.broadcast %parallel_loop3A_1143 : f32 to vector<16xf32>
        %parallel_loop3A_1146 = arith.select %parallel_loop3A_1141, %parallel_loop3A_1144, %parallel_loop3A_1145 : vector<16xi1>, vector<16xf32>
        %parallel_loop3A_1147 = arith.cmpf oge, %parallel_loop3A_978, %parallel_loop3A_1062 : vector<16xf32>
        %parallel_loop3A_1148 = arith.constant 4.000000e+00 : f32
        %parallel_loop3A_1149 = vector.broadcast %parallel_loop3A_1148 : f32 to vector<16xf32>
        %parallel_loop3A_1150 = arith.subf %parallel_loop3A_978, %parallel_loop3A_1149 : vector<16xf32>
        %parallel_loop3A_1151 = arith.constant 0.000000e+00 : f32
        %parallel_loop3A_1152 = vector.broadcast %parallel_loop3A_1151 : f32 to vector<16xf32>
        %parallel_loop3A_1153 = arith.select %parallel_loop3A_1147, %parallel_loop3A_1150, %parallel_loop3A_1152 : vector<16xi1>, vector<16xf32>
        %parallel_loop3A_1154 = arith.mulf %parallel_loop3A_1153, %parallel_loop3A_1146 : vector<16xf32>
        %parallel_loop3A_1155 = arith.constant 4 : i32
        %parallel_loop3A_1156 = vector.broadcast %parallel_loop3A_1155 : i32 to vector<16xi32>
        %parallel_loop3A_1157 = arith.addi %parallel_loop3A_851, %parallel_loop3A_1156 : vector<16xi32>
        tpu.vector_store_idx %arg7[%parallel_loop3A_104, %parallel_loop3A_1157], %parallel_loop3A_1154 : memref<56x384xf32, #tpu.memory_space<vmem>>[vector<16xi32>, vector<16xi32>], vector<16xf32>,
        %parallel_loop3A_1158 = arith.constant 0.000000e+00 : f32
        %parallel_loop3A_1159 = vector.broadcast %parallel_loop3A_1158 : f32 to vector<16xf32>
        %parallel_loop3A_1160 = arith.cmpf olt, %parallel_loop3A_875, %parallel_loop3A_1159 : vector<16xf32>
        %parallel_loop3A_1161 = arith.constant -9.842520e-04 : f32
        %parallel_loop3A_1162 = arith.constant 9.842520e-04 : f32
        %parallel_loop3A_1163 = vector.broadcast %parallel_loop3A_1161 : f32 to vector<16xf32>
        %parallel_loop3A_1164 = vector.broadcast %parallel_loop3A_1162 : f32 to vector<16xf32>
        %parallel_loop3A_1165 = arith.select %parallel_loop3A_1160, %parallel_loop3A_1163, %parallel_loop3A_1164 : vector<16xi1>, vector<16xf32>
        %parallel_loop3A_1166 = arith.cmpf oge, %parallel_loop3A_997, %parallel_loop3A_1062 : vector<16xf32>
        %parallel_loop3A_1167 = arith.constant 5.000000e+00 : f32
        %parallel_loop3A_1168 = vector.broadcast %parallel_loop3A_1167 : f32 to vector<16xf32>
        %parallel_loop3A_1169 = arith.subf %parallel_loop3A_997, %parallel_loop3A_1168 : vector<16xf32>
        %parallel_loop3A_1170 = arith.constant 0.000000e+00 : f32
        %parallel_loop3A_1171 = vector.broadcast %parallel_loop3A_1170 : f32 to vector<16xf32>
        %parallel_loop3A_1172 = arith.select %parallel_loop3A_1166, %parallel_loop3A_1169, %parallel_loop3A_1171 : vector<16xi1>, vector<16xf32>
        %parallel_loop3A_1173 = arith.mulf %parallel_loop3A_1172, %parallel_loop3A_1165 : vector<16xf32>
        %parallel_loop3A_1174 = arith.constant 5 : i32
        %parallel_loop3A_1175 = vector.broadcast %parallel_loop3A_1174 : i32 to vector<16xi32>
        %parallel_loop3A_1176 = arith.addi %parallel_loop3A_851, %parallel_loop3A_1175 : vector<16xi32>
        tpu.vector_store_idx %arg7[%parallel_loop3A_104, %parallel_loop3A_1176], %parallel_loop3A_1173 : memref<56x384xf32, #tpu.memory_space<vmem>>[vector<16xi32>, vector<16xi32>], vector<16xf32>,
        %parallel_loop3A_1177 = arith.constant 0.000000e+00 : f32
        %parallel_loop3A_1178 = vector.broadcast %parallel_loop3A_1177 : f32 to vector<16xf32>
        %parallel_loop3A_1179 = arith.cmpf olt, %parallel_loop3A_879, %parallel_loop3A_1178 : vector<16xf32>
        %parallel_loop3A_1180 = arith.constant -9.842520e-04 : f32
        %parallel_loop3A_1181 = arith.constant 9.842520e-04 : f32
        %parallel_loop3A_1182 = vector.broadcast %parallel_loop3A_1180 : f32 to vector<16xf32>
        %parallel_loop3A_1183 = vector.broadcast %parallel_loop3A_1181 : f32 to vector<16xf32>
        %parallel_loop3A_1184 = arith.select %parallel_loop3A_1179, %parallel_loop3A_1182, %parallel_loop3A_1183 : vector<16xi1>, vector<16xf32>
        %parallel_loop3A_1185 = arith.cmpf oge, %parallel_loop3A_1016, %parallel_loop3A_1062 : vector<16xf32>
        %parallel_loop3A_1186 = arith.constant 6.000000e+00 : f32
        %parallel_loop3A_1187 = vector.broadcast %parallel_loop3A_1186 : f32 to vector<16xf32>
        %parallel_loop3A_1188 = arith.subf %parallel_loop3A_1016, %parallel_loop3A_1187 : vector<16xf32>
        %parallel_loop3A_1189 = arith.constant 0.000000e+00 : f32
        %parallel_loop3A_1190 = vector.broadcast %parallel_loop3A_1189 : f32 to vector<16xf32>
        %parallel_loop3A_1191 = arith.select %parallel_loop3A_1185, %parallel_loop3A_1188, %parallel_loop3A_1190 : vector<16xi1>, vector<16xf32>
        %parallel_loop3A_1192 = arith.mulf %parallel_loop3A_1191, %parallel_loop3A_1184 : vector<16xf32>
        %parallel_loop3A_1193 = arith.constant 6 : i32
        %parallel_loop3A_1194 = vector.broadcast %parallel_loop3A_1193 : i32 to vector<16xi32>
        %parallel_loop3A_1195 = arith.addi %parallel_loop3A_851, %parallel_loop3A_1194 : vector<16xi32>
        tpu.vector_store_idx %arg7[%parallel_loop3A_104, %parallel_loop3A_1195], %parallel_loop3A_1192 : memref<56x384xf32, #tpu.memory_space<vmem>>[vector<16xi32>, vector<16xi32>], vector<16xf32>,
        %parallel_loop3A_1196 = arith.constant 0.000000e+00 : f32
        %parallel_loop3A_1197 = vector.broadcast %parallel_loop3A_1196 : f32 to vector<16xf32>
        %parallel_loop3A_1198 = arith.cmpf olt, %parallel_loop3A_883, %parallel_loop3A_1197 : vector<16xf32>
        %parallel_loop3A_1199 = arith.constant -9.842520e-04 : f32
        %parallel_loop3A_1200 = arith.constant 9.842520e-04 : f32
        %parallel_loop3A_1201 = vector.broadcast %parallel_loop3A_1199 : f32 to vector<16xf32>
        %parallel_loop3A_1202 = vector.broadcast %parallel_loop3A_1200 : f32 to vector<16xf32>
        %parallel_loop3A_1203 = arith.select %parallel_loop3A_1198, %parallel_loop3A_1201, %parallel_loop3A_1202 : vector<16xi1>, vector<16xf32>
        %parallel_loop3A_1204 = arith.cmpf oge, %parallel_loop3A_1035, %parallel_loop3A_1062 : vector<16xf32>
        %parallel_loop3A_1205 = arith.constant 7.000000e+00 : f32
        %parallel_loop3A_1206 = vector.broadcast %parallel_loop3A_1205 : f32 to vector<16xf32>
        %parallel_loop3A_1207 = arith.subf %parallel_loop3A_1035, %parallel_loop3A_1206 : vector<16xf32>
        %parallel_loop3A_1208 = arith.constant 0.000000e+00 : f32
        %parallel_loop3A_1209 = vector.broadcast %parallel_loop3A_1208 : f32 to vector<16xf32>
        %parallel_loop3A_1210 = arith.select %parallel_loop3A_1204, %parallel_loop3A_1207, %parallel_loop3A_1209 : vector<16xi1>, vector<16xf32>
        %parallel_loop3A_1211 = arith.mulf %parallel_loop3A_1210, %parallel_loop3A_1203 : vector<16xf32>
        %parallel_loop3A_1212 = arith.constant 7 : i32
        %parallel_loop3A_1213 = vector.broadcast %parallel_loop3A_1212 : i32 to vector<16xi32>
        %parallel_loop3A_1214 = arith.addi %parallel_loop3A_851, %parallel_loop3A_1213 : vector<16xi32>
        tpu.vector_store_idx %arg7[%parallel_loop3A_104, %parallel_loop3A_1214], %parallel_loop3A_1211 : memref<56x384xf32, #tpu.memory_space<vmem>>[vector<16xi32>, vector<16xi32>], vector<16xf32>,
      } {sc.loop_unroll_factor = 1 : i64, sc.parallel_access}
      %add3A_59 = arith.addi %mul3A_4, %add3A_47 : i32
      %mul3A_60 = arith.constant 56 : i32
      %mul3A_61 = arith.muli %add3A_59, %mul3A_60 : i32
      %dma_start3A_62 = arith.constant 0 : i32
      %dma_start3A_63 = tpu.memref_slice %arg4[%mul3A_61, %dma_start3A_62] : memref<75264x384xf32, #tpu.memory_space<hbm>> -> memref<56x384xf32, #tpu.memory_space<hbm>>
      %dma_start3A_64 = arith.constant 0 : i32
      %dma_start3A_65 = tpu.memref_slice %arg4[%mul3A_61, %dma_start3A_64] : memref<75264x384xf32, #tpu.memory_space<hbm>> -> memref<56x384xf32, #tpu.memory_space<hbm>>
      tpu.enqueue_dma source(%arg7 : memref<56x384xf32, #tpu.memory_space<vmem>>) target(%dma_start3A_65 : memref<56x384xf32, #tpu.memory_space<hbm>>) target_semaphore(%arg12 : memref<!tpu.dma_semaphore, #tpu.memory_space<semaphore_mem>>)
      %lt3A = arith.constant 20 : i32
      %lt3A_66 = arith.cmpi slt, %scan3A_42, %lt3A : i32
      %convert_element_type3A_67 = arith.extui %lt3A_66 : i1 to i32
      %cond3A_68 = arith.constant 0 : i32
      %cond3A_69 = arith.cmpi ne, %convert_element_type3A_67, %cond3A_68 : i32
      scf.if %cond3A_69 {
        %add3A_102 = arith.constant 2 : i32
        %add3A_103 = arith.addi %add3A_47, %add3A_102 : i32
        %add3A_104 = arith.addi %mul3A_4, %add3A_103 : i32
        %mul3A_105 = arith.constant 56 : i32
        %mul3A_106 = arith.muli %add3A_104, %mul3A_105 : i32
        %dma_start3A_107 = arith.constant 0 : i32
        %dma_start3A_108 = tpu.memref_slice %arg2[%mul3A_106, %dma_start3A_107] : memref<75264x384xf32, #tpu.memory_space<hbm>> -> memref<56x384xf32, #tpu.memory_space<hbm>>
        %dma_start3A_109 = arith.constant 0 : i32
        %dma_start3A_110 = tpu.memref_slice %arg2[%mul3A_106, %dma_start3A_109] : memref<75264x384xf32, #tpu.memory_space<hbm>> -> memref<56x384xf32, #tpu.memory_space<hbm>>
        tpu.enqueue_dma source(%dma_start3A_110 : memref<56x384xf32, #tpu.memory_space<hbm>>) target(%arg5 : memref<56x384xf32, #tpu.memory_space<vmem>>) target_semaphore(%arg10 : memref<!tpu.dma_semaphore, #tpu.memory_space<semaphore_mem>>)
      } else {
      }
      %mul3A_70 = arith.constant 2 : i32
      %mul3A_71 = arith.muli %scan3A_42, %mul3A_70 : i32
      %add3A_72 = arith.constant 1 : i32
      %add3A_73 = arith.addi %mul3A_71, %add3A_72 : i32
      %add3A_74 = arith.addi %mul3A_4, %add3A_73 : i32
      %mul3A_75 = arith.constant 56 : i32
      %mul3A_76 = arith.muli %add3A_74, %mul3A_75 : i32
      %dma_wait3A_77 = arith.constant 0 : i32
      %dma_wait3A_78 = tpu.memref_slice %arg2[%mul3A_76, %dma_wait3A_77] : memref<75264x384xf32, #tpu.memory_space<hbm>> -> memref<56x384xf32, #tpu.memory_space<hbm>>
      %dma_wait3A_79 = arith.constant 0 : i32
      %dma_wait3A_80 = tpu.memref_slice %arg2[%mul3A_76, %dma_wait3A_79] : memref<75264x384xf32, #tpu.memory_space<hbm>> -> memref<56x384xf32, #tpu.memory_space<hbm>>
      tpu.wait_dma2 semaphore(%arg11 : memref<!tpu.dma_semaphore, #tpu.memory_space<semaphore_mem>>) src(%dma_wait3A_80 : memref<56x384xf32, #tpu.memory_space<hbm>>) dst(%arg6 : memref<56x384xf32, #tpu.memory_space<vmem>>)
      %ge3A_81 = arith.constant 1 : i32
      %ge3A_82 = arith.cmpi sge, %scan3A_42, %ge3A_81 : i32
      %convert_element_type3A_83 = arith.extui %ge3A_82 : i1 to i32
      %cond3A_84 = arith.constant 0 : i32
      %cond3A_85 = arith.cmpi ne, %convert_element_type3A_83, %cond3A_84 : i32
      scf.if %cond3A_85 {
        %sub3A = arith.constant 2 : i32
        %sub3A_102 = arith.subi %add3A_73, %sub3A : i32
        %add3A_103 = arith.addi %mul3A_4, %sub3A_102 : i32
        %mul3A_104 = arith.constant 56 : i32
        %mul3A_105 = arith.muli %add3A_103, %mul3A_104 : i32
        %dma_wait3A_106 = arith.constant 0 : i32
        %dma_wait3A_107 = tpu.memref_slice %arg4[%mul3A_105, %dma_wait3A_106] : memref<75264x384xf32, #tpu.memory_space<hbm>> -> memref<56x384xf32, #tpu.memory_space<hbm>>
        %dma_wait3A_108 = arith.constant 0 : i32
        %dma_wait3A_109 = tpu.memref_slice %arg4[%mul3A_105, %dma_wait3A_108] : memref<75264x384xf32, #tpu.memory_space<hbm>> -> memref<56x384xf32, #tpu.memory_space<hbm>>
        tpu.wait_dma2 semaphore(%arg13 : memref<!tpu.dma_semaphore, #tpu.memory_space<semaphore_mem>>) src(%arg8 : memref<56x384xf32, #tpu.memory_space<vmem>>) dst(%dma_wait3A_109 : memref<56x384xf32, #tpu.memory_space<hbm>>)
      } else {
      }
      %parallel_loop3A_86 = arith.constant 0 : i32
      %parallel_loop3A_87 = arith.constant 56 : i32
      %parallel_loop3A_88 = arith.constant 1 : i32
      scf.for %parallel_loop3A_102 = %parallel_loop3A_86 to %parallel_loop3A_87 step %parallel_loop3A_88  : i32 {
        %parallel_loop3A_103 = vector.broadcast %parallel_loop3A_102 : i32 to vector<16xi32>
        %parallel_loop3A_104 = arith.addi %broadcast_in_dim3A_5, %parallel_loop3A_103 : vector<16xi32>
        %parallel_loop3A_105 = tpu.iota {dimensions = array<i32: 0>} : vector<16xi32>
        %parallel_loop3A_106 = arith.constant 8 : i32
        %parallel_loop3A_107 = vector.broadcast %parallel_loop3A_106 : i32 to vector<16xi32>
        %parallel_loop3A_108 = arith.muli %parallel_loop3A_105, %parallel_loop3A_107 : vector<16xi32>
        %parallel_loop3A_109 = arith.constant 0 : i32
        %parallel_loop3A_110 = vector.broadcast %parallel_loop3A_109 : i32 to vector<16xi32>
        %parallel_loop3A_111 = arith.addi %parallel_loop3A_108, %parallel_loop3A_110 : vector<16xi32>
        %parallel_loop3A_112 = arith.constant 0 : i32
        %parallel_loop3A_113 = vector.broadcast %parallel_loop3A_112 : i32 to vector<16xi32>
        %parallel_loop3A_114 = arith.addi %parallel_loop3A_111, %parallel_loop3A_113 : vector<16xi32>
        %parallel_loop3A_115 = tpu.vector_load_idx %arg6[%parallel_loop3A_104, %parallel_loop3A_114] : memref<56x384xf32, #tpu.memory_space<vmem>>[vector<16xi32>, vector<16xi32>], vector<16xf32>,
        %parallel_loop3A_116 = arith.constant 1 : i32
        %parallel_loop3A_117 = vector.broadcast %parallel_loop3A_116 : i32 to vector<16xi32>
        %parallel_loop3A_118 = arith.addi %parallel_loop3A_111, %parallel_loop3A_117 : vector<16xi32>
        %parallel_loop3A_119 = tpu.vector_load_idx %arg6[%parallel_loop3A_104, %parallel_loop3A_118] : memref<56x384xf32, #tpu.memory_space<vmem>>[vector<16xi32>, vector<16xi32>], vector<16xf32>,
        %parallel_loop3A_120 = arith.constant 2 : i32
        %parallel_loop3A_121 = vector.broadcast %parallel_loop3A_120 : i32 to vector<16xi32>
        %parallel_loop3A_122 = arith.addi %parallel_loop3A_111, %parallel_loop3A_121 : vector<16xi32>
        %parallel_loop3A_123 = tpu.vector_load_idx %arg6[%parallel_loop3A_104, %parallel_loop3A_122] : memref<56x384xf32, #tpu.memory_space<vmem>>[vector<16xi32>, vector<16xi32>], vector<16xf32>,
        %parallel_loop3A_124 = arith.constant 3 : i32
        %parallel_loop3A_125 = vector.broadcast %parallel_loop3A_124 : i32 to vector<16xi32>
        %parallel_loop3A_126 = arith.addi %parallel_loop3A_111, %parallel_loop3A_125 : vector<16xi32>
        %parallel_loop3A_127 = tpu.vector_load_idx %arg6[%parallel_loop3A_104, %parallel_loop3A_126] : memref<56x384xf32, #tpu.memory_space<vmem>>[vector<16xi32>, vector<16xi32>], vector<16xf32>,
        %parallel_loop3A_128 = arith.constant 4 : i32
        %parallel_loop3A_129 = vector.broadcast %parallel_loop3A_128 : i32 to vector<16xi32>
        %parallel_loop3A_130 = arith.addi %parallel_loop3A_111, %parallel_loop3A_129 : vector<16xi32>
        %parallel_loop3A_131 = tpu.vector_load_idx %arg6[%parallel_loop3A_104, %parallel_loop3A_130] : memref<56x384xf32, #tpu.memory_space<vmem>>[vector<16xi32>, vector<16xi32>], vector<16xf32>,
        %parallel_loop3A_132 = arith.constant 5 : i32
        %parallel_loop3A_133 = vector.broadcast %parallel_loop3A_132 : i32 to vector<16xi32>
        %parallel_loop3A_134 = arith.addi %parallel_loop3A_111, %parallel_loop3A_133 : vector<16xi32>
        %parallel_loop3A_135 = tpu.vector_load_idx %arg6[%parallel_loop3A_104, %parallel_loop3A_134] : memref<56x384xf32, #tpu.memory_space<vmem>>[vector<16xi32>, vector<16xi32>], vector<16xf32>,
        %parallel_loop3A_136 = arith.constant 6 : i32
        %parallel_loop3A_137 = vector.broadcast %parallel_loop3A_136 : i32 to vector<16xi32>
        %parallel_loop3A_138 = arith.addi %parallel_loop3A_111, %parallel_loop3A_137 : vector<16xi32>
        %parallel_loop3A_139 = tpu.vector_load_idx %arg6[%parallel_loop3A_104, %parallel_loop3A_138] : memref<56x384xf32, #tpu.memory_space<vmem>>[vector<16xi32>, vector<16xi32>], vector<16xf32>,
        %parallel_loop3A_140 = arith.constant 7 : i32
        %parallel_loop3A_141 = vector.broadcast %parallel_loop3A_140 : i32 to vector<16xi32>
        %parallel_loop3A_142 = arith.addi %parallel_loop3A_111, %parallel_loop3A_141 : vector<16xi32>
        %parallel_loop3A_143 = tpu.vector_load_idx %arg6[%parallel_loop3A_104, %parallel_loop3A_142] : memref<56x384xf32, #tpu.memory_space<vmem>>[vector<16xi32>, vector<16xi32>], vector<16xf32>,
        %parallel_loop3A_144 = math.absf %parallel_loop3A_115 : vector<16xf32>
        %parallel_loop3A_145 = arith.constant -2.000000e+00 : f32
        %parallel_loop3A_146 = vector.broadcast %parallel_loop3A_145 : f32 to vector<16xf32>
        %parallel_loop3A_147 = arith.mulf %parallel_loop3A_144, %parallel_loop3A_146 : vector<16xf32>
        %parallel_loop3A_148 = math.exp %parallel_loop3A_147 : vector<16xf32>
        %parallel_loop3A_149 = arith.constant 1.000000e+00 : f32
        %parallel_loop3A_150 = vector.broadcast %parallel_loop3A_149 : f32 to vector<16xf32>
        %parallel_loop3A_151 = arith.addf %parallel_loop3A_150, %parallel_loop3A_148 : vector<16xf32>
        %parallel_loop3A_152 = arith.divf %add3A_2, %parallel_loop3A_151 : vector<16xf32>
        %parallel_loop3A_153 = arith.subf %parallel_loop3A_152, %get3A_1 : vector<16xf32>
        %parallel_loop3A_154 = arith.constant 0x4CC00000 : f32
        %parallel_loop3A_155 = vector.broadcast %parallel_loop3A_154 : f32 to vector<16xf32>
        %parallel_loop3A_156 = arith.addf %parallel_loop3A_153, %parallel_loop3A_155 : vector<16xf32>
        %parallel_loop3A_157 = arith.constant 0x4CC00000 : f32
        %parallel_loop3A_158 = vector.broadcast %parallel_loop3A_157 : f32 to vector<16xf32>
        %parallel_loop3A_159 = arith.subf %parallel_loop3A_156, %parallel_loop3A_158 : vector<16xf32>
        %parallel_loop3A_160 = arith.constant 0.000000e+00 : f32
        %parallel_loop3A_161 = vector.broadcast %parallel_loop3A_160 : f32 to vector<16xf32>
        %parallel_loop3A_162 = arith.addf %parallel_loop3A_159, %parallel_loop3A_161 : vector<16xf32>
        %parallel_loop3A_163 = math.absf %parallel_loop3A_119 : vector<16xf32>
        %parallel_loop3A_164 = arith.constant -2.000000e+00 : f32
        %parallel_loop3A_165 = vector.broadcast %parallel_loop3A_164 : f32 to vector<16xf32>
        %parallel_loop3A_166 = arith.mulf %parallel_loop3A_163, %parallel_loop3A_165 : vector<16xf32>
        %parallel_loop3A_167 = math.exp %parallel_loop3A_166 : vector<16xf32>
        %parallel_loop3A_168 = arith.constant 1.000000e+00 : f32
        %parallel_loop3A_169 = vector.broadcast %parallel_loop3A_168 : f32 to vector<16xf32>
        %parallel_loop3A_170 = arith.addf %parallel_loop3A_169, %parallel_loop3A_167 : vector<16xf32>
        %parallel_loop3A_171 = arith.divf %add3A_2, %parallel_loop3A_170 : vector<16xf32>
        %parallel_loop3A_172 = arith.subf %parallel_loop3A_171, %get3A_1 : vector<16xf32>
        %parallel_loop3A_173 = arith.constant 0x4CC00000 : f32
        %parallel_loop3A_174 = vector.broadcast %parallel_loop3A_173 : f32 to vector<16xf32>
        %parallel_loop3A_175 = arith.addf %parallel_loop3A_172, %parallel_loop3A_174 : vector<16xf32>
        %parallel_loop3A_176 = arith.constant 0x4CC00000 : f32
        %parallel_loop3A_177 = vector.broadcast %parallel_loop3A_176 : f32 to vector<16xf32>
        %parallel_loop3A_178 = arith.subf %parallel_loop3A_175, %parallel_loop3A_177 : vector<16xf32>
        %parallel_loop3A_179 = arith.constant 1.000000e+00 : f32
        %parallel_loop3A_180 = vector.broadcast %parallel_loop3A_179 : f32 to vector<16xf32>
        %parallel_loop3A_181 = arith.addf %parallel_loop3A_178, %parallel_loop3A_180 : vector<16xf32>
        %parallel_loop3A_182 = math.absf %parallel_loop3A_123 : vector<16xf32>
        %parallel_loop3A_183 = arith.constant -2.000000e+00 : f32
        %parallel_loop3A_184 = vector.broadcast %parallel_loop3A_183 : f32 to vector<16xf32>
        %parallel_loop3A_185 = arith.mulf %parallel_loop3A_182, %parallel_loop3A_184 : vector<16xf32>
        %parallel_loop3A_186 = math.exp %parallel_loop3A_185 : vector<16xf32>
        %parallel_loop3A_187 = arith.constant 1.000000e+00 : f32
        %parallel_loop3A_188 = vector.broadcast %parallel_loop3A_187 : f32 to vector<16xf32>
        %parallel_loop3A_189 = arith.addf %parallel_loop3A_188, %parallel_loop3A_186 : vector<16xf32>
        %parallel_loop3A_190 = arith.divf %add3A_2, %parallel_loop3A_189 : vector<16xf32>
        %parallel_loop3A_191 = arith.subf %parallel_loop3A_190, %get3A_1 : vector<16xf32>
        %parallel_loop3A_192 = arith.constant 0x4CC00000 : f32
        %parallel_loop3A_193 = vector.broadcast %parallel_loop3A_192 : f32 to vector<16xf32>
        %parallel_loop3A_194 = arith.addf %parallel_loop3A_191, %parallel_loop3A_193 : vector<16xf32>
        %parallel_loop3A_195 = arith.constant 0x4CC00000 : f32
        %parallel_loop3A_196 = vector.broadcast %parallel_loop3A_195 : f32 to vector<16xf32>
        %parallel_loop3A_197 = arith.subf %parallel_loop3A_194, %parallel_loop3A_196 : vector<16xf32>
        %parallel_loop3A_198 = arith.constant 2.000000e+00 : f32
        %parallel_loop3A_199 = vector.broadcast %parallel_loop3A_198 : f32 to vector<16xf32>
        %parallel_loop3A_200 = arith.addf %parallel_loop3A_197, %parallel_loop3A_199 : vector<16xf32>
        %parallel_loop3A_201 = math.absf %parallel_loop3A_127 : vector<16xf32>
        %parallel_loop3A_202 = arith.constant -2.000000e+00 : f32
        %parallel_loop3A_203 = vector.broadcast %parallel_loop3A_202 : f32 to vector<16xf32>
        %parallel_loop3A_204 = arith.mulf %parallel_loop3A_201, %parallel_loop3A_203 : vector<16xf32>
        %parallel_loop3A_205 = math.exp %parallel_loop3A_204 : vector<16xf32>
        %parallel_loop3A_206 = arith.constant 1.000000e+00 : f32
        %parallel_loop3A_207 = vector.broadcast %parallel_loop3A_206 : f32 to vector<16xf32>
        %parallel_loop3A_208 = arith.addf %parallel_loop3A_207, %parallel_loop3A_205 : vector<16xf32>
        %parallel_loop3A_209 = arith.divf %add3A_2, %parallel_loop3A_208 : vector<16xf32>
        %parallel_loop3A_210 = arith.subf %parallel_loop3A_209, %get3A_1 : vector<16xf32>
        %parallel_loop3A_211 = arith.constant 0x4CC00000 : f32
        %parallel_loop3A_212 = vector.broadcast %parallel_loop3A_211 : f32 to vector<16xf32>
        %parallel_loop3A_213 = arith.addf %parallel_loop3A_210, %parallel_loop3A_212 : vector<16xf32>
        %parallel_loop3A_214 = arith.constant 0x4CC00000 : f32
        %parallel_loop3A_215 = vector.broadcast %parallel_loop3A_214 : f32 to vector<16xf32>
        %parallel_loop3A_216 = arith.subf %parallel_loop3A_213, %parallel_loop3A_215 : vector<16xf32>
        %parallel_loop3A_217 = arith.constant 3.000000e+00 : f32
        %parallel_loop3A_218 = vector.broadcast %parallel_loop3A_217 : f32 to vector<16xf32>
        %parallel_loop3A_219 = arith.addf %parallel_loop3A_216, %parallel_loop3A_218 : vector<16xf32>
        %parallel_loop3A_220 = math.absf %parallel_loop3A_131 : vector<16xf32>
        %parallel_loop3A_221 = arith.constant -2.000000e+00 : f32
        %parallel_loop3A_222 = vector.broadcast %parallel_loop3A_221 : f32 to vector<16xf32>
        %parallel_loop3A_223 = arith.mulf %parallel_loop3A_220, %parallel_loop3A_222 : vector<16xf32>
        %parallel_loop3A_224 = math.exp %parallel_loop3A_223 : vector<16xf32>
        %parallel_loop3A_225 = arith.constant 1.000000e+00 : f32
        %parallel_loop3A_226 = vector.broadcast %parallel_loop3A_225 : f32 to vector<16xf32>
        %parallel_loop3A_227 = arith.addf %parallel_loop3A_226, %parallel_loop3A_224 : vector<16xf32>
        %parallel_loop3A_228 = arith.divf %add3A_2, %parallel_loop3A_227 : vector<16xf32>
        %parallel_loop3A_229 = arith.subf %parallel_loop3A_228, %get3A_1 : vector<16xf32>
        %parallel_loop3A_230 = arith.constant 0x4CC00000 : f32
        %parallel_loop3A_231 = vector.broadcast %parallel_loop3A_230 : f32 to vector<16xf32>
        %parallel_loop3A_232 = arith.addf %parallel_loop3A_229, %parallel_loop3A_231 : vector<16xf32>
        %parallel_loop3A_233 = arith.constant 0x4CC00000 : f32
        %parallel_loop3A_234 = vector.broadcast %parallel_loop3A_233 : f32 to vector<16xf32>
        %parallel_loop3A_235 = arith.subf %parallel_loop3A_232, %parallel_loop3A_234 : vector<16xf32>
        %parallel_loop3A_236 = arith.constant 4.000000e+00 : f32
        %parallel_loop3A_237 = vector.broadcast %parallel_loop3A_236 : f32 to vector<16xf32>
        %parallel_loop3A_238 = arith.addf %parallel_loop3A_235, %parallel_loop3A_237 : vector<16xf32>
        %parallel_loop3A_239 = math.absf %parallel_loop3A_135 : vector<16xf32>
        %parallel_loop3A_240 = arith.constant -2.000000e+00 : f32
        %parallel_loop3A_241 = vector.broadcast %parallel_loop3A_240 : f32 to vector<16xf32>
        %parallel_loop3A_242 = arith.mulf %parallel_loop3A_239, %parallel_loop3A_241 : vector<16xf32>
        %parallel_loop3A_243 = math.exp %parallel_loop3A_242 : vector<16xf32>
        %parallel_loop3A_244 = arith.constant 1.000000e+00 : f32
        %parallel_loop3A_245 = vector.broadcast %parallel_loop3A_244 : f32 to vector<16xf32>
        %parallel_loop3A_246 = arith.addf %parallel_loop3A_245, %parallel_loop3A_243 : vector<16xf32>
        %parallel_loop3A_247 = arith.divf %add3A_2, %parallel_loop3A_246 : vector<16xf32>
        %parallel_loop3A_248 = arith.subf %parallel_loop3A_247, %get3A_1 : vector<16xf32>
        %parallel_loop3A_249 = arith.constant 0x4CC00000 : f32
        %parallel_loop3A_250 = vector.broadcast %parallel_loop3A_249 : f32 to vector<16xf32>
        %parallel_loop3A_251 = arith.addf %parallel_loop3A_248, %parallel_loop3A_250 : vector<16xf32>
        %parallel_loop3A_252 = arith.constant 0x4CC00000 : f32
        %parallel_loop3A_253 = vector.broadcast %parallel_loop3A_252 : f32 to vector<16xf32>
        %parallel_loop3A_254 = arith.subf %parallel_loop3A_251, %parallel_loop3A_253 : vector<16xf32>
        %parallel_loop3A_255 = arith.constant 5.000000e+00 : f32
        %parallel_loop3A_256 = vector.broadcast %parallel_loop3A_255 : f32 to vector<16xf32>
        %parallel_loop3A_257 = arith.addf %parallel_loop3A_254, %parallel_loop3A_256 : vector<16xf32>
        %parallel_loop3A_258 = math.absf %parallel_loop3A_139 : vector<16xf32>
        %parallel_loop3A_259 = arith.constant -2.000000e+00 : f32
        %parallel_loop3A_260 = vector.broadcast %parallel_loop3A_259 : f32 to vector<16xf32>
        %parallel_loop3A_261 = arith.mulf %parallel_loop3A_258, %parallel_loop3A_260 : vector<16xf32>
        %parallel_loop3A_262 = math.exp %parallel_loop3A_261 : vector<16xf32>
        %parallel_loop3A_263 = arith.constant 1.000000e+00 : f32
        %parallel_loop3A_264 = vector.broadcast %parallel_loop3A_263 : f32 to vector<16xf32>
        %parallel_loop3A_265 = arith.addf %parallel_loop3A_264, %parallel_loop3A_262 : vector<16xf32>
        %parallel_loop3A_266 = arith.divf %add3A_2, %parallel_loop3A_265 : vector<16xf32>
        %parallel_loop3A_267 = arith.subf %parallel_loop3A_266, %get3A_1 : vector<16xf32>
        %parallel_loop3A_268 = arith.constant 0x4CC00000 : f32
        %parallel_loop3A_269 = vector.broadcast %parallel_loop3A_268 : f32 to vector<16xf32>
        %parallel_loop3A_270 = arith.addf %parallel_loop3A_267, %parallel_loop3A_269 : vector<16xf32>
        %parallel_loop3A_271 = arith.constant 0x4CC00000 : f32
        %parallel_loop3A_272 = vector.broadcast %parallel_loop3A_271 : f32 to vector<16xf32>
        %parallel_loop3A_273 = arith.subf %parallel_loop3A_270, %parallel_loop3A_272 : vector<16xf32>
        %parallel_loop3A_274 = arith.constant 6.000000e+00 : f32
        %parallel_loop3A_275 = vector.broadcast %parallel_loop3A_274 : f32 to vector<16xf32>
        %parallel_loop3A_276 = arith.addf %parallel_loop3A_273, %parallel_loop3A_275 : vector<16xf32>
        %parallel_loop3A_277 = math.absf %parallel_loop3A_143 : vector<16xf32>
        %parallel_loop3A_278 = arith.constant -2.000000e+00 : f32
        %parallel_loop3A_279 = vector.broadcast %parallel_loop3A_278 : f32 to vector<16xf32>
        %parallel_loop3A_280 = arith.mulf %parallel_loop3A_277, %parallel_loop3A_279 : vector<16xf32>
        %parallel_loop3A_281 = math.exp %parallel_loop3A_280 : vector<16xf32>
        %parallel_loop3A_282 = arith.constant 1.000000e+00 : f32
        %parallel_loop3A_283 = vector.broadcast %parallel_loop3A_282 : f32 to vector<16xf32>
        %parallel_loop3A_284 = arith.addf %parallel_loop3A_283, %parallel_loop3A_281 : vector<16xf32>
        %parallel_loop3A_285 = arith.divf %add3A_2, %parallel_loop3A_284 : vector<16xf32>
        %parallel_loop3A_286 = arith.subf %parallel_loop3A_285, %get3A_1 : vector<16xf32>
        %parallel_loop3A_287 = arith.constant 0x4CC00000 : f32
        %parallel_loop3A_288 = vector.broadcast %parallel_loop3A_287 : f32 to vector<16xf32>
        %parallel_loop3A_289 = arith.addf %parallel_loop3A_286, %parallel_loop3A_288 : vector<16xf32>
        %parallel_loop3A_290 = arith.constant 0x4CC00000 : f32
        %parallel_loop3A_291 = vector.broadcast %parallel_loop3A_290 : f32 to vector<16xf32>
        %parallel_loop3A_292 = arith.subf %parallel_loop3A_289, %parallel_loop3A_291 : vector<16xf32>
        %parallel_loop3A_293 = arith.constant 7.000000e+00 : f32
        %parallel_loop3A_294 = vector.broadcast %parallel_loop3A_293 : f32 to vector<16xf32>
        %parallel_loop3A_295 = arith.addf %parallel_loop3A_292, %parallel_loop3A_294 : vector<16xf32>
        %parallel_loop3A_296 = arith.minimumf %parallel_loop3A_162, %parallel_loop3A_181 : vector<16xf32>
        %parallel_loop3A_297 = arith.maximumf %parallel_loop3A_162, %parallel_loop3A_181 : vector<16xf32>
        %parallel_loop3A_298 = arith.minimumf %parallel_loop3A_200, %parallel_loop3A_219 : vector<16xf32>
        %parallel_loop3A_299 = arith.maximumf %parallel_loop3A_200, %parallel_loop3A_219 : vector<16xf32>
        %parallel_loop3A_300 = arith.minimumf %parallel_loop3A_296, %parallel_loop3A_298 : vector<16xf32>
        %parallel_loop3A_301 = arith.maximumf %parallel_loop3A_296, %parallel_loop3A_298 : vector<16xf32>
        %parallel_loop3A_302 = arith.minimumf %parallel_loop3A_297, %parallel_loop3A_299 : vector<16xf32>
        %parallel_loop3A_303 = arith.maximumf %parallel_loop3A_297, %parallel_loop3A_299 : vector<16xf32>
        %parallel_loop3A_304 = arith.minimumf %parallel_loop3A_302, %parallel_loop3A_301 : vector<16xf32>
        %parallel_loop3A_305 = arith.maximumf %parallel_loop3A_302, %parallel_loop3A_301 : vector<16xf32>
        %parallel_loop3A_306 = arith.minimumf %parallel_loop3A_238, %parallel_loop3A_257 : vector<16xf32>
        %parallel_loop3A_307 = arith.maximumf %parallel_loop3A_238, %parallel_loop3A_257 : vector<16xf32>
        %parallel_loop3A_308 = arith.minimumf %parallel_loop3A_276, %parallel_loop3A_295 : vector<16xf32>
        %parallel_loop3A_309 = arith.maximumf %parallel_loop3A_276, %parallel_loop3A_295 : vector<16xf32>
        %parallel_loop3A_310 = arith.minimumf %parallel_loop3A_306, %parallel_loop3A_308 : vector<16xf32>
        %parallel_loop3A_311 = arith.maximumf %parallel_loop3A_306, %parallel_loop3A_308 : vector<16xf32>
        %parallel_loop3A_312 = arith.minimumf %parallel_loop3A_307, %parallel_loop3A_309 : vector<16xf32>
        %parallel_loop3A_313 = arith.maximumf %parallel_loop3A_307, %parallel_loop3A_309 : vector<16xf32>
        %parallel_loop3A_314 = arith.minimumf %parallel_loop3A_312, %parallel_loop3A_311 : vector<16xf32>
        %parallel_loop3A_315 = arith.maximumf %parallel_loop3A_312, %parallel_loop3A_311 : vector<16xf32>
        %parallel_loop3A_316 = arith.maximumf %parallel_loop3A_300, %parallel_loop3A_313 : vector<16xf32>
        %parallel_loop3A_317 = arith.maximumf %parallel_loop3A_304, %parallel_loop3A_315 : vector<16xf32>
        %parallel_loop3A_318 = arith.minimumf %parallel_loop3A_316, %parallel_loop3A_317 : vector<16xf32>
        %parallel_loop3A_319 = arith.maximumf %parallel_loop3A_305, %parallel_loop3A_314 : vector<16xf32>
        %parallel_loop3A_320 = arith.maximumf %parallel_loop3A_303, %parallel_loop3A_310 : vector<16xf32>
        %parallel_loop3A_321 = arith.minimumf %parallel_loop3A_319, %parallel_loop3A_320 : vector<16xf32>
        %parallel_loop3A_322 = arith.minimumf %parallel_loop3A_318, %parallel_loop3A_321 : vector<16xf32>
        %parallel_loop3A_323 = arith.constant 0.000000e+00 : f32
        %parallel_loop3A_324 = vector.broadcast %parallel_loop3A_323 : f32 to vector<16xf32>
        %parallel_loop3A_325 = arith.cmpf olt, %parallel_loop3A_115, %parallel_loop3A_324 : vector<16xf32>
        %parallel_loop3A_326 = arith.constant -9.842520e-04 : f32
        %parallel_loop3A_327 = arith.constant 9.842520e-04 : f32
        %parallel_loop3A_328 = vector.broadcast %parallel_loop3A_326 : f32 to vector<16xf32>
        %parallel_loop3A_329 = vector.broadcast %parallel_loop3A_327 : f32 to vector<16xf32>
        %parallel_loop3A_330 = arith.select %parallel_loop3A_325, %parallel_loop3A_328, %parallel_loop3A_329 : vector<16xi1>, vector<16xf32>
        %parallel_loop3A_331 = arith.cmpf oge, %parallel_loop3A_162, %parallel_loop3A_322 : vector<16xf32>
        %parallel_loop3A_332 = arith.constant 0.000000e+00 : f32
        %parallel_loop3A_333 = vector.broadcast %parallel_loop3A_332 : f32 to vector<16xf32>
        %parallel_loop3A_334 = arith.subf %parallel_loop3A_162, %parallel_loop3A_333 : vector<16xf32>
        %parallel_loop3A_335 = arith.constant 0.000000e+00 : f32
        %parallel_loop3A_336 = vector.broadcast %parallel_loop3A_335 : f32 to vector<16xf32>
        %parallel_loop3A_337 = arith.select %parallel_loop3A_331, %parallel_loop3A_334, %parallel_loop3A_336 : vector<16xi1>, vector<16xf32>
        %parallel_loop3A_338 = arith.mulf %parallel_loop3A_337, %parallel_loop3A_330 : vector<16xf32>
        %parallel_loop3A_339 = arith.constant 0 : i32
        %parallel_loop3A_340 = vector.broadcast %parallel_loop3A_339 : i32 to vector<16xi32>
        %parallel_loop3A_341 = arith.addi %parallel_loop3A_111, %parallel_loop3A_340 : vector<16xi32>
        tpu.vector_store_idx %arg8[%parallel_loop3A_104, %parallel_loop3A_341], %parallel_loop3A_338 : memref<56x384xf32, #tpu.memory_space<vmem>>[vector<16xi32>, vector<16xi32>], vector<16xf32>,
        %parallel_loop3A_342 = arith.constant 0.000000e+00 : f32
        %parallel_loop3A_343 = vector.broadcast %parallel_loop3A_342 : f32 to vector<16xf32>
        %parallel_loop3A_344 = arith.cmpf olt, %parallel_loop3A_119, %parallel_loop3A_343 : vector<16xf32>
        %parallel_loop3A_345 = arith.constant -9.842520e-04 : f32
        %parallel_loop3A_346 = arith.constant 9.842520e-04 : f32
        %parallel_loop3A_347 = vector.broadcast %parallel_loop3A_345 : f32 to vector<16xf32>
        %parallel_loop3A_348 = vector.broadcast %parallel_loop3A_346 : f32 to vector<16xf32>
        %parallel_loop3A_349 = arith.select %parallel_loop3A_344, %parallel_loop3A_347, %parallel_loop3A_348 : vector<16xi1>, vector<16xf32>
        %parallel_loop3A_350 = arith.cmpf oge, %parallel_loop3A_181, %parallel_loop3A_322 : vector<16xf32>
        %parallel_loop3A_351 = arith.constant 1.000000e+00 : f32
        %parallel_loop3A_352 = vector.broadcast %parallel_loop3A_351 : f32 to vector<16xf32>
        %parallel_loop3A_353 = arith.subf %parallel_loop3A_181, %parallel_loop3A_352 : vector<16xf32>
        %parallel_loop3A_354 = arith.constant 0.000000e+00 : f32
        %parallel_loop3A_355 = vector.broadcast %parallel_loop3A_354 : f32 to vector<16xf32>
        %parallel_loop3A_356 = arith.select %parallel_loop3A_350, %parallel_loop3A_353, %parallel_loop3A_355 : vector<16xi1>, vector<16xf32>
        %parallel_loop3A_357 = arith.mulf %parallel_loop3A_356, %parallel_loop3A_349 : vector<16xf32>
        %parallel_loop3A_358 = arith.constant 1 : i32
        %parallel_loop3A_359 = vector.broadcast %parallel_loop3A_358 : i32 to vector<16xi32>
        %parallel_loop3A_360 = arith.addi %parallel_loop3A_111, %parallel_loop3A_359 : vector<16xi32>
        tpu.vector_store_idx %arg8[%parallel_loop3A_104, %parallel_loop3A_360], %parallel_loop3A_357 : memref<56x384xf32, #tpu.memory_space<vmem>>[vector<16xi32>, vector<16xi32>], vector<16xf32>,
        %parallel_loop3A_361 = arith.constant 0.000000e+00 : f32
        %parallel_loop3A_362 = vector.broadcast %parallel_loop3A_361 : f32 to vector<16xf32>
        %parallel_loop3A_363 = arith.cmpf olt, %parallel_loop3A_123, %parallel_loop3A_362 : vector<16xf32>
        %parallel_loop3A_364 = arith.constant -9.842520e-04 : f32
        %parallel_loop3A_365 = arith.constant 9.842520e-04 : f32
        %parallel_loop3A_366 = vector.broadcast %parallel_loop3A_364 : f32 to vector<16xf32>
        %parallel_loop3A_367 = vector.broadcast %parallel_loop3A_365 : f32 to vector<16xf32>
        %parallel_loop3A_368 = arith.select %parallel_loop3A_363, %parallel_loop3A_366, %parallel_loop3A_367 : vector<16xi1>, vector<16xf32>
        %parallel_loop3A_369 = arith.cmpf oge, %parallel_loop3A_200, %parallel_loop3A_322 : vector<16xf32>
        %parallel_loop3A_370 = arith.constant 2.000000e+00 : f32
        %parallel_loop3A_371 = vector.broadcast %parallel_loop3A_370 : f32 to vector<16xf32>
        %parallel_loop3A_372 = arith.subf %parallel_loop3A_200, %parallel_loop3A_371 : vector<16xf32>
        %parallel_loop3A_373 = arith.constant 0.000000e+00 : f32
        %parallel_loop3A_374 = vector.broadcast %parallel_loop3A_373 : f32 to vector<16xf32>
        %parallel_loop3A_375 = arith.select %parallel_loop3A_369, %parallel_loop3A_372, %parallel_loop3A_374 : vector<16xi1>, vector<16xf32>
        %parallel_loop3A_376 = arith.mulf %parallel_loop3A_375, %parallel_loop3A_368 : vector<16xf32>
        %parallel_loop3A_377 = arith.constant 2 : i32
        %parallel_loop3A_378 = vector.broadcast %parallel_loop3A_377 : i32 to vector<16xi32>
        %parallel_loop3A_379 = arith.addi %parallel_loop3A_111, %parallel_loop3A_378 : vector<16xi32>
        tpu.vector_store_idx %arg8[%parallel_loop3A_104, %parallel_loop3A_379], %parallel_loop3A_376 : memref<56x384xf32, #tpu.memory_space<vmem>>[vector<16xi32>, vector<16xi32>], vector<16xf32>,
        %parallel_loop3A_380 = arith.constant 0.000000e+00 : f32
        %parallel_loop3A_381 = vector.broadcast %parallel_loop3A_380 : f32 to vector<16xf32>
        %parallel_loop3A_382 = arith.cmpf olt, %parallel_loop3A_127, %parallel_loop3A_381 : vector<16xf32>
        %parallel_loop3A_383 = arith.constant -9.842520e-04 : f32
        %parallel_loop3A_384 = arith.constant 9.842520e-04 : f32
        %parallel_loop3A_385 = vector.broadcast %parallel_loop3A_383 : f32 to vector<16xf32>
        %parallel_loop3A_386 = vector.broadcast %parallel_loop3A_384 : f32 to vector<16xf32>
        %parallel_loop3A_387 = arith.select %parallel_loop3A_382, %parallel_loop3A_385, %parallel_loop3A_386 : vector<16xi1>, vector<16xf32>
        %parallel_loop3A_388 = arith.cmpf oge, %parallel_loop3A_219, %parallel_loop3A_322 : vector<16xf32>
        %parallel_loop3A_389 = arith.constant 3.000000e+00 : f32
        %parallel_loop3A_390 = vector.broadcast %parallel_loop3A_389 : f32 to vector<16xf32>
        %parallel_loop3A_391 = arith.subf %parallel_loop3A_219, %parallel_loop3A_390 : vector<16xf32>
        %parallel_loop3A_392 = arith.constant 0.000000e+00 : f32
        %parallel_loop3A_393 = vector.broadcast %parallel_loop3A_392 : f32 to vector<16xf32>
        %parallel_loop3A_394 = arith.select %parallel_loop3A_388, %parallel_loop3A_391, %parallel_loop3A_393 : vector<16xi1>, vector<16xf32>
        %parallel_loop3A_395 = arith.mulf %parallel_loop3A_394, %parallel_loop3A_387 : vector<16xf32>
        %parallel_loop3A_396 = arith.constant 3 : i32
        %parallel_loop3A_397 = vector.broadcast %parallel_loop3A_396 : i32 to vector<16xi32>
        %parallel_loop3A_398 = arith.addi %parallel_loop3A_111, %parallel_loop3A_397 : vector<16xi32>
        tpu.vector_store_idx %arg8[%parallel_loop3A_104, %parallel_loop3A_398], %parallel_loop3A_395 : memref<56x384xf32, #tpu.memory_space<vmem>>[vector<16xi32>, vector<16xi32>], vector<16xf32>,
        %parallel_loop3A_399 = arith.constant 0.000000e+00 : f32
        %parallel_loop3A_400 = vector.broadcast %parallel_loop3A_399 : f32 to vector<16xf32>
        %parallel_loop3A_401 = arith.cmpf olt, %parallel_loop3A_131, %parallel_loop3A_400 : vector<16xf32>
        %parallel_loop3A_402 = arith.constant -9.842520e-04 : f32
        %parallel_loop3A_403 = arith.constant 9.842520e-04 : f32
        %parallel_loop3A_404 = vector.broadcast %parallel_loop3A_402 : f32 to vector<16xf32>
        %parallel_loop3A_405 = vector.broadcast %parallel_loop3A_403 : f32 to vector<16xf32>
        %parallel_loop3A_406 = arith.select %parallel_loop3A_401, %parallel_loop3A_404, %parallel_loop3A_405 : vector<16xi1>, vector<16xf32>
        %parallel_loop3A_407 = arith.cmpf oge, %parallel_loop3A_238, %parallel_loop3A_322 : vector<16xf32>
        %parallel_loop3A_408 = arith.constant 4.000000e+00 : f32
        %parallel_loop3A_409 = vector.broadcast %parallel_loop3A_408 : f32 to vector<16xf32>
        %parallel_loop3A_410 = arith.subf %parallel_loop3A_238, %parallel_loop3A_409 : vector<16xf32>
        %parallel_loop3A_411 = arith.constant 0.000000e+00 : f32
        %parallel_loop3A_412 = vector.broadcast %parallel_loop3A_411 : f32 to vector<16xf32>
        %parallel_loop3A_413 = arith.select %parallel_loop3A_407, %parallel_loop3A_410, %parallel_loop3A_412 : vector<16xi1>, vector<16xf32>
        %parallel_loop3A_414 = arith.mulf %parallel_loop3A_413, %parallel_loop3A_406 : vector<16xf32>
        %parallel_loop3A_415 = arith.constant 4 : i32
        %parallel_loop3A_416 = vector.broadcast %parallel_loop3A_415 : i32 to vector<16xi32>
        %parallel_loop3A_417 = arith.addi %parallel_loop3A_111, %parallel_loop3A_416 : vector<16xi32>
        tpu.vector_store_idx %arg8[%parallel_loop3A_104, %parallel_loop3A_417], %parallel_loop3A_414 : memref<56x384xf32, #tpu.memory_space<vmem>>[vector<16xi32>, vector<16xi32>], vector<16xf32>,
        %parallel_loop3A_418 = arith.constant 0.000000e+00 : f32
        %parallel_loop3A_419 = vector.broadcast %parallel_loop3A_418 : f32 to vector<16xf32>
        %parallel_loop3A_420 = arith.cmpf olt, %parallel_loop3A_135, %parallel_loop3A_419 : vector<16xf32>
        %parallel_loop3A_421 = arith.constant -9.842520e-04 : f32
        %parallel_loop3A_422 = arith.constant 9.842520e-04 : f32
        %parallel_loop3A_423 = vector.broadcast %parallel_loop3A_421 : f32 to vector<16xf32>
        %parallel_loop3A_424 = vector.broadcast %parallel_loop3A_422 : f32 to vector<16xf32>
        %parallel_loop3A_425 = arith.select %parallel_loop3A_420, %parallel_loop3A_423, %parallel_loop3A_424 : vector<16xi1>, vector<16xf32>
        %parallel_loop3A_426 = arith.cmpf oge, %parallel_loop3A_257, %parallel_loop3A_322 : vector<16xf32>
        %parallel_loop3A_427 = arith.constant 5.000000e+00 : f32
        %parallel_loop3A_428 = vector.broadcast %parallel_loop3A_427 : f32 to vector<16xf32>
        %parallel_loop3A_429 = arith.subf %parallel_loop3A_257, %parallel_loop3A_428 : vector<16xf32>
        %parallel_loop3A_430 = arith.constant 0.000000e+00 : f32
        %parallel_loop3A_431 = vector.broadcast %parallel_loop3A_430 : f32 to vector<16xf32>
        %parallel_loop3A_432 = arith.select %parallel_loop3A_426, %parallel_loop3A_429, %parallel_loop3A_431 : vector<16xi1>, vector<16xf32>
        %parallel_loop3A_433 = arith.mulf %parallel_loop3A_432, %parallel_loop3A_425 : vector<16xf32>
        %parallel_loop3A_434 = arith.constant 5 : i32
        %parallel_loop3A_435 = vector.broadcast %parallel_loop3A_434 : i32 to vector<16xi32>
        %parallel_loop3A_436 = arith.addi %parallel_loop3A_111, %parallel_loop3A_435 : vector<16xi32>
        tpu.vector_store_idx %arg8[%parallel_loop3A_104, %parallel_loop3A_436], %parallel_loop3A_433 : memref<56x384xf32, #tpu.memory_space<vmem>>[vector<16xi32>, vector<16xi32>], vector<16xf32>,
        %parallel_loop3A_437 = arith.constant 0.000000e+00 : f32
        %parallel_loop3A_438 = vector.broadcast %parallel_loop3A_437 : f32 to vector<16xf32>
        %parallel_loop3A_439 = arith.cmpf olt, %parallel_loop3A_139, %parallel_loop3A_438 : vector<16xf32>
        %parallel_loop3A_440 = arith.constant -9.842520e-04 : f32
        %parallel_loop3A_441 = arith.constant 9.842520e-04 : f32
        %parallel_loop3A_442 = vector.broadcast %parallel_loop3A_440 : f32 to vector<16xf32>
        %parallel_loop3A_443 = vector.broadcast %parallel_loop3A_441 : f32 to vector<16xf32>
        %parallel_loop3A_444 = arith.select %parallel_loop3A_439, %parallel_loop3A_442, %parallel_loop3A_443 : vector<16xi1>, vector<16xf32>
        %parallel_loop3A_445 = arith.cmpf oge, %parallel_loop3A_276, %parallel_loop3A_322 : vector<16xf32>
        %parallel_loop3A_446 = arith.constant 6.000000e+00 : f32
        %parallel_loop3A_447 = vector.broadcast %parallel_loop3A_446 : f32 to vector<16xf32>
        %parallel_loop3A_448 = arith.subf %parallel_loop3A_276, %parallel_loop3A_447 : vector<16xf32>
        %parallel_loop3A_449 = arith.constant 0.000000e+00 : f32
        %parallel_loop3A_450 = vector.broadcast %parallel_loop3A_449 : f32 to vector<16xf32>
        %parallel_loop3A_451 = arith.select %parallel_loop3A_445, %parallel_loop3A_448, %parallel_loop3A_450 : vector<16xi1>, vector<16xf32>
        %parallel_loop3A_452 = arith.mulf %parallel_loop3A_451, %parallel_loop3A_444 : vector<16xf32>
        %parallel_loop3A_453 = arith.constant 6 : i32
        %parallel_loop3A_454 = vector.broadcast %parallel_loop3A_453 : i32 to vector<16xi32>
        %parallel_loop3A_455 = arith.addi %parallel_loop3A_111, %parallel_loop3A_454 : vector<16xi32>
        tpu.vector_store_idx %arg8[%parallel_loop3A_104, %parallel_loop3A_455], %parallel_loop3A_452 : memref<56x384xf32, #tpu.memory_space<vmem>>[vector<16xi32>, vector<16xi32>], vector<16xf32>,
        %parallel_loop3A_456 = arith.constant 0.000000e+00 : f32
        %parallel_loop3A_457 = vector.broadcast %parallel_loop3A_456 : f32 to vector<16xf32>
        %parallel_loop3A_458 = arith.cmpf olt, %parallel_loop3A_143, %parallel_loop3A_457 : vector<16xf32>
        %parallel_loop3A_459 = arith.constant -9.842520e-04 : f32
        %parallel_loop3A_460 = arith.constant 9.842520e-04 : f32
        %parallel_loop3A_461 = vector.broadcast %parallel_loop3A_459 : f32 to vector<16xf32>
        %parallel_loop3A_462 = vector.broadcast %parallel_loop3A_460 : f32 to vector<16xf32>
        %parallel_loop3A_463 = arith.select %parallel_loop3A_458, %parallel_loop3A_461, %parallel_loop3A_462 : vector<16xi1>, vector<16xf32>
        %parallel_loop3A_464 = arith.cmpf oge, %parallel_loop3A_295, %parallel_loop3A_322 : vector<16xf32>
        %parallel_loop3A_465 = arith.constant 7.000000e+00 : f32
        %parallel_loop3A_466 = vector.broadcast %parallel_loop3A_465 : f32 to vector<16xf32>
        %parallel_loop3A_467 = arith.subf %parallel_loop3A_295, %parallel_loop3A_466 : vector<16xf32>
        %parallel_loop3A_468 = arith.constant 0.000000e+00 : f32
        %parallel_loop3A_469 = vector.broadcast %parallel_loop3A_468 : f32 to vector<16xf32>
        %parallel_loop3A_470 = arith.select %parallel_loop3A_464, %parallel_loop3A_467, %parallel_loop3A_469 : vector<16xi1>, vector<16xf32>
        %parallel_loop3A_471 = arith.mulf %parallel_loop3A_470, %parallel_loop3A_463 : vector<16xf32>
        %parallel_loop3A_472 = arith.constant 7 : i32
        %parallel_loop3A_473 = vector.broadcast %parallel_loop3A_472 : i32 to vector<16xi32>
        %parallel_loop3A_474 = arith.addi %parallel_loop3A_111, %parallel_loop3A_473 : vector<16xi32>
        tpu.vector_store_idx %arg8[%parallel_loop3A_104, %parallel_loop3A_474], %parallel_loop3A_471 : memref<56x384xf32, #tpu.memory_space<vmem>>[vector<16xi32>, vector<16xi32>], vector<16xf32>,
        %parallel_loop3A_475 = tpu.iota {dimensions = array<i32: 0>} : vector<16xi32>
        %parallel_loop3A_476 = arith.constant 8 : i32
        %parallel_loop3A_477 = vector.broadcast %parallel_loop3A_476 : i32 to vector<16xi32>
        %parallel_loop3A_478 = arith.muli %parallel_loop3A_475, %parallel_loop3A_477 : vector<16xi32>
        %parallel_loop3A_479 = arith.constant 128 : i32
        %parallel_loop3A_480 = vector.broadcast %parallel_loop3A_479 : i32 to vector<16xi32>
        %parallel_loop3A_481 = arith.addi %parallel_loop3A_478, %parallel_loop3A_480 : vector<16xi32>
        %parallel_loop3A_482 = arith.constant 0 : i32
        %parallel_loop3A_483 = vector.broadcast %parallel_loop3A_482 : i32 to vector<16xi32>
        %parallel_loop3A_484 = arith.addi %parallel_loop3A_481, %parallel_loop3A_483 : vector<16xi32>
        %parallel_loop3A_485 = tpu.vector_load_idx %arg6[%parallel_loop3A_104, %parallel_loop3A_484] : memref<56x384xf32, #tpu.memory_space<vmem>>[vector<16xi32>, vector<16xi32>], vector<16xf32>,
        %parallel_loop3A_486 = arith.constant 1 : i32
        %parallel_loop3A_487 = vector.broadcast %parallel_loop3A_486 : i32 to vector<16xi32>
        %parallel_loop3A_488 = arith.addi %parallel_loop3A_481, %parallel_loop3A_487 : vector<16xi32>
        %parallel_loop3A_489 = tpu.vector_load_idx %arg6[%parallel_loop3A_104, %parallel_loop3A_488] : memref<56x384xf32, #tpu.memory_space<vmem>>[vector<16xi32>, vector<16xi32>], vector<16xf32>,
        %parallel_loop3A_490 = arith.constant 2 : i32
        %parallel_loop3A_491 = vector.broadcast %parallel_loop3A_490 : i32 to vector<16xi32>
        %parallel_loop3A_492 = arith.addi %parallel_loop3A_481, %parallel_loop3A_491 : vector<16xi32>
        %parallel_loop3A_493 = tpu.vector_load_idx %arg6[%parallel_loop3A_104, %parallel_loop3A_492] : memref<56x384xf32, #tpu.memory_space<vmem>>[vector<16xi32>, vector<16xi32>], vector<16xf32>,
        %parallel_loop3A_494 = arith.constant 3 : i32
        %parallel_loop3A_495 = vector.broadcast %parallel_loop3A_494 : i32 to vector<16xi32>
        %parallel_loop3A_496 = arith.addi %parallel_loop3A_481, %parallel_loop3A_495 : vector<16xi32>
        %parallel_loop3A_497 = tpu.vector_load_idx %arg6[%parallel_loop3A_104, %parallel_loop3A_496] : memref<56x384xf32, #tpu.memory_space<vmem>>[vector<16xi32>, vector<16xi32>], vector<16xf32>,
        %parallel_loop3A_498 = arith.constant 4 : i32
        %parallel_loop3A_499 = vector.broadcast %parallel_loop3A_498 : i32 to vector<16xi32>
        %parallel_loop3A_500 = arith.addi %parallel_loop3A_481, %parallel_loop3A_499 : vector<16xi32>
        %parallel_loop3A_501 = tpu.vector_load_idx %arg6[%parallel_loop3A_104, %parallel_loop3A_500] : memref<56x384xf32, #tpu.memory_space<vmem>>[vector<16xi32>, vector<16xi32>], vector<16xf32>,
        %parallel_loop3A_502 = arith.constant 5 : i32
        %parallel_loop3A_503 = vector.broadcast %parallel_loop3A_502 : i32 to vector<16xi32>
        %parallel_loop3A_504 = arith.addi %parallel_loop3A_481, %parallel_loop3A_503 : vector<16xi32>
        %parallel_loop3A_505 = tpu.vector_load_idx %arg6[%parallel_loop3A_104, %parallel_loop3A_504] : memref<56x384xf32, #tpu.memory_space<vmem>>[vector<16xi32>, vector<16xi32>], vector<16xf32>,
        %parallel_loop3A_506 = arith.constant 6 : i32
        %parallel_loop3A_507 = vector.broadcast %parallel_loop3A_506 : i32 to vector<16xi32>
        %parallel_loop3A_508 = arith.addi %parallel_loop3A_481, %parallel_loop3A_507 : vector<16xi32>
        %parallel_loop3A_509 = tpu.vector_load_idx %arg6[%parallel_loop3A_104, %parallel_loop3A_508] : memref<56x384xf32, #tpu.memory_space<vmem>>[vector<16xi32>, vector<16xi32>], vector<16xf32>,
        %parallel_loop3A_510 = arith.constant 7 : i32
        %parallel_loop3A_511 = vector.broadcast %parallel_loop3A_510 : i32 to vector<16xi32>
        %parallel_loop3A_512 = arith.addi %parallel_loop3A_481, %parallel_loop3A_511 : vector<16xi32>
        %parallel_loop3A_513 = tpu.vector_load_idx %arg6[%parallel_loop3A_104, %parallel_loop3A_512] : memref<56x384xf32, #tpu.memory_space<vmem>>[vector<16xi32>, vector<16xi32>], vector<16xf32>,
        %parallel_loop3A_514 = math.absf %parallel_loop3A_485 : vector<16xf32>
        %parallel_loop3A_515 = arith.constant -2.000000e+00 : f32
        %parallel_loop3A_516 = vector.broadcast %parallel_loop3A_515 : f32 to vector<16xf32>
        %parallel_loop3A_517 = arith.mulf %parallel_loop3A_514, %parallel_loop3A_516 : vector<16xf32>
        %parallel_loop3A_518 = math.exp %parallel_loop3A_517 : vector<16xf32>
        %parallel_loop3A_519 = arith.constant 1.000000e+00 : f32
        %parallel_loop3A_520 = vector.broadcast %parallel_loop3A_519 : f32 to vector<16xf32>
        %parallel_loop3A_521 = arith.addf %parallel_loop3A_520, %parallel_loop3A_518 : vector<16xf32>
        %parallel_loop3A_522 = arith.divf %add3A_2, %parallel_loop3A_521 : vector<16xf32>
        %parallel_loop3A_523 = arith.subf %parallel_loop3A_522, %get3A_1 : vector<16xf32>
        %parallel_loop3A_524 = arith.constant 0x4CC00000 : f32
        %parallel_loop3A_525 = vector.broadcast %parallel_loop3A_524 : f32 to vector<16xf32>
        %parallel_loop3A_526 = arith.addf %parallel_loop3A_523, %parallel_loop3A_525 : vector<16xf32>
        %parallel_loop3A_527 = arith.constant 0x4CC00000 : f32
        %parallel_loop3A_528 = vector.broadcast %parallel_loop3A_527 : f32 to vector<16xf32>
        %parallel_loop3A_529 = arith.subf %parallel_loop3A_526, %parallel_loop3A_528 : vector<16xf32>
        %parallel_loop3A_530 = arith.constant 0.000000e+00 : f32
        %parallel_loop3A_531 = vector.broadcast %parallel_loop3A_530 : f32 to vector<16xf32>
        %parallel_loop3A_532 = arith.addf %parallel_loop3A_529, %parallel_loop3A_531 : vector<16xf32>
        %parallel_loop3A_533 = math.absf %parallel_loop3A_489 : vector<16xf32>
        %parallel_loop3A_534 = arith.constant -2.000000e+00 : f32
        %parallel_loop3A_535 = vector.broadcast %parallel_loop3A_534 : f32 to vector<16xf32>
        %parallel_loop3A_536 = arith.mulf %parallel_loop3A_533, %parallel_loop3A_535 : vector<16xf32>
        %parallel_loop3A_537 = math.exp %parallel_loop3A_536 : vector<16xf32>
        %parallel_loop3A_538 = arith.constant 1.000000e+00 : f32
        %parallel_loop3A_539 = vector.broadcast %parallel_loop3A_538 : f32 to vector<16xf32>
        %parallel_loop3A_540 = arith.addf %parallel_loop3A_539, %parallel_loop3A_537 : vector<16xf32>
        %parallel_loop3A_541 = arith.divf %add3A_2, %parallel_loop3A_540 : vector<16xf32>
        %parallel_loop3A_542 = arith.subf %parallel_loop3A_541, %get3A_1 : vector<16xf32>
        %parallel_loop3A_543 = arith.constant 0x4CC00000 : f32
        %parallel_loop3A_544 = vector.broadcast %parallel_loop3A_543 : f32 to vector<16xf32>
        %parallel_loop3A_545 = arith.addf %parallel_loop3A_542, %parallel_loop3A_544 : vector<16xf32>
        %parallel_loop3A_546 = arith.constant 0x4CC00000 : f32
        %parallel_loop3A_547 = vector.broadcast %parallel_loop3A_546 : f32 to vector<16xf32>
        %parallel_loop3A_548 = arith.subf %parallel_loop3A_545, %parallel_loop3A_547 : vector<16xf32>
        %parallel_loop3A_549 = arith.constant 1.000000e+00 : f32
        %parallel_loop3A_550 = vector.broadcast %parallel_loop3A_549 : f32 to vector<16xf32>
        %parallel_loop3A_551 = arith.addf %parallel_loop3A_548, %parallel_loop3A_550 : vector<16xf32>
        %parallel_loop3A_552 = math.absf %parallel_loop3A_493 : vector<16xf32>
        %parallel_loop3A_553 = arith.constant -2.000000e+00 : f32
        %parallel_loop3A_554 = vector.broadcast %parallel_loop3A_553 : f32 to vector<16xf32>
        %parallel_loop3A_555 = arith.mulf %parallel_loop3A_552, %parallel_loop3A_554 : vector<16xf32>
        %parallel_loop3A_556 = math.exp %parallel_loop3A_555 : vector<16xf32>
        %parallel_loop3A_557 = arith.constant 1.000000e+00 : f32
        %parallel_loop3A_558 = vector.broadcast %parallel_loop3A_557 : f32 to vector<16xf32>
        %parallel_loop3A_559 = arith.addf %parallel_loop3A_558, %parallel_loop3A_556 : vector<16xf32>
        %parallel_loop3A_560 = arith.divf %add3A_2, %parallel_loop3A_559 : vector<16xf32>
        %parallel_loop3A_561 = arith.subf %parallel_loop3A_560, %get3A_1 : vector<16xf32>
        %parallel_loop3A_562 = arith.constant 0x4CC00000 : f32
        %parallel_loop3A_563 = vector.broadcast %parallel_loop3A_562 : f32 to vector<16xf32>
        %parallel_loop3A_564 = arith.addf %parallel_loop3A_561, %parallel_loop3A_563 : vector<16xf32>
        %parallel_loop3A_565 = arith.constant 0x4CC00000 : f32
        %parallel_loop3A_566 = vector.broadcast %parallel_loop3A_565 : f32 to vector<16xf32>
        %parallel_loop3A_567 = arith.subf %parallel_loop3A_564, %parallel_loop3A_566 : vector<16xf32>
        %parallel_loop3A_568 = arith.constant 2.000000e+00 : f32
        %parallel_loop3A_569 = vector.broadcast %parallel_loop3A_568 : f32 to vector<16xf32>
        %parallel_loop3A_570 = arith.addf %parallel_loop3A_567, %parallel_loop3A_569 : vector<16xf32>
        %parallel_loop3A_571 = math.absf %parallel_loop3A_497 : vector<16xf32>
        %parallel_loop3A_572 = arith.constant -2.000000e+00 : f32
        %parallel_loop3A_573 = vector.broadcast %parallel_loop3A_572 : f32 to vector<16xf32>
        %parallel_loop3A_574 = arith.mulf %parallel_loop3A_571, %parallel_loop3A_573 : vector<16xf32>
        %parallel_loop3A_575 = math.exp %parallel_loop3A_574 : vector<16xf32>
        %parallel_loop3A_576 = arith.constant 1.000000e+00 : f32
        %parallel_loop3A_577 = vector.broadcast %parallel_loop3A_576 : f32 to vector<16xf32>
        %parallel_loop3A_578 = arith.addf %parallel_loop3A_577, %parallel_loop3A_575 : vector<16xf32>
        %parallel_loop3A_579 = arith.divf %add3A_2, %parallel_loop3A_578 : vector<16xf32>
        %parallel_loop3A_580 = arith.subf %parallel_loop3A_579, %get3A_1 : vector<16xf32>
        %parallel_loop3A_581 = arith.constant 0x4CC00000 : f32
        %parallel_loop3A_582 = vector.broadcast %parallel_loop3A_581 : f32 to vector<16xf32>
        %parallel_loop3A_583 = arith.addf %parallel_loop3A_580, %parallel_loop3A_582 : vector<16xf32>
        %parallel_loop3A_584 = arith.constant 0x4CC00000 : f32
        %parallel_loop3A_585 = vector.broadcast %parallel_loop3A_584 : f32 to vector<16xf32>
        %parallel_loop3A_586 = arith.subf %parallel_loop3A_583, %parallel_loop3A_585 : vector<16xf32>
        %parallel_loop3A_587 = arith.constant 3.000000e+00 : f32
        %parallel_loop3A_588 = vector.broadcast %parallel_loop3A_587 : f32 to vector<16xf32>
        %parallel_loop3A_589 = arith.addf %parallel_loop3A_586, %parallel_loop3A_588 : vector<16xf32>
        %parallel_loop3A_590 = math.absf %parallel_loop3A_501 : vector<16xf32>
        %parallel_loop3A_591 = arith.constant -2.000000e+00 : f32
        %parallel_loop3A_592 = vector.broadcast %parallel_loop3A_591 : f32 to vector<16xf32>
        %parallel_loop3A_593 = arith.mulf %parallel_loop3A_590, %parallel_loop3A_592 : vector<16xf32>
        %parallel_loop3A_594 = math.exp %parallel_loop3A_593 : vector<16xf32>
        %parallel_loop3A_595 = arith.constant 1.000000e+00 : f32
        %parallel_loop3A_596 = vector.broadcast %parallel_loop3A_595 : f32 to vector<16xf32>
        %parallel_loop3A_597 = arith.addf %parallel_loop3A_596, %parallel_loop3A_594 : vector<16xf32>
        %parallel_loop3A_598 = arith.divf %add3A_2, %parallel_loop3A_597 : vector<16xf32>
        %parallel_loop3A_599 = arith.subf %parallel_loop3A_598, %get3A_1 : vector<16xf32>
        %parallel_loop3A_600 = arith.constant 0x4CC00000 : f32
        %parallel_loop3A_601 = vector.broadcast %parallel_loop3A_600 : f32 to vector<16xf32>
        %parallel_loop3A_602 = arith.addf %parallel_loop3A_599, %parallel_loop3A_601 : vector<16xf32>
        %parallel_loop3A_603 = arith.constant 0x4CC00000 : f32
        %parallel_loop3A_604 = vector.broadcast %parallel_loop3A_603 : f32 to vector<16xf32>
        %parallel_loop3A_605 = arith.subf %parallel_loop3A_602, %parallel_loop3A_604 : vector<16xf32>
        %parallel_loop3A_606 = arith.constant 4.000000e+00 : f32
        %parallel_loop3A_607 = vector.broadcast %parallel_loop3A_606 : f32 to vector<16xf32>
        %parallel_loop3A_608 = arith.addf %parallel_loop3A_605, %parallel_loop3A_607 : vector<16xf32>
        %parallel_loop3A_609 = math.absf %parallel_loop3A_505 : vector<16xf32>
        %parallel_loop3A_610 = arith.constant -2.000000e+00 : f32
        %parallel_loop3A_611 = vector.broadcast %parallel_loop3A_610 : f32 to vector<16xf32>
        %parallel_loop3A_612 = arith.mulf %parallel_loop3A_609, %parallel_loop3A_611 : vector<16xf32>
        %parallel_loop3A_613 = math.exp %parallel_loop3A_612 : vector<16xf32>
        %parallel_loop3A_614 = arith.constant 1.000000e+00 : f32
        %parallel_loop3A_615 = vector.broadcast %parallel_loop3A_614 : f32 to vector<16xf32>
        %parallel_loop3A_616 = arith.addf %parallel_loop3A_615, %parallel_loop3A_613 : vector<16xf32>
        %parallel_loop3A_617 = arith.divf %add3A_2, %parallel_loop3A_616 : vector<16xf32>
        %parallel_loop3A_618 = arith.subf %parallel_loop3A_617, %get3A_1 : vector<16xf32>
        %parallel_loop3A_619 = arith.constant 0x4CC00000 : f32
        %parallel_loop3A_620 = vector.broadcast %parallel_loop3A_619 : f32 to vector<16xf32>
        %parallel_loop3A_621 = arith.addf %parallel_loop3A_618, %parallel_loop3A_620 : vector<16xf32>
        %parallel_loop3A_622 = arith.constant 0x4CC00000 : f32
        %parallel_loop3A_623 = vector.broadcast %parallel_loop3A_622 : f32 to vector<16xf32>
        %parallel_loop3A_624 = arith.subf %parallel_loop3A_621, %parallel_loop3A_623 : vector<16xf32>
        %parallel_loop3A_625 = arith.constant 5.000000e+00 : f32
        %parallel_loop3A_626 = vector.broadcast %parallel_loop3A_625 : f32 to vector<16xf32>
        %parallel_loop3A_627 = arith.addf %parallel_loop3A_624, %parallel_loop3A_626 : vector<16xf32>
        %parallel_loop3A_628 = math.absf %parallel_loop3A_509 : vector<16xf32>
        %parallel_loop3A_629 = arith.constant -2.000000e+00 : f32
        %parallel_loop3A_630 = vector.broadcast %parallel_loop3A_629 : f32 to vector<16xf32>
        %parallel_loop3A_631 = arith.mulf %parallel_loop3A_628, %parallel_loop3A_630 : vector<16xf32>
        %parallel_loop3A_632 = math.exp %parallel_loop3A_631 : vector<16xf32>
        %parallel_loop3A_633 = arith.constant 1.000000e+00 : f32
        %parallel_loop3A_634 = vector.broadcast %parallel_loop3A_633 : f32 to vector<16xf32>
        %parallel_loop3A_635 = arith.addf %parallel_loop3A_634, %parallel_loop3A_632 : vector<16xf32>
        %parallel_loop3A_636 = arith.divf %add3A_2, %parallel_loop3A_635 : vector<16xf32>
        %parallel_loop3A_637 = arith.subf %parallel_loop3A_636, %get3A_1 : vector<16xf32>
        %parallel_loop3A_638 = arith.constant 0x4CC00000 : f32
        %parallel_loop3A_639 = vector.broadcast %parallel_loop3A_638 : f32 to vector<16xf32>
        %parallel_loop3A_640 = arith.addf %parallel_loop3A_637, %parallel_loop3A_639 : vector<16xf32>
        %parallel_loop3A_641 = arith.constant 0x4CC00000 : f32
        %parallel_loop3A_642 = vector.broadcast %parallel_loop3A_641 : f32 to vector<16xf32>
        %parallel_loop3A_643 = arith.subf %parallel_loop3A_640, %parallel_loop3A_642 : vector<16xf32>
        %parallel_loop3A_644 = arith.constant 6.000000e+00 : f32
        %parallel_loop3A_645 = vector.broadcast %parallel_loop3A_644 : f32 to vector<16xf32>
        %parallel_loop3A_646 = arith.addf %parallel_loop3A_643, %parallel_loop3A_645 : vector<16xf32>
        %parallel_loop3A_647 = math.absf %parallel_loop3A_513 : vector<16xf32>
        %parallel_loop3A_648 = arith.constant -2.000000e+00 : f32
        %parallel_loop3A_649 = vector.broadcast %parallel_loop3A_648 : f32 to vector<16xf32>
        %parallel_loop3A_650 = arith.mulf %parallel_loop3A_647, %parallel_loop3A_649 : vector<16xf32>
        %parallel_loop3A_651 = math.exp %parallel_loop3A_650 : vector<16xf32>
        %parallel_loop3A_652 = arith.constant 1.000000e+00 : f32
        %parallel_loop3A_653 = vector.broadcast %parallel_loop3A_652 : f32 to vector<16xf32>
        %parallel_loop3A_654 = arith.addf %parallel_loop3A_653, %parallel_loop3A_651 : vector<16xf32>
        %parallel_loop3A_655 = arith.divf %add3A_2, %parallel_loop3A_654 : vector<16xf32>
        %parallel_loop3A_656 = arith.subf %parallel_loop3A_655, %get3A_1 : vector<16xf32>
        %parallel_loop3A_657 = arith.constant 0x4CC00000 : f32
        %parallel_loop3A_658 = vector.broadcast %parallel_loop3A_657 : f32 to vector<16xf32>
        %parallel_loop3A_659 = arith.addf %parallel_loop3A_656, %parallel_loop3A_658 : vector<16xf32>
        %parallel_loop3A_660 = arith.constant 0x4CC00000 : f32
        %parallel_loop3A_661 = vector.broadcast %parallel_loop3A_660 : f32 to vector<16xf32>
        %parallel_loop3A_662 = arith.subf %parallel_loop3A_659, %parallel_loop3A_661 : vector<16xf32>
        %parallel_loop3A_663 = arith.constant 7.000000e+00 : f32
        %parallel_loop3A_664 = vector.broadcast %parallel_loop3A_663 : f32 to vector<16xf32>
        %parallel_loop3A_665 = arith.addf %parallel_loop3A_662, %parallel_loop3A_664 : vector<16xf32>
        %parallel_loop3A_666 = arith.minimumf %parallel_loop3A_532, %parallel_loop3A_551 : vector<16xf32>
        %parallel_loop3A_667 = arith.maximumf %parallel_loop3A_532, %parallel_loop3A_551 : vector<16xf32>
        %parallel_loop3A_668 = arith.minimumf %parallel_loop3A_570, %parallel_loop3A_589 : vector<16xf32>
        %parallel_loop3A_669 = arith.maximumf %parallel_loop3A_570, %parallel_loop3A_589 : vector<16xf32>
        %parallel_loop3A_670 = arith.minimumf %parallel_loop3A_666, %parallel_loop3A_668 : vector<16xf32>
        %parallel_loop3A_671 = arith.maximumf %parallel_loop3A_666, %parallel_loop3A_668 : vector<16xf32>
        %parallel_loop3A_672 = arith.minimumf %parallel_loop3A_667, %parallel_loop3A_669 : vector<16xf32>
        %parallel_loop3A_673 = arith.maximumf %parallel_loop3A_667, %parallel_loop3A_669 : vector<16xf32>
        %parallel_loop3A_674 = arith.minimumf %parallel_loop3A_672, %parallel_loop3A_671 : vector<16xf32>
        %parallel_loop3A_675 = arith.maximumf %parallel_loop3A_672, %parallel_loop3A_671 : vector<16xf32>
        %parallel_loop3A_676 = arith.minimumf %parallel_loop3A_608, %parallel_loop3A_627 : vector<16xf32>
        %parallel_loop3A_677 = arith.maximumf %parallel_loop3A_608, %parallel_loop3A_627 : vector<16xf32>
        %parallel_loop3A_678 = arith.minimumf %parallel_loop3A_646, %parallel_loop3A_665 : vector<16xf32>
        %parallel_loop3A_679 = arith.maximumf %parallel_loop3A_646, %parallel_loop3A_665 : vector<16xf32>
        %parallel_loop3A_680 = arith.minimumf %parallel_loop3A_676, %parallel_loop3A_678 : vector<16xf32>
        %parallel_loop3A_681 = arith.maximumf %parallel_loop3A_676, %parallel_loop3A_678 : vector<16xf32>
        %parallel_loop3A_682 = arith.minimumf %parallel_loop3A_677, %parallel_loop3A_679 : vector<16xf32>
        %parallel_loop3A_683 = arith.maximumf %parallel_loop3A_677, %parallel_loop3A_679 : vector<16xf32>
        %parallel_loop3A_684 = arith.minimumf %parallel_loop3A_682, %parallel_loop3A_681 : vector<16xf32>
        %parallel_loop3A_685 = arith.maximumf %parallel_loop3A_682, %parallel_loop3A_681 : vector<16xf32>
        %parallel_loop3A_686 = arith.maximumf %parallel_loop3A_670, %parallel_loop3A_683 : vector<16xf32>
        %parallel_loop3A_687 = arith.maximumf %parallel_loop3A_674, %parallel_loop3A_685 : vector<16xf32>
        %parallel_loop3A_688 = arith.minimumf %parallel_loop3A_686, %parallel_loop3A_687 : vector<16xf32>
        %parallel_loop3A_689 = arith.maximumf %parallel_loop3A_675, %parallel_loop3A_684 : vector<16xf32>
        %parallel_loop3A_690 = arith.maximumf %parallel_loop3A_673, %parallel_loop3A_680 : vector<16xf32>
        %parallel_loop3A_691 = arith.minimumf %parallel_loop3A_689, %parallel_loop3A_690 : vector<16xf32>
        %parallel_loop3A_692 = arith.minimumf %parallel_loop3A_688, %parallel_loop3A_691 : vector<16xf32>
        %parallel_loop3A_693 = arith.constant 0.000000e+00 : f32
        %parallel_loop3A_694 = vector.broadcast %parallel_loop3A_693 : f32 to vector<16xf32>
        %parallel_loop3A_695 = arith.cmpf olt, %parallel_loop3A_485, %parallel_loop3A_694 : vector<16xf32>
        %parallel_loop3A_696 = arith.constant -9.842520e-04 : f32
        %parallel_loop3A_697 = arith.constant 9.842520e-04 : f32
        %parallel_loop3A_698 = vector.broadcast %parallel_loop3A_696 : f32 to vector<16xf32>
        %parallel_loop3A_699 = vector.broadcast %parallel_loop3A_697 : f32 to vector<16xf32>
        %parallel_loop3A_700 = arith.select %parallel_loop3A_695, %parallel_loop3A_698, %parallel_loop3A_699 : vector<16xi1>, vector<16xf32>
        %parallel_loop3A_701 = arith.cmpf oge, %parallel_loop3A_532, %parallel_loop3A_692 : vector<16xf32>
        %parallel_loop3A_702 = arith.constant 0.000000e+00 : f32
        %parallel_loop3A_703 = vector.broadcast %parallel_loop3A_702 : f32 to vector<16xf32>
        %parallel_loop3A_704 = arith.subf %parallel_loop3A_532, %parallel_loop3A_703 : vector<16xf32>
        %parallel_loop3A_705 = arith.constant 0.000000e+00 : f32
        %parallel_loop3A_706 = vector.broadcast %parallel_loop3A_705 : f32 to vector<16xf32>
        %parallel_loop3A_707 = arith.select %parallel_loop3A_701, %parallel_loop3A_704, %parallel_loop3A_706 : vector<16xi1>, vector<16xf32>
        %parallel_loop3A_708 = arith.mulf %parallel_loop3A_707, %parallel_loop3A_700 : vector<16xf32>
        %parallel_loop3A_709 = arith.constant 0 : i32
        %parallel_loop3A_710 = vector.broadcast %parallel_loop3A_709 : i32 to vector<16xi32>
        %parallel_loop3A_711 = arith.addi %parallel_loop3A_481, %parallel_loop3A_710 : vector<16xi32>
        tpu.vector_store_idx %arg8[%parallel_loop3A_104, %parallel_loop3A_711], %parallel_loop3A_708 : memref<56x384xf32, #tpu.memory_space<vmem>>[vector<16xi32>, vector<16xi32>], vector<16xf32>,
        %parallel_loop3A_712 = arith.constant 0.000000e+00 : f32
        %parallel_loop3A_713 = vector.broadcast %parallel_loop3A_712 : f32 to vector<16xf32>
        %parallel_loop3A_714 = arith.cmpf olt, %parallel_loop3A_489, %parallel_loop3A_713 : vector<16xf32>
        %parallel_loop3A_715 = arith.constant -9.842520e-04 : f32
        %parallel_loop3A_716 = arith.constant 9.842520e-04 : f32
        %parallel_loop3A_717 = vector.broadcast %parallel_loop3A_715 : f32 to vector<16xf32>
        %parallel_loop3A_718 = vector.broadcast %parallel_loop3A_716 : f32 to vector<16xf32>
        %parallel_loop3A_719 = arith.select %parallel_loop3A_714, %parallel_loop3A_717, %parallel_loop3A_718 : vector<16xi1>, vector<16xf32>
        %parallel_loop3A_720 = arith.cmpf oge, %parallel_loop3A_551, %parallel_loop3A_692 : vector<16xf32>
        %parallel_loop3A_721 = arith.constant 1.000000e+00 : f32
        %parallel_loop3A_722 = vector.broadcast %parallel_loop3A_721 : f32 to vector<16xf32>
        %parallel_loop3A_723 = arith.subf %parallel_loop3A_551, %parallel_loop3A_722 : vector<16xf32>
        %parallel_loop3A_724 = arith.constant 0.000000e+00 : f32
        %parallel_loop3A_725 = vector.broadcast %parallel_loop3A_724 : f32 to vector<16xf32>
        %parallel_loop3A_726 = arith.select %parallel_loop3A_720, %parallel_loop3A_723, %parallel_loop3A_725 : vector<16xi1>, vector<16xf32>
        %parallel_loop3A_727 = arith.mulf %parallel_loop3A_726, %parallel_loop3A_719 : vector<16xf32>
        %parallel_loop3A_728 = arith.constant 1 : i32
        %parallel_loop3A_729 = vector.broadcast %parallel_loop3A_728 : i32 to vector<16xi32>
        %parallel_loop3A_730 = arith.addi %parallel_loop3A_481, %parallel_loop3A_729 : vector<16xi32>
        tpu.vector_store_idx %arg8[%parallel_loop3A_104, %parallel_loop3A_730], %parallel_loop3A_727 : memref<56x384xf32, #tpu.memory_space<vmem>>[vector<16xi32>, vector<16xi32>], vector<16xf32>,
        %parallel_loop3A_731 = arith.constant 0.000000e+00 : f32
        %parallel_loop3A_732 = vector.broadcast %parallel_loop3A_731 : f32 to vector<16xf32>
        %parallel_loop3A_733 = arith.cmpf olt, %parallel_loop3A_493, %parallel_loop3A_732 : vector<16xf32>
        %parallel_loop3A_734 = arith.constant -9.842520e-04 : f32
        %parallel_loop3A_735 = arith.constant 9.842520e-04 : f32
        %parallel_loop3A_736 = vector.broadcast %parallel_loop3A_734 : f32 to vector<16xf32>
        %parallel_loop3A_737 = vector.broadcast %parallel_loop3A_735 : f32 to vector<16xf32>
        %parallel_loop3A_738 = arith.select %parallel_loop3A_733, %parallel_loop3A_736, %parallel_loop3A_737 : vector<16xi1>, vector<16xf32>
        %parallel_loop3A_739 = arith.cmpf oge, %parallel_loop3A_570, %parallel_loop3A_692 : vector<16xf32>
        %parallel_loop3A_740 = arith.constant 2.000000e+00 : f32
        %parallel_loop3A_741 = vector.broadcast %parallel_loop3A_740 : f32 to vector<16xf32>
        %parallel_loop3A_742 = arith.subf %parallel_loop3A_570, %parallel_loop3A_741 : vector<16xf32>
        %parallel_loop3A_743 = arith.constant 0.000000e+00 : f32
        %parallel_loop3A_744 = vector.broadcast %parallel_loop3A_743 : f32 to vector<16xf32>
        %parallel_loop3A_745 = arith.select %parallel_loop3A_739, %parallel_loop3A_742, %parallel_loop3A_744 : vector<16xi1>, vector<16xf32>
        %parallel_loop3A_746 = arith.mulf %parallel_loop3A_745, %parallel_loop3A_738 : vector<16xf32>
        %parallel_loop3A_747 = arith.constant 2 : i32
        %parallel_loop3A_748 = vector.broadcast %parallel_loop3A_747 : i32 to vector<16xi32>
        %parallel_loop3A_749 = arith.addi %parallel_loop3A_481, %parallel_loop3A_748 : vector<16xi32>
        tpu.vector_store_idx %arg8[%parallel_loop3A_104, %parallel_loop3A_749], %parallel_loop3A_746 : memref<56x384xf32, #tpu.memory_space<vmem>>[vector<16xi32>, vector<16xi32>], vector<16xf32>,
        %parallel_loop3A_750 = arith.constant 0.000000e+00 : f32
        %parallel_loop3A_751 = vector.broadcast %parallel_loop3A_750 : f32 to vector<16xf32>
        %parallel_loop3A_752 = arith.cmpf olt, %parallel_loop3A_497, %parallel_loop3A_751 : vector<16xf32>
        %parallel_loop3A_753 = arith.constant -9.842520e-04 : f32
        %parallel_loop3A_754 = arith.constant 9.842520e-04 : f32
        %parallel_loop3A_755 = vector.broadcast %parallel_loop3A_753 : f32 to vector<16xf32>
        %parallel_loop3A_756 = vector.broadcast %parallel_loop3A_754 : f32 to vector<16xf32>
        %parallel_loop3A_757 = arith.select %parallel_loop3A_752, %parallel_loop3A_755, %parallel_loop3A_756 : vector<16xi1>, vector<16xf32>
        %parallel_loop3A_758 = arith.cmpf oge, %parallel_loop3A_589, %parallel_loop3A_692 : vector<16xf32>
        %parallel_loop3A_759 = arith.constant 3.000000e+00 : f32
        %parallel_loop3A_760 = vector.broadcast %parallel_loop3A_759 : f32 to vector<16xf32>
        %parallel_loop3A_761 = arith.subf %parallel_loop3A_589, %parallel_loop3A_760 : vector<16xf32>
        %parallel_loop3A_762 = arith.constant 0.000000e+00 : f32
        %parallel_loop3A_763 = vector.broadcast %parallel_loop3A_762 : f32 to vector<16xf32>
        %parallel_loop3A_764 = arith.select %parallel_loop3A_758, %parallel_loop3A_761, %parallel_loop3A_763 : vector<16xi1>, vector<16xf32>
        %parallel_loop3A_765 = arith.mulf %parallel_loop3A_764, %parallel_loop3A_757 : vector<16xf32>
        %parallel_loop3A_766 = arith.constant 3 : i32
        %parallel_loop3A_767 = vector.broadcast %parallel_loop3A_766 : i32 to vector<16xi32>
        %parallel_loop3A_768 = arith.addi %parallel_loop3A_481, %parallel_loop3A_767 : vector<16xi32>
        tpu.vector_store_idx %arg8[%parallel_loop3A_104, %parallel_loop3A_768], %parallel_loop3A_765 : memref<56x384xf32, #tpu.memory_space<vmem>>[vector<16xi32>, vector<16xi32>], vector<16xf32>,
        %parallel_loop3A_769 = arith.constant 0.000000e+00 : f32
        %parallel_loop3A_770 = vector.broadcast %parallel_loop3A_769 : f32 to vector<16xf32>
        %parallel_loop3A_771 = arith.cmpf olt, %parallel_loop3A_501, %parallel_loop3A_770 : vector<16xf32>
        %parallel_loop3A_772 = arith.constant -9.842520e-04 : f32
        %parallel_loop3A_773 = arith.constant 9.842520e-04 : f32
        %parallel_loop3A_774 = vector.broadcast %parallel_loop3A_772 : f32 to vector<16xf32>
        %parallel_loop3A_775 = vector.broadcast %parallel_loop3A_773 : f32 to vector<16xf32>
        %parallel_loop3A_776 = arith.select %parallel_loop3A_771, %parallel_loop3A_774, %parallel_loop3A_775 : vector<16xi1>, vector<16xf32>
        %parallel_loop3A_777 = arith.cmpf oge, %parallel_loop3A_608, %parallel_loop3A_692 : vector<16xf32>
        %parallel_loop3A_778 = arith.constant 4.000000e+00 : f32
        %parallel_loop3A_779 = vector.broadcast %parallel_loop3A_778 : f32 to vector<16xf32>
        %parallel_loop3A_780 = arith.subf %parallel_loop3A_608, %parallel_loop3A_779 : vector<16xf32>
        %parallel_loop3A_781 = arith.constant 0.000000e+00 : f32
        %parallel_loop3A_782 = vector.broadcast %parallel_loop3A_781 : f32 to vector<16xf32>
        %parallel_loop3A_783 = arith.select %parallel_loop3A_777, %parallel_loop3A_780, %parallel_loop3A_782 : vector<16xi1>, vector<16xf32>
        %parallel_loop3A_784 = arith.mulf %parallel_loop3A_783, %parallel_loop3A_776 : vector<16xf32>
        %parallel_loop3A_785 = arith.constant 4 : i32
        %parallel_loop3A_786 = vector.broadcast %parallel_loop3A_785 : i32 to vector<16xi32>
        %parallel_loop3A_787 = arith.addi %parallel_loop3A_481, %parallel_loop3A_786 : vector<16xi32>
        tpu.vector_store_idx %arg8[%parallel_loop3A_104, %parallel_loop3A_787], %parallel_loop3A_784 : memref<56x384xf32, #tpu.memory_space<vmem>>[vector<16xi32>, vector<16xi32>], vector<16xf32>,
        %parallel_loop3A_788 = arith.constant 0.000000e+00 : f32
        %parallel_loop3A_789 = vector.broadcast %parallel_loop3A_788 : f32 to vector<16xf32>
        %parallel_loop3A_790 = arith.cmpf olt, %parallel_loop3A_505, %parallel_loop3A_789 : vector<16xf32>
        %parallel_loop3A_791 = arith.constant -9.842520e-04 : f32
        %parallel_loop3A_792 = arith.constant 9.842520e-04 : f32
        %parallel_loop3A_793 = vector.broadcast %parallel_loop3A_791 : f32 to vector<16xf32>
        %parallel_loop3A_794 = vector.broadcast %parallel_loop3A_792 : f32 to vector<16xf32>
        %parallel_loop3A_795 = arith.select %parallel_loop3A_790, %parallel_loop3A_793, %parallel_loop3A_794 : vector<16xi1>, vector<16xf32>
        %parallel_loop3A_796 = arith.cmpf oge, %parallel_loop3A_627, %parallel_loop3A_692 : vector<16xf32>
        %parallel_loop3A_797 = arith.constant 5.000000e+00 : f32
        %parallel_loop3A_798 = vector.broadcast %parallel_loop3A_797 : f32 to vector<16xf32>
        %parallel_loop3A_799 = arith.subf %parallel_loop3A_627, %parallel_loop3A_798 : vector<16xf32>
        %parallel_loop3A_800 = arith.constant 0.000000e+00 : f32
        %parallel_loop3A_801 = vector.broadcast %parallel_loop3A_800 : f32 to vector<16xf32>
        %parallel_loop3A_802 = arith.select %parallel_loop3A_796, %parallel_loop3A_799, %parallel_loop3A_801 : vector<16xi1>, vector<16xf32>
        %parallel_loop3A_803 = arith.mulf %parallel_loop3A_802, %parallel_loop3A_795 : vector<16xf32>
        %parallel_loop3A_804 = arith.constant 5 : i32
        %parallel_loop3A_805 = vector.broadcast %parallel_loop3A_804 : i32 to vector<16xi32>
        %parallel_loop3A_806 = arith.addi %parallel_loop3A_481, %parallel_loop3A_805 : vector<16xi32>
        tpu.vector_store_idx %arg8[%parallel_loop3A_104, %parallel_loop3A_806], %parallel_loop3A_803 : memref<56x384xf32, #tpu.memory_space<vmem>>[vector<16xi32>, vector<16xi32>], vector<16xf32>,
        %parallel_loop3A_807 = arith.constant 0.000000e+00 : f32
        %parallel_loop3A_808 = vector.broadcast %parallel_loop3A_807 : f32 to vector<16xf32>
        %parallel_loop3A_809 = arith.cmpf olt, %parallel_loop3A_509, %parallel_loop3A_808 : vector<16xf32>
        %parallel_loop3A_810 = arith.constant -9.842520e-04 : f32
        %parallel_loop3A_811 = arith.constant 9.842520e-04 : f32
        %parallel_loop3A_812 = vector.broadcast %parallel_loop3A_810 : f32 to vector<16xf32>
        %parallel_loop3A_813 = vector.broadcast %parallel_loop3A_811 : f32 to vector<16xf32>
        %parallel_loop3A_814 = arith.select %parallel_loop3A_809, %parallel_loop3A_812, %parallel_loop3A_813 : vector<16xi1>, vector<16xf32>
        %parallel_loop3A_815 = arith.cmpf oge, %parallel_loop3A_646, %parallel_loop3A_692 : vector<16xf32>
        %parallel_loop3A_816 = arith.constant 6.000000e+00 : f32
        %parallel_loop3A_817 = vector.broadcast %parallel_loop3A_816 : f32 to vector<16xf32>
        %parallel_loop3A_818 = arith.subf %parallel_loop3A_646, %parallel_loop3A_817 : vector<16xf32>
        %parallel_loop3A_819 = arith.constant 0.000000e+00 : f32
        %parallel_loop3A_820 = vector.broadcast %parallel_loop3A_819 : f32 to vector<16xf32>
        %parallel_loop3A_821 = arith.select %parallel_loop3A_815, %parallel_loop3A_818, %parallel_loop3A_820 : vector<16xi1>, vector<16xf32>
        %parallel_loop3A_822 = arith.mulf %parallel_loop3A_821, %parallel_loop3A_814 : vector<16xf32>
        %parallel_loop3A_823 = arith.constant 6 : i32
        %parallel_loop3A_824 = vector.broadcast %parallel_loop3A_823 : i32 to vector<16xi32>
        %parallel_loop3A_825 = arith.addi %parallel_loop3A_481, %parallel_loop3A_824 : vector<16xi32>
        tpu.vector_store_idx %arg8[%parallel_loop3A_104, %parallel_loop3A_825], %parallel_loop3A_822 : memref<56x384xf32, #tpu.memory_space<vmem>>[vector<16xi32>, vector<16xi32>], vector<16xf32>,
        %parallel_loop3A_826 = arith.constant 0.000000e+00 : f32
        %parallel_loop3A_827 = vector.broadcast %parallel_loop3A_826 : f32 to vector<16xf32>
        %parallel_loop3A_828 = arith.cmpf olt, %parallel_loop3A_513, %parallel_loop3A_827 : vector<16xf32>
        %parallel_loop3A_829 = arith.constant -9.842520e-04 : f32
        %parallel_loop3A_830 = arith.constant 9.842520e-04 : f32
        %parallel_loop3A_831 = vector.broadcast %parallel_loop3A_829 : f32 to vector<16xf32>
        %parallel_loop3A_832 = vector.broadcast %parallel_loop3A_830 : f32 to vector<16xf32>
        %parallel_loop3A_833 = arith.select %parallel_loop3A_828, %parallel_loop3A_831, %parallel_loop3A_832 : vector<16xi1>, vector<16xf32>
        %parallel_loop3A_834 = arith.cmpf oge, %parallel_loop3A_665, %parallel_loop3A_692 : vector<16xf32>
        %parallel_loop3A_835 = arith.constant 7.000000e+00 : f32
        %parallel_loop3A_836 = vector.broadcast %parallel_loop3A_835 : f32 to vector<16xf32>
        %parallel_loop3A_837 = arith.subf %parallel_loop3A_665, %parallel_loop3A_836 : vector<16xf32>
        %parallel_loop3A_838 = arith.constant 0.000000e+00 : f32
        %parallel_loop3A_839 = vector.broadcast %parallel_loop3A_838 : f32 to vector<16xf32>
        %parallel_loop3A_840 = arith.select %parallel_loop3A_834, %parallel_loop3A_837, %parallel_loop3A_839 : vector<16xi1>, vector<16xf32>
        %parallel_loop3A_841 = arith.mulf %parallel_loop3A_840, %parallel_loop3A_833 : vector<16xf32>
        %parallel_loop3A_842 = arith.constant 7 : i32
        %parallel_loop3A_843 = vector.broadcast %parallel_loop3A_842 : i32 to vector<16xi32>
        %parallel_loop3A_844 = arith.addi %parallel_loop3A_481, %parallel_loop3A_843 : vector<16xi32>
        tpu.vector_store_idx %arg8[%parallel_loop3A_104, %parallel_loop3A_844], %parallel_loop3A_841 : memref<56x384xf32, #tpu.memory_space<vmem>>[vector<16xi32>, vector<16xi32>], vector<16xf32>,
        %parallel_loop3A_845 = tpu.iota {dimensions = array<i32: 0>} : vector<16xi32>
        %parallel_loop3A_846 = arith.constant 8 : i32
        %parallel_loop3A_847 = vector.broadcast %parallel_loop3A_846 : i32 to vector<16xi32>
        %parallel_loop3A_848 = arith.muli %parallel_loop3A_845, %parallel_loop3A_847 : vector<16xi32>
        %parallel_loop3A_849 = arith.constant 256 : i32
        %parallel_loop3A_850 = vector.broadcast %parallel_loop3A_849 : i32 to vector<16xi32>
        %parallel_loop3A_851 = arith.addi %parallel_loop3A_848, %parallel_loop3A_850 : vector<16xi32>
        %parallel_loop3A_852 = arith.constant 0 : i32
        %parallel_loop3A_853 = vector.broadcast %parallel_loop3A_852 : i32 to vector<16xi32>
        %parallel_loop3A_854 = arith.addi %parallel_loop3A_851, %parallel_loop3A_853 : vector<16xi32>
        %parallel_loop3A_855 = tpu.vector_load_idx %arg6[%parallel_loop3A_104, %parallel_loop3A_854] : memref<56x384xf32, #tpu.memory_space<vmem>>[vector<16xi32>, vector<16xi32>], vector<16xf32>,
        %parallel_loop3A_856 = arith.constant 1 : i32
        %parallel_loop3A_857 = vector.broadcast %parallel_loop3A_856 : i32 to vector<16xi32>
        %parallel_loop3A_858 = arith.addi %parallel_loop3A_851, %parallel_loop3A_857 : vector<16xi32>
        %parallel_loop3A_859 = tpu.vector_load_idx %arg6[%parallel_loop3A_104, %parallel_loop3A_858] : memref<56x384xf32, #tpu.memory_space<vmem>>[vector<16xi32>, vector<16xi32>], vector<16xf32>,
        %parallel_loop3A_860 = arith.constant 2 : i32
        %parallel_loop3A_861 = vector.broadcast %parallel_loop3A_860 : i32 to vector<16xi32>
        %parallel_loop3A_862 = arith.addi %parallel_loop3A_851, %parallel_loop3A_861 : vector<16xi32>
        %parallel_loop3A_863 = tpu.vector_load_idx %arg6[%parallel_loop3A_104, %parallel_loop3A_862] : memref<56x384xf32, #tpu.memory_space<vmem>>[vector<16xi32>, vector<16xi32>], vector<16xf32>,
        %parallel_loop3A_864 = arith.constant 3 : i32
        %parallel_loop3A_865 = vector.broadcast %parallel_loop3A_864 : i32 to vector<16xi32>
        %parallel_loop3A_866 = arith.addi %parallel_loop3A_851, %parallel_loop3A_865 : vector<16xi32>
        %parallel_loop3A_867 = tpu.vector_load_idx %arg6[%parallel_loop3A_104, %parallel_loop3A_866] : memref<56x384xf32, #tpu.memory_space<vmem>>[vector<16xi32>, vector<16xi32>], vector<16xf32>,
        %parallel_loop3A_868 = arith.constant 4 : i32
        %parallel_loop3A_869 = vector.broadcast %parallel_loop3A_868 : i32 to vector<16xi32>
        %parallel_loop3A_870 = arith.addi %parallel_loop3A_851, %parallel_loop3A_869 : vector<16xi32>
        %parallel_loop3A_871 = tpu.vector_load_idx %arg6[%parallel_loop3A_104, %parallel_loop3A_870] : memref<56x384xf32, #tpu.memory_space<vmem>>[vector<16xi32>, vector<16xi32>], vector<16xf32>,
        %parallel_loop3A_872 = arith.constant 5 : i32
        %parallel_loop3A_873 = vector.broadcast %parallel_loop3A_872 : i32 to vector<16xi32>
        %parallel_loop3A_874 = arith.addi %parallel_loop3A_851, %parallel_loop3A_873 : vector<16xi32>
        %parallel_loop3A_875 = tpu.vector_load_idx %arg6[%parallel_loop3A_104, %parallel_loop3A_874] : memref<56x384xf32, #tpu.memory_space<vmem>>[vector<16xi32>, vector<16xi32>], vector<16xf32>,
        %parallel_loop3A_876 = arith.constant 6 : i32
        %parallel_loop3A_877 = vector.broadcast %parallel_loop3A_876 : i32 to vector<16xi32>
        %parallel_loop3A_878 = arith.addi %parallel_loop3A_851, %parallel_loop3A_877 : vector<16xi32>
        %parallel_loop3A_879 = tpu.vector_load_idx %arg6[%parallel_loop3A_104, %parallel_loop3A_878] : memref<56x384xf32, #tpu.memory_space<vmem>>[vector<16xi32>, vector<16xi32>], vector<16xf32>,
        %parallel_loop3A_880 = arith.constant 7 : i32
        %parallel_loop3A_881 = vector.broadcast %parallel_loop3A_880 : i32 to vector<16xi32>
        %parallel_loop3A_882 = arith.addi %parallel_loop3A_851, %parallel_loop3A_881 : vector<16xi32>
        %parallel_loop3A_883 = tpu.vector_load_idx %arg6[%parallel_loop3A_104, %parallel_loop3A_882] : memref<56x384xf32, #tpu.memory_space<vmem>>[vector<16xi32>, vector<16xi32>], vector<16xf32>,
        %parallel_loop3A_884 = math.absf %parallel_loop3A_855 : vector<16xf32>
        %parallel_loop3A_885 = arith.constant -2.000000e+00 : f32
        %parallel_loop3A_886 = vector.broadcast %parallel_loop3A_885 : f32 to vector<16xf32>
        %parallel_loop3A_887 = arith.mulf %parallel_loop3A_884, %parallel_loop3A_886 : vector<16xf32>
        %parallel_loop3A_888 = math.exp %parallel_loop3A_887 : vector<16xf32>
        %parallel_loop3A_889 = arith.constant 1.000000e+00 : f32
        %parallel_loop3A_890 = vector.broadcast %parallel_loop3A_889 : f32 to vector<16xf32>
        %parallel_loop3A_891 = arith.addf %parallel_loop3A_890, %parallel_loop3A_888 : vector<16xf32>
        %parallel_loop3A_892 = arith.divf %add3A_2, %parallel_loop3A_891 : vector<16xf32>
        %parallel_loop3A_893 = arith.subf %parallel_loop3A_892, %get3A_1 : vector<16xf32>
        %parallel_loop3A_894 = arith.constant 0x4CC00000 : f32
        %parallel_loop3A_895 = vector.broadcast %parallel_loop3A_894 : f32 to vector<16xf32>
        %parallel_loop3A_896 = arith.addf %parallel_loop3A_893, %parallel_loop3A_895 : vector<16xf32>
        %parallel_loop3A_897 = arith.constant 0x4CC00000 : f32
        %parallel_loop3A_898 = vector.broadcast %parallel_loop3A_897 : f32 to vector<16xf32>
        %parallel_loop3A_899 = arith.subf %parallel_loop3A_896, %parallel_loop3A_898 : vector<16xf32>
        %parallel_loop3A_900 = arith.constant 0.000000e+00 : f32
        %parallel_loop3A_901 = vector.broadcast %parallel_loop3A_900 : f32 to vector<16xf32>
        %parallel_loop3A_902 = arith.addf %parallel_loop3A_899, %parallel_loop3A_901 : vector<16xf32>
        %parallel_loop3A_903 = math.absf %parallel_loop3A_859 : vector<16xf32>
        %parallel_loop3A_904 = arith.constant -2.000000e+00 : f32
        %parallel_loop3A_905 = vector.broadcast %parallel_loop3A_904 : f32 to vector<16xf32>
        %parallel_loop3A_906 = arith.mulf %parallel_loop3A_903, %parallel_loop3A_905 : vector<16xf32>
        %parallel_loop3A_907 = math.exp %parallel_loop3A_906 : vector<16xf32>
        %parallel_loop3A_908 = arith.constant 1.000000e+00 : f32
        %parallel_loop3A_909 = vector.broadcast %parallel_loop3A_908 : f32 to vector<16xf32>
        %parallel_loop3A_910 = arith.addf %parallel_loop3A_909, %parallel_loop3A_907 : vector<16xf32>
        %parallel_loop3A_911 = arith.divf %add3A_2, %parallel_loop3A_910 : vector<16xf32>
        %parallel_loop3A_912 = arith.subf %parallel_loop3A_911, %get3A_1 : vector<16xf32>
        %parallel_loop3A_913 = arith.constant 0x4CC00000 : f32
        %parallel_loop3A_914 = vector.broadcast %parallel_loop3A_913 : f32 to vector<16xf32>
        %parallel_loop3A_915 = arith.addf %parallel_loop3A_912, %parallel_loop3A_914 : vector<16xf32>
        %parallel_loop3A_916 = arith.constant 0x4CC00000 : f32
        %parallel_loop3A_917 = vector.broadcast %parallel_loop3A_916 : f32 to vector<16xf32>
        %parallel_loop3A_918 = arith.subf %parallel_loop3A_915, %parallel_loop3A_917 : vector<16xf32>
        %parallel_loop3A_919 = arith.constant 1.000000e+00 : f32
        %parallel_loop3A_920 = vector.broadcast %parallel_loop3A_919 : f32 to vector<16xf32>
        %parallel_loop3A_921 = arith.addf %parallel_loop3A_918, %parallel_loop3A_920 : vector<16xf32>
        %parallel_loop3A_922 = math.absf %parallel_loop3A_863 : vector<16xf32>
        %parallel_loop3A_923 = arith.constant -2.000000e+00 : f32
        %parallel_loop3A_924 = vector.broadcast %parallel_loop3A_923 : f32 to vector<16xf32>
        %parallel_loop3A_925 = arith.mulf %parallel_loop3A_922, %parallel_loop3A_924 : vector<16xf32>
        %parallel_loop3A_926 = math.exp %parallel_loop3A_925 : vector<16xf32>
        %parallel_loop3A_927 = arith.constant 1.000000e+00 : f32
        %parallel_loop3A_928 = vector.broadcast %parallel_loop3A_927 : f32 to vector<16xf32>
        %parallel_loop3A_929 = arith.addf %parallel_loop3A_928, %parallel_loop3A_926 : vector<16xf32>
        %parallel_loop3A_930 = arith.divf %add3A_2, %parallel_loop3A_929 : vector<16xf32>
        %parallel_loop3A_931 = arith.subf %parallel_loop3A_930, %get3A_1 : vector<16xf32>
        %parallel_loop3A_932 = arith.constant 0x4CC00000 : f32
        %parallel_loop3A_933 = vector.broadcast %parallel_loop3A_932 : f32 to vector<16xf32>
        %parallel_loop3A_934 = arith.addf %parallel_loop3A_931, %parallel_loop3A_933 : vector<16xf32>
        %parallel_loop3A_935 = arith.constant 0x4CC00000 : f32
        %parallel_loop3A_936 = vector.broadcast %parallel_loop3A_935 : f32 to vector<16xf32>
        %parallel_loop3A_937 = arith.subf %parallel_loop3A_934, %parallel_loop3A_936 : vector<16xf32>
        %parallel_loop3A_938 = arith.constant 2.000000e+00 : f32
        %parallel_loop3A_939 = vector.broadcast %parallel_loop3A_938 : f32 to vector<16xf32>
        %parallel_loop3A_940 = arith.addf %parallel_loop3A_937, %parallel_loop3A_939 : vector<16xf32>
        %parallel_loop3A_941 = math.absf %parallel_loop3A_867 : vector<16xf32>
        %parallel_loop3A_942 = arith.constant -2.000000e+00 : f32
        %parallel_loop3A_943 = vector.broadcast %parallel_loop3A_942 : f32 to vector<16xf32>
        %parallel_loop3A_944 = arith.mulf %parallel_loop3A_941, %parallel_loop3A_943 : vector<16xf32>
        %parallel_loop3A_945 = math.exp %parallel_loop3A_944 : vector<16xf32>
        %parallel_loop3A_946 = arith.constant 1.000000e+00 : f32
        %parallel_loop3A_947 = vector.broadcast %parallel_loop3A_946 : f32 to vector<16xf32>
        %parallel_loop3A_948 = arith.addf %parallel_loop3A_947, %parallel_loop3A_945 : vector<16xf32>
        %parallel_loop3A_949 = arith.divf %add3A_2, %parallel_loop3A_948 : vector<16xf32>
        %parallel_loop3A_950 = arith.subf %parallel_loop3A_949, %get3A_1 : vector<16xf32>
        %parallel_loop3A_951 = arith.constant 0x4CC00000 : f32
        %parallel_loop3A_952 = vector.broadcast %parallel_loop3A_951 : f32 to vector<16xf32>
        %parallel_loop3A_953 = arith.addf %parallel_loop3A_950, %parallel_loop3A_952 : vector<16xf32>
        %parallel_loop3A_954 = arith.constant 0x4CC00000 : f32
        %parallel_loop3A_955 = vector.broadcast %parallel_loop3A_954 : f32 to vector<16xf32>
        %parallel_loop3A_956 = arith.subf %parallel_loop3A_953, %parallel_loop3A_955 : vector<16xf32>
        %parallel_loop3A_957 = arith.constant 3.000000e+00 : f32
        %parallel_loop3A_958 = vector.broadcast %parallel_loop3A_957 : f32 to vector<16xf32>
        %parallel_loop3A_959 = arith.addf %parallel_loop3A_956, %parallel_loop3A_958 : vector<16xf32>
        %parallel_loop3A_960 = math.absf %parallel_loop3A_871 : vector<16xf32>
        %parallel_loop3A_961 = arith.constant -2.000000e+00 : f32
        %parallel_loop3A_962 = vector.broadcast %parallel_loop3A_961 : f32 to vector<16xf32>
        %parallel_loop3A_963 = arith.mulf %parallel_loop3A_960, %parallel_loop3A_962 : vector<16xf32>
        %parallel_loop3A_964 = math.exp %parallel_loop3A_963 : vector<16xf32>
        %parallel_loop3A_965 = arith.constant 1.000000e+00 : f32
        %parallel_loop3A_966 = vector.broadcast %parallel_loop3A_965 : f32 to vector<16xf32>
        %parallel_loop3A_967 = arith.addf %parallel_loop3A_966, %parallel_loop3A_964 : vector<16xf32>
        %parallel_loop3A_968 = arith.divf %add3A_2, %parallel_loop3A_967 : vector<16xf32>
        %parallel_loop3A_969 = arith.subf %parallel_loop3A_968, %get3A_1 : vector<16xf32>
        %parallel_loop3A_970 = arith.constant 0x4CC00000 : f32
        %parallel_loop3A_971 = vector.broadcast %parallel_loop3A_970 : f32 to vector<16xf32>
        %parallel_loop3A_972 = arith.addf %parallel_loop3A_969, %parallel_loop3A_971 : vector<16xf32>
        %parallel_loop3A_973 = arith.constant 0x4CC00000 : f32
        %parallel_loop3A_974 = vector.broadcast %parallel_loop3A_973 : f32 to vector<16xf32>
        %parallel_loop3A_975 = arith.subf %parallel_loop3A_972, %parallel_loop3A_974 : vector<16xf32>
        %parallel_loop3A_976 = arith.constant 4.000000e+00 : f32
        %parallel_loop3A_977 = vector.broadcast %parallel_loop3A_976 : f32 to vector<16xf32>
        %parallel_loop3A_978 = arith.addf %parallel_loop3A_975, %parallel_loop3A_977 : vector<16xf32>
        %parallel_loop3A_979 = math.absf %parallel_loop3A_875 : vector<16xf32>
        %parallel_loop3A_980 = arith.constant -2.000000e+00 : f32
        %parallel_loop3A_981 = vector.broadcast %parallel_loop3A_980 : f32 to vector<16xf32>
        %parallel_loop3A_982 = arith.mulf %parallel_loop3A_979, %parallel_loop3A_981 : vector<16xf32>
        %parallel_loop3A_983 = math.exp %parallel_loop3A_982 : vector<16xf32>
        %parallel_loop3A_984 = arith.constant 1.000000e+00 : f32
        %parallel_loop3A_985 = vector.broadcast %parallel_loop3A_984 : f32 to vector<16xf32>
        %parallel_loop3A_986 = arith.addf %parallel_loop3A_985, %parallel_loop3A_983 : vector<16xf32>
        %parallel_loop3A_987 = arith.divf %add3A_2, %parallel_loop3A_986 : vector<16xf32>
        %parallel_loop3A_988 = arith.subf %parallel_loop3A_987, %get3A_1 : vector<16xf32>
        %parallel_loop3A_989 = arith.constant 0x4CC00000 : f32
        %parallel_loop3A_990 = vector.broadcast %parallel_loop3A_989 : f32 to vector<16xf32>
        %parallel_loop3A_991 = arith.addf %parallel_loop3A_988, %parallel_loop3A_990 : vector<16xf32>
        %parallel_loop3A_992 = arith.constant 0x4CC00000 : f32
        %parallel_loop3A_993 = vector.broadcast %parallel_loop3A_992 : f32 to vector<16xf32>
        %parallel_loop3A_994 = arith.subf %parallel_loop3A_991, %parallel_loop3A_993 : vector<16xf32>
        %parallel_loop3A_995 = arith.constant 5.000000e+00 : f32
        %parallel_loop3A_996 = vector.broadcast %parallel_loop3A_995 : f32 to vector<16xf32>
        %parallel_loop3A_997 = arith.addf %parallel_loop3A_994, %parallel_loop3A_996 : vector<16xf32>
        %parallel_loop3A_998 = math.absf %parallel_loop3A_879 : vector<16xf32>
        %parallel_loop3A_999 = arith.constant -2.000000e+00 : f32
        %parallel_loop3A_1000 = vector.broadcast %parallel_loop3A_999 : f32 to vector<16xf32>
        %parallel_loop3A_1001 = arith.mulf %parallel_loop3A_998, %parallel_loop3A_1000 : vector<16xf32>
        %parallel_loop3A_1002 = math.exp %parallel_loop3A_1001 : vector<16xf32>
        %parallel_loop3A_1003 = arith.constant 1.000000e+00 : f32
        %parallel_loop3A_1004 = vector.broadcast %parallel_loop3A_1003 : f32 to vector<16xf32>
        %parallel_loop3A_1005 = arith.addf %parallel_loop3A_1004, %parallel_loop3A_1002 : vector<16xf32>
        %parallel_loop3A_1006 = arith.divf %add3A_2, %parallel_loop3A_1005 : vector<16xf32>
        %parallel_loop3A_1007 = arith.subf %parallel_loop3A_1006, %get3A_1 : vector<16xf32>
        %parallel_loop3A_1008 = arith.constant 0x4CC00000 : f32
        %parallel_loop3A_1009 = vector.broadcast %parallel_loop3A_1008 : f32 to vector<16xf32>
        %parallel_loop3A_1010 = arith.addf %parallel_loop3A_1007, %parallel_loop3A_1009 : vector<16xf32>
        %parallel_loop3A_1011 = arith.constant 0x4CC00000 : f32
        %parallel_loop3A_1012 = vector.broadcast %parallel_loop3A_1011 : f32 to vector<16xf32>
        %parallel_loop3A_1013 = arith.subf %parallel_loop3A_1010, %parallel_loop3A_1012 : vector<16xf32>
        %parallel_loop3A_1014 = arith.constant 6.000000e+00 : f32
        %parallel_loop3A_1015 = vector.broadcast %parallel_loop3A_1014 : f32 to vector<16xf32>
        %parallel_loop3A_1016 = arith.addf %parallel_loop3A_1013, %parallel_loop3A_1015 : vector<16xf32>
        %parallel_loop3A_1017 = math.absf %parallel_loop3A_883 : vector<16xf32>
        %parallel_loop3A_1018 = arith.constant -2.000000e+00 : f32
        %parallel_loop3A_1019 = vector.broadcast %parallel_loop3A_1018 : f32 to vector<16xf32>
        %parallel_loop3A_1020 = arith.mulf %parallel_loop3A_1017, %parallel_loop3A_1019 : vector<16xf32>
        %parallel_loop3A_1021 = math.exp %parallel_loop3A_1020 : vector<16xf32>
        %parallel_loop3A_1022 = arith.constant 1.000000e+00 : f32
        %parallel_loop3A_1023 = vector.broadcast %parallel_loop3A_1022 : f32 to vector<16xf32>
        %parallel_loop3A_1024 = arith.addf %parallel_loop3A_1023, %parallel_loop3A_1021 : vector<16xf32>
        %parallel_loop3A_1025 = arith.divf %add3A_2, %parallel_loop3A_1024 : vector<16xf32>
        %parallel_loop3A_1026 = arith.subf %parallel_loop3A_1025, %get3A_1 : vector<16xf32>
        %parallel_loop3A_1027 = arith.constant 0x4CC00000 : f32
        %parallel_loop3A_1028 = vector.broadcast %parallel_loop3A_1027 : f32 to vector<16xf32>
        %parallel_loop3A_1029 = arith.addf %parallel_loop3A_1026, %parallel_loop3A_1028 : vector<16xf32>
        %parallel_loop3A_1030 = arith.constant 0x4CC00000 : f32
        %parallel_loop3A_1031 = vector.broadcast %parallel_loop3A_1030 : f32 to vector<16xf32>
        %parallel_loop3A_1032 = arith.subf %parallel_loop3A_1029, %parallel_loop3A_1031 : vector<16xf32>
        %parallel_loop3A_1033 = arith.constant 7.000000e+00 : f32
        %parallel_loop3A_1034 = vector.broadcast %parallel_loop3A_1033 : f32 to vector<16xf32>
        %parallel_loop3A_1035 = arith.addf %parallel_loop3A_1032, %parallel_loop3A_1034 : vector<16xf32>
        %parallel_loop3A_1036 = arith.minimumf %parallel_loop3A_902, %parallel_loop3A_921 : vector<16xf32>
        %parallel_loop3A_1037 = arith.maximumf %parallel_loop3A_902, %parallel_loop3A_921 : vector<16xf32>
        %parallel_loop3A_1038 = arith.minimumf %parallel_loop3A_940, %parallel_loop3A_959 : vector<16xf32>
        %parallel_loop3A_1039 = arith.maximumf %parallel_loop3A_940, %parallel_loop3A_959 : vector<16xf32>
        %parallel_loop3A_1040 = arith.minimumf %parallel_loop3A_1036, %parallel_loop3A_1038 : vector<16xf32>
        %parallel_loop3A_1041 = arith.maximumf %parallel_loop3A_1036, %parallel_loop3A_1038 : vector<16xf32>
        %parallel_loop3A_1042 = arith.minimumf %parallel_loop3A_1037, %parallel_loop3A_1039 : vector<16xf32>
        %parallel_loop3A_1043 = arith.maximumf %parallel_loop3A_1037, %parallel_loop3A_1039 : vector<16xf32>
        %parallel_loop3A_1044 = arith.minimumf %parallel_loop3A_1042, %parallel_loop3A_1041 : vector<16xf32>
        %parallel_loop3A_1045 = arith.maximumf %parallel_loop3A_1042, %parallel_loop3A_1041 : vector<16xf32>
        %parallel_loop3A_1046 = arith.minimumf %parallel_loop3A_978, %parallel_loop3A_997 : vector<16xf32>
        %parallel_loop3A_1047 = arith.maximumf %parallel_loop3A_978, %parallel_loop3A_997 : vector<16xf32>
        %parallel_loop3A_1048 = arith.minimumf %parallel_loop3A_1016, %parallel_loop3A_1035 : vector<16xf32>
        %parallel_loop3A_1049 = arith.maximumf %parallel_loop3A_1016, %parallel_loop3A_1035 : vector<16xf32>
        %parallel_loop3A_1050 = arith.minimumf %parallel_loop3A_1046, %parallel_loop3A_1048 : vector<16xf32>
        %parallel_loop3A_1051 = arith.maximumf %parallel_loop3A_1046, %parallel_loop3A_1048 : vector<16xf32>
        %parallel_loop3A_1052 = arith.minimumf %parallel_loop3A_1047, %parallel_loop3A_1049 : vector<16xf32>
        %parallel_loop3A_1053 = arith.maximumf %parallel_loop3A_1047, %parallel_loop3A_1049 : vector<16xf32>
        %parallel_loop3A_1054 = arith.minimumf %parallel_loop3A_1052, %parallel_loop3A_1051 : vector<16xf32>
        %parallel_loop3A_1055 = arith.maximumf %parallel_loop3A_1052, %parallel_loop3A_1051 : vector<16xf32>
        %parallel_loop3A_1056 = arith.maximumf %parallel_loop3A_1040, %parallel_loop3A_1053 : vector<16xf32>
        %parallel_loop3A_1057 = arith.maximumf %parallel_loop3A_1044, %parallel_loop3A_1055 : vector<16xf32>
        %parallel_loop3A_1058 = arith.minimumf %parallel_loop3A_1056, %parallel_loop3A_1057 : vector<16xf32>
        %parallel_loop3A_1059 = arith.maximumf %parallel_loop3A_1045, %parallel_loop3A_1054 : vector<16xf32>
        %parallel_loop3A_1060 = arith.maximumf %parallel_loop3A_1043, %parallel_loop3A_1050 : vector<16xf32>
        %parallel_loop3A_1061 = arith.minimumf %parallel_loop3A_1059, %parallel_loop3A_1060 : vector<16xf32>
        %parallel_loop3A_1062 = arith.minimumf %parallel_loop3A_1058, %parallel_loop3A_1061 : vector<16xf32>
        %parallel_loop3A_1063 = arith.constant 0.000000e+00 : f32
        %parallel_loop3A_1064 = vector.broadcast %parallel_loop3A_1063 : f32 to vector<16xf32>
        %parallel_loop3A_1065 = arith.cmpf olt, %parallel_loop3A_855, %parallel_loop3A_1064 : vector<16xf32>
        %parallel_loop3A_1066 = arith.constant -9.842520e-04 : f32
        %parallel_loop3A_1067 = arith.constant 9.842520e-04 : f32
        %parallel_loop3A_1068 = vector.broadcast %parallel_loop3A_1066 : f32 to vector<16xf32>
        %parallel_loop3A_1069 = vector.broadcast %parallel_loop3A_1067 : f32 to vector<16xf32>
        %parallel_loop3A_1070 = arith.select %parallel_loop3A_1065, %parallel_loop3A_1068, %parallel_loop3A_1069 : vector<16xi1>, vector<16xf32>
        %parallel_loop3A_1071 = arith.cmpf oge, %parallel_loop3A_902, %parallel_loop3A_1062 : vector<16xf32>
        %parallel_loop3A_1072 = arith.constant 0.000000e+00 : f32
        %parallel_loop3A_1073 = vector.broadcast %parallel_loop3A_1072 : f32 to vector<16xf32>
        %parallel_loop3A_1074 = arith.subf %parallel_loop3A_902, %parallel_loop3A_1073 : vector<16xf32>
        %parallel_loop3A_1075 = arith.constant 0.000000e+00 : f32
        %parallel_loop3A_1076 = vector.broadcast %parallel_loop3A_1075 : f32 to vector<16xf32>
        %parallel_loop3A_1077 = arith.select %parallel_loop3A_1071, %parallel_loop3A_1074, %parallel_loop3A_1076 : vector<16xi1>, vector<16xf32>
        %parallel_loop3A_1078 = arith.mulf %parallel_loop3A_1077, %parallel_loop3A_1070 : vector<16xf32>
        %parallel_loop3A_1079 = arith.constant 0 : i32
        %parallel_loop3A_1080 = vector.broadcast %parallel_loop3A_1079 : i32 to vector<16xi32>
        %parallel_loop3A_1081 = arith.addi %parallel_loop3A_851, %parallel_loop3A_1080 : vector<16xi32>
        tpu.vector_store_idx %arg8[%parallel_loop3A_104, %parallel_loop3A_1081], %parallel_loop3A_1078 : memref<56x384xf32, #tpu.memory_space<vmem>>[vector<16xi32>, vector<16xi32>], vector<16xf32>,
        %parallel_loop3A_1082 = arith.constant 0.000000e+00 : f32
        %parallel_loop3A_1083 = vector.broadcast %parallel_loop3A_1082 : f32 to vector<16xf32>
        %parallel_loop3A_1084 = arith.cmpf olt, %parallel_loop3A_859, %parallel_loop3A_1083 : vector<16xf32>
        %parallel_loop3A_1085 = arith.constant -9.842520e-04 : f32
        %parallel_loop3A_1086 = arith.constant 9.842520e-04 : f32
        %parallel_loop3A_1087 = vector.broadcast %parallel_loop3A_1085 : f32 to vector<16xf32>
        %parallel_loop3A_1088 = vector.broadcast %parallel_loop3A_1086 : f32 to vector<16xf32>
        %parallel_loop3A_1089 = arith.select %parallel_loop3A_1084, %parallel_loop3A_1087, %parallel_loop3A_1088 : vector<16xi1>, vector<16xf32>
        %parallel_loop3A_1090 = arith.cmpf oge, %parallel_loop3A_921, %parallel_loop3A_1062 : vector<16xf32>
        %parallel_loop3A_1091 = arith.constant 1.000000e+00 : f32
        %parallel_loop3A_1092 = vector.broadcast %parallel_loop3A_1091 : f32 to vector<16xf32>
        %parallel_loop3A_1093 = arith.subf %parallel_loop3A_921, %parallel_loop3A_1092 : vector<16xf32>
        %parallel_loop3A_1094 = arith.constant 0.000000e+00 : f32
        %parallel_loop3A_1095 = vector.broadcast %parallel_loop3A_1094 : f32 to vector<16xf32>
        %parallel_loop3A_1096 = arith.select %parallel_loop3A_1090, %parallel_loop3A_1093, %parallel_loop3A_1095 : vector<16xi1>, vector<16xf32>
        %parallel_loop3A_1097 = arith.mulf %parallel_loop3A_1096, %parallel_loop3A_1089 : vector<16xf32>
        %parallel_loop3A_1098 = arith.constant 1 : i32
        %parallel_loop3A_1099 = vector.broadcast %parallel_loop3A_1098 : i32 to vector<16xi32>
        %parallel_loop3A_1100 = arith.addi %parallel_loop3A_851, %parallel_loop3A_1099 : vector<16xi32>
        tpu.vector_store_idx %arg8[%parallel_loop3A_104, %parallel_loop3A_1100], %parallel_loop3A_1097 : memref<56x384xf32, #tpu.memory_space<vmem>>[vector<16xi32>, vector<16xi32>], vector<16xf32>,
        %parallel_loop3A_1101 = arith.constant 0.000000e+00 : f32
        %parallel_loop3A_1102 = vector.broadcast %parallel_loop3A_1101 : f32 to vector<16xf32>
        %parallel_loop3A_1103 = arith.cmpf olt, %parallel_loop3A_863, %parallel_loop3A_1102 : vector<16xf32>
        %parallel_loop3A_1104 = arith.constant -9.842520e-04 : f32
        %parallel_loop3A_1105 = arith.constant 9.842520e-04 : f32
        %parallel_loop3A_1106 = vector.broadcast %parallel_loop3A_1104 : f32 to vector<16xf32>
        %parallel_loop3A_1107 = vector.broadcast %parallel_loop3A_1105 : f32 to vector<16xf32>
        %parallel_loop3A_1108 = arith.select %parallel_loop3A_1103, %parallel_loop3A_1106, %parallel_loop3A_1107 : vector<16xi1>, vector<16xf32>
        %parallel_loop3A_1109 = arith.cmpf oge, %parallel_loop3A_940, %parallel_loop3A_1062 : vector<16xf32>
        %parallel_loop3A_1110 = arith.constant 2.000000e+00 : f32
        %parallel_loop3A_1111 = vector.broadcast %parallel_loop3A_1110 : f32 to vector<16xf32>
        %parallel_loop3A_1112 = arith.subf %parallel_loop3A_940, %parallel_loop3A_1111 : vector<16xf32>
        %parallel_loop3A_1113 = arith.constant 0.000000e+00 : f32
        %parallel_loop3A_1114 = vector.broadcast %parallel_loop3A_1113 : f32 to vector<16xf32>
        %parallel_loop3A_1115 = arith.select %parallel_loop3A_1109, %parallel_loop3A_1112, %parallel_loop3A_1114 : vector<16xi1>, vector<16xf32>
        %parallel_loop3A_1116 = arith.mulf %parallel_loop3A_1115, %parallel_loop3A_1108 : vector<16xf32>
        %parallel_loop3A_1117 = arith.constant 2 : i32
        %parallel_loop3A_1118 = vector.broadcast %parallel_loop3A_1117 : i32 to vector<16xi32>
        %parallel_loop3A_1119 = arith.addi %parallel_loop3A_851, %parallel_loop3A_1118 : vector<16xi32>
        tpu.vector_store_idx %arg8[%parallel_loop3A_104, %parallel_loop3A_1119], %parallel_loop3A_1116 : memref<56x384xf32, #tpu.memory_space<vmem>>[vector<16xi32>, vector<16xi32>], vector<16xf32>,
        %parallel_loop3A_1120 = arith.constant 0.000000e+00 : f32
        %parallel_loop3A_1121 = vector.broadcast %parallel_loop3A_1120 : f32 to vector<16xf32>
        %parallel_loop3A_1122 = arith.cmpf olt, %parallel_loop3A_867, %parallel_loop3A_1121 : vector<16xf32>
        %parallel_loop3A_1123 = arith.constant -9.842520e-04 : f32
        %parallel_loop3A_1124 = arith.constant 9.842520e-04 : f32
        %parallel_loop3A_1125 = vector.broadcast %parallel_loop3A_1123 : f32 to vector<16xf32>
        %parallel_loop3A_1126 = vector.broadcast %parallel_loop3A_1124 : f32 to vector<16xf32>
        %parallel_loop3A_1127 = arith.select %parallel_loop3A_1122, %parallel_loop3A_1125, %parallel_loop3A_1126 : vector<16xi1>, vector<16xf32>
        %parallel_loop3A_1128 = arith.cmpf oge, %parallel_loop3A_959, %parallel_loop3A_1062 : vector<16xf32>
        %parallel_loop3A_1129 = arith.constant 3.000000e+00 : f32
        %parallel_loop3A_1130 = vector.broadcast %parallel_loop3A_1129 : f32 to vector<16xf32>
        %parallel_loop3A_1131 = arith.subf %parallel_loop3A_959, %parallel_loop3A_1130 : vector<16xf32>
        %parallel_loop3A_1132 = arith.constant 0.000000e+00 : f32
        %parallel_loop3A_1133 = vector.broadcast %parallel_loop3A_1132 : f32 to vector<16xf32>
        %parallel_loop3A_1134 = arith.select %parallel_loop3A_1128, %parallel_loop3A_1131, %parallel_loop3A_1133 : vector<16xi1>, vector<16xf32>
        %parallel_loop3A_1135 = arith.mulf %parallel_loop3A_1134, %parallel_loop3A_1127 : vector<16xf32>
        %parallel_loop3A_1136 = arith.constant 3 : i32
        %parallel_loop3A_1137 = vector.broadcast %parallel_loop3A_1136 : i32 to vector<16xi32>
        %parallel_loop3A_1138 = arith.addi %parallel_loop3A_851, %parallel_loop3A_1137 : vector<16xi32>
        tpu.vector_store_idx %arg8[%parallel_loop3A_104, %parallel_loop3A_1138], %parallel_loop3A_1135 : memref<56x384xf32, #tpu.memory_space<vmem>>[vector<16xi32>, vector<16xi32>], vector<16xf32>,
        %parallel_loop3A_1139 = arith.constant 0.000000e+00 : f32
        %parallel_loop3A_1140 = vector.broadcast %parallel_loop3A_1139 : f32 to vector<16xf32>
        %parallel_loop3A_1141 = arith.cmpf olt, %parallel_loop3A_871, %parallel_loop3A_1140 : vector<16xf32>
        %parallel_loop3A_1142 = arith.constant -9.842520e-04 : f32
        %parallel_loop3A_1143 = arith.constant 9.842520e-04 : f32
        %parallel_loop3A_1144 = vector.broadcast %parallel_loop3A_1142 : f32 to vector<16xf32>
        %parallel_loop3A_1145 = vector.broadcast %parallel_loop3A_1143 : f32 to vector<16xf32>
        %parallel_loop3A_1146 = arith.select %parallel_loop3A_1141, %parallel_loop3A_1144, %parallel_loop3A_1145 : vector<16xi1>, vector<16xf32>
        %parallel_loop3A_1147 = arith.cmpf oge, %parallel_loop3A_978, %parallel_loop3A_1062 : vector<16xf32>
        %parallel_loop3A_1148 = arith.constant 4.000000e+00 : f32
        %parallel_loop3A_1149 = vector.broadcast %parallel_loop3A_1148 : f32 to vector<16xf32>
        %parallel_loop3A_1150 = arith.subf %parallel_loop3A_978, %parallel_loop3A_1149 : vector<16xf32>
        %parallel_loop3A_1151 = arith.constant 0.000000e+00 : f32
        %parallel_loop3A_1152 = vector.broadcast %parallel_loop3A_1151 : f32 to vector<16xf32>
        %parallel_loop3A_1153 = arith.select %parallel_loop3A_1147, %parallel_loop3A_1150, %parallel_loop3A_1152 : vector<16xi1>, vector<16xf32>
        %parallel_loop3A_1154 = arith.mulf %parallel_loop3A_1153, %parallel_loop3A_1146 : vector<16xf32>
        %parallel_loop3A_1155 = arith.constant 4 : i32
        %parallel_loop3A_1156 = vector.broadcast %parallel_loop3A_1155 : i32 to vector<16xi32>
        %parallel_loop3A_1157 = arith.addi %parallel_loop3A_851, %parallel_loop3A_1156 : vector<16xi32>
        tpu.vector_store_idx %arg8[%parallel_loop3A_104, %parallel_loop3A_1157], %parallel_loop3A_1154 : memref<56x384xf32, #tpu.memory_space<vmem>>[vector<16xi32>, vector<16xi32>], vector<16xf32>,
        %parallel_loop3A_1158 = arith.constant 0.000000e+00 : f32
        %parallel_loop3A_1159 = vector.broadcast %parallel_loop3A_1158 : f32 to vector<16xf32>
        %parallel_loop3A_1160 = arith.cmpf olt, %parallel_loop3A_875, %parallel_loop3A_1159 : vector<16xf32>
        %parallel_loop3A_1161 = arith.constant -9.842520e-04 : f32
        %parallel_loop3A_1162 = arith.constant 9.842520e-04 : f32
        %parallel_loop3A_1163 = vector.broadcast %parallel_loop3A_1161 : f32 to vector<16xf32>
        %parallel_loop3A_1164 = vector.broadcast %parallel_loop3A_1162 : f32 to vector<16xf32>
        %parallel_loop3A_1165 = arith.select %parallel_loop3A_1160, %parallel_loop3A_1163, %parallel_loop3A_1164 : vector<16xi1>, vector<16xf32>
        %parallel_loop3A_1166 = arith.cmpf oge, %parallel_loop3A_997, %parallel_loop3A_1062 : vector<16xf32>
        %parallel_loop3A_1167 = arith.constant 5.000000e+00 : f32
        %parallel_loop3A_1168 = vector.broadcast %parallel_loop3A_1167 : f32 to vector<16xf32>
        %parallel_loop3A_1169 = arith.subf %parallel_loop3A_997, %parallel_loop3A_1168 : vector<16xf32>
        %parallel_loop3A_1170 = arith.constant 0.000000e+00 : f32
        %parallel_loop3A_1171 = vector.broadcast %parallel_loop3A_1170 : f32 to vector<16xf32>
        %parallel_loop3A_1172 = arith.select %parallel_loop3A_1166, %parallel_loop3A_1169, %parallel_loop3A_1171 : vector<16xi1>, vector<16xf32>
        %parallel_loop3A_1173 = arith.mulf %parallel_loop3A_1172, %parallel_loop3A_1165 : vector<16xf32>
        %parallel_loop3A_1174 = arith.constant 5 : i32
        %parallel_loop3A_1175 = vector.broadcast %parallel_loop3A_1174 : i32 to vector<16xi32>
        %parallel_loop3A_1176 = arith.addi %parallel_loop3A_851, %parallel_loop3A_1175 : vector<16xi32>
        tpu.vector_store_idx %arg8[%parallel_loop3A_104, %parallel_loop3A_1176], %parallel_loop3A_1173 : memref<56x384xf32, #tpu.memory_space<vmem>>[vector<16xi32>, vector<16xi32>], vector<16xf32>,
        %parallel_loop3A_1177 = arith.constant 0.000000e+00 : f32
        %parallel_loop3A_1178 = vector.broadcast %parallel_loop3A_1177 : f32 to vector<16xf32>
        %parallel_loop3A_1179 = arith.cmpf olt, %parallel_loop3A_879, %parallel_loop3A_1178 : vector<16xf32>
        %parallel_loop3A_1180 = arith.constant -9.842520e-04 : f32
        %parallel_loop3A_1181 = arith.constant 9.842520e-04 : f32
        %parallel_loop3A_1182 = vector.broadcast %parallel_loop3A_1180 : f32 to vector<16xf32>
        %parallel_loop3A_1183 = vector.broadcast %parallel_loop3A_1181 : f32 to vector<16xf32>
        %parallel_loop3A_1184 = arith.select %parallel_loop3A_1179, %parallel_loop3A_1182, %parallel_loop3A_1183 : vector<16xi1>, vector<16xf32>
        %parallel_loop3A_1185 = arith.cmpf oge, %parallel_loop3A_1016, %parallel_loop3A_1062 : vector<16xf32>
        %parallel_loop3A_1186 = arith.constant 6.000000e+00 : f32
        %parallel_loop3A_1187 = vector.broadcast %parallel_loop3A_1186 : f32 to vector<16xf32>
        %parallel_loop3A_1188 = arith.subf %parallel_loop3A_1016, %parallel_loop3A_1187 : vector<16xf32>
        %parallel_loop3A_1189 = arith.constant 0.000000e+00 : f32
        %parallel_loop3A_1190 = vector.broadcast %parallel_loop3A_1189 : f32 to vector<16xf32>
        %parallel_loop3A_1191 = arith.select %parallel_loop3A_1185, %parallel_loop3A_1188, %parallel_loop3A_1190 : vector<16xi1>, vector<16xf32>
        %parallel_loop3A_1192 = arith.mulf %parallel_loop3A_1191, %parallel_loop3A_1184 : vector<16xf32>
        %parallel_loop3A_1193 = arith.constant 6 : i32
        %parallel_loop3A_1194 = vector.broadcast %parallel_loop3A_1193 : i32 to vector<16xi32>
        %parallel_loop3A_1195 = arith.addi %parallel_loop3A_851, %parallel_loop3A_1194 : vector<16xi32>
        tpu.vector_store_idx %arg8[%parallel_loop3A_104, %parallel_loop3A_1195], %parallel_loop3A_1192 : memref<56x384xf32, #tpu.memory_space<vmem>>[vector<16xi32>, vector<16xi32>], vector<16xf32>,
        %parallel_loop3A_1196 = arith.constant 0.000000e+00 : f32
        %parallel_loop3A_1197 = vector.broadcast %parallel_loop3A_1196 : f32 to vector<16xf32>
        %parallel_loop3A_1198 = arith.cmpf olt, %parallel_loop3A_883, %parallel_loop3A_1197 : vector<16xf32>
        %parallel_loop3A_1199 = arith.constant -9.842520e-04 : f32
        %parallel_loop3A_1200 = arith.constant 9.842520e-04 : f32
        %parallel_loop3A_1201 = vector.broadcast %parallel_loop3A_1199 : f32 to vector<16xf32>
        %parallel_loop3A_1202 = vector.broadcast %parallel_loop3A_1200 : f32 to vector<16xf32>
        %parallel_loop3A_1203 = arith.select %parallel_loop3A_1198, %parallel_loop3A_1201, %parallel_loop3A_1202 : vector<16xi1>, vector<16xf32>
        %parallel_loop3A_1204 = arith.cmpf oge, %parallel_loop3A_1035, %parallel_loop3A_1062 : vector<16xf32>
        %parallel_loop3A_1205 = arith.constant 7.000000e+00 : f32
        %parallel_loop3A_1206 = vector.broadcast %parallel_loop3A_1205 : f32 to vector<16xf32>
        %parallel_loop3A_1207 = arith.subf %parallel_loop3A_1035, %parallel_loop3A_1206 : vector<16xf32>
        %parallel_loop3A_1208 = arith.constant 0.000000e+00 : f32
        %parallel_loop3A_1209 = vector.broadcast %parallel_loop3A_1208 : f32 to vector<16xf32>
        %parallel_loop3A_1210 = arith.select %parallel_loop3A_1204, %parallel_loop3A_1207, %parallel_loop3A_1209 : vector<16xi1>, vector<16xf32>
        %parallel_loop3A_1211 = arith.mulf %parallel_loop3A_1210, %parallel_loop3A_1203 : vector<16xf32>
        %parallel_loop3A_1212 = arith.constant 7 : i32
        %parallel_loop3A_1213 = vector.broadcast %parallel_loop3A_1212 : i32 to vector<16xi32>
        %parallel_loop3A_1214 = arith.addi %parallel_loop3A_851, %parallel_loop3A_1213 : vector<16xi32>
        tpu.vector_store_idx %arg8[%parallel_loop3A_104, %parallel_loop3A_1214], %parallel_loop3A_1211 : memref<56x384xf32, #tpu.memory_space<vmem>>[vector<16xi32>, vector<16xi32>], vector<16xf32>,
      } {sc.loop_unroll_factor = 1 : i64, sc.parallel_access}
      %add3A_89 = arith.addi %mul3A_4, %add3A_73 : i32
      %mul3A_90 = arith.constant 56 : i32
      %mul3A_91 = arith.muli %add3A_89, %mul3A_90 : i32
      %dma_start3A_92 = arith.constant 0 : i32
      %dma_start3A_93 = tpu.memref_slice %arg4[%mul3A_91, %dma_start3A_92] : memref<75264x384xf32, #tpu.memory_space<hbm>> -> memref<56x384xf32, #tpu.memory_space<hbm>>
      %dma_start3A_94 = arith.constant 0 : i32
      %dma_start3A_95 = tpu.memref_slice %arg4[%mul3A_91, %dma_start3A_94] : memref<75264x384xf32, #tpu.memory_space<hbm>> -> memref<56x384xf32, #tpu.memory_space<hbm>>
      tpu.enqueue_dma source(%arg8 : memref<56x384xf32, #tpu.memory_space<vmem>>) target(%dma_start3A_95 : memref<56x384xf32, #tpu.memory_space<hbm>>) target_semaphore(%arg13 : memref<!tpu.dma_semaphore, #tpu.memory_space<semaphore_mem>>)
      %lt3A_96 = arith.constant 20 : i32
      %lt3A_97 = arith.cmpi slt, %scan3A_42, %lt3A_96 : i32
      %convert_element_type3A_98 = arith.extui %lt3A_97 : i1 to i32
      %cond3A_99 = arith.constant 0 : i32
      %cond3A_100 = arith.cmpi ne, %convert_element_type3A_98, %cond3A_99 : i32
      scf.if %cond3A_100 {
        %add3A_102 = arith.constant 2 : i32
        %add3A_103 = arith.addi %add3A_73, %add3A_102 : i32
        %add3A_104 = arith.addi %mul3A_4, %add3A_103 : i32
        %mul3A_105 = arith.constant 56 : i32
        %mul3A_106 = arith.muli %add3A_104, %mul3A_105 : i32
        %dma_start3A_107 = arith.constant 0 : i32
        %dma_start3A_108 = tpu.memref_slice %arg2[%mul3A_106, %dma_start3A_107] : memref<75264x384xf32, #tpu.memory_space<hbm>> -> memref<56x384xf32, #tpu.memory_space<hbm>>
        %dma_start3A_109 = arith.constant 0 : i32
        %dma_start3A_110 = tpu.memref_slice %arg2[%mul3A_106, %dma_start3A_109] : memref<75264x384xf32, #tpu.memory_space<hbm>> -> memref<56x384xf32, #tpu.memory_space<hbm>>
        tpu.enqueue_dma source(%dma_start3A_110 : memref<56x384xf32, #tpu.memory_space<hbm>>) target(%arg6 : memref<56x384xf32, #tpu.memory_space<vmem>>) target_semaphore(%arg11 : memref<!tpu.dma_semaphore, #tpu.memory_space<semaphore_mem>>)
      } else {
      }
      %scan3A_101 = arith.constant 0 : i32
      scf.yield %scan3A_101 : i32
    }
    %scan3A_26 = arith.constant 21 : i32
    %add3A_27 = arith.constant 40 : i32
    %add3A_28 = arith.addi %mul3A_4, %add3A_27 : i32
    %mul3A_29 = arith.constant 56 : i32
    %mul3A_30 = arith.muli %add3A_28, %mul3A_29 : i32
    %dma_wait3A = arith.constant 0 : i32
    %dma_wait3A_31 = tpu.memref_slice %arg4[%mul3A_30, %dma_wait3A] : memref<75264x384xf32, #tpu.memory_space<hbm>> -> memref<56x384xf32, #tpu.memory_space<hbm>>
    %dma_wait3A_32 = arith.constant 0 : i32
    %dma_wait3A_33 = tpu.memref_slice %arg4[%mul3A_30, %dma_wait3A_32] : memref<75264x384xf32, #tpu.memory_space<hbm>> -> memref<56x384xf32, #tpu.memory_space<hbm>>
    tpu.wait_dma2 semaphore(%arg12 : memref<!tpu.dma_semaphore, #tpu.memory_space<semaphore_mem>>) src(%arg7 : memref<56x384xf32, #tpu.memory_space<vmem>>) dst(%dma_wait3A_33 : memref<56x384xf32, #tpu.memory_space<hbm>>)
    %add3A_34 = arith.constant 41 : i32
    %add3A_35 = arith.addi %mul3A_4, %add3A_34 : i32
    %mul3A_36 = arith.constant 56 : i32
    %mul3A_37 = arith.muli %add3A_35, %mul3A_36 : i32
    %dma_wait3A_38 = arith.constant 0 : i32
    %dma_wait3A_39 = tpu.memref_slice %arg4[%mul3A_37, %dma_wait3A_38] : memref<75264x384xf32, #tpu.memory_space<hbm>> -> memref<56x384xf32, #tpu.memory_space<hbm>>
    %dma_wait3A_40 = arith.constant 0 : i32
    %dma_wait3A_41 = tpu.memref_slice %arg4[%mul3A_37, %dma_wait3A_40] : memref<75264x384xf32, #tpu.memory_space<hbm>> -> memref<56x384xf32, #tpu.memory_space<hbm>>
    tpu.wait_dma2 semaphore(%arg13 : memref<!tpu.dma_semaphore, #tpu.memory_space<semaphore_mem>>) src(%arg8 : memref<56x384xf32, #tpu.memory_space<vmem>>) dst(%dma_wait3A_41 : memref<56x384xf32, #tpu.memory_space<hbm>>)
    return
  }
}

module attributes {stable_mosaic.version = 14 : i64} {
  func.func @_maxabs_body(%arg0: i32, %arg1: memref<4x384x384xf32, #tpu.memory_space<vmem>>, %arg2: memref<1x1xf32, #tpu.memory_space<smem>>) attributes {dimension_semantics = [#tpu.dimension_semantics<arbitrary>], iteration_bounds = array<i64: 49>, scalar_prefetch = 0 : i64, scratch_operands = 0 : i64, tpu.core_type = #tpu.core_type<tc>, window_params = [{transform_indices = @transform_0, window_bounds = array<i64: 4, 384, 384>}, {transform_indices = @transform_1, window_bounds = array<i64: 1, 1>}]} {
    %get3A = arith.constant 0 : index
    %get3A_0 = arith.constant 0 : index
    %get3A_1 = arith.constant 0 : index
    %get3A_2 = vector.load %arg1[%get3A, %get3A_0, %get3A_1] : memref<4x384x384xf32, #tpu.memory_space<vmem>>, vector<4x384x384xf32>
    %abs3A = math.absf %get3A_2 : vector<4x384x384xf32>
    %reduce_max3A = vector.shape_cast %abs3A : vector<4x384x384xf32> to vector<1x4x384x384xf32>
    %reduce_max3A_3 = arith.constant dense<0xFF800000> : vector<1xf32>
    %reduce_max3A_4 = vector.multi_reduction <maximumf>, %reduce_max3A, %reduce_max3A_3 [1, 2, 3] : vector<1x4x384x384xf32> to vector<1xf32>
    %reduce_max3A_5 = vector.shape_cast %reduce_max3A_4 : vector<1xf32> to vector<1x1x1x1xf32>
    %reduce_max3A_6 = vector.extract %reduce_max3A_5[0, 0, 0, 0] : f32 from vector<1x1x1x1xf32>
    %eq3A = arith.constant 0 : i32
    %eq3A_7 = arith.cmpi eq, %arg0, %eq3A : i32
    %convert_element_type3A = arith.extui %eq3A_7 : i1 to i32
    %cond3A = arith.constant 0 : i32
    %cond3A_8 = arith.cmpi ne, %convert_element_type3A, %cond3A : i32
    scf.if %cond3A_8 {
      %swap3A = arith.constant 0 : index
      %swap3A_13 = arith.constant 0 : index
      %swap3A_14 = memref.load %arg2[%swap3A, %swap3A_13] : memref<1x1xf32, #tpu.memory_space<smem>>
      memref.store %reduce_max3A_6, %arg2[%swap3A, %swap3A_13] : memref<1x1xf32, #tpu.memory_space<smem>>
    } else {
    }
    %gt3A = arith.constant 0 : i32
    %gt3A_9 = arith.cmpi sgt, %arg0, %gt3A : i32
    %convert_element_type3A_10 = arith.extui %gt3A_9 : i1 to i32
    %cond3A_11 = arith.constant 0 : i32
    %cond3A_12 = arith.cmpi ne, %convert_element_type3A_10, %cond3A_11 : i32
    scf.if %cond3A_12 {
      %get3A_13 = arith.constant 0 : index
      %get3A_14 = arith.constant 0 : index
      %get3A_15 = memref.load %arg2[%get3A_13, %get3A_14] : memref<1x1xf32, #tpu.memory_space<smem>>
      %max3A = arith.maximumf %get3A_15, %reduce_max3A_6 : f32
      %swap3A = arith.constant 0 : index
      %swap3A_16 = arith.constant 0 : index
      %swap3A_17 = memref.load %arg2[%swap3A, %swap3A_16] : memref<1x1xf32, #tpu.memory_space<smem>>
      memref.store %max3A, %arg2[%swap3A, %swap3A_16] : memref<1x1xf32, #tpu.memory_space<smem>>
    } else {
    }
    return
  }
  func.func @transform_0(%arg0: i32) -> (i32, i32, i32) {
    %c0_i32 = arith.constant 0 : i32
    %c0_i32_0 = arith.constant 0 : i32
    %c0_i32_1 = arith.constant 0 : i32
    return %arg0, %c0_i32, %c0_i32_0 : i32, i32, i32
  }
  func.func @transform_1(%arg0: i32) -> (i32, i32) {
    %c0_i32 = arith.constant 0 : i32
    %c0_i32_0 = arith.constant 0 : i32
    %c0_i32_1 = arith.constant 0 : i32
    return %c0_i32, %c0_i32_0 : i32, i32
  }
}

</mosaic_0001>

<sc_bundles>
// kernel: kernel.4.cloned.1.call-start
scs
__scs_entry_jumppad:
0x0: {  	(pc) =	sbr.rel $0x88, $3  }
0x1: {  	(tag) =	ssettag $0x0;
	lr =	simm.s32 $0x1  }
0x2: {  	[smem:$0x3FA0] =	sst lr;
	_ =	strace $0xD0000000  }
0x3: {  	_ = 	snop  }
0x4: {  	_ = 	snop  }
0x5: {  	_ = 	snop  }
0x6: {  	_ = 	snop  }
0x7: {  	_ = 	snop  }
__scs_overlays_trampoline_lowered:
0x8: {  	[smem:$0x3FAF] =	sst s0  }
0x9: {  	[smem:$0x3FB0] =	sst s1  }
0xa: {  	[smem:$0x3FB1] =	sst s2  }
0xb: {  	[smem:$0x3FB2] =	sst s3  }
0xc: {  	[smem:$0x3FB3] =	sst s4  }
0xd: {  	[smem:$0x3FB4] =	sst s5  }
0xe: {  	[smem:$0x3FB5] =	sst s6  }
0xf: {  	[smem:$0x3FB6] =	sst s7  }
0x10: {  	[smem:$0x3FB7] =	sst s8  }
0x11: {  	[smem:$0x3FB8] =	sst s9;
	s0 =	simm.s32 @!p0 $0x0  }
0x12: {  	s1 =	sld [smem:$0x3F9E];
	s0 =	simm.s32 @p0 $0x1  }
0x13: {  	[smem:$0x3FB9] =	sst s0;
	s0 =	simm.s32 @!p1 $0x0  }
0x14: {  	s2 =	sld [smem:$0x3F9D];
	s0 =	simm.s32 @p1 $0x1  }
0x15: {  	[smem:$0x3FBA] =	sst s0;
	s0 =	simm.s32 @!p2 $0x0  }
0x16: {  	s3 =	sld [smem:$0x3FDB];
	s0 =	simm.s32 @p2 $0x1  }
0x17: {  	s4 =	simm.s32 $0x1BF5;
	[smem:$0x3FBC] =	sst s0  }
0x18: {  	s0 =	sld [smem:$0x3F9F];
	_ =	swait.ge [sflag:s4], $0x0  }
0x19: {  	s7 =	sld [smem:$0x3FA0]  }
0x1a: {  	s8 =	sadd.s32 $0xFFFFE003, lr  }
0x1b: {  	s9 =	sadd.s32 $0xFFFFFEF7, lr;
	s5 =	simm.s32 $0xFFFFFFFF;
	p2 =	slt.u32 s8, $0xFFFFF086  }
0x1c: {  	p1 =	slt.u32 s9, $0xF7A;
	s5 =	simm.s32 @!p2 $0x0  }
0x1d: {  	s5 =	simm.s32 @p1 $0x1;
	p0 =	seq.s32 s7, s2  }
0x1e: {  	s7 =	smul.u32 @!p0 $0xF7A, s2;
	p2 =	seq.s32 @!p0 s5, $0x0  }
0x1f: {  	s9 =	smul.u32 $0xF7A, s1;
	s8 =	simm.s32 @!p0 $0x1BF5;
	p2 =	por !p2, p0  }
0x20: {  	[sflag:s8] =	ssyncset.s32 @!p0 $0xFFFFF086;
	s6 =	sadd.s32 @!p0 s3, s7;
	s7 =	simm.s32 @!p0 $0x108  }
0x21: {  	s3 =	sadd.s32 s3, s9;
	s6 =	sadd.s32 @!p0 $0x88, s6;
	s7 =	simm.s32 @p2 $0x1082  }
0x22: {  	[simem:s7], [sflag:s8] =	dma.local @!p0 [hbm:s6], $0xF7A  }
0x23: {  	s9 =	sor.u32 $0xD0000000, s2;
	s6 =	simm.s32 $0x108;
	_ =	swait.ge @!p0 [sflag:s8], $0x0  }
0x24: {  	s3 =	sadd.s32 $0x88, s3;
	s6 =	simm.s32 @!p1 $0x1082;
	[sflag:s4] =	ssyncset.s32 $0xFFFFF086  }
0x25: {  	[simem:s6], [sflag:s4] =	dma.local [hbm:s3], $0xF7A  }
0x26: {  	[smem:$0x3FA0] =	sst s1;
	(tag) =	ssettag s2;
	_ =	strace s9  }
0x27: {  	s1 =	sld [smem:$0x3FB0]  }
0x28: {  	s2 =	sld [smem:$0x3FB1]  }
0x29: {  	s4 =	sld [smem:$0x3FB3]  }
0x2a: {  	p0 =	seq.s32 s5, $0x0;
	s5 =	sld [smem:$0x3FB4]  }
0x2b: {  	s6 =	sld [smem:$0x3FB5]  }
0x2c: {  	s7 =	sld [smem:$0x3FB6]  }
0x2d: {  	s3 =	simm.s32 $0x108;
	s8 =	sld [smem:$0x3FB7]  }
0x2e: {  	s3 =	simm.s32 @!p0 $0x1082;
	s9 =	sld [smem:$0x3FB8]  }
0x2f: {  	lr =	sadd.s32 s0, s3;
	s0 =	sld [smem:$0x3FAF]  }
0x30: {  	s3 =	sld [smem:$0x3FB2]  }
0x31: {  	[smem:$0x3FBB] =	sst s10  }
0x32: {  	s10 =	sld [smem:$0x3FB9];
	_ =	sdelay $0x3  }
0x33: {  	p0 =	seq.s32 s10, $0x1;
	s10 =	sld [smem:$0x3FBB];
	_ =	sdelay $0x3  }
0x34: {  	[smem:$0x3FBB] =	sst s10  }
0x35: {  	s10 =	sld [smem:$0x3FBA];
	_ =	sdelay $0x3  }
0x36: {  	p1 =	seq.s32 s10, $0x1;
	s10 =	sld [smem:$0x3FBB];
	_ =	sdelay $0x3  }
0x37: {  	[smem:$0x3FBB] =	sst s10  }
0x38: {  	s10 =	sld [smem:$0x3FBC]  }
0x39: {  	_ = 	snop;
	(pc) =	sbr.ind lr, $3  }
0x3a: {  	_ = 	snop  }
0x3b: {  	_ = 	snop  }
0x3c: {  	p2 =	seq.s32 s10, $0x1;
	s10 =	sld [smem:$0x3FBB]  }
0x3d: {  	_ =	shalt  }
0x3e: {  	_ =	shalt  }
0x3f: {  	_ =	shalt  }
0x40: {  	_ =	shalt  }
0x41: {  	_ =	shalt  }
0x42: {  	_ =	shalt  }
0x43: {  	_ =	shalt  }
0x44: {  	_ =	shalt  }
0x45: {  	_ =	shalt  }
0x46: {  	_ =	shalt  }
0x47: {  	_ =	shalt  }
0x48: {  	_ =	shalt  }
0x49: {  	_ =	shalt  }
0x4a: {  	_ =	shalt  }
0x4b: {  	_ =	shalt  }
0x4c: {  	_ =	shalt  }
0x4d: {  	_ =	shalt  }
0x4e: {  	_ =	shalt  }
0x4f: {  	_ =	shalt  }
0x50: {  	_ =	shalt  }
0x51: {  	_ =	shalt  }
0x52: {  	_ =	shalt  }
0x53: {  	_ =	shalt  }
0x54: {  	_ =	shalt  }
0x55: {  	_ =	shalt  }
0x56: {  	_ =	shalt  }
0x57: {  	_ =	shalt  }
0x58: {  	_ =	shalt  }
0x59: {  	_ =	shalt  }
0x5a: {  	_ =	shalt  }
0x5b: {  	_ =	shalt  }
0x5c: {  	_ =	shalt  }
0x5d: {  	_ =	shalt  }
0x5e: {  	_ =	shalt  }
0x5f: {  	_ =	shalt  }
0x60: {  	_ =	shalt  }
0x61: {  	_ =	shalt  }
0x62: {  	_ =	shalt  }
0x63: {  	_ =	shalt  }
0x64: {  	_ =	shalt  }
0x65: {  	_ =	shalt  }
0x66: {  	_ =	shalt  }
0x67: {  	_ =	shalt  }
0x68: {  	_ =	shalt  }
0x69: {  	_ =	shalt  }
0x6a: {  	_ =	shalt  }
0x6b: {  	_ =	shalt  }
0x6c: {  	_ =	shalt  }
0x6d: {  	_ =	shalt  }
0x6e: {  	_ =	shalt  }
0x6f: {  	_ =	shalt  }
0x70: {  	_ =	shalt  }
0x71: {  	_ =	shalt  }
0x72: {  	_ =	shalt  }
0x73: {  	_ =	shalt  }
0x74: {  	_ =	shalt  }
0x75: {  	_ =	shalt  }
0x76: {  	_ =	shalt  }
0x77: {  	_ =	shalt  }
0x78: {  	_ =	shalt  }
0x79: {  	_ =	shalt  }
0x7a: {  	_ =	shalt  }
0x7b: {  	_ =	shalt  }
0x7c: {  	_ =	shalt  }
0x7d: {  	_ =	shalt  }
0x7e: {  	_ =	shalt  }
0x7f: {  	_ =	shalt  }
0x80: {  	_ =	shalt  }
0x81: {  	_ =	shalt  }
0x82: {  	_ =	shalt  }
0x83: {  	_ =	shalt  }
0x84: {  	_ =	shalt  }
0x85: {  	_ =	shalt  }
0x86: {  	_ =	shalt  }
0x87: {  	_ =	shalt  }
.Lfunc_end0:
.L_simem_size_0:
called_computation_lowered:
.L_overlay_start_0:
0x88: {  	s2 =	sld [smem:$0x3FD9]  }
0x89: {  	s3 =	sld [smem:$0x3FFE];
	_ =	sdelay $0x1  }
0x8a: {  	s1 =	srdreg.scid  }
0x8b: {  	s0 =	sand.u32 $0x1, s1  }
0x8c: {  	s17 =	sshll.u32 s0, $0xA;
	s2 =	sadd.s32 s3, s2  }
0x8d: {  	s2 =	sadd.s32 s2, s17  }
0x8e: {  	[smem:$0x3FC7] =	sst s2  }
0x8f: {  	_ = 	snop  }
0x90: {  	s2 =	sld [smem:$0x3FC9]  }
0x91: {  	s18 =	sld [smem:$0x3FD0];
	(tm) =	ssettm $0x1  }
0x92: {  	s4 =	sld [smem:$0x3FFB];
	_ =	sdelay $0x3  }
0x93: {  	_ =	strace s4  }
0x94: {  	s4 =	sld [smem:$0x3FFC];
	_ =	sdelay $0x3  }
0x95: {  	_ =	strace s4  }
0x96: {  	s4 =	sld [smem:$0x3FFD];
	_ =	sdelay $0x3  }
0x97: {  	_ =	strace s4  }
0x98: {  	_ =	strace $0x8FFFFFFF  }
0x99: {  	s19 =	sld [smem:$0x3FDB];
	_ =	sdelay $0x1  }
0x9a: {  	s5 =	simm.s32 $_scs_section_size  }
0x9b: {  	s6 =	simm.s32 $_size__tile_overlayer_lowered;
	s7 =	simm.s32 $_tile_overlayer_lowered  }
0x9c: {  	s22 =	simm.s32 $0x1BFF;
	s21 =	sshll.u32 s7, $0x1;
	s4 =	sadd.s32 s5, s19  }
0x9d: {  	s8 =	simm.s32 $0x0;
	s20 =	sshll.u32 s6, $0x1;
	s6 =	sadd.s32 s21, s4  }
0x9e: {  	[timem:s8], [sflag:s22] =	dma.local [hbm:s6], s20  }
0x9f: {  	_ =	swait.ge [sflag:s22], s20  }
0xa0: {  	s5 =	ssub.s32 $0x0, s20;
	[sflag:s22] =	ssyncset.done $0x0  }
0xa1: {  	[sflag:s22] =	ssyncadd.s32 s5;
	_ =	sdelay $0x1  }
0xa2: {  	s23 =	simm.s32 $0x1B8B  }
0xa3: {  	_ =	swait.ge [sflag:s23], $0x1  }
0xa4: {  	[sflag:s23] =	ssyncset.done $0x0  }
0xa5: {  	s25 =	simm.s32 $0x1B8E;
	s24 =	sld [smem:$0x3FFE];
	[sflag:s23] =	ssyncadd.s32 $0xFFFFFFFF  }
0xa6: {  	s26 =	simm.s32 $execute0_lowered;
	[smem:$0x3FD2] =	sst s25  }
0xa7: {  	s6 =	sshll.u32 s26, $0x1;
	_ =	strace $0x80000046;
	[dreg:$0x1] =	wrdreg $0xFFFFFFFF  }
0xa8: {  	s28 =	simm.s32 $_size_execute0_lowered;
	s4 =	sadd.s32 s4, s6;
	[dreg:$0x0] =	wrdreg $0x0  }
0xa9: {  	s6 =	sshll.u32 s28, $0x1;
	[dreg:$0x2] =	wrdreg s4  }
0xaa: {  	[dreg:$0x3] =	wrdreg s6  }
0xab: {  	[dreg:$0x4] =	wrdreg $0xC0  }
0xac: {  	_ =	task [dreg:s8], $0x5FFFF  }
0xad: {  	[dreg:$0x1] =	wrdreg $0xFFFFFFFF  }
0xae: {  	[dreg:$0x0] =	wrdreg $0x60  }
0xaf: {  	[dreg:$0x2] =	wrdreg s2  }
0xb0: {  	[dreg:$0x3] =	wrdreg s24  }
0xb1: {  	[dreg:$0x4] =	wrdreg s18  }
0xb2: {  	[dreg:$0x5] =	wrdreg $0x9  }
0xb3: {  	_ =	task.clear_ibuf [dreg:s8], $0x6FFFF;
	_ =	strace $0x90000046  }
0xb4: {  	s29 =	simm.s32 $0x9;
	_ =	strace $0x80000048  }
0xb5: {  	_ =	swait.ge [sflag:s29], $0x1  }
0xb6: {  	[sflag:s29] =	ssyncadd.s32 $0xFFFFFFFF  }
0xb7: {  	_ =	strace $0x90000048  }
0xb8: {  	_ =	sfence  }
0xb9: {  	s30 =	sld [smem:$0x0];
	_ =	sdelay $0x2  }
0xba: {  	s31 =	sshll.u32 s1, $0xD;
	s1 =	sshrl.u32 s1, $0x2  }
0xbb: {  	s3 =	sand.u32 $0x4000, s31;
	s1 =	sadd.s32 s1, s30  }
0xbc: {  	s0 =	sor.u32 s3, s0;
	s1 =	sshll.u32 s1, $0x11  }
0xbd: {  	s0 =	sor.u32 s1, s0  }
0xbe: {  	s0 =	sadd.s32 $0x8F2B, s0  }
0xbf: {  	[sflag:s0] =	ssyncadd.remote.s32 $0x1  }
0xc0: {  	_ =	sfence.sel $0xFFFF  }
0xc1: {  	[dreg:$0x0] =	wrdreg $0xFFFFFFFF;
	(pc) =	sbr.abs _section_cstart, $3  }
0xc2: {  	[dreg:$0x1] =	wrdreg $0xFFFFFFFF  }
0xc3: {  	_ =	task.clear_ibuf [dreg:s8], $0x2FFFF;
	_ =	strace $0x9FFFFFFF  }
0xc4: {  	(tm) =	ssettm $0x7FFFFFFF  }
0xc5: {  	_ =	shalt  }
tec
execute0_lowered:
.L_overlay_start_1:
0x0: {  	(tag) =	ssettag $0x1  }
0x1: {  	s1 =	rddreg [dreg:$0x0]  }
0x2: {  	s7 =	rddreg [dreg:$0x1];
	v0 =	vlaneseq.u32  }
0x3: {  	s3 =	rddreg [dreg:$0x2];
	s4 =	simm.s32 $0x0;
	v24 =	vmul.u32 $0x8, v0  }
0x4: {  	s2 =	srdreg.scid;
	[smem:$0x7FF] =	sst s4  }
0x5: {  	s6 =	sand.u32 $0x1, s2;
	s2 =	rddreg [dreg:$0x3];
	_ =	strace $0x80000047;
	v0 =	vor.u32 $0x400, v24;
	[tilespmem:$0x1FE90] =	vst v24  }
0x6: {  	v56 =	vor.u32 $0x1, v24;
	[tilespmem:$0x1FE80] =	vst v0  }
0x7: {  	v6 =	vor.u32 $0x402, v24;
	[tilespmem:$0x1FEA0] =	vst v56  }
0x8: {  	v7 =	vor.u32 $0x403, v24;
	[tilespmem:$0x1FEB0] =	vst v6  }
0x9: {  	v9 =	vor.u32 $0x404, v24;
	[tilespmem:$0x1FEC0] =	vst v7  }
0xa: {  	v10 =	vor.u32 $0x405, v24;
	[tilespmem:$0x1FED0] =	vst v9  }
0xb: {  	v11 =	vor.u32 $0x406, v24;
	[tilespmem:$0x1FEE0] =	vst v10  }
0xc: {  	v12 =	vor.u32 $0x407, v24;
	[tilespmem:$0x1FEF0] =	vst v11  }
0xd: {  	v17 =	vor.u32 $0x800, v24;
	[tilespmem:$0x1FF00] =	vst v12  }
0xe: {  	v18 =	vor.u32 $0x801, v24;
	[tilespmem:$0x1FF10] =	vst v17  }
0xf: {  	v21 =	vor.u32 $0x802, v24;
	[tilespmem:$0x1FF20] =	vst v18  }
0x10: {  	v63 =	vor.u32 $0x803, v24;
	[tilespmem:$0x1FF30] =	vst v21  }
0x11: {  	v1 =	vor.u32 $0x804, v24;
	[tilespmem:$0x1FF40] =	vst v63  }
0x12: {  	s0 =	stileid.u32;
	v2 =	vor.u32 $0x805, v24;
	[tilespmem:$0x1FF50] =	vst v1  }
0x13: {  	s13 =	simm.s32 $0x15000;
	s14 =	simm.s32 $0x5;
	s15 =	simm.s32 $0x5400;
	v13 =	vor.u32 $0x806, v24;
	[tilespmem:$0x1FF60] =	vst v2  }
0x14: {  	s16 =	simm.s32 $0x1;
	s17 =	simm.s32 $0xA800;
	s29 =	sshll.u32 s0, $0x1;
	v14 =	vor.u32 $0x807, v24;
	[tilespmem:$0x1FF70] =	vst v13  }
0x15: {  	s18 =	simm.s32 $0x2;
	s19 =	simm.s32 $0xFC00;
	s8 =	sor.u32 s6, s29;
	v55 =	vor.u32 $0x2, v24;
	[tilespmem:$0x1FF80] =	vst v14  }
0x16: {  	s20 =	simm.s32 $0x3;
	s21 =	simm.s32 $0x4;
	s9 =	smul.u32 $0x930, s8;
	v57 =	vor.u32 $0x3, v24;
	[tilespmem:$0x1FF90] =	vst v55  }
0x17: {  	s22 =	simm.s32 $0x0;
	s28 =	simm.s32 $0x0;
	s5 =	smul.u32 $0x2A, s8;
	v58 =	vor.u32 $0x4, v24;
	[tilespmem:$0x1FFA0] =	vst v57  }
.Ltmp0:
0x18: {  	s10 =	ssub.s32 $0x2, s6;
	v59 =	vor.u32 $0x5, v24;
	[tilespmem:$0x1FFB0] =	vst v58;
	s9 =	sadd.s32 $0x38, s9;
	(pc) =	sbr.rel .LBB2_1-.Ltmp0, $4  }
0x19: {  	s8 =	smul.u32 $0x1B900, s8;
	s31 =	sshrl.u32 s10, $0x1;
	v60 =	vor.u32 $0x6, v24;
	[tilespmem:$0x1FFC0] =	vst v59;
	s30 =	sshrl.u32 s9, $0x3  }
0x1a: {  	s6 =	sadd.s32 $0x400, s7;
	v61 =	vor.u32 $0x7, v24;
	s12 =	ssub.s32 s10, s31;
	[tilespmem:$0x1FFD0] =	vst v60;
	s11 =	smul.u32 $0x180, s30  }
0x1b: {  	v62 =	vor.u32 $0x401, v24;
	[tilespmem:$0x1FFE0] =	vst v61;
	s7 =	sadd.s32 s1, s8;
	s10 =	sor.u32 $0x1, s5;
	s12 =	smax.u32 s12, $0x1  }
0x1c: {  	v8 =	vimm.f32 $9.842519650e-04;
	[tilespmem:$0x1FFF0] =	vst v62;
	s9 =	sadd.s32 $0x2, s5;
	s8 =	sadd.s32 s1, s11;
	s11 =	sadd.s32 $0x3, s5  }
.LBB2_8:
0x1d: {  	_ =	swait.ge [sflag:s20], $0x5400  }
0x1e: {  	[sflag:s20] =	ssyncset.done $0x0  }
0x1f: {  	[sflag:s20] =	ssyncadd.s32 $0xFFFFAC00  }
0x20: {  	_ =	swait.ge [sflag:s21], $0x5400  }
0x21: {  	v24 =	vld [tilespmem:$0x1FE90]  }
0x22: {  	v6 =	vld [tilespmem:$0x1FEB0]  }
0x23: {  	v7 =	vld [tilespmem:$0x1FEC0]  }
0x24: {  	s22 =	sadd.s32 $0x1, s22;
	v9 =	vld [tilespmem:$0x1FED0]  }
0x25: {  	p0 =	sne.s32 s22, s12;
	v10 =	vld [tilespmem:$0x1FEE0]  }
.Ltmp1:
0x26: {  	v11 =	vld [tilespmem:$0x1FEF0];
	(pc) =	sbr.rel @!p0 .LBB2_9-.Ltmp1, $4  }
0x27: {  	v12 =	vld [tilespmem:$0x1FF00]  }
0x28: {  	v17 =	vld [tilespmem:$0x1FF10]  }
0x29: {  	[sflag:s21] =	ssyncset.done $0x0;
	v18 =	vld [tilespmem:$0x1FF20]  }
0x2a: {  	v21 =	vld [tilespmem:$0x1FF30];
	[sflag:s21] =	ssyncadd.s32 $0xFFFFAC00  }
.LBB2_1:
0x2b: {  	[tilespmem:s13], [sflag:$0x5] =	stream.linear.gather [hbm4b:s6+s4], $0x80, $0x38;
	[tilespmem:$0x15080] =	vst v63  }
0x2c: {  	_ =	swait.ge [sflag:s14], $0x80  }
0x2d: {  	[sflag:s14] =	ssyncset.done $0x0  }
0x2e: {  	[sflag:s14] =	ssyncadd.s32 $0xFFFFFF80  }
0x2f: {  	v25 =	vld [tilespmem:$0x15000];
	_ =	sdelay $0x2  }
0x30: {  	[tilespmem:s4], [sflag:$0x1] =	stream.linear.gather [hbm4b:s7+s4], $0x5400, $0x38;
	[tilespmem:$0x15080] =	vst v63  }
0x31: {  	s23 =	simm.s32 $0x0  }
0x32: {  	[tilespmem:s15], [sflag:$0x2] =	stream.linear.gather [hbm4b:s8+s4], $0x5400, $0x38;
	v26 =	vadd.f32 v25, v25;
	[tilespmem:$0x15080] =	vst v63  }
.LBB2_2:
0x33: {  	s24 =	simm.s32 $0x0  }
0x34: {  	v0 =	vmov s24  }
0x35: {  	v1 =	vshrl.u32 v0, $0x3  }
0x36: {  	v0 =	vshll.u32 v0, $0x7;
	v1 =	vmul.u32 $0xC00, v1  }
0x37: {  	v0 =	vand.u32 $0x380, v0  }
0x38: {  	_ =	swait.ge [sflag:s16], $0x5400;
	v27 =	vor.u32 v0, v1  }
0x39: {  	p0 =	seq.s32 s23, $0x0;
	[sflag:s16] =	ssyncset.done $0x0;
	v32 =	vor.u32 v24, v27  }
0x3a: {  	s24 =	simm.s32 @!p0 $0x3;
	[sflag:s16] =	ssyncadd.s32 $0xFFFFAC00  }
0x3b: {  	_ =	swait.ge @!p0 [sflag:s24], $0x5400;
	v31 =	vor.u32 v56, v27  }
0x3c: {  	[sflag:s24] =	ssyncset.done @!p0 $0x0;
	v13 =	vor.u32 v55, v27  }
0x3d: {  	[sflag:s24] =	ssyncadd.s32 @!p0 $0xFFFFAC00;
	v34 =	vor.u32 v57, v27  }
0x3e: {  	v14 =	vor.u32 v59, v27;
	v0 =	vld.idx.msk [tilespmem:v32+s4+$0x0], $0xffff  }
0x3f: {  	v15 =	vor.u32 v58, v27  }
0x40: {  	v1 =	vld.idx.msk [tilespmem:v31+s4+$0x0], $0xffff  }
0x41: {  	v2 =	vld.idx.msk [tilespmem:v13+s4+$0x0], $0xffff  }
0x42: {  	v36 =	vor.u32 v60, v27;
	v38 =	vld.idx.msk [tilespmem:v34+s4+$0x0], $0xffff  }
0x43: {  	v37 =	vor.u32 v61, v27;
	v40 =	vld.idx.msk [tilespmem:v14+s4+$0x0], $0xffff;
	v28 =	vand.u32 $0x7FFFFFFF, v0  }
0x44: {  	v39 =	vld.idx.msk [tilespmem:v15+s4+$0x0], $0xffff;
	v28 =	vmul.f32 $-2.000000000e+00, v28;
	_ =	sdelay $0x1  }
0x45: {  	v41 =	vand.u32 $0x7FFFFFFF, v2;
	v28 =	vmul.f32 $1.442695020e+00, v28  }
0x46: {  	v43 =	vld.idx.msk [tilespmem:v36+s4+$0x0], $0xffff;
	v29 =	vand.u32 $0x7FFFFFFF, v1;
	v42 =	vand.u32 $0x7FFFFFFF, v38;
	v41 =	vmul.f32 $-2.000000000e+00, v41  }
0x47: {  	v44 =	vld.idx.msk [tilespmem:v37+s4+$0x0], $0xffff;
	v45 =	vand.u32 $0x7FFFFFFF, v40;
	(erf) = vpow2.f32 v28;
	v28 =	vmul.f32 $-2.000000000e+00, v29  }
0x48: {  	v42 =	vmul.f32 $-2.000000000e+00, v42;
	v45 =	vmul.f32 $-2.000000000e+00, v45;
	v29 =	vand.u32 $0x7FFFFFFF, v39  }
0x49: {  	v29 =	vmul.f32 $-2.000000000e+00, v29;
	v28 =	vmul.f32 $1.442695020e+00, v28  }
0x4a: {  	v41 =	vmul.f32 $1.442695020e+00, v41;
	v42 =	vmul.f32 $1.442695020e+00, v42  }
0x4b: {  	(erf) = vpow2.f32 v28;
	v28 =	vmul.f32 $1.442695020e+00, v29;
	v29 =	vand.u32 $0x7FFFFFFF, v43  }
0x4c: {  	v35 =	vand.u32 $0x7FFFFFFF, v44;
	(erf) = vpow2.f32 v41;
	v29 =	vmul.f32 $-2.000000000e+00, v29  }
0x4d: {  	v48 =	vmul.f32 $-2.000000000e+00, v35;
	(erf) = vpow2.f32 v42  }
0x4e: {  	(erf) = vpow2.f32 v28;
	v28 =	vmul.f32 $1.442695020e+00, v29  }
0x4f: {  	v33 =	vmul.f32 $1.442695020e+00, v45  }
0x50: {  	v29 =	vmul.f32 $1.442695020e+00, v48  }
0x51: {  	(erf) = vpow2.f32 v33  }
0x52: {  	(erf) = vpow2.f32 v28;
	v28 =	vpop (erf)  }
0x53: {  	(erf) = vpow2.f32 v29;
	v28 =	vadd.f32 $1.000000000e+00, v28  }
0x54: {  	v29 =	vpop (erf)  }
0x55: {  	v49 =	vpop (erf)  }
0x56: {  	v29 =	vadd.f32 $1.000000000e+00, v29;
	v50 =	vpop (erf)  }
0x57: {  	(erf) = vrcp.f32 v28;
	v28 =	vpop (erf)  }
0x58: {  	v41 =	vadd.f32 $1.000000000e+00, v49;
	v28 =	vadd.f32 $1.000000000e+00, v28  }
0x59: {  	v42 =	vadd.f32 $1.000000000e+00, v50;
	(erf) = vrcp.f32 v29  }
0x5a: {  	(erf) = vrcp.f32 v41;
	v29 =	vpop (erf)  }
0x5b: {  	(erf) = vrcp.f32 v42;
	v51 =	vpop (erf)  }
0x5c: {  	v29 =	vadd.f32 $1.000000000e+00, v29;
	(erf) = vrcp.f32 v28;
	v28 =	vpop (erf)  }
0x5d: {  	v3 =	vld [tilespmem:$0x1FE80];
	v41 =	vadd.f32 $1.000000000e+00, v51;
	v28 =	vadd.f32 $1.000000000e+00, v28  }
0x5e: {  	(erf) = vrcp.f32 v29  }
0x5f: {  	(erf) = vrcp.f32 v41;
	_ =	sdelay $0x1  }
0x60: {  	(erf) = vrcp.f32 v28;
	v28 =	vpop (erf)  }
0x61: {  	v30 =	vadd.s32 v3, v27;
	vm0 =	vlt.f32 v0, $0.0e+00;
	vm1 =	vlt.f32 v1, $0.0e+00;
	v52 =	vpop (erf)  }
0x62: {  	vm2 =	vlt.f32 v2, $0.0e+00;
	vm3 =	vlt.f32 v38, $0.0e+00;
	v47 =	vmul.f32 v28, v26;
	v53 =	vpop (erf)  }
0x63: {  	vm4 =	vlt.f32 v39, $0.0e+00;
	v41 =	vmul.f32 v52, v26;
	v54 =	vpop (erf);
	v42 =	vmul.f32 v53, v26  }
0x64: {  	vm5 =	vlt.f32 v40, $0.0e+00;
	v47 =	vsub.f32 v47, v25;
	v46 =	vpop (erf);
	v45 =	vmul.f32 v54, v26  }
0x65: {  	v41 =	vsub.f32 v41, v25;
	v0 =	vmul.f32 v46, v26;
	v42 =	vsub.f32 v42, v25  }
0x66: {  	vm6 =	vlt.f32 v43, $0.0e+00;
	v48 =	vpop (erf);
	v58 =	vadd.f32 $1.006632960e+08, v47;
	v45 =	vsub.f32 v45, v25  }
0x67: {  	v55 =	vmul.f32 v48, v26;
	v56 =	vpop (erf);
	v41 =	vadd.f32 $1.006632960e+08, v41;
	v0 =	vsub.f32 v0, v25  }
0x68: {  	v48 =	vmul.f32 v56, v26;
	v59 =	vadd.f32 $1.006632960e+08, v42;
	v47 =	vadd.f32 $-1.006632960e+08, v58  }
0x69: {  	v33 =	vadd.s32 v62, v27;
	v49 =	vpop (erf);
	v1 =	vsub.f32 v55, v25;
	v60 =	vadd.f32 $1.006632960e+08, v45  }
0x6a: {  	v49 =	vmul.f32 v49, v26;
	v62 =	vadd.f32 $-1.006632960e+08, v41;
	v2 =	vsub.f32 v48, v25  }
0x6b: {  	vm7 =	vlt.f32 v44, $0.0e+00;
	v0 =	vadd.f32 $1.006632960e+08, v0;
	v39 =	vadd.f32 $-1.006632960e+08, v59  }
0x6c: {  	v40 =	vsel vm3, $0xBA810204, v8;
	v57 =	vsub.f32 v49, v25;
	v1 =	vadd.f32 $1.006632960e+08, v1  }
0x6d: {  	v38 =	vsel vm4, $0xBA810204, v8;
	v63 =	vadd.f32 $-1.006632960e+08, v60;
	v54 =	vadd.f32 $1.000000000e+00, v62  }
0x6e: {  	v53 =	vsel vm0, $0xBA810204, v8;
	v2 =	vadd.f32 $1.006632960e+08, v2;
	v0 =	vadd.f32 $-1.006632960e+08, v0  }
0x6f: {  	v42 =	vsel vm1, $0xBA810204, v8;
	v55 =	vadd.f32 $2.000000000e+00, v39;
	v61 =	vadd.f32 $1.006632960e+08, v57  }
0x70: {  	v41 =	vsel vm2, $0xBA810204, v8;
	v1 =	vadd.f32 $-1.006632960e+08, v1;
	v45 =	vadd.f32 $3.000000000e+00, v63  }
0x71: {  	v56 =	vadd.f32 $-1.000000000e+00, v54;
	v48 =	vmax.f32 v47, v54;
	v2 =	vadd.f32 $-1.006632960e+08, v2  }
0x72: {  	v44 =	vadd.f32 $4.000000000e+00, v0;
	v0 =	vsel vm6, $0xBA810204, v8;
	v46 =	vadd.f32 $-1.006632960e+08, v61  }
0x73: {  	v43 =	vadd.f32 $5.000000000e+00, v1;
	v49 =	vmin.f32 v55, v45;
	v50 =	vmax.f32 v55, v45  }
0x74: {  	v39 =	vadd.f32 $6.000000000e+00, v2;
	v2 =	vsel vm5, $0xBA810204, v8;
	v60 =	vmax.f32 v48, v50  }
0x75: {  	v48 =	vmin.f32 v48, v50;
	v1 =	vadd.f32 $7.000000000e+00, v46;
	v46 =	vmin.f32 v47, v54  }
0x76: {  	v51 =	vmin.f32 v44, v43;
	v52 =	vmax.f32 v44, v43;
	v57 =	vmin.f32 v46, v49  }
0x77: {  	v46 =	vmax.f32 v46, v49;
	v58 =	vmin.f32 v39, v1;
	v35 =	vmax.f32 v39, v1  }
0x78: {  	v50 =	vmin.f32 v48, v46;
	v46 =	vmax.f32 v48, v46;
	v61 =	vmin.f32 v51, v58  }
0x79: {  	v62 =	vmax.f32 v52, v35;
	v63 =	vmax.f32 v51, v58;
	v35 =	vmin.f32 v52, v35  }
0x7a: {  	v58 =	vmax.f32 v57, v62;
	v59 =	vmin.f32 v35, v63;
	v49 =	vmax.f32 v35, v63  }
0x7b: {  	v62 =	vmax.f32 v60, v61;
	v49 =	vmax.f32 v50, v49;
	v46 =	vmax.f32 v46, v59  }
0x7c: {  	v48 =	vadd.f32 $-6.000000000e+00, v39;
	v49 =	vmin.f32 v58, v49;
	v46 =	vmin.f32 v46, v62  }
0x7d: {  	v52 =	vadd.f32 $-2.000000000e+00, v55;
	v51 =	vadd.f32 $-3.000000000e+00, v45;
	v46 =	vmin.f32 v49, v46  }
0x7e: {  	v50 =	vadd.f32 $-4.000000000e+00, v44;
	v49 =	vadd.f32 $-5.000000000e+00, v43;
	vm0 =	vge.f32 v47, v46  }
0x7f: {  	s24 =	sshll.u32 s23, $0x1;
	v63 =	vnsel vm0, $0x0, v47;
	vm0 =	vge.f32 v54, v46;
	v47 =	vadd.f32 $-7.000000000e+00, v1  }
0x80: {  	s26 =	simm.s32 $0x1;
	s25 =	sadd.s32 s5, s24;
	v53 =	vmul.f32 v63, v53;
	v54 =	vnsel vm0, $0x0, v56;
	vm0 =	vge.f32 v55, v46  }
.LBB2_3:
0x81: {  	v42 =	vmul.f32 v54, v42;
	v35 =	vmovc v30;
	v52 =	vnsel vm0, $0x0, v52;
	vm0 =	vge.f32 v45, v46  }
0x82: {  	[tilespmem:v32+s17+$0x0] =	vst.idx.msk $0xffff, v53;
	v61 =	vmul.f32 v52, v41;
	v62 =	vnsel vm0, $0x0, v51;
	vm0 =	vge.f32 v44, v46  }
0x83: {  	[tilespmem:v31+s17+$0x0] =	vst.idx.msk $0xffff, v42;
	v31 =	vmul.f32 v62, v40;
	v63 =	vnsel vm0, $0x0, v50;
	vm0 =	vge.f32 v43, v46  }
0x84: {  	[tilespmem:v13+s17+$0x0] =	vst.idx.msk $0xffff, v61;
	v30 =	vmul.f32 v63, v38;
	v42 =	vnsel vm0, $0x0, v49;
	vm0 =	vge.f32 v39, v46  }
0x85: {  	[tilespmem:v34+s17+$0x0] =	vst.idx.msk $0xffff, v31;
	v2 =	vmul.f32 v42, v2;
	v31 =	vnsel vm0, $0x0, v48;
	vm0 =	vge.f32 v1, v46  }
0x86: {  	v1 =	vsel vm7, $0xBA810204, v8;
	[tilespmem:v15+s17+$0x0] =	vst.idx.msk $0xffff, v30;
	v0 =	vmul.f32 v31, v0;
	v30 =	vnsel vm0, $0x0, v47  }
0x87: {  	[tilespmem:v14+s17+$0x0] =	vst.idx.msk $0xffff, v2;
	v1 =	vmul.f32 v30, v1  }
0x88: {  	[tilespmem:v36+s17+$0x0] =	vst.idx.msk $0xffff, v0;
	v0 =	vmov s26  }
0x89: {  	[tilespmem:v37+s17+$0x0] =	vst.idx.msk $0xffff, v1;
	v1 =	vshrl.u32 v0, $0x3  }
0x8a: {  	v0 =	vshll.u32 v0, $0x7;
	v1 =	vmul.u32 $0xC00, v1  }
0x8b: {  	v0 =	vand.u32 $0x380, v0  }
0x8c: {  	v49 =	vor.u32 v0, v1;
	v0 =	vld [tilespmem:$0x1FEA0];
	_ =	sdelay $0x1  }
0x8d: {  	v55 =	vadd.s32 v6, v27  }
0x8e: {  	v3 =	vld [tilespmem:$0x1FFA0];
	v54 =	vadd.s32 v7, v27  }
0x8f: {  	v53 =	vadd.s32 v9, v27;
	v63 =	vld.idx.msk [tilespmem:v35+s4+$0x0], $0xffff  }
0x90: {  	v52 =	vadd.s32 v10, v27;
	v31 =	vor.u32 v0, v49;
	v0 =	vld [tilespmem:$0x1FF90]  }
0x91: {  	v50 =	vadd.s32 v11, v27;
	v62 =	vld.idx.msk [tilespmem:v33+s4+$0x0], $0xffff  }
0x92: {  	v51 =	vadd.s32 v12, v27;
	v61 =	vld.idx.msk [tilespmem:v55+s4+$0x0], $0xffff  }
0x93: {  	v60 =	vld.idx.msk [tilespmem:v54+s4+$0x0], $0xffff  }
0x94: {  	v59 =	vld.idx.msk [tilespmem:v53+s4+$0x0], $0xffff  }
0x95: {  	v58 =	vld.idx.msk [tilespmem:v52+s4+$0x0], $0xffff;
	v4 =	vor.u32 v0, v49;
	v0 =	vand.u32 $0x7FFFFFFF, v63  }
0x96: {  	v57 =	vld.idx.msk [tilespmem:v50+s4+$0x0], $0xffff;
	v0 =	vmul.f32 $-2.000000000e+00, v0  }
0x97: {  	v46 =	vld.idx.msk [tilespmem:v51+s4+$0x0], $0xffff;
	v32 =	vor.u32 v24, v49  }
0x98: {  	v34 =	vor.u32 v3, v49;
	v3 =	vld [tilespmem:$0x1FFB0];
	v1 =	vand.u32 $0x7FFFFFFF, v62;
	v0 =	vmul.f32 $1.442695020e+00, v0  }
0x99: {  	v2 =	vand.u32 $0x7FFFFFFF, v61;
	v43 =	vand.u32 $0x7FFFFFFF, v60;
	v44 =	vand.u32 $0x7FFFFFFF, v59  }
0x9a: {  	v45 =	vand.u32 $0x7FFFFFFF, v58;
	v1 =	vmul.f32 $-2.000000000e+00, v1;
	(erf) = vpow2.f32 v0;
	v0 =	vld [tilespmem:$0x1FFC0]  }
0x9b: {  	v47 =	vand.u32 $0x7FFFFFFF, v57;
	v2 =	vmul.f32 $-2.000000000e+00, v2;
	v36 =	vmul.f32 $-2.000000000e+00, v43  }
0x9c: {  	v56 =	vand.u32 $0x7FFFFFFF, v46;
	v37 =	vmul.f32 $-2.000000000e+00, v44;
	v38 =	vmul.f32 $-2.000000000e+00, v45  }
0x9d: {  	v48 =	vmul.f32 $-2.000000000e+00, v47;
	v1 =	vmul.f32 $1.442695020e+00, v1;
	v5 =	vor.u32 v3, v49  }
0x9e: {  	v30 =	vmov v33;
	v33 =	vmul.f32 $-2.000000000e+00, v56;
	v2 =	vmul.f32 $1.442695020e+00, v2  }
0x9f: {  	v45 =	vld.idx.msk [tilespmem:v32+s4+$0x0], $0xffff;
	(erf) = vpow2.f32 v1;
	v3 =	vor.u32 v0, v49;
	v0 =	vmul.f32 $1.442695020e+00, v36  }
0xa0: {  	v1 =	vmul.f32 $1.442695020e+00, v37;
	(erf) = vpow2.f32 v2  }
0xa1: {  	v2 =	vmul.f32 $1.442695020e+00, v38;
	(erf) = vpow2.f32 v0  }
0xa2: {  	v42 =	vld.idx.msk [tilespmem:v5+s4+$0x0], $0xffff;
	v0 =	vmul.f32 $1.442695020e+00, v48;
	(erf) = vpow2.f32 v1  }
0xa3: {  	v43 =	vld.idx.msk [tilespmem:v34+s4+$0x0], $0xffff;
	v1 =	vmul.f32 $1.442695020e+00, v33;
	(erf) = vpow2.f32 v2  }
0xa4: {  	v2 =	vand.u32 $0x7FFFFFFF, v45;
	(erf) = vpow2.f32 v0  }
0xa5: {  	v44 =	vld.idx.msk [tilespmem:v4+s4+$0x0], $0xffff;
	v0 =	vmul.f32 $-2.000000000e+00, v2;
	(erf) = vpow2.f32 v1  }
0xa6: {  	v47 =	vld.idx.msk [tilespmem:v31+s4+$0x0], $0xffff  }
0xa7: {  	vm1 =	vlt.f32 v63, $0.0e+00;
	v40 =	vand.u32 $0x7FFFFFFF, v42;
	v1 =	vld [tilespmem:$0x1FFD0];
	v0 =	vmul.f32 $1.442695020e+00, v0;
	v2 =	vpop (erf)  }
0xa8: {  	v38 =	vand.u32 $0x7FFFFFFF, v43;
	v40 =	vmul.f32 $-2.000000000e+00, v40;
	[tilespmem:$0x1FE70] =	vst v3;
	v41 =	vld.idx.msk [tilespmem:v3+s4+$0x0], $0xffff;
	v3 =	vadd.f32 $1.000000000e+00, v2;
	v48 =	vpop (erf)  }
0xa9: {  	[tilespmem:$0x1FE60] =	vst v4;
	v38 =	vmul.f32 $-2.000000000e+00, v38;
	(erf) = vpow2.f32 v0;
	v4 =	vadd.f32 $1.000000000e+00, v48;
	v56 =	vpop (erf)  }
0xaa: {  	[tilespmem:$0x1FE50] =	vst v5;
	v37 =	vand.u32 $0x7FFFFFFF, v44;
	v5 =	vadd.f32 $1.000000000e+00, v56;
	(erf) = vrcp.f32 v3;
	v2 =	vpop (erf)  }
0xab: {  	v37 =	vmul.f32 $-2.000000000e+00, v37;
	(erf) = vrcp.f32 v4;
	v3 =	vadd.f32 $1.000000000e+00, v2;
	v0 =	vpop (erf)  }
0xac: {  	v36 =	vor.u32 v1, v49;
	(erf) = vrcp.f32 v5;
	v4 =	vadd.f32 $1.000000000e+00, v0;
	v56 =	vpop (erf)  }
0xad: {  	v1 =	vand.u32 $0x7FFFFFFF, v47;
	v39 =	vadd.f32 $1.000000000e+00, v56;
	(erf) = vrcp.f32 v3;
	v2 =	vpop (erf)  }
0xae: {  	v1 =	vmul.f32 $-2.000000000e+00, v1;
	v2 =	vadd.f32 $1.000000000e+00, v2;
	(erf) = vrcp.f32 v4;
	v0 =	vpop (erf)  }
0xaf: {  	v5 =	vmul.f32 $1.442695020e+00, v38;
	v0 =	vadd.f32 $1.000000000e+00, v0;
	(erf) = vrcp.f32 v39  }
0xb0: {  	vm2 =	vlt.f32 v62, $0.0e+00;
	v1 =	vmul.f32 $1.442695020e+00, v1;
	(erf) = vrcp.f32 v2  }
0xb1: {  	v33 =	vand.u32 $0x7FFFFFFF, v41;
	v4 =	vmul.f32 $1.442695020e+00, v37;
	(erf) = vrcp.f32 v0  }
0xb2: {  	vm3 =	vlt.f32 v61, $0.0e+00;
	v3 =	vmul.f32 $-2.000000000e+00, v33;
	v56 =	vpop (erf);
	(erf) = vpow2.f32 v1  }
0xb3: {  	vm4 =	vlt.f32 v60, $0.0e+00;
	v6 =	vmul.f32 $1.442695020e+00, v40;
	v2 =	vpop (erf);
	(erf) = vpow2.f32 v4  }
0xb4: {  	vm5 =	vlt.f32 v59, $0.0e+00;
	v4 =	vmul.f32 $1.442695020e+00, v3;
	v0 =	vpop (erf);
	(erf) = vpow2.f32 v5  }
0xb5: {  	vm6 =	vlt.f32 v58, $0.0e+00;
	v1 =	vpop (erf);
	v0 =	vmul.f32 v0, v26;
	(erf) = vpow2.f32 v6  }
0xb6: {  	vm7 =	vlt.f32 v57, $0.0e+00;
	v1 =	vmul.f32 v1, v26;
	(erf) = vpow2.f32 v4;
	v3 =	vpop (erf);
	v4 =	vld [tilespmem:$0x1FFE0]  }
0xb7: {  	vm0 =	vlt.f32 v46, $0.0e+00;
	v46 =	vsel vm1, $0xBA810204, v8;
	v7 =	vsub.f32 v0, v25;
	v5 =	vpop (erf)  }
0xb8: {  	v57 =	vsel vm2, $0xBA810204, v8;
	v3 =	vmul.f32 v3, v26;
	v10 =	vsub.f32 v1, v25;
	v6 =	vpop (erf)  }
0xb9: {  	v5 =	vmul.f32 v5, v26;
	v7 =	vadd.f32 $1.006632960e+08, v7;
	v6 =	vmul.f32 v6, v26;
	v33 =	vpop (erf)  }
0xba: {  	v3 =	vsub.f32 v3, v25;
	v10 =	vadd.f32 $1.006632960e+08, v10;
	v9 =	vmul.f32 v33, v26  }
0xbb: {  	v5 =	vsub.f32 v5, v25;
	v7 =	vadd.f32 $-1.006632960e+08, v7;
	v37 =	vor.u32 v4, v49  }
0xbc: {  	v33 =	vpop (erf);
	v4 =	vmul.f32 v2, v26;
	v6 =	vsub.f32 v6, v25;
	v3 =	vadd.f32 $1.006632960e+08, v3  }
0xbd: {  	v12 =	vmul.f32 v33, v26;
	v10 =	vadd.f32 $-1.006632960e+08, v10;
	v9 =	vsub.f32 v9, v25  }
0xbe: {  	v58 =	vsel vm3, $0xBA810204, v8;
	v48 =	vld.idx.msk [tilespmem:v36+s4+$0x0], $0xffff;
	v5 =	vadd.f32 $1.006632960e+08, v5;
	v7 =	vadd.f32 $1.000000000e+00, v7  }
0xbf: {  	v59 =	vsel vm4, $0xBA810204, v8;
	v4 =	vsub.f32 v4, v25;
	v11 =	vsub.f32 v12, v25  }
0xc0: {  	v40 =	vadd.s32 v17, v27;
	v6 =	vadd.f32 $1.006632960e+08, v6;
	v3 =	vadd.f32 $-1.006632960e+08, v3  }
0xc1: {  	v38 =	vadd.s32 v21, v27;
	v10 =	vadd.f32 $2.000000000e+00, v10;
	v9 =	vadd.f32 $1.006632960e+08, v9  }
0xc2: {  	v39 =	vadd.s32 v18, v27;
	v5 =	vadd.f32 $-1.006632960e+08, v5;
	v13 =	vadd.f32 $-1.000000000e+00, v7  }
0xc3: {  	v2 =	vand.u32 $0x7FFFFFFF, v48;
	v4 =	vadd.f32 $1.006632960e+08, v4;
	v11 =	vadd.f32 $1.006632960e+08, v11  }
0xc4: {  	v33 =	vsel vm5, $0xBA810204, v8;
	v6 =	vadd.f32 $-1.006632960e+08, v6;
	v3 =	vadd.f32 $3.000000000e+00, v3  }
0xc5: {  	v2 =	vmul.f32 $-2.000000000e+00, v2;
	v9 =	vadd.f32 $-1.006632960e+08, v9;
	v5 =	vadd.f32 $4.000000000e+00, v5  }
0xc6: {  	v12 =	vsel vm6, $0xBA810204, v8;
	v4 =	vadd.f32 $-1.006632960e+08, v4;
	v11 =	vadd.f32 $-1.006632960e+08, v11  }
0xc7: {  	v6 =	vadd.f32 $5.000000000e+00, v6;
	v17 =	vmin.f32 v10, v3;
	v18 =	vmax.f32 v10, v3  }
0xc8: {  	v9 =	vadd.f32 $6.000000000e+00, v9;
	v11 =	vadd.f32 $7.000000000e+00, v11;
	v15 =	vmin.f32 v4, v7  }
0xc9: {  	v16 =	vmax.f32 v4, v7;
	v19 =	vmin.f32 v5, v6;
	v20 =	vmax.f32 v5, v6  }
0xca: {  	v21 =	vmin.f32 v15, v17;
	v24 =	vmax.f32 v16, v18;
	v15 =	vmax.f32 v15, v17  }
0xcb: {  	v16 =	vmin.f32 v16, v18;
	v22 =	vmin.f32 v9, v11;
	v23 =	vmax.f32 v9, v11  }
0xcc: {  	v18 =	vmin.f32 v16, v15;
	v15 =	vmax.f32 v16, v15;
	v28 =	vmin.f32 v19, v22  }
0xcd: {  	v29 =	vmax.f32 v20, v23;
	v17 =	vmax.f32 v19, v22;
	v19 =	vmin.f32 v20, v23  }
0xce: {  	v20 =	vmax.f32 v21, v29;
	v16 =	vmin.f32 v19, v17;
	v17 =	vmax.f32 v19, v17  }
0xcf: {  	v17 =	vmax.f32 v18, v17;
	v15 =	vmax.f32 v15, v16;
	v16 =	vmax.f32 v24, v28  }
0xd0: {  	v2 =	vmul.f32 $1.442695020e+00, v2;
	v17 =	vmin.f32 v20, v17;
	v15 =	vmin.f32 v15, v16  }
0xd1: {  	v19 =	vadd.f32 $-5.000000000e+00, v6;
	v18 =	vadd.f32 $-4.000000000e+00, v5;
	v15 =	vmin.f32 v17, v15  }
0xd2: {  	v16 =	vadd.f32 $-2.000000000e+00, v10;
	v20 =	vadd.f32 $-6.000000000e+00, v9;
	vm1 =	vge.f32 v4, v15  }
0xd3: {  	v17 =	vadd.f32 $-3.000000000e+00, v3;
	v4 =	vnsel vm1, $0x0, v4;
	vm1 =	vge.f32 v7, v15  }
0xd4: {  	v4 =	vmul.f32 v4, v46;
	v13 =	vnsel vm1, $0x0, v13;
	vm1 =	vge.f32 v10, v15  }
0xd5: {  	v46 =	vld.idx.msk [tilespmem:v37+s4+$0x0], $0xffff;
	v10 =	vmul.f32 v13, v57;
	v13 =	vnsel vm1, $0x0, v16;
	vm1 =	vge.f32 v3, v15  }
0xd6: {  	v0 =	vpop (erf);
	[tilespmem:v35+s17+$0x0] =	vst.idx.msk $0xffff, v4;
	v3 =	vmul.f32 v13, v58;
	v4 =	vnsel vm1, $0x0, v17;
	vm1 =	vge.f32 v5, v15  }
0xd7: {  	v63 =	vpop (erf);
	[tilespmem:v30+s17+$0x0] =	vst.idx.msk $0xffff, v10;
	v4 =	vmul.f32 v4, v59;
	v5 =	vnsel vm1, $0x0, v18;
	vm1 =	vge.f32 v6, v15  }
0xd8: {  	v62 =	vpop (erf);
	[tilespmem:v55+s17+$0x0] =	vst.idx.msk $0xffff, v3;
	v3 =	vmul.f32 v5, v33;
	v5 =	vnsel vm1, $0x0, v19;
	vm1 =	vge.f32 v9, v15  }
0xd9: {  	v14 =	vsel vm7, $0xBA810204, v8;
	v1 =	vpop (erf);
	[tilespmem:v54+s17+$0x0] =	vst.idx.msk $0xffff, v4;
	v4 =	vmul.f32 v5, v12;
	v5 =	vnsel vm1, $0x0, v20  }
0xda: {  	v60 =	vpop (erf);
	(erf) = vpow2.f32 v2;
	v2 =	vld [tilespmem:$0x1FF70];
	[tilespmem:v53+s17+$0x0] =	vst.idx.msk $0xffff, v3;
	v3 =	vmul.f32 v5, v14  }
0xdb: {  	v7 =	vadd.f32 $-7.000000000e+00, v11;
	[tilespmem:v52+s17+$0x0] =	vst.idx.msk $0xffff, v4  }
0xdc: {  	vm1 =	vge.f32 v11, v15;
	[tilespmem:v50+s17+$0x0] =	vst.idx.msk $0xffff, v3;
	v3 =	vld [tilespmem:$0x1FF40]  }
0xdd: {  	v5 =	vsel vm0, $0xBA810204, v8;
	v6 =	vnsel vm1, $0x0, v7  }
0xde: {  	v4 =	vmul.f32 v6, v5  }
0xdf: {  	v50 =	vadd.s32 v2, v27;
	v2 =	vld [tilespmem:$0x1FF80]  }
0xe0: {  	[tilespmem:v51+s17+$0x0] =	vst.idx.msk $0xffff, v4;
	v4 =	vld [tilespmem:$0x1FF60]  }
0xe1: {  	v54 =	vadd.s32 v3, v27;
	v3 =	vld [tilespmem:$0x1FF50];
	_ =	sdelay $0x1  }
0xe2: {  	v7 =	vand.u32 $0x7FFFFFFF, v46  }
0xe3: {  	v5 =	vmul.f32 $-2.000000000e+00, v7  }
0xe4: {  	v51 =	vadd.s32 v2, v27  }
0xe5: {  	v52 =	vadd.s32 v4, v27;
	v53 =	vadd.s32 v3, v27;
	v3 =	vmul.f32 $1.442695020e+00, v5  }
0xe6: {  	v61 =	vld.idx.msk [tilespmem:v40+s4+$0x0], $0xffff;
	v4 =	vadd.f32 $1.000000000e+00, v56  }
0xe7: {  	v0 =	vadd.f32 $1.000000000e+00, v0;
	v56 =	vld.idx.msk [tilespmem:v38+s4+$0x0], $0xffff;
	(erf) = vpow2.f32 v3  }
0xe8: {  	v2 =	vadd.f32 $1.000000000e+00, v63;
	v57 =	vld.idx.msk [tilespmem:v54+s4+$0x0], $0xffff;
	(erf) = vrcp.f32 v4  }
0xe9: {  	v27 =	vmov v49;
	v49 =	vld.idx.msk [tilespmem:v51+s4+$0x0], $0xffff;
	v3 =	vadd.f32 $1.000000000e+00, v62;
	(erf) = vrcp.f32 v0  }
0xea: {  	v59 =	vld.idx.msk [tilespmem:v52+s4+$0x0], $0xffff;
	v0 =	vadd.f32 $1.000000000e+00, v1;
	(erf) = vrcp.f32 v2  }
0xeb: {  	v55 =	vld.idx.msk [tilespmem:v39+s4+$0x0], $0xffff;
	v1 =	vadd.f32 $1.000000000e+00, v60;
	(erf) = vrcp.f32 v3  }
0xec: {  	(erf) = vrcp.f32 v0  }
0xed: {  	v2 =	vand.u32 $0x7FFFFFFF, v56;
	(erf) = vrcp.f32 v1  }
0xee: {  	v58 =	vld.idx.msk [tilespmem:v53+s4+$0x0], $0xffff;
	v12 =	vand.u32 $0x7FFFFFFF, v49;
	v3 =	vand.u32 $0x7FFFFFFF, v57;
	v2 =	vmul.f32 $-2.000000000e+00, v2  }
0xef: {  	v4 =	vpop (erf);
	v60 =	vld.idx.msk [tilespmem:v50+s4+$0x0], $0xffff;
	v7 =	vand.u32 $0x7FFFFFFF, v59;
	v12 =	vmul.f32 $-2.000000000e+00, v12;
	v0 =	vand.u32 $0x7FFFFFFF, v61  }
0xf0: {  	v3 =	vmul.f32 $-2.000000000e+00, v3;
	v1 =	vand.u32 $0x7FFFFFFF, v55;
	v0 =	vmul.f32 $-2.000000000e+00, v0;
	v6 =	vpop (erf)  }
0xf1: {  	v7 =	vmul.f32 $-2.000000000e+00, v7;
	v1 =	vmul.f32 $-2.000000000e+00, v1;
	v9 =	vpop (erf)  }
0xf2: {  	v2 =	vmul.f32 $1.442695020e+00, v2;
	v16 =	vmul.f32 $1.442695020e+00, v0;
	v11 =	vpop (erf)  }
0xf3: {  	v3 =	vmul.f32 $1.442695020e+00, v3;
	v5 =	vand.u32 $0x7FFFFFFF, v58;
	v17 =	vmul.f32 $1.442695020e+00, v1;
	v13 =	vpop (erf)  }
0xf4: {  	v10 =	vand.u32 $0x7FFFFFFF, v60;
	v5 =	vmul.f32 $-2.000000000e+00, v5;
	v14 =	vpop (erf);
	(erf) = vpow2.f32 v16  }
0xf5: {  	v10 =	vmul.f32 $-2.000000000e+00, v10;
	v0 =	vpop (erf);
	(erf) = vpow2.f32 v17  }
0xf6: {  	v5 =	vmul.f32 $1.442695020e+00, v5;
	v1 =	vpop (erf);
	(erf) = vpow2.f32 v2  }
0xf7: {  	v2 =	vmul.f32 $1.442695020e+00, v7;
	(erf) = vpow2.f32 v3  }
0xf8: {  	v3 =	vmul.f32 $1.442695020e+00, v10;
	(erf) = vpow2.f32 v5  }
0xf9: {  	v15 =	vld [tilespmem:$0x1FE80];
	v5 =	vmul.f32 $1.442695020e+00, v12;
	(erf) = vpow2.f32 v2  }
0xfa: {  	v4 =	vadd.f32 $1.000000000e+00, v4;
	(erf) = vpow2.f32 v3  }
0xfb: {  	vm3 =	vlt.f32 v43, $0.0e+00;
	(erf) = vpow2.f32 v5  }
0xfc: {  	vm4 =	vlt.f32 v42, $0.0e+00;
	vm2 =	vlt.f32 v44, $0.0e+00;
	(erf) = vrcp.f32 v4;
	v4 =	vld [tilespmem:$0x1FFF0]  }
0xfd: {  	vm5 =	vlt.f32 v41, $0.0e+00;
	vm1 =	vlt.f32 v45, $0.0e+00;
	vm0 =	vlt.f32 v47, $0.0e+00  }
0xfe: {  	vm8 =	vlt.f32 v61, $0.0e+00;
	vm9 =	vlt.f32 v55, $0.0e+00;
	v30 =	vadd.s32 v15, v27  }
0xff: {  	vm10 =	vlt.f32 v56, $0.0e+00;
	vm11 =	vlt.f32 v57, $0.0e+00;
	v5 =	vadd.f32 $1.000000000e+00, v6;
	v2 =	vpop (erf)  }
0x100: {  	vm7 =	vlt.f32 v49, $0.0e+00;
	v0 =	vmul.f32 v0, v26;
	v6 =	vadd.f32 $1.000000000e+00, v2;
	v3 =	vpop (erf)  }
0x101: {  	(erf) = vrcp.f32 v5;
	v7 =	vadd.f32 $1.000000000e+00, v3;
	v33 =	vadd.s32 v4, v27;
	v4 =	vpop (erf)  }
0x102: {  	v5 =	vmul.f32 v9, v26;
	(erf) = vrcp.f32 v6;
	v9 =	vadd.f32 $1.000000000e+00, v4;
	v2 =	vpop (erf)  }
0x103: {  	vm13 =	vlt.f32 v59, $0.0e+00;
	(erf) = vrcp.f32 v7;
	v10 =	vadd.f32 $1.000000000e+00, v2;
	v3 =	vpop (erf)  }
0x104: {  	v1 =	vmul.f32 v1, v26;
	v0 =	vsub.f32 v0, v25;
	(erf) = vrcp.f32 v9;
	v4 =	vpop (erf)  }
0x105: {  	v6 =	vmul.f32 v11, v26;
	v11 =	vadd.f32 $1.000000000e+00, v3;
	(erf) = vrcp.f32 v10;
	v2 =	vpop (erf)  }
0x106: {  	v1 =	vsub.f32 v1, v25;
	v7 =	vmul.f32 v13, v26;
	v4 =	vadd.f32 $1.000000000e+00, v4;
	v3 =	vpop (erf)  }
0x107: {  	v9 =	vmul.f32 v14, v26;
	v2 =	vadd.f32 $1.000000000e+00, v2;
	(erf) = vrcp.f32 v11;
	v10 =	vpop (erf)  }
0x108: {  	v3 =	vadd.f32 $1.000000000e+00, v3;
	(erf) = vrcp.f32 v4;
	v4 =	vmul.f32 v10, v26  }
0x109: {  	v45 =	vadd.f32 $1.006632960e+08, v0;
	(erf) = vrcp.f32 v2;
	v2 =	vsub.f32 v5, v25  }
0x10a: {  	v5 =	vsub.f32 v6, v25;
	v6 =	vpop (erf);
	(erf) = vrcp.f32 v3;
	v3 =	vsub.f32 v7, v25  }
0x10b: {  	v35 =	vadd.f32 $1.006632960e+08, v1;
	v7 =	vsub.f32 v9, v25;
	v6 =	vmul.f32 v6, v26;
	v9 =	vpop (erf)  }
0x10c: {  	v47 =	vsub.f32 v4, v25;
	v42 =	vadd.f32 $1.006632960e+08, v2;
	v0 =	vmul.f32 v9, v26;
	v4 =	vpop (erf)  }
0x10d: {  	vm14 =	vlt.f32 v60, $0.0e+00;
	v43 =	vadd.f32 $1.006632960e+08, v5;
	v62 =	vsub.f32 v6, v25;
	v2 =	vpop (erf)  }
0x10e: {  	v41 =	vadd.f32 $1.006632960e+08, v3;
	v4 =	vmul.f32 v4, v26;
	v0 =	vsub.f32 v0, v25;
	v3 =	vpop (erf)  }
0x10f: {  	v44 =	vadd.f32 $1.006632960e+08, v7;
	v1 =	vmul.f32 v2, v26;
	v2 =	vmul.f32 v3, v26  }
0x110: {  	vm12 =	vlt.f32 v58, $0.0e+00;
	v5 =	vpop (erf);
	v4 =	vsub.f32 v4, v25;
	v0 =	vadd.f32 $1.006632960e+08, v0  }
0x111: {  	v3 =	vpop (erf);
	v5 =	vmul.f32 v5, v26;
	v1 =	vsub.f32 v1, v25;
	v2 =	vsub.f32 v2, v25  }
0x112: {  	v3 =	vmul.f32 v3, v26;
	v6 =	vpop (erf);
	v4 =	vadd.f32 $1.006632960e+08, v4;
	v0 =	vadd.f32 $-1.006632960e+08, v0  }
0x113: {  	v6 =	vmul.f32 v6, v26;
	v5 =	vsub.f32 v5, v25;
	v1 =	vadd.f32 $1.006632960e+08, v1  }
0x114: {  	v16 =	vsel vm14, $0xBA810204, v8;
	v7 =	vpop (erf);
	v3 =	vsub.f32 v3, v25;
	v2 =	vadd.f32 $1.006632960e+08, v2  }
0x115: {  	v7 =	vmul.f32 v7, v26;
	v4 =	vadd.f32 $-1.006632960e+08, v4;
	v6 =	vsub.f32 v6, v25  }
0x116: {  	v12 =	vsel vm11, $0xBA810204, v8;
	v5 =	vadd.f32 $1.006632960e+08, v5;
	v1 =	vadd.f32 $-1.006632960e+08, v1  }
0x117: {  	v13 =	vsel vm12, $0xBA810204, v8;
	v7 =	vsub.f32 v7, v25;
	v3 =	vadd.f32 $1.006632960e+08, v3  }
0x118: {  	v14 =	vsel vm13, $0xBA810204, v8;
	v2 =	vadd.f32 $-1.006632960e+08, v2;
	v4 =	vadd.f32 $1.000000000e+00, v4  }
0x119: {  	v11 =	vsel vm10, $0xBA810204, v8;
	v6 =	vadd.f32 $1.006632960e+08, v6;
	v5 =	vadd.f32 $-1.006632960e+08, v5  }
0x11a: {  	v10 =	vsel vm9, $0xBA810204, v8;
	v1 =	vadd.f32 $2.000000000e+00, v1;
	v7 =	vadd.f32 $1.006632960e+08, v7  }
0x11b: {  	v9 =	vsel vm8, $0xBA810204, v8;
	v3 =	vadd.f32 $-1.006632960e+08, v3;
	v2 =	vadd.f32 $3.000000000e+00, v2  }
0x11c: {  	v17 =	vmin.f32 v0, v4;
	v6 =	vadd.f32 $-1.006632960e+08, v6;
	v5 =	vadd.f32 $4.000000000e+00, v5  }
0x11d: {  	v18 =	vmax.f32 v0, v4;
	v7 =	vadd.f32 $-1.006632960e+08, v7;
	v3 =	vadd.f32 $5.000000000e+00, v3  }
0x11e: {  	v19 =	vmin.f32 v1, v2;
	v20 =	vmax.f32 v1, v2;
	v6 =	vadd.f32 $6.000000000e+00, v6  }
0x11f: {  	v23 =	vmin.f32 v17, v19;
	v29 =	vmax.f32 v18, v20;
	v7 =	vadd.f32 $7.000000000e+00, v7  }
0x120: {  	v17 =	vmax.f32 v17, v19;
	v18 =	vmin.f32 v18, v20;
	v21 =	vmin.f32 v5, v3  }
0x121: {  	v22 =	vmax.f32 v5, v3;
	v20 =	vmin.f32 v18, v17;
	v24 =	vmin.f32 v6, v7  }
0x122: {  	v17 =	vmax.f32 v18, v17;
	v28 =	vmax.f32 v6, v7;
	v61 =	vmin.f32 v21, v24  }
0x123: {  	v63 =	vmax.f32 v22, v28;
	v19 =	vmax.f32 v21, v24;
	v21 =	vmin.f32 v22, v28  }
0x124: {  	v22 =	vmax.f32 v23, v63;
	v18 =	vmin.f32 v21, v19;
	v19 =	vmax.f32 v21, v19  }
0x125: {  	v19 =	vmax.f32 v20, v19;
	v17 =	vmax.f32 v17, v18;
	v18 =	vmax.f32 v29, v61  }
0x126: {  	v15 =	vadd.f32 $-1.000000000e+00, v4;
	v19 =	vmin.f32 v22, v19;
	v17 =	vmin.f32 v17, v18  }
0x127: {  	v21 =	vadd.f32 $-5.000000000e+00, v3;
	v20 =	vadd.f32 $-4.000000000e+00, v5;
	v17 =	vmin.f32 v19, v17  }
0x128: {  	v18 =	vadd.f32 $-2.000000000e+00, v1;
	v22 =	vadd.f32 $-6.000000000e+00, v6;
	vm8 =	vge.f32 v0, v17  }
0x129: {  	v19 =	vadd.f32 $-3.000000000e+00, v2;
	v0 =	vnsel vm8, $0x0, v0;
	vm8 =	vge.f32 v4, v17  }
0x12a: {  	v0 =	vmul.f32 v0, v9;
	v9 =	vnsel vm8, $0x0, v15;
	vm8 =	vge.f32 v1, v17  }
0x12b: {  	v1 =	vmul.f32 v9, v10;
	v9 =	vnsel vm8, $0x0, v18;
	vm8 =	vge.f32 v2, v17  }
0x12c: {  	v4 =	vadd.f32 $-7.000000000e+00, v7;
	[tilespmem:v40+s17+$0x0] =	vst.idx.msk $0xffff, v0;
	v0 =	vmul.f32 v9, v11;
	v2 =	vnsel vm8, $0x0, v19  }
0x12d: {  	vm8 =	vge.f32 v5, v17;
	v5 =	vadd.f32 $1.006632960e+08, v62;
	v9 =	vadd.f32 $-1.006632960e+08, v35  }
0x12e: {  	[tilespmem:v39+s17+$0x0] =	vst.idx.msk $0xffff, v1;
	v1 =	vmul.f32 v2, v12;
	v2 =	vnsel vm8, $0x0, v20;
	vm8 =	vge.f32 v3, v17  }
0x12f: {  	[tilespmem:v38+s17+$0x0] =	vst.idx.msk $0xffff, v0;
	v0 =	vmul.f32 v2, v13;
	v2 =	vnsel vm8, $0x0, v21;
	vm8 =	vge.f32 v6, v17  }
0x130: {  	v6 =	vadd.f32 $-1.006632960e+08, v44;
	[tilespmem:v54+s17+$0x0] =	vst.idx.msk $0xffff, v1;
	v1 =	vmul.f32 v2, v14;
	v2 =	vnsel vm8, $0x0, v22  }
0x131: {  	v5 =	vadd.f32 $-1.006632960e+08, v5;
	vm8 =	vge.f32 v7, v17;
	[tilespmem:v53+s17+$0x0] =	vst.idx.msk $0xffff, v0;
	v0 =	vmul.f32 v2, v16  }
0x132: {  	v2 =	vsel vm7, $0xBA810204, v8;
	v3 =	vnsel vm8, $0x0, v4;
	v4 =	vadd.f32 $1.006632960e+08, v47  }
0x133: {  	[tilespmem:v52+s17+$0x0] =	vst.idx.msk $0xffff, v1;
	v1 =	vmul.f32 v3, v2;
	v3 =	vadd.f32 $-1.006632960e+08, v42;
	v2 =	vadd.f32 $-1.006632960e+08, v43  }
0x134: {  	v43 =	vadd.f32 $5.000000000e+00, v9;
	[tilespmem:v50+s17+$0x0] =	vst.idx.msk $0xffff, v0;
	v0 =	vadd.f32 $-1.006632960e+08, v41  }
0x135: {  	vm6 =	vlt.f32 v48, $0.0e+00;
	v4 =	vadd.f32 $-1.006632960e+08, v4;
	[tilespmem:v51+s17+$0x0] =	vst.idx.msk $0xffff, v1;
	v1 =	vadd.f32 $-1.006632960e+08, v45  }
0x136: {  	v40 =	vsel vm3, $0xBA810204, v8;
	v10 =	vadd.f32 $1.000000000e+00, v2;
	v45 =	vadd.f32 $3.000000000e+00, v6  }
0x137: {  	v38 =	vsel vm4, $0xBA810204, v8;
	v11 =	vadd.f32 $2.000000000e+00, v0;
	v39 =	vadd.f32 $6.000000000e+00, v4  }
0x138: {  	v44 =	vadd.f32 $4.000000000e+00, v1;
	v1 =	vadd.f32 $7.000000000e+00, v5;
	v5 =	vmin.f32 v3, v10  }
0x139: {  	v6 =	vmax.f32 v3, v10;
	v9 =	vmin.f32 v11, v45;
	v12 =	vmax.f32 v11, v45  }
0x13a: {  	v13 =	vmin.f32 v44, v43;
	v14 =	vmax.f32 v44, v43;
	v15 =	vmin.f32 v5, v9  }
0x13b: {  	v24 =	vld [tilespmem:$0x1FE90];
	v16 =	vmin.f32 v39, v1;
	v17 =	vmax.f32 v39, v1;
	v18 =	vmax.f32 v6, v12  }
0x13c: {  	v21 =	vld [tilespmem:$0x1FF30];
	v5 =	vmax.f32 v5, v9;
	v6 =	vmin.f32 v6, v12;
	v19 =	vmin.f32 v13, v16  }
0x13d: {  	v20 =	vmax.f32 v14, v17;
	v9 =	vmax.f32 v13, v16;
	v13 =	vmin.f32 v14, v17;
	v17 =	vld [tilespmem:$0x1FF10]  }
0x13e: {  	v7 =	vsel vm1, $0xBA810204, v8;
	v12 =	vmin.f32 v6, v5;
	v14 =	vmax.f32 v15, v20;
	v15 =	vld [tilespmem:$0x1FE50]  }
0x13f: {  	v5 =	vmax.f32 v6, v5;
	v6 =	vmin.f32 v13, v9;
	v9 =	vmax.f32 v13, v9;
	v13 =	vld [tilespmem:$0x1FE60]  }
0x140: {  	vm7 =	vlt.f32 v46, $0.0e+00;
	v42 =	vsel vm0, $0xBA810204, v8;
	v9 =	vmax.f32 v12, v9;
	v12 =	vld [tilespmem:$0x1FF00]  }
0x141: {  	v41 =	vsel vm2, $0xBA810204, v8;
	v5 =	vmax.f32 v5, v6;
	v6 =	vmax.f32 v18, v19;
	v18 =	vld [tilespmem:$0x1FF20]  }
0x142: {  	p1 =	sne.s32 s26, $0x37;
	v2 =	vsel vm5, $0xBA810204, v8;
	v9 =	vmin.f32 v14, v9;
	v14 =	vld [tilespmem:$0x1FE70];
	v5 =	vmin.f32 v5, v6  }
.Ltmp2:
0x143: {  	v49 =	vadd.f32 $-5.000000000e+00, v43;
	v0 =	vsel vm6, $0xBA810204, v8;
	v6 =	vld [tilespmem:$0x1FEB0];
	v46 =	vmin.f32 v9, v5;
	(pc) =	sbr.rel @p1 .LBB2_3-.Ltmp2, $4  }
0x144: {  	v4 =	vadd.f32 $-1.000000000e+00, v10;
	v51 =	vadd.f32 $-3.000000000e+00, v45;
	v9 =	vld [tilespmem:$0x1FED0];
	vm0 =	vge.f32 v3, v46  }
0x145: {  	v52 =	vadd.f32 $-2.000000000e+00, v11;
	v3 =	vnsel vm0, $0x0, v3;
	vm0 =	vge.f32 v10, v46;
	v10 =	vld [tilespmem:$0x1FEE0]  }
0x146: {  	v48 =	vadd.f32 $-6.000000000e+00, v39;
	v50 =	vadd.f32 $-4.000000000e+00, v44;
	v53 =	vmul.f32 v3, v7;
	v7 =	vld [tilespmem:$0x1FEC0]  }
0x147: {  	s26 =	sadd.s32 $0x1, s26;
	v47 =	vadd.f32 $-7.000000000e+00, v1;
	v54 =	vnsel vm0, $0x0, v4;
	vm0 =	vge.f32 v11, v46;
	v11 =	vld [tilespmem:$0x1FEF0]  }
0x148: {  	_ =	sdelay $0x2  }
0x149: {  	v3 =	vmul.f32 v54, v42;
	v4 =	vnsel vm0, $0x0, v52;
	vm0 =	vge.f32 v45, v46  }
0x14a: {  	[tilespmem:v32+s17+$0x0] =	vst.idx.msk $0xffff, v53;
	v4 =	vmul.f32 v4, v41;
	v5 =	vnsel vm0, $0x0, v51;
	vm0 =	vge.f32 v44, v46  }
0x14b: {  	[tilespmem:v31+s17+$0x0] =	vst.idx.msk $0xffff, v3;
	v3 =	vmul.f32 v5, v40;
	v32 =	vnsel vm0, $0x0, v50;
	vm0 =	vge.f32 v43, v46  }
0x14c: {  	[tilespmem:v13+s17+$0x0] =	vst.idx.msk $0xffff, v4;
	v35 =	vmul.f32 v32, v38;
	v38 =	vnsel vm0, $0x0, v49;
	vm0 =	vge.f32 v39, v46  }
0x14d: {  	[tilespmem:v34+s17+$0x0] =	vst.idx.msk $0xffff, v3;
	v2 =	vmul.f32 v38, v2;
	v3 =	vnsel vm0, $0x0, v48;
	vm0 =	vge.f32 v1, v46  }
0x14e: {  	v1 =	vsel vm7, $0xBA810204, v8;
	[tilespmem:v15+s17+$0x0] =	vst.idx.msk $0xffff, v35;
	v0 =	vmul.f32 v3, v0;
	v3 =	vnsel vm0, $0x0, v47  }
0x14f: {  	v38 =	vadd.s32 v6, v27;
	[tilespmem:v14+s17+$0x0] =	vst.idx.msk $0xffff, v2;
	v1 =	vmul.f32 v3, v1  }
0x150: {  	v32 =	vadd.s32 v10, v27;
	[tilespmem:v36+s17+$0x0] =	vst.idx.msk $0xffff, v0  }
0x151: {  	v34 =	vadd.s32 v12, v27;
	[tilespmem:v37+s17+$0x0] =	vst.idx.msk $0xffff, v1  }
0x152: {  	v35 =	vadd.s32 v9, v27;
	v0 =	vld.idx.msk [tilespmem:v30+s4+$0x0], $0xffff  }
0x153: {  	v36 =	vadd.s32 v7, v27;
	v1 =	vld.idx.msk [tilespmem:v33+s4+$0x0], $0xffff  }
0x154: {  	v22 =	vmov v33;
	v33 =	vadd.s32 v11, v27;
	v2 =	vld.idx.msk [tilespmem:v38+s4+$0x0], $0xffff  }
0x155: {  	v39 =	vld.idx.msk [tilespmem:v32+s4+$0x0], $0xffff  }
0x156: {  	v7 =	vld.idx.msk [tilespmem:v34+s4+$0x0], $0xffff  }
0x157: {  	v4 =	vld.idx.msk [tilespmem:v35+s4+$0x0], $0xffff  }
0x158: {  	v3 =	vld.idx.msk [tilespmem:v36+s4+$0x0], $0xffff;
	v9 =	vand.u32 $0x7FFFFFFF, v0  }
0x159: {  	v6 =	vld.idx.msk [tilespmem:v33+s4+$0x0], $0xffff;
	v10 =	vand.u32 $0x7FFFFFFF, v1;
	v11 =	vand.u32 $0x7FFFFFFF, v2;
	v9 =	vmul.f32 $-2.000000000e+00, v9  }
0x15a: {  	v42 =	vand.u32 $0x7FFFFFFF, v39;
	v10 =	vmul.f32 $-2.000000000e+00, v10;
	v11 =	vmul.f32 $-2.000000000e+00, v11  }
0x15b: {  	v16 =	vand.u32 $0x7FFFFFFF, v7;
	v14 =	vmul.f32 $-2.000000000e+00, v42;
	v9 =	vmul.f32 $1.442695020e+00, v9  }
0x15c: {  	v41 =	vand.u32 $0x7FFFFFFF, v4;
	v16 =	vmul.f32 $-2.000000000e+00, v16;
	v10 =	vmul.f32 $1.442695020e+00, v10  }
0x15d: {  	v13 =	vmul.f32 $-2.000000000e+00, v41;
	v40 =	vand.u32 $0x7FFFFFFF, v3;
	(erf) = vpow2.f32 v9  }
0x15e: {  	v12 =	vmul.f32 $-2.000000000e+00, v40;
	v43 =	vand.u32 $0x7FFFFFFF, v6;
	(erf) = vpow2.f32 v10  }
0x15f: {  	v11 =	vmul.f32 $1.442695020e+00, v11;
	v15 =	vmul.f32 $-2.000000000e+00, v43  }
0x160: {  	v9 =	vmul.f32 $1.442695020e+00, v12;
	v10 =	vmul.f32 $1.442695020e+00, v13  }
0x161: {  	(erf) = vpow2.f32 v11;
	v11 =	vmul.f32 $1.442695020e+00, v14  }
0x162: {  	(erf) = vpow2.f32 v9;
	v9 =	vmul.f32 $1.442695020e+00, v15  }
0x163: {  	(erf) = vpow2.f32 v10;
	v10 =	vmul.f32 $1.442695020e+00, v16;
	_ =	sdelay $0x1  }
0x164: {  	(erf) = vpow2.f32 v11  }
0x165: {  	(erf) = vpow2.f32 v9;
	v9 =	vpop (erf)  }
0x166: {  	(erf) = vpow2.f32 v10;
	v9 =	vadd.f32 $1.000000000e+00, v9;
	v10 =	vpop (erf)  }
0x167: {  	v10 =	vadd.f32 $1.000000000e+00, v10;
	_ =	sdelay $0x1  }
0x168: {  	v11 =	vpop (erf)  }
0x169: {  	v11 =	vadd.f32 $1.000000000e+00, v11;
	(erf) = vrcp.f32 v9;
	v9 =	vpop (erf)  }
0x16a: {  	(erf) = vrcp.f32 v10;
	v9 =	vadd.f32 $1.000000000e+00, v9;
	v10 =	vpop (erf)  }
0x16b: {  	v10 =	vadd.f32 $1.000000000e+00, v10  }
0x16c: {  	(erf) = vrcp.f32 v11  }
0x16d: {  	v11 =	vpop (erf);
	(erf) = vrcp.f32 v9  }
0x16e: {  	v11 =	vadd.f32 $1.000000000e+00, v11;
	(erf) = vrcp.f32 v10;
	v9 =	vpop (erf)  }
0x16f: {  	v9 =	vadd.f32 $1.000000000e+00, v9;
	v10 =	vpop (erf)  }
0x170: {  	(erf) = vrcp.f32 v11;
	v10 =	vadd.f32 $1.000000000e+00, v10;
	_ =	sdelay $0x1  }
0x171: {  	(erf) = vrcp.f32 v9  }
0x172: {  	v23 =	vmov v30;
	v9 =	vpop (erf)  }
0x173: {  	v31 =	vadd.s32 v17, v27;
	v30 =	vadd.s32 v18, v27;
	(erf) = vrcp.f32 v10;
	v10 =	vpop (erf)  }
0x174: {  	vm5 =	vlt.f32 v0, $0.0e+00;
	vm6 =	vlt.f32 v1, $0.0e+00;
	v9 =	vmul.f32 v9, v26;
	v11 =	vpop (erf)  }
0x175: {  	vm7 =	vlt.f32 v2, $0.0e+00;
	v10 =	vmul.f32 v10, v26;
	v44 =	vpop (erf);
	v11 =	vmul.f32 v11, v26  }
0x176: {  	vm2 =	vlt.f32 v39, $0.0e+00;
	v9 =	vsub.f32 v9, v25;
	v45 =	vpop (erf);
	v12 =	vmul.f32 v44, v26  }
0x177: {  	v10 =	vsub.f32 v10, v25;
	v13 =	vmul.f32 v45, v26;
	v11 =	vsub.f32 v11, v25  }
0x178: {  	vm0 =	vlt.f32 v7, $0.0e+00;
	v46 =	vpop (erf);
	v0 =	vadd.f32 $1.006632960e+08, v9;
	v12 =	vsub.f32 v12, v25  }
0x179: {  	v14 =	vmul.f32 v46, v26;
	v9 =	vadd.f32 $1.006632960e+08, v10;
	v13 =	vsub.f32 v13, v25  }
0x17a: {  	vm3 =	vlt.f32 v4, $0.0e+00;
	v47 =	vpop (erf);
	v1 =	vadd.f32 $1.006632960e+08, v11;
	v0 =	vadd.f32 $-1.006632960e+08, v0  }
0x17b: {  	v15 =	vmul.f32 v47, v26;
	v14 =	vsub.f32 v14, v25;
	v10 =	vadd.f32 $1.006632960e+08, v12  }
0x17c: {  	v59 =	vsel vm2, $0xBA810204, v8;
	v16 =	vpop (erf);
	v49 =	vadd.f32 $-1.006632960e+08, v9;
	v2 =	vadd.f32 $1.006632960e+08, v13  }
0x17d: {  	v16 =	vmul.f32 v16, v26;
	v1 =	vadd.f32 $-1.006632960e+08, v1;
	v15 =	vsub.f32 v15, v25  }
0x17e: {  	vm4 =	vlt.f32 v3, $0.0e+00;
	v11 =	vadd.f32 $1.006632960e+08, v14;
	v50 =	vadd.f32 $-1.006632960e+08, v10  }
0x17f: {  	vm1 =	vlt.f32 v6, $0.0e+00;
	v4 =	vadd.f32 $1.000000000e+00, v49;
	v16 =	vsub.f32 v16, v25  }
0x180: {  	v9 =	vsel vm5, $0xBA810204, v8;
	v2 =	vadd.f32 $-1.006632960e+08, v2;
	v1 =	vadd.f32 $2.000000000e+00, v1  }
0x181: {  	v10 =	vsel vm6, $0xBA810204, v8;
	v3 =	vadd.f32 $1.006632960e+08, v15;
	v6 =	vadd.f32 $-1.006632960e+08, v11  }
0x182: {  	v5 =	vadd.f32 $3.000000000e+00, v50;
	v11 =	vsel vm7, $0xBA810204, v8;
	v61 =	vadd.f32 $-1.000000000e+00, v4  }
0x183: {  	v51 =	vmin.f32 v0, v4;
	v48 =	vadd.f32 $1.006632960e+08, v16;
	v2 =	vadd.f32 $4.000000000e+00, v2  }
0x184: {  	v52 =	vmax.f32 v0, v4;
	v62 =	vadd.f32 $-2.000000000e+00, v1;
	v3 =	vadd.f32 $-1.006632960e+08, v3  }
0x185: {  	v6 =	vadd.f32 $5.000000000e+00, v6;
	v53 =	vmin.f32 v1, v5;
	v7 =	vadd.f32 $-1.006632960e+08, v48  }
0x186: {  	v54 =	vmax.f32 v1, v5;
	v18 =	vmin.f32 v51, v53;
	v12 =	vmax.f32 v51, v53  }
0x187: {  	v55 =	vmax.f32 v52, v54;
	v3 =	vadd.f32 $6.000000000e+00, v3;
	v7 =	vadd.f32 $7.000000000e+00, v7  }
0x188: {  	v13 =	vmin.f32 v52, v54;
	v16 =	vmin.f32 v2, v6;
	v17 =	vmax.f32 v2, v6  }
0x189: {  	v63 =	vadd.f32 $-5.000000000e+00, v6;
	v19 =	vmin.f32 v3, v7;
	v20 =	vmax.f32 v3, v7  }
0x18a: {  	v56 =	vmin.f32 v16, v19;
	v16 =	vmax.f32 v16, v19;
	v19 =	vmax.f32 v17, v20  }
0x18b: {  	v17 =	vmin.f32 v17, v20;
	v18 =	vmax.f32 v18, v19;
	v19 =	vmin.f32 v13, v12  }
0x18c: {  	v12 =	vmax.f32 v13, v12;
	v57 =	vmin.f32 v17, v16;
	v16 =	vmax.f32 v17, v16  }
0x18d: {  	v58 =	vmax.f32 v55, v56;
	v16 =	vmax.f32 v19, v16;
	v12 =	vmax.f32 v12, v57  }
0x18e: {  	v20 =	vsel vm4, $0xBA810204, v8;
	v60 =	vmin.f32 v18, v16;
	v12 =	vmin.f32 v12, v58  }
0x18f: {  	v17 =	vsel vm3, $0xBA810204, v8;
	v19 =	vadd.f32 $-4.000000000e+00, v2;
	v12 =	vmin.f32 v60, v12  }
0x190: {  	v16 =	vsel vm1, $0xBA810204, v8;
	v18 =	vadd.f32 $-3.000000000e+00, v5;
	vm1 =	vge.f32 v0, v12  }
0x191: {  	vm2 =	vge.f32 v1, v12;
	v0 =	vnsel vm1, $0x0, v0;
	vm1 =	vge.f32 v4, v12  }
0x192: {  	v37 =	vnsel vm2, $0x0, v62;
	v0 =	vmul.f32 v0, v9;
	v13 =	vnsel vm1, $0x0, v61  }
0x193: {  	v9 =	vadd.f32 $-6.000000000e+00, v3;
	vm1 =	vge.f32 v5, v12;
	v10 =	vmul.f32 v13, v10  }
0x194: {  	v5 =	vnsel vm1, $0x0, v18;
	vm1 =	vge.f32 v2, v12;
	[tilespmem:v23+s17+$0x0] =	vst.idx.msk $0xffff, v0;
	v0 =	vmul.f32 v37, v11  }
0x195: {  	v2 =	vmul.f32 v5, v20;
	v39 =	vnsel vm1, $0x0, v19;
	vm1 =	vge.f32 v6, v12;
	[tilespmem:v22+s17+$0x0] =	vst.idx.msk $0xffff, v10  }
0x196: {  	v4 =	vnsel vm1, $0x0, v63;
	vm1 =	vge.f32 v3, v12;
	[tilespmem:v38+s17+$0x0] =	vst.idx.msk $0xffff, v0;
	v0 =	vmul.f32 v39, v17  }
0x197: {  	v3 =	vnsel vm1, $0x0, v9;
	[tilespmem:v36+s17+$0x0] =	vst.idx.msk $0xffff, v2;
	v2 =	vmul.f32 v4, v59  }
0x198: {  	v1 =	vadd.f32 $-7.000000000e+00, v7;
	[tilespmem:v35+s17+$0x0] =	vst.idx.msk $0xffff, v0;
	v0 =	vmul.f32 v3, v16  }
0x199: {  	vm1 =	vge.f32 v7, v12;
	[tilespmem:v32+s17+$0x0] =	vst.idx.msk $0xffff, v2  }
0x19a: {  	v1 =	vnsel vm1, $0x0, v1;
	v3 =	vsel vm0, $0xBA810204, v8;
	[tilespmem:v33+s17+$0x0] =	vst.idx.msk $0xffff, v0  }
0x19b: {  	v1 =	vmul.f32 v1, v3;
	v0 =	vld [tilespmem:$0x1FF40];
	_ =	sdelay $0x1  }
0x19c: {  	[tilespmem:v34+s17+$0x0] =	vst.idx.msk $0xffff, v1  }
0x19d: {  	v1 =	vld [tilespmem:$0x1FF60]  }
0x19e: {  	v2 =	vld [tilespmem:$0x1FF70]  }
0x19f: {  	v41 =	vadd.s32 v0, v27;
	v0 =	vld [tilespmem:$0x1FF50]  }
0x1a0: {  	v40 =	vadd.s32 v21, v27  }
0x1a1: {  	v3 =	vld [tilespmem:$0x1FF80];
	_ =	sdelay $0x1  }
0x1a2: {  	v29 =	vadd.s32 v1, v27;
	v1 =	vld.idx.msk [tilespmem:v30+s4+$0x0], $0xffff  }
0x1a3: {  	v28 =	vadd.s32 v2, v27;
	v42 =	vadd.s32 v0, v27;
	v0 =	vld.idx.msk [tilespmem:v31+s4+$0x0], $0xffff  }
0x1a4: {  	v2 =	vld.idx.msk [tilespmem:v40+s4+$0x0], $0xffff  }
0x1a5: {  	v27 =	vadd.s32 v3, v27  }
0x1a6: {  	v3 =	vld.idx.msk [tilespmem:v41+s4+$0x0], $0xffff  }
0x1a7: {  	v44 =	vld.idx.msk [tilespmem:v29+s4+$0x0], $0xffff  }
0x1a8: {  	v6 =	vld.idx.msk [tilespmem:v28+s4+$0x0], $0xffff;
	v10 =	vand.u32 $0x7FFFFFFF, v1;
	v9 =	vand.u32 $0x7FFFFFFF, v0  }
0x1a9: {  	v11 =	vand.u32 $0x7FFFFFFF, v2;
	v10 =	vmul.f32 $-2.000000000e+00, v10;
	v43 =	vld.idx.msk [tilespmem:v42+s4+$0x0], $0xffff;
	v9 =	vmul.f32 $-2.000000000e+00, v9  }
0x1aa: {  	v11 =	vmul.f32 $-2.000000000e+00, v11;
	v7 =	vld.idx.msk [tilespmem:v27+s4+$0x0], $0xffff  }
0x1ab: {  	v10 =	vmul.f32 $1.442695020e+00, v10;
	v45 =	vand.u32 $0x7FFFFFFF, v3;
	v9 =	vmul.f32 $1.442695020e+00, v9  }
0x1ac: {  	v11 =	vmul.f32 $1.442695020e+00, v11;
	v12 =	vmul.f32 $-2.000000000e+00, v45;
	v47 =	vand.u32 $0x7FFFFFFF, v44  }
0x1ad: {  	v48 =	vand.u32 $0x7FFFFFFF, v6;
	v14 =	vmul.f32 $-2.000000000e+00, v47;
	(erf) = vpow2.f32 v9  }
0x1ae: {  	v15 =	vmul.f32 $-2.000000000e+00, v48;
	v46 =	vand.u32 $0x7FFFFFFF, v43;
	(erf) = vpow2.f32 v10  }
0x1af: {  	v16 =	vand.u32 $0x7FFFFFFF, v7;
	v9 =	vmul.f32 $1.442695020e+00, v12;
	v13 =	vmul.f32 $-2.000000000e+00, v46  }
0x1b0: {  	v16 =	vmul.f32 $-2.000000000e+00, v16;
	(erf) = vpow2.f32 v11  }
0x1b1: {  	v11 =	vmul.f32 $1.442695020e+00, v14;
	v10 =	vmul.f32 $1.442695020e+00, v13  }
0x1b2: {  	(erf) = vpow2.f32 v9;
	v9 =	vmul.f32 $1.442695020e+00, v15  }
0x1b3: {  	(erf) = vpow2.f32 v10;
	v10 =	vmul.f32 $1.442695020e+00, v16;
	_ =	sdelay $0x1  }
0x1b4: {  	(erf) = vpow2.f32 v11  }
0x1b5: {  	(erf) = vpow2.f32 v9;
	v9 =	vpop (erf)  }
0x1b6: {  	(erf) = vpow2.f32 v10;
	v9 =	vadd.f32 $1.000000000e+00, v9;
	v10 =	vpop (erf)  }
0x1b7: {  	v10 =	vadd.f32 $1.000000000e+00, v10  }
0x1b8: {  	v11 =	vpop (erf)  }
0x1b9: {  	v11 =	vadd.f32 $1.000000000e+00, v11  }
0x1ba: {  	(erf) = vrcp.f32 v9;
	v9 =	vpop (erf)  }
0x1bb: {  	(erf) = vrcp.f32 v10;
	v9 =	vadd.f32 $1.000000000e+00, v9;
	v10 =	vpop (erf)  }
0x1bc: {  	v10 =	vadd.f32 $1.000000000e+00, v10  }
0x1bd: {  	(erf) = vrcp.f32 v11;
	v11 =	vpop (erf)  }
0x1be: {  	v11 =	vadd.f32 $1.000000000e+00, v11;
	(erf) = vrcp.f32 v9  }
0x1bf: {  	(erf) = vrcp.f32 v10;
	v9 =	vpop (erf)  }
0x1c0: {  	(erf) = vrcp.f32 v11;
	v9 =	vadd.f32 $1.000000000e+00, v9;
	v10 =	vpop (erf)  }
0x1c1: {  	v10 =	vadd.f32 $1.000000000e+00, v10;
	_ =	sdelay $0x1  }
0x1c2: {  	(erf) = vrcp.f32 v9  }
0x1c3: {  	vm3 =	vlt.f32 v1, $0.0e+00;
	vm4 =	vlt.f32 v2, $0.0e+00;
	v9 =	vpop (erf)  }
0x1c4: {  	vm2 =	vlt.f32 v0, $0.0e+00;
	(erf) = vrcp.f32 v10;
	v10 =	vpop (erf);
	v9 =	vmul.f32 v9, v26  }
0x1c5: {  	vm5 =	vlt.f32 v3, $0.0e+00;
	vm7 =	vlt.f32 v44, $0.0e+00;
	v11 =	vpop (erf);
	v10 =	vmul.f32 v10, v26  }
0x1c6: {  	vm1 =	vlt.f32 v6, $0.0e+00;
	v49 =	vpop (erf);
	v11 =	vmul.f32 v11, v26;
	v9 =	vsub.f32 v9, v25  }
0x1c7: {  	v55 =	vsel vm5, $0xBA810204, v8;
	v50 =	vpop (erf);
	v12 =	vmul.f32 v49, v26;
	v10 =	vsub.f32 v10, v25  }
0x1c8: {  	v51 =	vpop (erf);
	v13 =	vmul.f32 v50, v26;
	v11 =	vsub.f32 v11, v25;
	v2 =	vadd.f32 $1.006632960e+08, v9  }
0x1c9: {  	v14 =	vmul.f32 v51, v26;
	v12 =	vsub.f32 v12, v25;
	v9 =	vadd.f32 $1.006632960e+08, v10  }
0x1ca: {  	v57 =	vsel vm7, $0xBA810204, v8;
	v13 =	vsub.f32 v13, v25;
	v3 =	vadd.f32 $1.006632960e+08, v11  }
0x1cb: {  	vm6 =	vlt.f32 v43, $0.0e+00;
	v0 =	vpop (erf);
	v2 =	vadd.f32 $-1.006632960e+08, v2;
	v14 =	vsub.f32 v14, v25  }
0x1cc: {  	v0 =	vmul.f32 v0, v26;
	v10 =	vadd.f32 $1.006632960e+08, v12;
	v54 =	vadd.f32 $-1.006632960e+08, v9  }
0x1cd: {  	vm0 =	vlt.f32 v7, $0.0e+00;
	v52 =	vpop (erf);
	v53 =	vadd.f32 $1.006632960e+08, v13;
	v3 =	vadd.f32 $-1.006632960e+08, v3  }
0x1ce: {  	v15 =	vmul.f32 v52, v26;
	v0 =	vsub.f32 v0, v25;
	v11 =	vadd.f32 $1.006632960e+08, v14  }
0x1cf: {  	v7 =	vsel vm2, $0xBA810204, v8;
	v6 =	vadd.f32 $-1.006632960e+08, v10;
	v5 =	vadd.f32 $1.000000000e+00, v54  }
0x1d0: {  	v56 =	vsel vm6, $0xBA810204, v8;
	v1 =	vsub.f32 v15, v25;
	v4 =	vadd.f32 $-1.006632960e+08, v53  }
0x1d1: {  	v10 =	vsel vm3, $0xBA810204, v8;
	v3 =	vadd.f32 $2.000000000e+00, v3;
	v0 =	vadd.f32 $1.006632960e+08, v0  }
0x1d2: {  	v9 =	vadd.f32 $-1.006632960e+08, v11;
	v11 =	vsel vm4, $0xBA810204, v8;
	v1 =	vadd.f32 $1.006632960e+08, v1  }
0x1d3: {  	v6 =	vadd.f32 $3.000000000e+00, v6;
	v58 =	vmin.f32 v2, v5;
	v4 =	vadd.f32 $4.000000000e+00, v4  }
0x1d4: {  	v16 =	vmax.f32 v2, v5;
	v0 =	vadd.f32 $-1.006632960e+08, v0;
	v1 =	vadd.f32 $-1.006632960e+08, v1  }
0x1d5: {  	v9 =	vadd.f32 $5.000000000e+00, v9;
	v17 =	vmin.f32 v3, v6;
	v18 =	vmax.f32 v3, v6  }
0x1d6: {  	v21 =	vmin.f32 v58, v17;
	v0 =	vadd.f32 $6.000000000e+00, v0;
	v1 =	vadd.f32 $7.000000000e+00, v1  }
0x1d7: {  	v15 =	vmax.f32 v58, v17;
	v17 =	vmax.f32 v16, v18;
	v16 =	vmin.f32 v16, v18  }
0x1d8: {  	v19 =	vmin.f32 v4, v9;
	v20 =	vmax.f32 v4, v9;
	v22 =	vmin.f32 v0, v1  }
0x1d9: {  	v23 =	vmax.f32 v0, v1;
	v59 =	vadd.f32 $-7.000000000e+00, v1;
	v18 =	vmin.f32 v19, v22  }
0x1da: {  	v19 =	vmax.f32 v19, v22;
	v22 =	vmax.f32 v20, v23;
	v20 =	vmin.f32 v20, v23  }
0x1db: {  	v23 =	vadd.f32 $-1.000000000e+00, v5;
	v21 =	vmax.f32 v21, v22;
	v22 =	vmin.f32 v16, v15  }
0x1dc: {  	v15 =	vmax.f32 v16, v15;
	v16 =	vmin.f32 v20, v19;
	v19 =	vmax.f32 v20, v19  }
0x1dd: {  	v19 =	vmax.f32 v22, v19;
	v15 =	vmax.f32 v15, v16;
	v16 =	vmax.f32 v17, v18  }
0x1de: {  	v20 =	vsel vm1, $0xBA810204, v8;
	v17 =	vmin.f32 v21, v19;
	v15 =	vmin.f32 v15, v16  }
0x1df: {  	v18 =	vadd.f32 $-4.000000000e+00, v4;
	v16 =	vadd.f32 $-2.000000000e+00, v3;
	v15 =	vmin.f32 v17, v15  }
0x1e0: {  	v19 =	vadd.f32 $-5.000000000e+00, v9;
	v21 =	vadd.f32 $-6.000000000e+00, v0;
	vm1 =	vge.f32 v2, v15  }
0x1e1: {  	v17 =	vadd.f32 $-3.000000000e+00, v6;
	v2 =	vnsel vm1, $0x0, v2;
	vm1 =	vge.f32 v5, v15  }
0x1e2: {  	v2 =	vmul.f32 v2, v7;
	v7 =	vnsel vm1, $0x0, v23;
	vm1 =	vge.f32 v3, v15  }
0x1e3: {  	v3 =	vmul.f32 v7, v10;
	v7 =	vnsel vm1, $0x0, v16;
	vm1 =	vge.f32 v6, v15  }
0x1e4: {  	[tilespmem:v31+s17+$0x0] =	vst.idx.msk $0xffff, v2;
	v2 =	vmul.f32 v7, v11;
	v6 =	vnsel vm1, $0x0, v17;
	vm1 =	vge.f32 v4, v15  }
0x1e5: {  	[tilespmem:v30+s17+$0x0] =	vst.idx.msk $0xffff, v3;
	v3 =	vmul.f32 v6, v55;
	v4 =	vnsel vm1, $0x0, v18;
	vm1 =	vge.f32 v9, v15  }
0x1e6: {  	[tilespmem:v40+s17+$0x0] =	vst.idx.msk $0xffff, v2;
	v2 =	vmul.f32 v4, v56;
	v60 =	vnsel vm1, $0x0, v19;
	vm1 =	vge.f32 v0, v15  }
0x1e7: {  	[tilespmem:v41+s17+$0x0] =	vst.idx.msk $0xffff, v3;
	v0 =	vmul.f32 v60, v57;
	v3 =	vnsel vm1, $0x0, v21;
	vm1 =	vge.f32 v1, v15  }
0x1e8: {  	[tilespmem:v42+s17+$0x0] =	vst.idx.msk $0xffff, v2;
	v1 =	vmul.f32 v3, v20;
	v2 =	vsel vm0, $0xBA810204, v8;
	v3 =	vnsel vm1, $0x0, v59  }
0x1e9: {  	s25 =	smul.u32 $0xA80, s25;
	p1 =	seq.s32 s23, $0x14;
	[tilespmem:v29+s17+$0x0] =	vst.idx.msk $0xffff, v0;
	v0 =	vmul.f32 v3, v2  }
0x1ea: {  	s26 =	sadd.s32 @!p1 s24, s9;
	[tilespmem:v28+s17+$0x0] =	vst.idx.msk $0xffff, v1  }
0x1eb: {  	s25 =	sadd.s32 s3, s25;
	s26 =	smul.u32 @!p1 $0xA80, s26;
	[tilespmem:v27+s17+$0x0] =	vst.idx.msk $0xffff, v0  }
0x1ec: {  	[hbm4b:s25+s4] =	stream.linear.scatter [tilespmem:s17], [sflag:$0x3], $0x5400, $0x38;
	[tilespmem:$0x15080] =	vst v63  }
0x1ed: {  	s25 =	sadd.s32 @!p1 s1, s26;
	s26 =	simm.s32 @!p1 $0x0  }
0x1ee: {  	[tilespmem:s26], [sflag:$0x1] =	stream.linear.gather @!p1 [hbm4b:s25+s26], $0x5400, $0x38;
	[tilespmem:$0x15080] =	vst v63  }
0x1ef: {  	v1 =	vmov s28;
	_ =	swait.ge [sflag:s18], $0x5400  }
0x1f0: {  	v0 =	vshrl.u32 v1, $0x3;
	[sflag:s18] =	ssyncset.done $0x0  }
0x1f1: {  	v1 =	vshll.u32 v1, $0x7;
	v0 =	vmul.u32 $0xC00, v0;
	s25 =	simm.s32 @!p0 $0x4;
	[sflag:s18] =	ssyncadd.s32 $0xFFFFAC00  }
0x1f2: {  	v1 =	vand.u32 $0x380, v1;
	_ =	swait.ge @!p0 [sflag:s25], $0x5400  }
0x1f3: {  	v27 =	vor.u32 v1, v0;
	v0 =	vld [tilespmem:$0x1FF90]  }
0x1f4: {  	v1 =	vld [tilespmem:$0x1FFB0]  }
0x1f5: {  	v56 =	vld [tilespmem:$0x1FEA0];
	_ =	sdelay $0x2  }
0x1f6: {  	v32 =	vor.u32 v24, v27;
	v19 =	vor.u32 v0, v27;
	v0 =	vld [tilespmem:$0x1FFA0]  }
0x1f7: {  	v34 =	vor.u32 v1, v27;
	v1 =	vld [tilespmem:$0x1FFC0]  }
0x1f8: {  	v20 =	vor.u32 v56, v27  }
0x1f9: {  	[sflag:s25] =	ssyncset.done @!p0 $0x0;
	v62 =	vld [tilespmem:$0x1FFD0]  }
0x1fa: {  	v6 =	vld [tilespmem:$0x1FFE0];
	[sflag:s25] =	ssyncadd.s32 @!p0 $0xFFFFAC00  }
0x1fb: {  	v35 =	vor.u32 v0, v27;
	v0 =	vld.idx.msk [tilespmem:v32+s15+$0x0], $0xffff  }
0x1fc: {  	v33 =	vor.u32 v1, v27;
	v2 =	vld.idx.msk [tilespmem:v19+s15+$0x0], $0xffff  }
0x1fd: {  	v1 =	vld.idx.msk [tilespmem:v20+s15+$0x0], $0xffff  }
0x1fe: {  	v36 =	vor.u32 v62, v27;
	v63 =	vld.idx.msk [tilespmem:v34+s15+$0x0], $0xffff  }
0x1ff: {  	v37 =	vor.u32 v6, v27  }
0x200: {  	v3 =	vld.idx.msk [tilespmem:v35+s15+$0x0], $0xffff;
	v61 =	vand.u32 $0x7FFFFFFF, v0  }
0x201: {  	v6 =	vld.idx.msk [tilespmem:v33+s15+$0x0], $0xffff;
	v9 =	vand.u32 $0x7FFFFFFF, v2;
	v4 =	vmul.f32 $-2.000000000e+00, v61  }
0x202: {  	v7 =	vand.u32 $0x7FFFFFFF, v1;
	v9 =	vmul.f32 $-2.000000000e+00, v9  }
0x203: {  	v11 =	vand.u32 $0x7FFFFFFF, v63;
	v38 =	vmul.f32 $-2.000000000e+00, v7;
	v7 =	vld.idx.msk [tilespmem:v36+s15+$0x0], $0xffff;
	v4 =	vmul.f32 $1.442695020e+00, v4  }
0x204: {  	v39 =	vld.idx.msk [tilespmem:v37+s15+$0x0], $0xffff;
	v11 =	vmul.f32 $-2.000000000e+00, v11;
	v9 =	vmul.f32 $1.442695020e+00, v9  }
0x205: {  	v10 =	vand.u32 $0x7FFFFFFF, v3;
	(erf) = vpow2.f32 v4;
	v4 =	vmul.f32 $1.442695020e+00, v38  }
0x206: {  	v41 =	vmul.f32 $1.442695020e+00, v11;
	v40 =	vand.u32 $0x7FFFFFFF, v6;
	v10 =	vmul.f32 $-2.000000000e+00, v10  }
0x207: {  	v13 =	vmul.f32 $-2.000000000e+00, v40;
	(erf) = vpow2.f32 v4  }
0x208: {  	v10 =	vmul.f32 $1.442695020e+00, v10;
	(erf) = vpow2.f32 v9;
	v9 =	vand.u32 $0x7FFFFFFF, v7  }
0x209: {  	v42 =	vand.u32 $0x7FFFFFFF, v39;
	v11 =	vmul.f32 $1.442695020e+00, v13;
	v9 =	vmul.f32 $-2.000000000e+00, v9  }
0x20a: {  	(erf) = vpow2.f32 v10;
	v10 =	vmul.f32 $-2.000000000e+00, v42  }
0x20b: {  	(erf) = vpow2.f32 v41;
	v43 =	vmul.f32 $1.442695020e+00, v9  }
0x20c: {  	(erf) = vpow2.f32 v11;
	v9 =	vmul.f32 $1.442695020e+00, v10;
	_ =	sdelay $0x1  }
0x20d: {  	(erf) = vpow2.f32 v43  }
0x20e: {  	(erf) = vpow2.f32 v9;
	v44 =	vpop (erf)  }
0x20f: {  	v4 =	vadd.f32 $1.000000000e+00, v44;
	v9 =	vpop (erf)  }
0x210: {  	v9 =	vadd.f32 $1.000000000e+00, v9  }
0x211: {  	v17 =	vld [tilespmem:$0x1FE80];
	v10 =	vpop (erf);
	(erf) = vrcp.f32 v4  }
0x212: {  	v10 =	vadd.f32 $1.000000000e+00, v10;
	v11 =	vpop (erf);
	(erf) = vrcp.f32 v9  }
0x213: {  	v45 =	vpop (erf);
	v11 =	vadd.f32 $1.000000000e+00, v11  }
0x214: {  	(erf) = vrcp.f32 v10;
	v9 =	vpop (erf);
	v4 =	vadd.f32 $1.000000000e+00, v45  }
0x215: {  	v9 =	vadd.f32 $1.000000000e+00, v9;
	(erf) = vrcp.f32 v11  }
0x216: {  	v31 =	vadd.s32 v17, v27;
	v17 =	vld [tilespmem:$0x1FFF0];
	v10 =	vpop (erf);
	(erf) = vrcp.f32 v4  }
0x217: {  	v46 =	vpop (erf);
	v10 =	vadd.f32 $1.000000000e+00, v10;
	(erf) = vrcp.f32 v9  }
0x218: {  	v4 =	vadd.f32 $1.000000000e+00, v46  }
0x219: {  	(erf) = vrcp.f32 v10  }
0x21a: {  	(erf) = vrcp.f32 v4;
	v47 =	vpop (erf)  }
0x21b: {  	v30 =	vadd.s32 v17, v27;
	v4 =	vmul.f32 v47, v26;
	v9 =	vpop (erf)  }
0x21c: {  	vm4 =	vlt.f32 v0, $0.0e+00;
	vm5 =	vlt.f32 v1, $0.0e+00;
	v9 =	vmul.f32 v9, v26  }
0x21d: {  	vm6 =	vlt.f32 v2, $0.0e+00;
	vm2 =	vlt.f32 v63, $0.0e+00;
	v10 =	vpop (erf);
	v4 =	vsub.f32 v4, v25  }
0x21e: {  	vm7 =	vlt.f32 v39, $0.0e+00;
	v10 =	vmul.f32 v10, v26;
	v11 =	vpop (erf);
	v9 =	vsub.f32 v9, v25  }
0x21f: {  	v39 =	vsel vm5, $0xBA810204, v8;
	v0 =	vadd.f32 $1.006632960e+08, v4;
	v48 =	vpop (erf);
	v11 =	vmul.f32 v11, v26  }
0x220: {  	v10 =	vsub.f32 v10, v25;
	v49 =	vpop (erf);
	v13 =	vmul.f32 v48, v26;
	v51 =	vadd.f32 $1.006632960e+08, v9  }
0x221: {  	v5 =	vadd.f32 $-1.006632960e+08, v0;
	v14 =	vmul.f32 v49, v26;
	v11 =	vsub.f32 v11, v25  }
0x222: {  	vm3 =	vlt.f32 v3, $0.0e+00;
	v50 =	vpop (erf);
	v1 =	vadd.f32 $1.006632960e+08, v10;
	v13 =	vsub.f32 v13, v25  }
0x223: {  	v15 =	vmul.f32 v50, v26;
	v16 =	vpop (erf);
	v0 =	vadd.f32 $-1.006632960e+08, v51;
	v14 =	vsub.f32 v14, v25  }
0x224: {  	v16 =	vmul.f32 v16, v26;
	v9 =	vadd.f32 $1.006632960e+08, v11;
	v1 =	vadd.f32 $-1.006632960e+08, v1  }
0x225: {  	vm1 =	vlt.f32 v6, $0.0e+00;
	v15 =	vsub.f32 v15, v25;
	v2 =	vadd.f32 $1.006632960e+08, v13  }
0x226: {  	v38 =	vsel vm6, $0xBA810204, v8;
	v16 =	vsub.f32 v16, v25;
	v10 =	vadd.f32 $1.006632960e+08, v14  }
0x227: {  	vm0 =	vlt.f32 v7, $0.0e+00;
	v52 =	vadd.f32 $-1.006632960e+08, v9;
	v3 =	vadd.f32 $1.006632960e+08, v15  }
0x228: {  	v42 =	vsel vm0, $0xBA810204, v8;
	v2 =	vadd.f32 $-1.006632960e+08, v2;
	v11 =	vadd.f32 $1.006632960e+08, v16  }
0x229: {  	v43 =	vsel vm3, $0xBA810204, v8;
	v6 =	vadd.f32 $-1.006632960e+08, v10;
	v10 =	vadd.f32 $1.000000000e+00, v0  }
0x22a: {  	v44 =	vsel vm1, $0xBA810204, v8;
	v41 =	vadd.f32 $3.000000000e+00, v52;
	v3 =	vadd.f32 $-1.006632960e+08, v3  }
0x22b: {  	v45 =	vsel vm2, $0xBA810204, v8;
	v40 =	vadd.f32 $4.000000000e+00, v2;
	v7 =	vadd.f32 $-1.006632960e+08, v11  }
0x22c: {  	v9 =	vsel vm4, $0xBA810204, v8;
	v11 =	vadd.f32 $2.000000000e+00, v1;
	v2 =	vadd.f32 $5.000000000e+00, v6  }
0x22d: {  	v53 =	vmax.f32 v5, v10;
	v63 =	vadd.f32 $-1.000000000e+00, v10;
	v1 =	vadd.f32 $6.000000000e+00, v3  }
0x22e: {  	v3 =	vmin.f32 v5, v10;
	v0 =	vadd.f32 $7.000000000e+00, v7;
	v6 =	vmin.f32 v11, v41  }
0x22f: {  	v7 =	vmax.f32 v11, v41;
	v54 =	vmin.f32 v40, v2;
	v55 =	vmax.f32 v40, v2  }
0x230: {  	v57 =	vmin.f32 v3, v6;
	v3 =	vmax.f32 v3, v6;
	v6 =	vmax.f32 v53, v7  }
0x231: {  	v4 =	vmin.f32 v53, v7;
	v58 =	vmin.f32 v1, v0;
	v16 =	vmax.f32 v1, v0  }
0x232: {  	v60 =	vmin.f32 v4, v3;
	v3 =	vmax.f32 v4, v3;
	v7 =	vmin.f32 v54, v58  }
0x233: {  	v12 =	vmax.f32 v54, v58;
	v59 =	vmax.f32 v55, v16;
	v13 =	vmin.f32 v55, v16  }
0x234: {  	v14 =	vmax.f32 v57, v59;
	v61 =	vmin.f32 v13, v12;
	v12 =	vmax.f32 v13, v12  }
0x235: {  	v62 =	vmax.f32 v6, v7;
	v12 =	vmax.f32 v60, v12;
	v3 =	vmax.f32 v3, v61  }
0x236: {  	v51 =	vadd.f32 $-3.000000000e+00, v41;
	v6 =	vmin.f32 v14, v12;
	v3 =	vmin.f32 v3, v62  }
0x237: {  	v50 =	vadd.f32 $-4.000000000e+00, v40;
	v52 =	vadd.f32 $-2.000000000e+00, v11;
	v46 =	vmin.f32 v6, v3  }
0x238: {  	v49 =	vadd.f32 $-5.000000000e+00, v2;
	v48 =	vadd.f32 $-6.000000000e+00, v1;
	vm0 =	vge.f32 v5, v46  }
0x239: {  	v47 =	vadd.f32 $-7.000000000e+00, v0;
	vm1 =	vge.f32 v10, v46;
	v3 =	vnsel vm0, $0x0, v5  }
0x23a: {  	s26 =	simm.s32 $0x1;
	s25 =	sadd.s32 s24, s10;
	vm0 =	vge.f32 v11, v46;
	v54 =	vnsel vm1, $0x0, v63;
	v53 =	vmul.f32 v3, v9  }
.LBB2_5:
0x23b: {  	_ =	sdelay $0x3  }
0x23c: {  	v3 =	vmul.f32 v54, v39;
	v4 =	vnsel vm0, $0x0, v52;
	vm0 =	vge.f32 v41, v46  }
0x23d: {  	[tilespmem:v32+s19+$0x0] =	vst.idx.msk $0xffff, v53;
	v4 =	vmul.f32 v4, v38;
	v5 =	vnsel vm0, $0x0, v51;
	vm0 =	vge.f32 v40, v46  }
0x23e: {  	v15 =	vnsel vm0, $0x0, v50;
	vm0 =	vge.f32 v2, v46;
	[tilespmem:v20+s19+$0x0] =	vst.idx.msk $0xffff, v3;
	v3 =	vmul.f32 v5, v43  }
0x23f: {  	v2 =	vmul.f32 v15, v45;
	v32 =	vnsel vm0, $0x0, v49;
	vm0 =	vge.f32 v1, v46;
	[tilespmem:v19+s19+$0x0] =	vst.idx.msk $0xffff, v4  }
0x240: {  	v1 =	vmul.f32 v32, v44;
	[tilespmem:v35+s19+$0x0] =	vst.idx.msk $0xffff, v3;
	v3 =	vnsel vm0, $0x0, v48  }
0x241: {  	vm0 =	vge.f32 v0, v46;
	[tilespmem:v34+s19+$0x0] =	vst.idx.msk $0xffff, v2;
	v0 =	vmul.f32 v3, v42  }
0x242: {  	[tilespmem:v33+s19+$0x0] =	vst.idx.msk $0xffff, v1  }
0x243: {  	[tilespmem:v36+s19+$0x0] =	vst.idx.msk $0xffff, v0;
	v0 =	vld [tilespmem:$0x1FEC0];
	_ =	sdelay $0x4  }
0x244: {  	v54 =	vadd.s32 v0, v27;
	v0 =	vld [tilespmem:$0x1FED0];
	_ =	sdelay $0x4  }
0x245: {  	v53 =	vadd.s32 v0, v27;
	v0 =	vld [tilespmem:$0x1FEE0];
	_ =	sdelay $0x2  }
0x246: {  	v2 =	vsel vm7, $0xBA810204, v8;
	v3 =	vnsel vm0, $0x0, v47  }
0x247: {  	v1 =	vmul.f32 v3, v2  }
0x248: {  	v52 =	vadd.s32 v0, v27;
	v0 =	vld [tilespmem:$0x1FEF0]  }
0x249: {  	[tilespmem:v37+s19+$0x0] =	vst.idx.msk $0xffff, v1;
	v1 =	vld [tilespmem:$0x1FF00];
	_ =	sdelay $0x3  }
0x24a: {  	v50 =	vadd.s32 v0, v27;
	v0 =	vmov s26  }
0x24b: {  	v2 =	vld [tilespmem:$0x1FEB0];
	v51 =	vadd.s32 v1, v27;
	v1 =	vshrl.u32 v0, $0x3  }
0x24c: {  	v0 =	vshll.u32 v0, $0x7;
	v1 =	vmul.u32 $0xC00, v1  }
0x24d: {  	v0 =	vand.u32 $0x380, v0  }
0x24e: {  	v49 =	vor.u32 v0, v1;
	v0 =	vld [tilespmem:$0x1FE90];
	_ =	sdelay $0x1  }
0x24f: {  	v55 =	vadd.s32 v2, v27;
	_ =	sdelay $0x1  }
0x250: {  	v63 =	vld.idx.msk [tilespmem:v31+s15+$0x0], $0xffff  }
0x251: {  	v32 =	vor.u32 v0, v49;
	v0 =	vld [tilespmem:$0x1FF90]  }
0x252: {  	v9 =	vld [tilespmem:$0x1FFA0]  }
0x253: {  	v61 =	vld.idx.msk [tilespmem:v55+s15+$0x0], $0xffff  }
0x254: {  	v60 =	vld.idx.msk [tilespmem:v54+s15+$0x0], $0xffff  }
0x255: {  	v62 =	vld.idx.msk [tilespmem:v30+s15+$0x0], $0xffff  }
0x256: {  	v46 =	vld.idx.msk [tilespmem:v51+s15+$0x0], $0xffff;
	v10 =	vor.u32 v0, v49;
	v0 =	vand.u32 $0x7FFFFFFF, v63  }
0x257: {  	v59 =	vld.idx.msk [tilespmem:v53+s15+$0x0], $0xffff;
	v0 =	vmul.f32 $-2.000000000e+00, v0  }
0x258: {  	v58 =	vld.idx.msk [tilespmem:v52+s15+$0x0], $0xffff  }
0x259: {  	v2 =	vand.u32 $0x7FFFFFFF, v61;
	v3 =	vand.u32 $0x7FFFFFFF, v60;
	v57 =	vld.idx.msk [tilespmem:v50+s15+$0x0], $0xffff;
	v0 =	vmul.f32 $1.442695020e+00, v0  }
0x25a: {  	v2 =	vmul.f32 $-2.000000000e+00, v2;
	v3 =	vmul.f32 $-2.000000000e+00, v3  }
0x25b: {  	v7 =	vand.u32 $0x7FFFFFFF, v46;
	v1 =	vand.u32 $0x7FFFFFFF, v62;
	(erf) = vpow2.f32 v0;
	v0 =	vld [tilespmem:$0x1FFC0]  }
0x25c: {  	v7 =	vmul.f32 $-2.000000000e+00, v7;
	v38 =	vand.u32 $0x7FFFFFFF, v59;
	v1 =	vmul.f32 $-2.000000000e+00, v1  }
0x25d: {  	v2 =	vmul.f32 $1.442695020e+00, v2;
	v4 =	vmul.f32 $-2.000000000e+00, v38;
	v35 =	vor.u32 v9, v49;
	v9 =	vld [tilespmem:$0x1FFB0]  }
0x25e: {  	v39 =	vand.u32 $0x7FFFFFFF, v58;
	v1 =	vmul.f32 $1.442695020e+00, v1;
	v6 =	vand.u32 $0x7FFFFFFF, v57  }
0x25f: {  	v5 =	vmul.f32 $-2.000000000e+00, v39;
	v6 =	vmul.f32 $-2.000000000e+00, v6  }
0x260: {  	v45 =	vld.idx.msk [tilespmem:v32+s15+$0x0], $0xffff;
	(erf) = vpow2.f32 v1;
	v33 =	vor.u32 v0, v49;
	v0 =	vmul.f32 $1.442695020e+00, v3  }
0x261: {  	v1 =	vmul.f32 $1.442695020e+00, v4;
	(erf) = vpow2.f32 v2  }
0x262: {  	v34 =	vor.u32 v9, v49;
	v2 =	vmul.f32 $1.442695020e+00, v5;
	(erf) = vpow2.f32 v0  }
0x263: {  	v43 =	vld.idx.msk [tilespmem:v35+s15+$0x0], $0xffff;
	v0 =	vmul.f32 $1.442695020e+00, v6;
	(erf) = vpow2.f32 v1  }
0x264: {  	v11 =	vor.u32 v56, v49;
	v1 =	vmul.f32 $1.442695020e+00, v7;
	(erf) = vpow2.f32 v2  }
0x265: {  	v44 =	vld.idx.msk [tilespmem:v10+s15+$0x0], $0xffff;
	v2 =	vand.u32 $0x7FFFFFFF, v45;
	(erf) = vpow2.f32 v0  }
0x266: {  	v0 =	vmul.f32 $-2.000000000e+00, v2;
	(erf) = vpow2.f32 v1  }
0x267: {  	v42 =	vld.idx.msk [tilespmem:v34+s15+$0x0], $0xffff  }
0x268: {  	v40 =	vand.u32 $0x7FFFFFFF, v43;
	v1 =	vld [tilespmem:$0x1FFD0];
	v0 =	vmul.f32 $1.442695020e+00, v0;
	v2 =	vpop (erf)  }
0x269: {  	v47 =	vld.idx.msk [tilespmem:v11+s15+$0x0], $0xffff;
	v4 =	vmul.f32 $-2.000000000e+00, v40;
	v9 =	vadd.f32 $1.000000000e+00, v2;
	v48 =	vpop (erf)  }
0x26a: {  	[tilespmem:$0x1FE40] =	vst v10;
	v3 =	vand.u32 $0x7FFFFFFF, v44;
	(erf) = vpow2.f32 v0;
	v10 =	vadd.f32 $1.000000000e+00, v48;
	v56 =	vpop (erf)  }
0x26b: {  	[tilespmem:$0x1FE30] =	vst v11;
	v3 =	vmul.f32 $-2.000000000e+00, v3;
	v11 =	vadd.f32 $1.000000000e+00, v56;
	(erf) = vrcp.f32 v9;
	v2 =	vpop (erf)  }
0x26c: {  	v6 =	vand.u32 $0x7FFFFFFF, v42;
	(erf) = vrcp.f32 v10;
	v9 =	vadd.f32 $1.000000000e+00, v2;
	v0 =	vpop (erf)  }
0x26d: {  	v36 =	vor.u32 v1, v49;
	(erf) = vrcp.f32 v11;
	v10 =	vadd.f32 $1.000000000e+00, v0;
	v12 =	vpop (erf)  }
0x26e: {  	v1 =	vand.u32 $0x7FFFFFFF, v47;
	v5 =	vadd.f32 $1.000000000e+00, v12;
	(erf) = vrcp.f32 v9;
	v2 =	vpop (erf)  }
0x26f: {  	v1 =	vmul.f32 $-2.000000000e+00, v1;
	v2 =	vadd.f32 $1.000000000e+00, v2;
	(erf) = vrcp.f32 v10;
	v0 =	vpop (erf)  }
0x270: {  	v6 =	vmul.f32 $-2.000000000e+00, v6;
	v0 =	vadd.f32 $1.000000000e+00, v0;
	(erf) = vrcp.f32 v5  }
0x271: {  	v41 =	vld.idx.msk [tilespmem:v33+s15+$0x0], $0xffff;
	v1 =	vmul.f32 $1.442695020e+00, v1;
	(erf) = vrcp.f32 v2  }
0x272: {  	v3 =	vmul.f32 $1.442695020e+00, v3;
	(erf) = vrcp.f32 v0  }
0x273: {  	v4 =	vmul.f32 $1.442695020e+00, v4;
	v56 =	vpop (erf);
	(erf) = vpow2.f32 v1  }
0x274: {  	v1 =	vmul.f32 $1.442695020e+00, v6;
	(erf) = vpow2.f32 v3  }
0x275: {  	v2 =	vpop (erf);
	(erf) = vpow2.f32 v4  }
0x276: {  	v7 =	vand.u32 $0x7FFFFFFF, v41;
	v0 =	vpop (erf);
	(erf) = vpow2.f32 v1;
	v1 =	vld [tilespmem:$0x1FF10]  }
0x277: {  	v7 =	vmul.f32 $-2.000000000e+00, v7;
	_ =	sdelay $0x1  }
0x278: {  	v3 =	vmul.f32 $1.442695020e+00, v7;
	_ =	sdelay $0x1  }
0x279: {  	v40 =	vadd.s32 v1, v27;
	v1 =	vpop (erf);
	(erf) = vpow2.f32 v3;
	v3 =	vld [tilespmem:$0x1FF20];
	_ =	sdelay $0x1  }
0x27a: {  	v13 =	vld [tilespmem:$0x1FFE0]  }
0x27b: {  	vm1 =	vlt.f32 v63, $0.0e+00;
	v0 =	vmul.f32 v0, v26  }
0x27c: {  	vm2 =	vlt.f32 v62, $0.0e+00;
	vm3 =	vlt.f32 v61, $0.0e+00;
	vm4 =	vlt.f32 v60, $0.0e+00  }
0x27d: {  	vm0 =	vlt.f32 v46, $0.0e+00;
	v9 =	vsub.f32 v0, v25;
	v39 =	vadd.s32 v3, v27;
	v3 =	vld [tilespmem:$0x1FF30]  }
0x27e: {  	vm5 =	vlt.f32 v59, $0.0e+00;
	v14 =	vmul.f32 v2, v26;
	v1 =	vmul.f32 v1, v26  }
0x27f: {  	v16 =	vsel vm5, $0xBA810204, v8;
	v37 =	vor.u32 v13, v49;
	v9 =	vadd.f32 $1.006632960e+08, v9  }
0x280: {  	vm6 =	vlt.f32 v58, $0.0e+00;
	v4 =	vsub.f32 v14, v25;
	v11 =	vsub.f32 v1, v25  }
0x281: {  	v13 =	vsel vm2, $0xBA810204, v8;
	v17 =	vsel vm6, $0xBA810204, v8;
	v9 =	vadd.f32 $-1.006632960e+08, v9  }
0x282: {  	v4 =	vadd.f32 $1.006632960e+08, v4;
	v11 =	vadd.f32 $1.006632960e+08, v11;
	v38 =	vadd.s32 v3, v27;
	v3 =	vpop (erf)  }
0x283: {  	vm7 =	vlt.f32 v57, $0.0e+00;
	v9 =	vadd.f32 $1.000000000e+00, v9;
	v15 =	vpop (erf);
	v3 =	vmul.f32 v3, v26  }
0x284: {  	v48 =	vld.idx.msk [tilespmem:v36+s15+$0x0], $0xffff;
	v4 =	vadd.f32 $-1.006632960e+08, v4;
	v11 =	vadd.f32 $-1.006632960e+08, v11;
	v6 =	vpop (erf);
	v5 =	vmul.f32 v15, v26  }
0x285: {  	v18 =	vadd.f32 $-1.000000000e+00, v9;
	v6 =	vmul.f32 v6, v26;
	v7 =	vpop (erf);
	v3 =	vsub.f32 v3, v25  }
0x286: {  	v11 =	vadd.f32 $2.000000000e+00, v11;
	v7 =	vmul.f32 v7, v26;
	v10 =	vpop (erf);
	v5 =	vsub.f32 v5, v25  }
0x287: {  	v12 =	vmul.f32 v10, v26;
	v6 =	vsub.f32 v6, v25;
	v3 =	vadd.f32 $1.006632960e+08, v3  }
0x288: {  	v19 =	vsel vm7, $0xBA810204, v8;
	v7 =	vsub.f32 v7, v25;
	v5 =	vadd.f32 $1.006632960e+08, v5  }
0x289: {  	v2 =	vand.u32 $0x7FFFFFFF, v48;
	v10 =	vsub.f32 v12, v25;
	v6 =	vadd.f32 $1.006632960e+08, v6  }
0x28a: {  	v14 =	vsel vm3, $0xBA810204, v8;
	v3 =	vadd.f32 $-1.006632960e+08, v3;
	v7 =	vadd.f32 $1.006632960e+08, v7  }
0x28b: {  	v2 =	vmul.f32 $-2.000000000e+00, v2;
	v5 =	vadd.f32 $-1.006632960e+08, v5;
	v10 =	vadd.f32 $1.006632960e+08, v10  }
0x28c: {  	v20 =	vmin.f32 v4, v9;
	v6 =	vadd.f32 $-1.006632960e+08, v6;
	v3 =	vadd.f32 $3.000000000e+00, v3  }
0x28d: {  	v21 =	vmax.f32 v4, v9;
	v7 =	vadd.f32 $-1.006632960e+08, v7;
	v5 =	vadd.f32 $4.000000000e+00, v5  }
0x28e: {  	v15 =	vsel vm4, $0xBA810204, v8;
	v10 =	vadd.f32 $-1.006632960e+08, v10;
	v6 =	vadd.f32 $5.000000000e+00, v6  }
0x28f: {  	v22 =	vmin.f32 v11, v3;
	v23 =	vmax.f32 v11, v3;
	v7 =	vadd.f32 $6.000000000e+00, v7  }
0x290: {  	v57 =	vmin.f32 v20, v22;
	v61 =	vmax.f32 v21, v23;
	v10 =	vadd.f32 $7.000000000e+00, v10  }
0x291: {  	v20 =	vmax.f32 v20, v22;
	v21 =	vmin.f32 v21, v23;
	v24 =	vmin.f32 v5, v6  }
0x292: {  	v46 =	vmax.f32 v5, v6;
	v23 =	vmin.f32 v21, v20;
	v58 =	vmin.f32 v7, v10  }
0x293: {  	v20 =	vmax.f32 v21, v20;
	v59 =	vmax.f32 v7, v10;
	v28 =	vmin.f32 v24, v58  }
0x294: {  	v29 =	vmax.f32 v46, v59;
	v22 =	vmax.f32 v24, v58;
	v24 =	vmin.f32 v46, v59  }
0x295: {  	v29 =	vmax.f32 v57, v29;
	v21 =	vmin.f32 v24, v22;
	v22 =	vmax.f32 v24, v22  }
0x296: {  	v22 =	vmax.f32 v23, v22;
	v20 =	vmax.f32 v20, v21;
	v21 =	vmax.f32 v61, v28  }
0x297: {  	v12 =	vsel vm1, $0xBA810204, v8;
	v22 =	vmin.f32 v29, v22;
	v20 =	vmin.f32 v20, v21  }
0x298: {  	v24 =	vadd.f32 $-5.000000000e+00, v6;
	v23 =	vadd.f32 $-4.000000000e+00, v5;
	v20 =	vmin.f32 v22, v20  }
0x299: {  	v28 =	vadd.f32 $-6.000000000e+00, v7;
	v21 =	vadd.f32 $-2.000000000e+00, v11;
	vm1 =	vge.f32 v4, v20  }
0x29a: {  	v22 =	vadd.f32 $-3.000000000e+00, v3;
	v4 =	vnsel vm1, $0x0, v4;
	vm1 =	vge.f32 v9, v20  }
0x29b: {  	v4 =	vmul.f32 v4, v12;
	v59 =	vnsel vm1, $0x0, v18;
	vm1 =	vge.f32 v11, v20  }
0x29c: {  	v46 =	vld.idx.msk [tilespmem:v37+s15+$0x0], $0xffff;
	v11 =	vmul.f32 v59, v13;
	v61 =	vnsel vm1, $0x0, v21;
	vm1 =	vge.f32 v3, v20  }
0x29d: {  	[tilespmem:v31+s19+$0x0] =	vst.idx.msk $0xffff, v4;
	v3 =	vmul.f32 v61, v14;
	v14 =	vnsel vm1, $0x0, v22;
	vm1 =	vge.f32 v5, v20  }
0x29e: {  	v0 =	vpop (erf);
	[tilespmem:v30+s19+$0x0] =	vst.idx.msk $0xffff, v11;
	v4 =	vmul.f32 v14, v15;
	v5 =	vnsel vm1, $0x0, v23;
	vm1 =	vge.f32 v6, v20  }
0x29f: {  	v63 =	vpop (erf);
	[tilespmem:v55+s19+$0x0] =	vst.idx.msk $0xffff, v3;
	v3 =	vmul.f32 v5, v16;
	v55 =	vnsel vm1, $0x0, v24;
	vm1 =	vge.f32 v7, v20  }
0x2a0: {  	v2 =	vmul.f32 $1.442695020e+00, v2;
	v62 =	vpop (erf);
	[tilespmem:v54+s19+$0x0] =	vst.idx.msk $0xffff, v4;
	v57 =	vmul.f32 v55, v17;
	v58 =	vnsel vm1, $0x0, v28  }
0x2a1: {  	v1 =	vpop (erf);
	[tilespmem:v53+s19+$0x0] =	vst.idx.msk $0xffff, v3;
	v3 =	vmul.f32 v58, v19  }
0x2a2: {  	v60 =	vpop (erf);
	(erf) = vpow2.f32 v2;
	v2 =	vld [tilespmem:$0x1FF70];
	[tilespmem:v52+s19+$0x0] =	vst.idx.msk $0xffff, v57  }
0x2a3: {  	[tilespmem:v50+s19+$0x0] =	vst.idx.msk $0xffff, v3;
	v3 =	vld [tilespmem:$0x1FF40];
	_ =	sdelay $0x2  }
0x2a4: {  	v13 =	vld [tilespmem:$0x1FF60]  }
0x2a5: {  	v50 =	vadd.s32 v2, v27;
	v2 =	vld [tilespmem:$0x1FF80]  }
0x2a6: {  	v9 =	vadd.f32 $-7.000000000e+00, v10;
	v54 =	vadd.s32 v3, v27;
	v3 =	vld [tilespmem:$0x1FF50]  }
0x2a7: {  	vm1 =	vge.f32 v10, v20  }
0x2a8: {  	v59 =	vsel vm0, $0xBA810204, v8;
	v7 =	vand.u32 $0x7FFFFFFF, v46;
	v6 =	vnsel vm1, $0x0, v9  }
0x2a9: {  	v12 =	vmul.f32 $-2.000000000e+00, v7;
	v61 =	vmul.f32 v6, v59;
	v52 =	vadd.s32 v13, v27;
	_ =	sdelay $0x1  }
0x2aa: {  	[tilespmem:v51+s19+$0x0] =	vst.idx.msk $0xffff, v61;
	v51 =	vadd.s32 v2, v27;
	v53 =	vadd.s32 v3, v27;
	v3 =	vmul.f32 $1.442695020e+00, v12  }
0x2ab: {  	v4 =	vadd.f32 $1.000000000e+00, v56;
	v61 =	vld.idx.msk [tilespmem:v40+s15+$0x0], $0xffff  }
0x2ac: {  	v0 =	vadd.f32 $1.000000000e+00, v0;
	v56 =	vld.idx.msk [tilespmem:v38+s15+$0x0], $0xffff;
	(erf) = vpow2.f32 v3  }
0x2ad: {  	v59 =	vld.idx.msk [tilespmem:v52+s15+$0x0], $0xffff;
	v2 =	vadd.f32 $1.000000000e+00, v63;
	(erf) = vrcp.f32 v4  }
0x2ae: {  	v57 =	vld.idx.msk [tilespmem:v54+s15+$0x0], $0xffff;
	v3 =	vadd.f32 $1.000000000e+00, v62;
	(erf) = vrcp.f32 v0  }
0x2af: {  	v27 =	vmov v49;
	v49 =	vld.idx.msk [tilespmem:v51+s15+$0x0], $0xffff;
	v0 =	vadd.f32 $1.000000000e+00, v1;
	(erf) = vrcp.f32 v2  }
0x2b0: {  	v55 =	vld.idx.msk [tilespmem:v39+s15+$0x0], $0xffff;
	v1 =	vadd.f32 $1.000000000e+00, v60;
	(erf) = vrcp.f32 v3  }
0x2b1: {  	v58 =	vld.idx.msk [tilespmem:v53+s15+$0x0], $0xffff;
	(erf) = vrcp.f32 v0  }
0x2b2: {  	v7 =	vand.u32 $0x7FFFFFFF, v59;
	(erf) = vrcp.f32 v1  }
0x2b3: {  	v7 =	vmul.f32 $-2.000000000e+00, v7;
	v2 =	vand.u32 $0x7FFFFFFF, v56  }
0x2b4: {  	v4 =	vpop (erf);
	v62 =	vand.u32 $0x7FFFFFFF, v49;
	v3 =	vand.u32 $0x7FFFFFFF, v57;
	v0 =	vand.u32 $0x7FFFFFFF, v61  }
0x2b5: {  	v2 =	vmul.f32 $-2.000000000e+00, v2;
	v1 =	vand.u32 $0x7FFFFFFF, v55;
	v0 =	vmul.f32 $-2.000000000e+00, v0;
	v6 =	vpop (erf)  }
0x2b6: {  	v60 =	vld.idx.msk [tilespmem:v50+s15+$0x0], $0xffff;
	v12 =	vmul.f32 $-2.000000000e+00, v62;
	v1 =	vmul.f32 $-2.000000000e+00, v1;
	v14 =	vand.u32 $0x7FFFFFFF, v58;
	v9 =	vpop (erf)  }
0x2b7: {  	vm2 =	vlt.f32 v44, $0.0e+00;
	v3 =	vmul.f32 $-2.000000000e+00, v3;
	v16 =	vmul.f32 $1.442695020e+00, v0;
	v11 =	vpop (erf)  }
0x2b8: {  	vm5 =	vlt.f32 v41, $0.0e+00;
	v2 =	vmul.f32 $1.442695020e+00, v2;
	v17 =	vmul.f32 $1.442695020e+00, v1;
	v13 =	vpop (erf)  }
0x2b9: {  	vm6 =	vlt.f32 v48, $0.0e+00;
	v5 =	vmul.f32 $-2.000000000e+00, v14;
	v14 =	vpop (erf);
	(erf) = vpow2.f32 v16  }
0x2ba: {  	vm3 =	vlt.f32 v43, $0.0e+00;
	v3 =	vmul.f32 $1.442695020e+00, v3;
	v0 =	vpop (erf);
	(erf) = vpow2.f32 v17  }
0x2bb: {  	v10 =	vand.u32 $0x7FFFFFFF, v60;
	v5 =	vmul.f32 $1.442695020e+00, v5;
	v1 =	vpop (erf);
	(erf) = vpow2.f32 v2  }
0x2bc: {  	vm4 =	vlt.f32 v42, $0.0e+00;
	v10 =	vmul.f32 $-2.000000000e+00, v10;
	(erf) = vpow2.f32 v3  }
0x2bd: {  	vm0 =	vlt.f32 v47, $0.0e+00;
	v15 =	vld [tilespmem:$0x1FE80];
	v2 =	vmul.f32 $1.442695020e+00, v7;
	(erf) = vpow2.f32 v5  }
0x2be: {  	vm1 =	vlt.f32 v45, $0.0e+00;
	vm8 =	vlt.f32 v61, $0.0e+00;
	v3 =	vmul.f32 $1.442695020e+00, v10  }
0x2bf: {  	vm9 =	vlt.f32 v55, $0.0e+00;
	v63 =	vmul.f32 $1.442695020e+00, v12;
	(erf) = vpow2.f32 v2  }
0x2c0: {  	vm13 =	vlt.f32 v59, $0.0e+00;
	v4 =	vadd.f32 $1.000000000e+00, v4;
	(erf) = vpow2.f32 v3  }
0x2c1: {  	vm10 =	vlt.f32 v56, $0.0e+00;
	v59 =	vsel vm13, $0xBA810204, v8;
	(erf) = vpow2.f32 v63  }
0x2c2: {  	v31 =	vadd.s32 v15, v27;
	v12 =	vadd.f32 $1.000000000e+00, v6;
	(erf) = vrcp.f32 v4;
	v2 =	vpop (erf)  }
0x2c3: {  	vm11 =	vlt.f32 v57, $0.0e+00;
	v62 =	vmul.f32 v9, v26;
	v6 =	vadd.f32 $1.000000000e+00, v2;
	v3 =	vpop (erf)  }
0x2c4: {  	v0 =	vmul.f32 v0, v26;
	(erf) = vrcp.f32 v12;
	v7 =	vadd.f32 $1.000000000e+00, v3;
	v47 =	vpop (erf)  }
0x2c5: {  	v1 =	vmul.f32 v1, v26;
	v9 =	vadd.f32 $1.000000000e+00, v47;
	(erf) = vrcp.f32 v6;
	v2 =	vpop (erf)  }
0x2c6: {  	v0 =	vsub.f32 v0, v25;
	v10 =	vadd.f32 $1.000000000e+00, v2;
	(erf) = vrcp.f32 v7;
	v3 =	vpop (erf)  }
0x2c7: {  	v6 =	vmul.f32 v11, v26;
	v11 =	vadd.f32 $1.000000000e+00, v3;
	(erf) = vrcp.f32 v9  }
0x2c8: {  	vm7 =	vlt.f32 v49, $0.0e+00;
	v1 =	vsub.f32 v1, v25;
	v63 =	vpop (erf);
	(erf) = vrcp.f32 v10  }
0x2c9: {  	v45 =	vadd.f32 $1.006632960e+08, v0;
	v4 =	vadd.f32 $1.000000000e+00, v63;
	v2 =	vpop (erf);
	(erf) = vrcp.f32 v11  }
0x2ca: {  	v15 =	vld [tilespmem:$0x1FFF0];
	v48 =	vadd.f32 $1.006632960e+08, v1;
	v9 =	vmul.f32 v14, v26;
	v2 =	vadd.f32 $1.000000000e+00, v2;
	v3 =	vpop (erf)  }
0x2cb: {  	v7 =	vmul.f32 v13, v26;
	v10 =	vpop (erf);
	v3 =	vadd.f32 $1.000000000e+00, v3;
	(erf) = vrcp.f32 v4  }
0x2cc: {  	v13 =	vsub.f32 v6, v25;
	(erf) = vrcp.f32 v2;
	v2 =	vsub.f32 v62, v25  }
0x2cd: {  	v12 =	vmul.f32 v10, v26;
	v6 =	vpop (erf);
	(erf) = vrcp.f32 v3;
	v3 =	vsub.f32 v7, v25  }
0x2ce: {  	v43 =	vadd.f32 $1.006632960e+08, v13;
	v7 =	vsub.f32 v9, v25;
	v6 =	vmul.f32 v6, v26;
	v9 =	vpop (erf)  }
0x2cf: {  	v30 =	vadd.s32 v15, v27;
	v47 =	vsub.f32 v12, v25;
	v42 =	vadd.f32 $1.006632960e+08, v2;
	v14 =	vpop (erf)  }
0x2d0: {  	v62 =	vsub.f32 v6, v25;
	v41 =	vadd.f32 $1.006632960e+08, v3;
	v0 =	vmul.f32 v9, v26;
	v2 =	vpop (erf)  }
0x2d1: {  	v44 =	vadd.f32 $1.006632960e+08, v7;
	v4 =	vmul.f32 v14, v26;
	v3 =	vpop (erf);
	v1 =	vmul.f32 v2, v26  }
0x2d2: {  	v55 =	vadd.f32 $1.006632960e+08, v62;
	v0 =	vsub.f32 v0, v25;
	v15 =	vpop (erf);
	v2 =	vmul.f32 v3, v26  }
0x2d3: {  	v4 =	vsub.f32 v4, v25;
	v5 =	vmul.f32 v15, v26;
	v1 =	vsub.f32 v1, v25  }
0x2d4: {  	v57 =	vsel vm11, $0xBA810204, v8;
	v3 =	vpop (erf);
	v0 =	vadd.f32 $1.006632960e+08, v0;
	v2 =	vsub.f32 v2, v25  }
0x2d5: {  	v3 =	vmul.f32 v3, v26;
	v6 =	vpop (erf);
	v4 =	vadd.f32 $1.006632960e+08, v4;
	v5 =	vsub.f32 v5, v25  }
0x2d6: {  	v6 =	vmul.f32 v6, v26;
	v1 =	vadd.f32 $1.006632960e+08, v1;
	v0 =	vadd.f32 $-1.006632960e+08, v0  }
0x2d7: {  	vm14 =	vlt.f32 v60, $0.0e+00;
	v7 =	vpop (erf);
	v3 =	vsub.f32 v3, v25;
	v2 =	vadd.f32 $1.006632960e+08, v2  }
0x2d8: {  	v7 =	vmul.f32 v7, v26;
	v4 =	vadd.f32 $-1.006632960e+08, v4;
	v6 =	vsub.f32 v6, v25  }
0x2d9: {  	vm12 =	vlt.f32 v58, $0.0e+00;
	v5 =	vadd.f32 $1.006632960e+08, v5;
	v1 =	vadd.f32 $-1.006632960e+08, v1  }
0x2da: {  	v58 =	vsel vm12, $0xBA810204, v8;
	v7 =	vsub.f32 v7, v25;
	v3 =	vadd.f32 $1.006632960e+08, v3  }
0x2db: {  	v16 =	vsel vm14, $0xBA810204, v8;
	v2 =	vadd.f32 $-1.006632960e+08, v2;
	v4 =	vadd.f32 $1.000000000e+00, v4  }
0x2dc: {  	v11 =	vsel vm10, $0xBA810204, v8;
	v6 =	vadd.f32 $1.006632960e+08, v6;
	v5 =	vadd.f32 $-1.006632960e+08, v5  }
0x2dd: {  	v10 =	vsel vm9, $0xBA810204, v8;
	v1 =	vadd.f32 $2.000000000e+00, v1;
	v7 =	vadd.f32 $1.006632960e+08, v7  }
0x2de: {  	v9 =	vsel vm8, $0xBA810204, v8;
	v3 =	vadd.f32 $-1.006632960e+08, v3;
	v2 =	vadd.f32 $3.000000000e+00, v2  }
0x2df: {  	v17 =	vmin.f32 v0, v4;
	v6 =	vadd.f32 $-1.006632960e+08, v6;
	v5 =	vadd.f32 $4.000000000e+00, v5  }
0x2e0: {  	v18 =	vmax.f32 v0, v4;
	v7 =	vadd.f32 $-1.006632960e+08, v7;
	v3 =	vadd.f32 $5.000000000e+00, v3  }
0x2e1: {  	v19 =	vmin.f32 v1, v2;
	v20 =	vmax.f32 v1, v2;
	v6 =	vadd.f32 $6.000000000e+00, v6  }
0x2e2: {  	v23 =	vmin.f32 v17, v19;
	v29 =	vmax.f32 v18, v20;
	v7 =	vadd.f32 $7.000000000e+00, v7  }
0x2e3: {  	v17 =	vmax.f32 v17, v19;
	v18 =	vmin.f32 v18, v20;
	v21 =	vmin.f32 v5, v3  }
0x2e4: {  	v22 =	vmax.f32 v5, v3;
	v20 =	vmin.f32 v18, v17;
	v24 =	vmin.f32 v6, v7  }
0x2e5: {  	v17 =	vmax.f32 v18, v17;
	v28 =	vmax.f32 v6, v7;
	v61 =	vmin.f32 v21, v24  }
0x2e6: {  	v63 =	vmax.f32 v22, v28;
	v19 =	vmax.f32 v21, v24;
	v21 =	vmin.f32 v22, v28  }
0x2e7: {  	v22 =	vmax.f32 v23, v63;
	v18 =	vmin.f32 v21, v19;
	v19 =	vmax.f32 v21, v19  }
0x2e8: {  	v19 =	vmax.f32 v20, v19;
	v17 =	vmax.f32 v17, v18;
	v18 =	vmax.f32 v29, v61  }
0x2e9: {  	v60 =	vadd.f32 $-1.000000000e+00, v4;
	v19 =	vmin.f32 v22, v19;
	v17 =	vmin.f32 v17, v18  }
0x2ea: {  	v49 =	vadd.f32 $-7.000000000e+00, v7;
	v21 =	vadd.f32 $-5.000000000e+00, v3;
	v17 =	vmin.f32 v19, v17  }
0x2eb: {  	v20 =	vadd.f32 $-4.000000000e+00, v5;
	v18 =	vadd.f32 $-2.000000000e+00, v1;
	vm8 =	vge.f32 v0, v17  }
0x2ec: {  	v19 =	vadd.f32 $-3.000000000e+00, v2;
	v0 =	vnsel vm8, $0x0, v0;
	vm8 =	vge.f32 v4, v17  }
0x2ed: {  	v0 =	vmul.f32 v0, v9;
	v9 =	vnsel vm8, $0x0, v60;
	vm8 =	vge.f32 v1, v17  }
0x2ee: {  	v1 =	vmul.f32 v9, v10;
	v9 =	vnsel vm8, $0x0, v18;
	vm8 =	vge.f32 v2, v17  }
0x2ef: {  	v22 =	vadd.f32 $-6.000000000e+00, v6;
	[tilespmem:v40+s19+$0x0] =	vst.idx.msk $0xffff, v0;
	v0 =	vmul.f32 v9, v11;
	v2 =	vnsel vm8, $0x0, v19  }
0x2f0: {  	vm8 =	vge.f32 v5, v17;
	v9 =	vadd.f32 $-1.006632960e+08, v48;
	v5 =	vadd.f32 $-1.006632960e+08, v55  }
0x2f1: {  	[tilespmem:v39+s19+$0x0] =	vst.idx.msk $0xffff, v1;
	v1 =	vmul.f32 v2, v57;
	v2 =	vnsel vm8, $0x0, v20;
	vm8 =	vge.f32 v3, v17  }
0x2f2: {  	v39 =	vsel vm0, $0xBA810204, v8;
	[tilespmem:v38+s19+$0x0] =	vst.idx.msk $0xffff, v0;
	v0 =	vmul.f32 v2, v58;
	v2 =	vnsel vm8, $0x0, v21  }
0x2f3: {  	vm8 =	vge.f32 v6, v17;
	v6 =	vadd.f32 $-1.006632960e+08, v44;
	[tilespmem:v54+s19+$0x0] =	vst.idx.msk $0xffff, v1;
	v1 =	vmul.f32 v2, v59  }
0x2f4: {  	v2 =	vnsel vm8, $0x0, v22;
	vm8 =	vge.f32 v7, v17;
	v54 =	vadd.f32 $1.006632960e+08, v47  }
0x2f5: {  	[tilespmem:v53+s19+$0x0] =	vst.idx.msk $0xffff, v0;
	v0 =	vmul.f32 v2, v16;
	v2 =	vsel vm7, $0xBA810204, v8;
	v3 =	vnsel vm8, $0x0, v49  }
0x2f6: {  	v38 =	vsel vm2, $0xBA810204, v8;
	[tilespmem:v52+s19+$0x0] =	vst.idx.msk $0xffff, v1;
	v1 =	vmul.f32 v3, v2;
	v3 =	vadd.f32 $-1.006632960e+08, v42  }
0x2f7: {  	v44 =	vsel vm5, $0xBA810204, v8;
	v2 =	vadd.f32 $-1.006632960e+08, v43;
	v4 =	vadd.f32 $-1.006632960e+08, v54  }
0x2f8: {  	v7 =	vsel vm1, $0xBA810204, v8;
	[tilespmem:v50+s19+$0x0] =	vst.idx.msk $0xffff, v0;
	v0 =	vadd.f32 $-1.006632960e+08, v41;
	v41 =	vadd.f32 $3.000000000e+00, v6  }
0x2f9: {  	vm7 =	vlt.f32 v46, $0.0e+00;
	[tilespmem:v51+s19+$0x0] =	vst.idx.msk $0xffff, v1;
	v1 =	vadd.f32 $-1.006632960e+08, v45;
	v10 =	vadd.f32 $1.000000000e+00, v2  }
0x2fa: {  	v43 =	vsel vm3, $0xBA810204, v8;
	v2 =	vadd.f32 $5.000000000e+00, v9;
	v11 =	vadd.f32 $2.000000000e+00, v0  }
0x2fb: {  	v42 =	vsel vm6, $0xBA810204, v8;
	v0 =	vadd.f32 $7.000000000e+00, v5;
	v51 =	vadd.f32 $-3.000000000e+00, v41  }
0x2fc: {  	v45 =	vsel vm4, $0xBA810204, v8;
	v40 =	vadd.f32 $4.000000000e+00, v1;
	v1 =	vadd.f32 $6.000000000e+00, v4  }
0x2fd: {  	v57 =	vmin.f32 v3, v10;
	v6 =	vmax.f32 v3, v10;
	v9 =	vmin.f32 v11, v41  }
0x2fe: {  	v58 =	vmax.f32 v11, v41;
	v59 =	vmin.f32 v40, v2;
	v60 =	vmax.f32 v40, v2  }
0x2ff: {  	v61 =	vmin.f32 v57, v9;
	v16 =	vmin.f32 v1, v0;
	v17 =	vmax.f32 v1, v0  }
0x300: {  	v18 =	vmax.f32 v6, v58;
	v5 =	vmax.f32 v57, v9;
	v6 =	vmin.f32 v6, v58  }
0x301: {  	v19 =	vmin.f32 v59, v16;
	v20 =	vmax.f32 v60, v17;
	v9 =	vmax.f32 v59, v16  }
0x302: {  	v12 =	vmin.f32 v6, v5;
	v62 =	vmin.f32 v60, v17;
	v5 =	vmax.f32 v6, v5  }
0x303: {  	v63 =	vmax.f32 v61, v20;
	v6 =	vmin.f32 v62, v9;
	v9 =	vmax.f32 v62, v9  }
0x304: {  	p0 =	sne.s32 s26, $0x37;
	v9 =	vmax.f32 v12, v9;
	v5 =	vmax.f32 v5, v6;
	v6 =	vmax.f32 v18, v19  }
.Ltmp3:
0x305: {  	v4 =	vadd.f32 $-1.000000000e+00, v10;
	v9 =	vmin.f32 v63, v9;
	v5 =	vmin.f32 v5, v6;
	(pc) =	sbr.rel @p0 .LBB2_5-.Ltmp3, $4  }
0x306: {  	v49 =	vadd.f32 $-5.000000000e+00, v2;
	v52 =	vadd.f32 $-2.000000000e+00, v11;
	v46 =	vmin.f32 v9, v5  }
0x307: {  	v56 =	vld [tilespmem:$0x1FEA0];
	v47 =	vadd.f32 $-7.000000000e+00, v0;
	v50 =	vadd.f32 $-4.000000000e+00, v40;
	vm0 =	vge.f32 v3, v46  }
0x308: {  	v48 =	vadd.f32 $-6.000000000e+00, v1;
	v20 =	vld [tilespmem:$0x1FE30];
	v3 =	vnsel vm0, $0x0, v3;
	vm0 =	vge.f32 v10, v46  }
0x309: {  	s26 =	sadd.s32 $0x1, s26;
	v19 =	vld [tilespmem:$0x1FE40];
	v53 =	vmul.f32 v3, v7;
	v54 =	vnsel vm0, $0x0, v4;
	vm0 =	vge.f32 v11, v46  }
0x30a: {  	v62 =	vld [tilespmem:$0x1FFF0]  }
0x30b: {  	v61 =	vld [tilespmem:$0x1FFE0]  }
0x30c: {  	v60 =	vld [tilespmem:$0x1FFD0]  }
0x30d: {  	v59 =	vld [tilespmem:$0x1FFC0]  }
0x30e: {  	v58 =	vld [tilespmem:$0x1FFB0]  }
0x30f: {  	v57 =	vld [tilespmem:$0x1FFA0];
	v3 =	vmul.f32 v54, v39;
	v4 =	vnsel vm0, $0x0, v52;
	vm5 =	vge.f32 v41, v46  }
0x310: {  	v55 =	vld [tilespmem:$0x1FF90];
	vm6 =	vge.f32 v40, v46;
	[tilespmem:v32+s19+$0x0] =	vst.idx.msk $0xffff, v53;
	v4 =	vmul.f32 v4, v38;
	v5 =	vnsel vm5, $0x0, v51  }
0x311: {  	vm8 =	vge.f32 v2, v46;
	v53 =	vnsel vm6, $0x0, v50;
	v52 =	vmul.f32 v5, v43;
	[tilespmem:v20+s19+$0x0] =	vst.idx.msk $0xffff, v3  }
0x312: {  	vm9 =	vge.f32 v1, v46;
	v63 =	vnsel vm8, $0x0, v49;
	v54 =	vmul.f32 v53, v45;
	[tilespmem:v19+s19+$0x0] =	vst.idx.msk $0xffff, v4  }
0x313: {  	vm10 =	vge.f32 v0, v46;
	v13 =	vnsel vm9, $0x0, v48;
	v12 =	vmul.f32 v63, v44;
	[tilespmem:v35+s19+$0x0] =	vst.idx.msk $0xffff, v52  }
0x314: {  	v15 =	vsel vm7, $0xBA810204, v8;
	v16 =	vnsel vm10, $0x0, v47;
	v14 =	vmul.f32 v13, v42;
	[tilespmem:v34+s19+$0x0] =	vst.idx.msk $0xffff, v54  }
0x315: {  	v17 =	vmul.f32 v16, v15;
	[tilespmem:v33+s19+$0x0] =	vst.idx.msk $0xffff, v12  }
0x316: {  	v18 =	vld [tilespmem:$0x1FEB0];
	[tilespmem:v36+s19+$0x0] =	vst.idx.msk $0xffff, v14  }
0x317: {  	v0 =	vld [tilespmem:$0x1FEC0];
	[tilespmem:v37+s19+$0x0] =	vst.idx.msk $0xffff, v17  }
0x318: {  	v19 =	vld [tilespmem:$0x1FED0]  }
0x319: {  	v1 =	vld [tilespmem:$0x1FEE0]  }
0x31a: {  	v22 =	vld [tilespmem:$0x1FEF0]  }
0x31b: {  	v34 =	vld [tilespmem:$0x1FF00];
	v38 =	vadd.s32 v18, v27  }
0x31c: {  	v20 =	vld.idx.msk [tilespmem:v31+s15+$0x0], $0xffff;
	v36 =	vadd.s32 v0, v27  }
0x31d: {  	v21 =	vld.idx.msk [tilespmem:v30+s15+$0x0], $0xffff;
	v35 =	vadd.s32 v19, v27  }
0x31e: {  	v32 =	vadd.s32 v1, v27  }
0x31f: {  	v33 =	vadd.s32 v22, v27  }
0x320: {  	v34 =	vadd.s32 v34, v27;
	v23 =	vld.idx.msk [tilespmem:v38+s15+$0x0], $0xffff  }
0x321: {  	v9 =	vand.u32 $0x7FFFFFFF, v20;
	v37 =	vld.idx.msk [tilespmem:v36+s15+$0x0], $0xffff  }
0x322: {  	v10 =	vand.u32 $0x7FFFFFFF, v21;
	v9 =	vmul.f32 $-2.000000000e+00, v9;
	v39 =	vld.idx.msk [tilespmem:v35+s15+$0x0], $0xffff  }
0x323: {  	v10 =	vmul.f32 $-2.000000000e+00, v10;
	v41 =	vld.idx.msk [tilespmem:v32+s15+$0x0], $0xffff  }
0x324: {  	v9 =	vmul.f32 $1.442695020e+00, v9;
	v6 =	vld.idx.msk [tilespmem:v33+s15+$0x0], $0xffff  }
0x325: {  	v10 =	vmul.f32 $1.442695020e+00, v10;
	v7 =	vld.idx.msk [tilespmem:v34+s15+$0x0], $0xffff  }
0x326: {  	(erf) = vpow2.f32 v9  }
0x327: {  	(erf) = vpow2.f32 v10;
	v11 =	vand.u32 $0x7FFFFFFF, v23;
	v12 =	vand.u32 $0x7FFFFFFF, v37  }
0x328: {  	v11 =	vmul.f32 $-2.000000000e+00, v11;
	v13 =	vand.u32 $0x7FFFFFFF, v39;
	v12 =	vmul.f32 $-2.000000000e+00, v12  }
0x329: {  	v14 =	vand.u32 $0x7FFFFFFF, v41;
	v15 =	vand.u32 $0x7FFFFFFF, v6;
	v13 =	vmul.f32 $-2.000000000e+00, v13  }
0x32a: {  	v16 =	vand.u32 $0x7FFFFFFF, v7;
	v14 =	vmul.f32 $-2.000000000e+00, v14;
	v15 =	vmul.f32 $-2.000000000e+00, v15  }
0x32b: {  	v16 =	vmul.f32 $-2.000000000e+00, v16;
	v11 =	vmul.f32 $1.442695020e+00, v11  }
0x32c: {  	v9 =	vmul.f32 $1.442695020e+00, v12;
	v10 =	vmul.f32 $1.442695020e+00, v13  }
0x32d: {  	(erf) = vpow2.f32 v11;
	v11 =	vmul.f32 $1.442695020e+00, v14  }
0x32e: {  	(erf) = vpow2.f32 v9;
	v9 =	vmul.f32 $1.442695020e+00, v15  }
0x32f: {  	(erf) = vpow2.f32 v10;
	v10 =	vmul.f32 $1.442695020e+00, v16;
	_ =	sdelay $0x1  }
0x330: {  	(erf) = vpow2.f32 v11  }
0x331: {  	(erf) = vpow2.f32 v9;
	v9 =	vpop (erf)  }
0x332: {  	(erf) = vpow2.f32 v10;
	v9 =	vadd.f32 $1.000000000e+00, v9;
	v10 =	vpop (erf)  }
0x333: {  	v10 =	vadd.f32 $1.000000000e+00, v10;
	_ =	sdelay $0x1  }
0x334: {  	v11 =	vpop (erf)  }
0x335: {  	(erf) = vrcp.f32 v9;
	v11 =	vadd.f32 $1.000000000e+00, v11;
	v9 =	vpop (erf)  }
0x336: {  	(erf) = vrcp.f32 v10;
	v9 =	vadd.f32 $1.000000000e+00, v9;
	v10 =	vpop (erf)  }
0x337: {  	v10 =	vadd.f32 $1.000000000e+00, v10  }
0x338: {  	(erf) = vrcp.f32 v11  }
0x339: {  	v43 =	vld [tilespmem:$0x1FF10];
	(erf) = vrcp.f32 v9;
	v11 =	vpop (erf)  }
0x33a: {  	v45 =	vld [tilespmem:$0x1FF20];
	(erf) = vrcp.f32 v10;
	v9 =	vpop (erf)  }
0x33b: {  	v11 =	vadd.f32 $1.000000000e+00, v11;
	v9 =	vadd.f32 $1.000000000e+00, v9;
	v10 =	vpop (erf)  }
0x33c: {  	v10 =	vadd.f32 $1.000000000e+00, v10  }
0x33d: {  	(erf) = vrcp.f32 v11  }
0x33e: {  	v40 =	vmovc v30;
	v63 =	vmov v31;
	v30 =	vadd.s32 v43, v27;
	(erf) = vrcp.f32 v9  }
0x33f: {  	v31 =	vadd.s32 v45, v27;
	vm1 =	vlt.f32 v20, $0.0e+00;
	vm2 =	vlt.f32 v21, $0.0e+00;
	v9 =	vpop (erf)  }
0x340: {  	vm3 =	vlt.f32 v23, $0.0e+00;
	vm4 =	vlt.f32 v37, $0.0e+00;
	(erf) = vrcp.f32 v10;
	v10 =	vpop (erf)  }
0x341: {  	vm5 =	vlt.f32 v39, $0.0e+00;
	vm6 =	vlt.f32 v41, $0.0e+00;
	v9 =	vmul.f32 v9, v26;
	v11 =	vpop (erf)  }
0x342: {  	vm11 =	vlt.f32 v6, $0.0e+00;
	v10 =	vmul.f32 v10, v26;
	v42 =	vpop (erf);
	v11 =	vmul.f32 v11, v26  }
0x343: {  	vm12 =	vlt.f32 v7, $0.0e+00;
	v9 =	vsub.f32 v9, v25;
	v44 =	vpop (erf);
	v12 =	vmul.f32 v42, v26  }
0x344: {  	v10 =	vsub.f32 v10, v25;
	v13 =	vmul.f32 v44, v26;
	v11 =	vsub.f32 v11, v25  }
0x345: {  	v7 =	vsel vm1, $0xBA810204, v8;
	v50 =	vadd.f32 $1.006632960e+08, v9;
	v12 =	vsub.f32 v12, v25  }
0x346: {  	v16 =	vsel vm11, $0xBA810204, v8;
	v46 =	vpop (erf);
	v9 =	vadd.f32 $1.006632960e+08, v10;
	v13 =	vsub.f32 v13, v25  }
0x347: {  	v14 =	vmul.f32 v46, v26;
	v47 =	vpop (erf);
	v51 =	vadd.f32 $1.006632960e+08, v11;
	v2 =	vadd.f32 $-1.006632960e+08, v50  }
0x348: {  	v0 =	vmul.f32 v47, v26;
	v10 =	vadd.f32 $1.006632960e+08, v12;
	v53 =	vadd.f32 $-1.006632960e+08, v9  }
0x349: {  	v48 =	vpop (erf);
	v12 =	vsel vm4, $0xBA810204, v8;
	v14 =	vsub.f32 v14, v25;
	v52 =	vadd.f32 $1.006632960e+08, v13  }
0x34a: {  	v15 =	vmul.f32 v48, v26;
	v3 =	vadd.f32 $-1.006632960e+08, v51;
	v0 =	vsub.f32 v0, v25  }
0x34b: {  	v13 =	vsel vm5, $0xBA810204, v8;
	v6 =	vadd.f32 $-1.006632960e+08, v10;
	v5 =	vadd.f32 $1.000000000e+00, v53  }
0x34c: {  	v10 =	vsel vm2, $0xBA810204, v8;
	v49 =	vsub.f32 v15, v25;
	v11 =	vadd.f32 $1.006632960e+08, v14  }
0x34d: {  	v4 =	vadd.f32 $-1.006632960e+08, v52;
	v3 =	vadd.f32 $2.000000000e+00, v3;
	v14 =	vsel vm6, $0xBA810204, v8  }
0x34e: {  	v0 =	vadd.f32 $1.006632960e+08, v0;
	v6 =	vadd.f32 $3.000000000e+00, v6;
	v17 =	vmin.f32 v2, v5  }
0x34f: {  	v18 =	vmax.f32 v2, v5;
	v1 =	vadd.f32 $1.006632960e+08, v49;
	v9 =	vadd.f32 $-1.006632960e+08, v11  }
0x350: {  	v4 =	vadd.f32 $4.000000000e+00, v4;
	v0 =	vadd.f32 $-1.006632960e+08, v0;
	v54 =	vmin.f32 v3, v6  }
0x351: {  	v42 =	vmax.f32 v3, v6;
	v1 =	vadd.f32 $-1.006632960e+08, v1;
	v9 =	vadd.f32 $5.000000000e+00, v9  }
0x352: {  	v23 =	vmin.f32 v17, v54;
	v29 =	vmax.f32 v18, v42;
	v17 =	vmax.f32 v17, v54  }
0x353: {  	v18 =	vmin.f32 v18, v42;
	v0 =	vadd.f32 $6.000000000e+00, v0;
	v1 =	vadd.f32 $7.000000000e+00, v1  }
0x354: {  	v15 =	vadd.f32 $-1.000000000e+00, v5;
	v11 =	vsel vm3, $0xBA810204, v8;
	v20 =	vmin.f32 v18, v17  }
0x355: {  	v17 =	vmax.f32 v18, v17;
	v21 =	vmin.f32 v4, v9;
	v24 =	vmin.f32 v0, v1  }
0x356: {  	v22 =	vmax.f32 v4, v9;
	v28 =	vmax.f32 v0, v1;
	v43 =	vmin.f32 v21, v24  }
0x357: {  	v44 =	vmax.f32 v22, v28;
	v45 =	vmax.f32 v21, v24;
	v46 =	vmin.f32 v22, v28  }
0x358: {  	v47 =	vmax.f32 v23, v44;
	v48 =	vmin.f32 v46, v45;
	v19 =	vmax.f32 v46, v45  }
0x359: {  	v49 =	vmax.f32 v29, v43;
	v19 =	vmax.f32 v20, v19;
	v17 =	vmax.f32 v17, v48  }
0x35a: {  	v50 =	vadd.f32 $-2.000000000e+00, v3;
	v19 =	vmin.f32 v47, v19;
	v17 =	vmin.f32 v17, v49  }
0x35b: {  	v51 =	vadd.f32 $-3.000000000e+00, v6;
	v52 =	vadd.f32 $-4.000000000e+00, v4;
	v17 =	vmin.f32 v19, v17  }
0x35c: {  	v53 =	vadd.f32 $-5.000000000e+00, v9;
	v54 =	vadd.f32 $-6.000000000e+00, v0;
	vm13 =	vge.f32 v2, v17  }
0x35d: {  	v23 =	vadd.f32 $-7.000000000e+00, v1;
	vm14 =	vge.f32 v5, v17;
	v2 =	vnsel vm13, $0x0, v2  }
0x35e: {  	vm15 =	vge.f32 v3, v17;
	v2 =	vmul.f32 v2, v7;
	v7 =	vnsel vm14, $0x0, v15  }
0x35f: {  	vm4 =	vge.f32 v6, v17;
	v28 =	vmul.f32 v7, v10;
	v7 =	vnsel vm15, $0x0, v50  }
0x360: {  	vm5 =	vge.f32 v4, v17;
	v6 =	vnsel vm4, $0x0, v51;
	[tilespmem:v63+s19+$0x0] =	vst.idx.msk $0xffff, v2;
	v29 =	vmul.f32 v7, v11  }
0x361: {  	vm6 =	vge.f32 v9, v17;
	v4 =	vnsel vm5, $0x0, v52;
	v37 =	vmul.f32 v6, v12;
	[tilespmem:v40+s19+$0x0] =	vst.idx.msk $0xffff, v28  }
0x362: {  	vm7 =	vge.f32 v0, v17;
	v39 =	vmul.f32 v4, v13;
	v40 =	vnsel vm6, $0x0, v53;
	[tilespmem:v38+s19+$0x0] =	vst.idx.msk $0xffff, v29  }
0x363: {  	vm8 =	vge.f32 v1, v17;
	v42 =	vnsel vm7, $0x0, v54;
	v41 =	vmul.f32 v40, v14;
	[tilespmem:v36+s19+$0x0] =	vst.idx.msk $0xffff, v37  }
0x364: {  	v44 =	vsel vm12, $0xBA810204, v8;
	v45 =	vnsel vm8, $0x0, v23;
	v43 =	vmul.f32 v42, v16;
	[tilespmem:v35+s19+$0x0] =	vst.idx.msk $0xffff, v39  }
0x365: {  	v47 =	vmul.f32 v45, v44;
	v46 =	vld [tilespmem:$0x1FF30];
	[tilespmem:v32+s19+$0x0] =	vst.idx.msk $0xffff, v41  }
0x366: {  	[tilespmem:v33+s19+$0x0] =	vst.idx.msk $0xffff, v43  }
0x367: {  	v48 =	vld [tilespmem:$0x1FF40];
	[tilespmem:v34+s19+$0x0] =	vst.idx.msk $0xffff, v47  }
0x368: {  	v49 =	vld [tilespmem:$0x1FF50]  }
0x369: {  	v40 =	vld [tilespmem:$0x1FF60]  }
0x36a: {  	v50 =	vld [tilespmem:$0x1FF70]  }
0x36b: {  	v52 =	vld [tilespmem:$0x1FF80];
	v35 =	vadd.s32 v46, v27  }
0x36c: {  	v33 =	vadd.s32 v48, v27  }
0x36d: {  	v0 =	vld.idx.msk [tilespmem:v30+s15+$0x0], $0xffff;
	v32 =	vadd.s32 v49, v27  }
0x36e: {  	v1 =	vld.idx.msk [tilespmem:v31+s15+$0x0], $0xffff;
	v29 =	vadd.s32 v40, v27  }
0x36f: {  	v28 =	vadd.s32 v50, v27  }
0x370: {  	v27 =	vadd.s32 v52, v27;
	v51 =	vld.idx.msk [tilespmem:v35+s15+$0x0], $0xffff  }
0x371: {  	v53 =	vld.idx.msk [tilespmem:v33+s15+$0x0], $0xffff  }
0x372: {  	v9 =	vand.u32 $0x7FFFFFFF, v0;
	v54 =	vld.idx.msk [tilespmem:v32+s15+$0x0], $0xffff  }
0x373: {  	v10 =	vand.u32 $0x7FFFFFFF, v1;
	v9 =	vmul.f32 $-2.000000000e+00, v9;
	v63 =	vld.idx.msk [tilespmem:v29+s15+$0x0], $0xffff  }
0x374: {  	v10 =	vmul.f32 $-2.000000000e+00, v10;
	v6 =	vld.idx.msk [tilespmem:v28+s15+$0x0], $0xffff  }
0x375: {  	v9 =	vmul.f32 $1.442695020e+00, v9;
	v7 =	vld.idx.msk [tilespmem:v27+s15+$0x0], $0xffff  }
0x376: {  	v10 =	vmul.f32 $1.442695020e+00, v10;
	v11 =	vand.u32 $0x7FFFFFFF, v51  }
0x377: {  	(erf) = vpow2.f32 v9;
	v11 =	vmul.f32 $-2.000000000e+00, v11;
	v16 =	vand.u32 $0x7FFFFFFF, v53  }
0x378: {  	(erf) = vpow2.f32 v10;
	v17 =	vand.u32 $0x7FFFFFFF, v54;
	v12 =	vmul.f32 $-2.000000000e+00, v16  }
0x379: {  	v18 =	vand.u32 $0x7FFFFFFF, v63;
	v19 =	vand.u32 $0x7FFFFFFF, v6;
	v11 =	vmul.f32 $1.442695020e+00, v11  }
0x37a: {  	v20 =	vand.u32 $0x7FFFFFFF, v7;
	v13 =	vmul.f32 $-2.000000000e+00, v17;
	v14 =	vmul.f32 $-2.000000000e+00, v18  }
0x37b: {  	v15 =	vmul.f32 $-2.000000000e+00, v19;
	v16 =	vmul.f32 $-2.000000000e+00, v20  }
0x37c: {  	v9 =	vmul.f32 $1.442695020e+00, v12;
	(erf) = vpow2.f32 v11  }
0x37d: {  	v10 =	vmul.f32 $1.442695020e+00, v13;
	v11 =	vmul.f32 $1.442695020e+00, v14  }
0x37e: {  	(erf) = vpow2.f32 v9;
	v9 =	vmul.f32 $1.442695020e+00, v15  }
0x37f: {  	(erf) = vpow2.f32 v10;
	v10 =	vmul.f32 $1.442695020e+00, v16;
	_ =	sdelay $0x1  }
0x380: {  	(erf) = vpow2.f32 v11  }
0x381: {  	(erf) = vpow2.f32 v9;
	v9 =	vpop (erf)  }
0x382: {  	(erf) = vpow2.f32 v10;
	v9 =	vadd.f32 $1.000000000e+00, v9;
	v10 =	vpop (erf)  }
0x383: {  	v10 =	vadd.f32 $1.000000000e+00, v10  }
0x384: {  	v11 =	vpop (erf)  }
0x385: {  	v11 =	vadd.f32 $1.000000000e+00, v11  }
0x386: {  	(erf) = vrcp.f32 v9;
	v9 =	vpop (erf)  }
0x387: {  	(erf) = vrcp.f32 v10;
	v9 =	vadd.f32 $1.000000000e+00, v9;
	v10 =	vpop (erf)  }
0x388: {  	v10 =	vadd.f32 $1.000000000e+00, v10  }
0x389: {  	(erf) = vrcp.f32 v11;
	v11 =	vpop (erf)  }
0x38a: {  	(erf) = vrcp.f32 v9;
	v11 =	vadd.f32 $1.000000000e+00, v11  }
0x38b: {  	(erf) = vrcp.f32 v10;
	v9 =	vpop (erf)  }
0x38c: {  	v9 =	vadd.f32 $1.000000000e+00, v9;
	v10 =	vpop (erf);
	(erf) = vrcp.f32 v11  }
0x38d: {  	v10 =	vadd.f32 $1.000000000e+00, v10;
	_ =	sdelay $0x1  }
0x38e: {  	(erf) = vrcp.f32 v9  }
0x38f: {  	vm9 =	vlt.f32 v0, $0.0e+00;
	vm10 =	vlt.f32 v1, $0.0e+00;
	v9 =	vpop (erf)  }
0x390: {  	vm11 =	vlt.f32 v51, $0.0e+00;
	(erf) = vrcp.f32 v10;
	v10 =	vpop (erf);
	v9 =	vmul.f32 v9, v26  }
0x391: {  	vm12 =	vlt.f32 v53, $0.0e+00;
	vm13 =	vlt.f32 v54, $0.0e+00;
	v11 =	vpop (erf);
	v10 =	vmul.f32 v10, v26  }
0x392: {  	vm14 =	vlt.f32 v63, $0.0e+00;
	v21 =	vpop (erf);
	v11 =	vmul.f32 v11, v26;
	v9 =	vsub.f32 v9, v25  }
0x393: {  	vm15 =	vlt.f32 v6, $0.0e+00;
	v22 =	vpop (erf);
	v12 =	vmul.f32 v21, v26;
	v10 =	vsub.f32 v10, v25  }
0x394: {  	v23 =	vpop (erf);
	v13 =	vmul.f32 v22, v26;
	v11 =	vsub.f32 v11, v25;
	v38 =	vadd.f32 $1.006632960e+08, v9  }
0x395: {  	v14 =	vmul.f32 v23, v26;
	v12 =	vsub.f32 v12, v25;
	v9 =	vadd.f32 $1.006632960e+08, v10  }
0x396: {  	vm0 =	vlt.f32 v7, $0.0e+00;
	v13 =	vsub.f32 v13, v25;
	v39 =	vadd.f32 $1.006632960e+08, v11  }
0x397: {  	v7 =	vsel vm9, $0xBA810204, v8;
	v34 =	vpop (erf);
	v2 =	vadd.f32 $-1.006632960e+08, v38;
	v14 =	vsub.f32 v14, v25  }
0x398: {  	v0 =	vmul.f32 v34, v26;
	v10 =	vadd.f32 $1.006632960e+08, v12;
	v41 =	vadd.f32 $-1.006632960e+08, v9  }
0x399: {  	v16 =	vsel vm15, $0xBA810204, v8;
	v36 =	vpop (erf);
	v40 =	vadd.f32 $1.006632960e+08, v13;
	v3 =	vadd.f32 $-1.006632960e+08, v39  }
0x39a: {  	v15 =	vmul.f32 v36, v26;
	v0 =	vsub.f32 v0, v25;
	v11 =	vadd.f32 $1.006632960e+08, v14  }
0x39b: {  	v12 =	vsel vm12, $0xBA810204, v8;
	v6 =	vadd.f32 $-1.006632960e+08, v10;
	v5 =	vadd.f32 $1.000000000e+00, v41  }
0x39c: {  	v13 =	vsel vm13, $0xBA810204, v8;
	v37 =	vsub.f32 v15, v25;
	v4 =	vadd.f32 $-1.006632960e+08, v40  }
0x39d: {  	v10 =	vsel vm10, $0xBA810204, v8;
	v3 =	vadd.f32 $2.000000000e+00, v3;
	v0 =	vadd.f32 $1.006632960e+08, v0  }
0x39e: {  	v14 =	vsel vm14, $0xBA810204, v8;
	v9 =	vadd.f32 $-1.006632960e+08, v11;
	v6 =	vadd.f32 $3.000000000e+00, v6  }
0x39f: {  	v11 =	vsel vm11, $0xBA810204, v8;
	v15 =	vadd.f32 $-1.000000000e+00, v5;
	v1 =	vadd.f32 $1.006632960e+08, v37  }
0x3a0: {  	v42 =	vmin.f32 v2, v5;
	v43 =	vmax.f32 v2, v5;
	v4 =	vadd.f32 $4.000000000e+00, v4  }
0x3a1: {  	v0 =	vadd.f32 $-1.006632960e+08, v0;
	v44 =	vmin.f32 v3, v6;
	v1 =	vadd.f32 $-1.006632960e+08, v1  }
0x3a2: {  	v9 =	vadd.f32 $5.000000000e+00, v9;
	v45 =	vmax.f32 v3, v6;
	v48 =	vmin.f32 v42, v44  }
0x3a3: {  	v50 =	vmax.f32 v43, v45;
	v0 =	vadd.f32 $6.000000000e+00, v0;
	v1 =	vadd.f32 $7.000000000e+00, v1  }
0x3a4: {  	v17 =	vmax.f32 v42, v44;
	v18 =	vmin.f32 v43, v45;
	v46 =	vmin.f32 v4, v9  }
0x3a5: {  	v47 =	vmax.f32 v4, v9;
	v20 =	vmin.f32 v18, v17;
	v24 =	vmin.f32 v0, v1  }
0x3a6: {  	v17 =	vmax.f32 v18, v17;
	v49 =	vmax.f32 v0, v1;
	v51 =	vmin.f32 v46, v24  }
0x3a7: {  	v52 =	vmax.f32 v47, v49;
	v53 =	vmax.f32 v46, v24;
	v54 =	vmin.f32 v47, v49  }
0x3a8: {  	v63 =	vmax.f32 v48, v52;
	v34 =	vmin.f32 v54, v53;
	v19 =	vmax.f32 v54, v53  }
0x3a9: {  	v38 =	vmax.f32 v50, v51;
	v19 =	vmax.f32 v20, v19;
	v17 =	vmax.f32 v17, v34  }
0x3aa: {  	v39 =	vadd.f32 $-2.000000000e+00, v3;
	v19 =	vmin.f32 v63, v19;
	v17 =	vmin.f32 v17, v38  }
0x3ab: {  	v40 =	vadd.f32 $-3.000000000e+00, v6;
	v41 =	vadd.f32 $-4.000000000e+00, v4;
	v17 =	vmin.f32 v19, v17  }
0x3ac: {  	v42 =	vadd.f32 $-5.000000000e+00, v9;
	v43 =	vadd.f32 $-6.000000000e+00, v0;
	vm8 =	vge.f32 v2, v17  }
0x3ad: {  	v44 =	vadd.f32 $-7.000000000e+00, v1;
	vm9 =	vge.f32 v5, v17;
	v2 =	vnsel vm8, $0x0, v2  }
0x3ae: {  	vm10 =	vge.f32 v3, v17;
	v2 =	vmul.f32 v2, v7;
	v7 =	vnsel vm9, $0x0, v15  }
0x3af: {  	vm11 =	vge.f32 v6, v17;
	v45 =	vmul.f32 v7, v10;
	v7 =	vnsel vm10, $0x0, v39  }
0x3b0: {  	vm12 =	vge.f32 v4, v17;
	v6 =	vnsel vm11, $0x0, v40;
	[tilespmem:v30+s19+$0x0] =	vst.idx.msk $0xffff, v2;
	v46 =	vmul.f32 v7, v11  }
0x3b1: {  	vm13 =	vge.f32 v9, v17;
	v4 =	vnsel vm12, $0x0, v41;
	v47 =	vmul.f32 v6, v12;
	[tilespmem:v31+s19+$0x0] =	vst.idx.msk $0xffff, v45  }
0x3b2: {  	vm14 =	vge.f32 v0, v17;
	v49 =	vnsel vm13, $0x0, v42;
	v48 =	vmul.f32 v4, v13;
	[tilespmem:v35+s19+$0x0] =	vst.idx.msk $0xffff, v46  }
0x3b3: {  	vm15 =	vge.f32 v1, v17;
	v51 =	vnsel vm14, $0x0, v43;
	v50 =	vmul.f32 v49, v14;
	[tilespmem:v33+s19+$0x0] =	vst.idx.msk $0xffff, v47  }
.Ltmp4:
0x3b4: {  	v53 =	vsel vm0, $0xBA810204, v8;
	v54 =	vnsel vm15, $0x0, v44;
	v52 =	vmul.f32 v51, v16;
	[tilespmem:v32+s19+$0x0] =	vst.idx.msk $0xffff, v48;
	(pc) =	sbr.rel @p1 .LBB2_8-.Ltmp4, $4  }
0x3b5: {  	s25 =	smul.u32 $0xA80, s25;
	v63 =	vmul.f32 v54, v53;
	[tilespmem:v29+s19+$0x0] =	vst.idx.msk $0xffff, v50  }
0x3b6: {  	[tilespmem:v28+s19+$0x0] =	vst.idx.msk $0xffff, v52  }
0x3b7: {  	s25 =	sadd.s32 s3, s25;
	[tilespmem:v27+s19+$0x0] =	vst.idx.msk $0xffff, v63  }
0x3b8: {  	[hbm4b:s25+s4] =	stream.linear.scatter [tilespmem:s19], [sflag:$0x4], $0x5400, $0x38;
	[tilespmem:$0x15080] =	vst v63  }
0x3b9: {  	v24 =	vld [tilespmem:$0x1FE90]  }
0x3ba: {  	v6 =	vld [tilespmem:$0x1FEB0]  }
0x3bb: {  	v7 =	vld [tilespmem:$0x1FEC0]  }
0x3bc: {  	v9 =	vld [tilespmem:$0x1FED0]  }
0x3bd: {  	v10 =	vld [tilespmem:$0x1FEE0]  }
.Ltmp5:
0x3be: {  	s24 =	sadd.s32 s24, s11;
	v11 =	vld [tilespmem:$0x1FEF0];
	(pc) =	sbr.rel .LBB2_2-.Ltmp5, $4  }
0x3bf: {  	v12 =	vld [tilespmem:$0x1FF00];
	s24 =	smul.u32 $0xA80, s24  }
0x3c0: {  	v17 =	vld [tilespmem:$0x1FF10]  }
0x3c1: {  	s23 =	sadd.s32 $0x1, s23;
	v18 =	vld [tilespmem:$0x1FF20];
	s24 =	sadd.s32 s1, s24  }
0x3c2: {  	v21 =	vld [tilespmem:$0x1FF30];
	[tilespmem:s15], [sflag:$0x2] =	stream.linear.gather [hbm4b:s24+s4], $0x5400, $0x38  }
.LBB2_9:
0x3c3: {  	_ =	sfence.sel $0x180000  }
0x3c4: {  	[bflag:$0x0] =	sbarrier.arrive $0xFFFF  }
0x3c5: {  	p0 =	sne.s32 s0, $0x0;
	_ =	strace $0x90000047  }
0x3c6: {  	s0 =	sadd.s32 @!p0 $0x100000, s2;
	[bflag:$0x2] =	sbarrier.arrive $0xFFFF  }
0x3c7: {  	[sflag:s0] =	ssyncadd.tile.s32 @!p0 $0x1;
	_ =	shalt  }
.Lfunc_end2:
_tile_overlayer_lowered:
.L_overlay_start_2:
0x3c8: {  	(tag) =	ssettag $0x2  }
0x3c9: {  	s0 =	rddreg [dreg:$0x0];
	s2 =	stileid.u32  }
0x3ca: {  	s1 =	rddreg [dreg:$0x1];
	p0 =	sne.s32 s2, $0x0  }
0x3cb: {  	s3 =	rddreg [dreg:$0x2];
	[bflag:$0x3] =	sbarrier.arrive $0xFFFF;
	s2 =	simm.s32 @!p0 $0x1C05  }
0x3cc: {  	[timem:s3], [sflag:s2] =	dma.local @!p0 [hbm:s0], s1  }
0x3cd: {  	s0 =	simm.s32 @!p0 $0x5  }
0x3ce: {  	_ =	swait.ge @!p0 [sflag:s0], s1  }
0x3cf: {  	s1 =	ssub.s32 @!p0 $0x0, s1;
	[sflag:s0] =	ssyncset.done @!p0 $0x0  }
0x3d0: {  	[sflag:s0] =	ssyncadd.s32 @!p0 s1  }
0x3d1: {  	[bflag:$0x3] =	sbarrier.arrive $0xFFFF  }
0x3d2: {  	_ =	shalt  }

</sc_bundles>
